<compile_context>
chip_gen: v7x
topology: tpu7x:2x2x1
jax: 0.10.2.dev20260603
libtpu: 0.0.44.dev20260713+nightly
codegen_flags: <defaults>
</compile_context>

<pallas_src>
import functools

import jax
import jax.numpy as jnp
from jax import lax
from jax.experimental import pallas as pl
from jax.experimental.pallas import tpu as pltpu
from jax.experimental.pallas import tpu_sc as plsc

NSUB = 16
NCORE = 2
CH = 128
HW = 128
NPASS = 4


def _sc_agg_builder(N, NR, QN, QR, NCH, npass, compute_deg):
    stripe = QR // NSUB

    def out_stripes(s, src_sh, dst_ref, base, qn_p, st):
        ns_full = qn_p // st
        rem = qn_p - ns_full * st
        @pl.when(s < ns_full)
        def _():
            pltpu.sync_copy(src_sh.at[pl.ds(s * st, st)],
                            dst_ref.at[pl.ds(base + s * st, st)])
        if rem > 0:
            @pl.when(s == ns_full)
            def _():
                pltpu.sync_copy(src_sh.at[pl.ds(ns_full * st, rem)],
                                dst_ref.at[pl.ds(base + ns_full * st, rem)])

    def body(xs_hbm, srcs_hbm, dstq_hbm, z_hbm, ones_hbm, *rest):
        if compute_deg:
            (agg_out, deg_out, src_v, dst_v, rows0, rows1, ones_v,
             acc_sh, deg_sh, sem0, sem1) = rest
        else:
            (agg_out, src_v, dst_v, rows0, rows1,
             acc_sh, sem0, sem1) = rest
        c = lax.axis_index("c")
        s = lax.axis_index("s")

        pltpu.sync_copy(srcs_hbm.at[c, s], src_v)
        if compute_deg:
            pltpu.sync_copy(ones_hbm, ones_v)

        for p in range(npass):
            pltpu.sync_copy(dstq_hbm.at[p, s], dst_v)
            pltpu.sync_copy(z_hbm, acc_sh.at[pl.ds(s * stripe, stripe)])
            if compute_deg:
                pltpu.sync_copy(z_hbm, deg_sh.at[pl.ds(s * stripe, stripe)])
            plsc.subcore_barrier()

            pltpu.async_copy(xs_hbm.at[src_v.at[0]], rows0, sem0)

            def scatter(jj, rows):
                pltpu.sync_copy(rows, acc_sh.at[dst_v.at[jj]], add=True)
                if compute_deg:
                    @pl.when(c == lax.rem(jj, 2))
                    def _():
                        pltpu.sync_copy(ones_v, deg_sh.at[dst_v.at[jj]],
                                        add=True)

            def step(j2, carry):
                j = 2 * j2
                pltpu.async_copy(xs_hbm.at[src_v.at[j + 1]], rows1, sem1)
                pltpu.make_async_copy(xs_hbm.at[src_v.at[j]], rows0,
                                      sem0).wait()
                scatter(j, rows0)

                @pl.when(j2 < (NCH // 2) - 1)
                def _():
                    pltpu.async_copy(xs_hbm.at[src_v.at[j + 2]], rows0, sem0)
                pltpu.make_async_copy(xs_hbm.at[src_v.at[j + 1]], rows1,
                                      sem1).wait()
                scatter(j + 1, rows1)
                return carry

            lax.fori_loop(0, NCH // 2, step, 0)
            plsc.subcore_barrier()
            qn_p = min(QN, N - p * QN)
            out_stripes(s, acc_sh, agg_out.at[c], p * QN, qn_p, stripe)
            if compute_deg:
                out_stripes(s, deg_sh, deg_out.at[c], p * QN, qn_p, stripe)
            plsc.subcore_barrier()

    out_type = [jax.ShapeDtypeStruct((NCORE, N, HW), jnp.float32)]
    scratch = [
        pltpu.VMEM((NCH, CH), jnp.int32),
        pltpu.VMEM((NCH, CH), jnp.int32),
        pltpu.VMEM((CH, HW), jnp.float32),
        pltpu.VMEM((CH, HW), jnp.float32),
    ]
    if compute_deg:
        scratch.append(pltpu.VMEM((CH, HW), jnp.float32))
    scratch.append(pltpu.VMEM_SHARED((QR, HW), jnp.float32))
    if compute_deg:
        out_type.append(jax.ShapeDtypeStruct((NCORE, N, HW), jnp.float32))
        scratch.append(pltpu.VMEM_SHARED((QR, HW), jnp.float32))
    scratch += [pltpu.SemaphoreType.DMA, pltpu.SemaphoreType.DMA]
    return pl.kernel(
        body,
        out_type=out_type,
        mesh=plsc.VectorSubcoreMesh(core_axis_name="c", subcore_axis_name="s"),
        scratch_types=scratch,
    )


_DOT = functools.partial(lax.dot_general, precision=jax.lax.Precision.HIGHEST,
                         preferred_element_type=jnp.float32)
_MM = lambda a, b: _DOT(a, b, (((1,), (0,)), ((), ())))


def _prep_edges_body(N, E, QNa, QNb, npa, npb, ei_ref, srcs_ref, dstqa_ref,
                     dstqb_ref, srcp_ref, dstp_ref):
    EPT = srcs_ref.shape[1]
    SPT = EPT // NSUB
    EPS = E // NSUB
    padn = SPT - EPS
    for s in range(NSUB):
        srcp_ref[:, s * SPT:s * SPT + EPS] = ei_ref[0:1, s * EPS:(s + 1) * EPS]
        dstp_ref[:, s * SPT:s * SPT + EPS] = ei_ref[1:2, s * EPS:(s + 1) * EPS]
        iot = lax.broadcasted_iota(jnp.int32, (1, padn), 1) + s * padn
        srcp_ref[:, s * SPT + EPS:(s + 1) * SPT] = lax.rem(iot, N)
        dstp_ref[:, s * SPT + EPS:(s + 1) * SPT] = jnp.full((1, padn), N,
                                                            jnp.int32)
    srcp = srcp_ref[...]
    dstp = dstp_ref[...]
    for c in range(NCORE):
        srcs_ref[c] = srcp[0] + c * N
    for p in range(npa):
        lo = p * QNa
        inq = (dstp >= lo) & (dstp < lo + QNa)
        dstqa_ref[p] = jnp.where(inq, dstp - lo, QNa + lax.rem(dstp, 128))[0]
    for p in range(npb):
        lo = p * QNb
        inq = (dstp >= lo) & (dstp < lo + QNb)
        dstqb_ref[p] = jnp.where(inq, dstp - lo, QNb + lax.rem(dstp, 128))[0]


def _prep_edges(edge_index, N, QNa, QNb, npa, npb, NCH):
    E = edge_index.shape[1]
    EPT = NSUB * NCH * CH
    kb = functools.partial(_prep_edges_body, N, E, QNa, QNb, npa, npb)
    return pl.pallas_call(
        kb,
        grid=(1,),
        in_specs=[pl.BlockSpec((2, E), lambda i: (0, 0))],
        out_specs=[
            pl.BlockSpec((NCORE, EPT), lambda i: (0, 0)),
            pl.BlockSpec((npa, EPT), lambda i: (0, 0)),
            pl.BlockSpec((npb, EPT), lambda i: (0, 0)),
        ],
        out_shape=[
            jax.ShapeDtypeStruct((NCORE, EPT), jnp.int32),
            jax.ShapeDtypeStruct((npa, EPT), jnp.int32),
            jax.ShapeDtypeStruct((npb, EPT), jnp.int32),
        ],
        scratch_shapes=[pltpu.VMEM((1, EPT), jnp.int32),
                        pltpu.VMEM((1, EPT), jnp.int32)],
    )(edge_index)


def _split_body(x_ref, out_ref):
    for q in range(NCORE):
        out_ref[q] = x_ref[:, q * HW:(q + 1) * HW]


def _split_cols(x, bm=2000):
    N, D = x.shape
    return pl.pallas_call(
        _split_body,
        grid=(N // bm,),
        in_specs=[pl.BlockSpec((bm, D), lambda i: (i, 0))],
        out_specs=pl.BlockSpec((NCORE, bm, HW), lambda i: (0, i, 0)),
        out_shape=jax.ShapeDtypeStruct((NCORE, N, HW), jnp.float32),
    )(x)


def _dense_layer_body(split_out, agg_ref, deg_ref, x_ref, wl_ref, bl_ref,
                      wr_ref, out_ref):
    invd = 1.0 / jnp.maximum(deg_ref[0] + deg_ref[1], 1.0)
    h = bl_ref[...]
    for q in range(NCORE):
        h = h + _MM(agg_ref[q] * invd, wl_ref[q * HW:(q + 1) * HW, :])
        h = h + _MM(x_ref[q], wr_ref[q * HW:(q + 1) * HW, :])
    h = jnp.maximum(h, 0.0)
    if split_out:
        for q in range(NCORE):
            out_ref[q] = h[:, q * HW:(q + 1) * HW]
    else:
        out_ref[...] = h


def _dense_layer(agg, deg, xs, Wl, bl, Wr, split_out, bm=1000):
    N = deg.shape[1]
    D = Wl.shape[0]
    grid = (N // bm,)
    out_shape = (jax.ShapeDtypeStruct((NCORE, N, HW), jnp.float32) if split_out
                 else jax.ShapeDtypeStruct((N, D), jnp.float32))
    out_spec = (pl.BlockSpec((NCORE, bm, HW), lambda i: (0, i, 0)) if split_out
                else pl.BlockSpec((bm, D), lambda i: (i, 0)))
    return pl.pallas_call(
        functools.partial(_dense_layer_body, split_out),
        grid=grid,
        in_specs=[
            pl.BlockSpec((NCORE, bm, HW), lambda i: (0, i, 0)),
            pl.BlockSpec((NCORE, bm, 1), lambda i: (0, i, 0)),
            pl.BlockSpec((NCORE, bm, HW), lambda i: (0, i, 0)),
            pl.BlockSpec((D, D), lambda i: (0, 0)),
            pl.BlockSpec((1, D), lambda i: (0, 0)),
            pl.BlockSpec((D, D), lambda i: (0, 0)),
        ],
        out_specs=out_spec,
        out_shape=out_shape,
    )(agg, deg, xs, Wl, bl, Wr)


def _head_body(nk, h_ref, w1_ref, b1_ref, w2_ref, b2_ref, out_ref, acc_ref):
    k = pl.program_id(0)

    @pl.when(k == 0)
    def _():
        acc_ref[...] = jnp.zeros_like(acc_ref)

    acc_ref[...] += _MM(h_ref[...], w1_ref[...])

    @pl.when(k == nk - 1)
    def _():
        h = jnp.maximum(acc_ref[...] + b1_ref[...], 0.0)
        out_ref[...] = _MM(h, w2_ref[...]) + b2_ref[...]


def _head(hflat, W1, b1, W2, b2, kb=512):
    NG = hflat.shape[0]
    K = W1.shape[0]
    MLP = W1.shape[1]
    OUT = W2.shape[1]
    nk = K // kb
    return pl.pallas_call(
        functools.partial(_head_body, nk),
        grid=(nk,),
        in_specs=[
            pl.BlockSpec((NG, kb), lambda k: (0, k)),
            pl.BlockSpec((kb, MLP), lambda k: (k, 0)),
            pl.BlockSpec((1, MLP), lambda k: (0, 0)),
            pl.BlockSpec((MLP, OUT), lambda k: (0, 0)),
            pl.BlockSpec((1, OUT), lambda k: (0, 0)),
        ],
        out_specs=pl.BlockSpec((NG, OUT), lambda k: (0, 0)),
        out_shape=jax.ShapeDtypeStruct((NG, OUT), jnp.float32),
        scratch_shapes=[pltpu.VMEM((NG, MLP), jnp.float32)],
    )(hflat, W1, b1, W2, b2)


def kernel(x, edge_index, batch, Wl1, bl1, Wr1, Wl2, bl2, Wr2, W1, b1, W2, b2):
    N, D = x.shape
    E = edge_index.shape[1]

    NCH = -(-E // (NSUB * CH))
    if NCH % 2:
        NCH += 1
    EP = NSUB * NCH * CH
    pad = EP - E

    NPASS1, NPASS2 = 3, 2
    QN1 = -(-N // (NPASS1 * 128)) * 128
    QR1 = QN1 + 128
    QN2 = -(-N // (NPASS2 * 128)) * 128
    QR2 = QN2 + 128
    z1 = jnp.zeros((QR1 // NSUB, HW), jnp.float32)
    z2 = jnp.zeros((QR2 // NSUB, HW), jnp.float32)
    ones_c = jnp.ones((CH, HW), jnp.float32)

    srcs2, dstqa, dstqb = _prep_edges(edge_index, N, QN1, QN2, NPASS1,
                                      NPASS2, NCH)
    srcs_b = srcs2.reshape(NCORE, NSUB, NCH, CH)
    dst_q1 = dstqa.reshape(NPASS1, NSUB, NCH, CH)
    dst_q2 = dstqb.reshape(NPASS2, NSUB, NCH, CH)

    xs = _split_cols(x)

    agg_k1 = _sc_agg_builder(N, 0, QN1, QR1, NCH, NPASS1, compute_deg=True)
    agg_k2 = _sc_agg_builder(N, 0, QN2, QR2, NCH, NPASS2, compute_deg=False)

    agg1, degw = agg_k1(xs.reshape(NCORE * N, HW), srcs_b, dst_q1, z1,
                        ones_c)
    deg = degw[:, :, :1]

    h1s = _dense_layer(agg1, deg, xs, Wl1, bl1.reshape(1, -1), Wr1,
                       split_out=True)

    (agg2,) = agg_k2(h1s.reshape(NCORE * N, HW), srcs_b, dst_q2, z2, ones_c)

    h2 = _dense_layer(agg2, deg, h1s, Wl2, bl2.reshape(1, -1), Wr2,
                      split_out=False)

    nn = W1.shape[0] // h2.shape[1]
    ng = batch.shape[0] // nn
    hflat = h2.reshape(ng, nn * h2.shape[1])
    out = _head(hflat, W1, b1.reshape(1, -1), W2, b2.reshape(1, -1))
    return out.astype(jnp.float32)

# --- scband reference (transcript-rebuilt; emitter-appended) ---
"""Pipeline reference for scband-sage-gcn-18236431139461 (READ-ONLY COPY).

The authoritative reference and input builder live on the scoring server;
editing this copy changes nothing except your own understanding.
"""

import jax, jax.numpy as jnp
import numpy as np


def _sage_conv(x, src, dst, Wl, bl, Wr):
    # torch_geometric SAGEConv (default): out = lin_l(mean_{j in N(i)} x_j) + lin_r(x_i)
    agg = jax.ops.segment_sum(x[src], dst, num_segments=x.shape[0])
    deg = jax.ops.segment_sum(jnp.ones((dst.shape[0],), x.dtype), dst, num_segments=x.shape[0])
    mean = agg / jnp.clip(deg, 1.0)[:, None]
    return mean @ Wl + bl + x @ Wr


def setup_inputs(seed: int = 0):
    key = jax.random.key(seed)
    ks = jax.random.split(key, 16)
    N, E, D = 10000, 160000, 256
    H1, H2 = 256, 256
    NG, NN = 100, 100
    MLP, OUT = 512, 128
    x = jax.random.normal(ks[0], (N, D), dtype=jnp.float32)
    edge_index = jax.random.randint(ks[1], (2, E), 0, N, dtype=jnp.int32)
    batch = jnp.repeat(jnp.arange(NG, dtype=jnp.int32), NN)

    def lin(k, fi, fo):
        return jax.random.normal(k, (fi, fo), dtype=jnp.float32) * (1.0 / np.sqrt(fi))

    return {
        'x': x, 'edge_index': edge_index, 'batch': batch,
        'Wl1': lin(ks[2], D, H1), 'bl1': jnp.zeros((H1,), jnp.float32), 'Wr1': lin(ks[3], D, H1),
        'Wl2': lin(ks[4], H1, H2), 'bl2': jnp.zeros((H2,), jnp.float32), 'Wr2': lin(ks[5], H1, H2),
        'W1': lin(ks[6], H2 * NN, MLP), 'b1': jnp.zeros((MLP,), jnp.float32),
        'W2': lin(ks[7], MLP, OUT), 'b2': jnp.zeros((OUT,), jnp.float32),
    }


def reference(x, edge_index, batch, Wl1, bl1, Wr1, Wl2, bl2, Wr2, W1, b1, W2, b2):
    src, dst = edge_index[0], edge_index[1]
    h = jax.nn.relu(_sage_conv(x, src, dst, Wl1, bl1, Wr1))
    h = jax.nn.relu(_sage_conv(h, src, dst, Wl2, bl2, Wr2))
    nn = W1.shape[0] // h.shape[1]
    ng = batch.shape[0] // nn
    h = h.reshape(ng, -1)  # view(B, -1, H) then Flatten == reshape(B, -1)
    h = jax.nn.relu(h @ W1 + b1)
    # dropout is identity in eval mode
    out = h @ W2 + b2
    return out.astype(jnp.float32)

if __name__ == "__main__":
    import jax
    _d = setup_inputs()
    print(jax.jit(kernel)(*tuple(_d.values())))

</pallas_src>

<mosaic_0001>
#map = affine_map<(d0, d1) -> (0, 0)>
#map1 = affine_map<(d0, d1) -> (0, 0, 0, 0)>
#map2 = affine_map<(d0, d1) -> (0, 0, 0)>
module attributes {stable_mosaic.version = 14 : i64} {
  func.func @body(%arg0: i32, %arg1: i32, %arg2: memref<20000x128xf32, #tpu.memory_space<hbm>>, %arg3: memref<2x16x80x128xi32, #tpu.memory_space<hbm>>, %arg4: memref<2x16x80x128xi32, #tpu.memory_space<hbm>>, %arg5: memref<328x128xf32, #tpu.memory_space<hbm>>, %arg6: memref<128x128xf32, #tpu.memory_space<hbm>>, %arg7: memref<2x10000x128xf32, #tpu.memory_space<hbm>>, %arg8: memref<80x128xi32, #tpu.memory_space<vmem>>, %arg9: memref<80x128xi32, #tpu.memory_space<vmem>>, %arg10: memref<128x128xf32, #tpu.memory_space<vmem>>, %arg11: memref<128x128xf32, #tpu.memory_space<vmem>>, %arg12: memref<5248x128xf32, #tpu.memory_space<vmem_shared>>, %arg13: memref<!tpu.dma_semaphore, #tpu.memory_space<semaphore_mem>>, %arg14: memref<!tpu.dma_semaphore, #tpu.memory_space<semaphore_mem>>) attributes {dimension_semantics = [#tpu.dimension_semantics<core_parallel>, #tpu.dimension_semantics<subcore_parallel>], iteration_bounds = array<i64: 2, 16>, scalar_prefetch = 0 : i64, scratch_operands = 7 : i64, tpu.core_type = #tpu.core_type<sc_vector_subcore>, window_params = [{transform_indices = #map}, {transform_indices = #map1}, {transform_indices = #map1}, {transform_indices = #map}, {transform_indices = #map}, {transform_indices = #map2}]} {
    "tpu.region"() ({
      %run_scoped3A_49 = tpu.sem_alloc : memref<!tpu.dma_semaphore, #tpu.memory_space<semaphore_mem>>
      %dma_start3A_50 = arith.constant 0 : i32
      %dma_start3A_51 = arith.constant 0 : i32
      %dma_start3A_52 = tpu.memref_slice %arg3[%arg0, %arg1, %dma_start3A_50, %dma_start3A_51] : memref<2x16x80x128xi32, #tpu.memory_space<hbm>> -> memref<1x1x80x128xi32, #tpu.memory_space<hbm>>
      %dma_start3A_53 = tpu.memref_squeeze %dma_start3A_52 : memref<1x1x80x128xi32, #tpu.memory_space<hbm>> -> memref<80x128xi32, #tpu.memory_space<hbm>>
      %dma_start3A_54 = arith.constant 0 : i32
      %dma_start3A_55 = arith.constant 0 : i32
      %dma_start3A_56 = tpu.memref_slice %arg3[%arg0, %arg1, %dma_start3A_54, %dma_start3A_55] : memref<2x16x80x128xi32, #tpu.memory_space<hbm>> -> memref<1x1x80x128xi32, #tpu.memory_space<hbm>>
      %dma_start3A_57 = tpu.memref_squeeze %dma_start3A_56 : memref<1x1x80x128xi32, #tpu.memory_space<hbm>> -> memref<80x128xi32, #tpu.memory_space<hbm>>
      tpu.enqueue_dma source(%dma_start3A_57 : memref<80x128xi32, #tpu.memory_space<hbm>>) target(%arg8 : memref<80x128xi32, #tpu.memory_space<vmem>>) target_semaphore(%run_scoped3A_49 : memref<!tpu.dma_semaphore, #tpu.memory_space<semaphore_mem>>)
      %dma_wait3A = arith.constant 0 : i32
      %dma_wait3A_58 = arith.constant 0 : i32
      %dma_wait3A_59 = tpu.memref_slice %arg3[%arg0, %arg1, %dma_wait3A, %dma_wait3A_58] : memref<2x16x80x128xi32, #tpu.memory_space<hbm>> -> memref<1x1x80x128xi32, #tpu.memory_space<hbm>>
      %dma_wait3A_60 = tpu.memref_squeeze %dma_wait3A_59 : memref<1x1x80x128xi32, #tpu.memory_space<hbm>> -> memref<80x128xi32, #tpu.memory_space<hbm>>
      %dma_wait3A_61 = arith.constant 0 : i32
      %dma_wait3A_62 = arith.constant 0 : i32
      %dma_wait3A_63 = tpu.memref_slice %arg3[%arg0, %arg1, %dma_wait3A_61, %dma_wait3A_62] : memref<2x16x80x128xi32, #tpu.memory_space<hbm>> -> memref<1x1x80x128xi32, #tpu.memory_space<hbm>>
      %dma_wait3A_64 = tpu.memref_squeeze %dma_wait3A_63 : memref<1x1x80x128xi32, #tpu.memory_space<hbm>> -> memref<80x128xi32, #tpu.memory_space<hbm>>
      tpu.wait_dma2 semaphore(%run_scoped3A_49 : memref<!tpu.dma_semaphore, #tpu.memory_space<semaphore_mem>>) src(%dma_wait3A_64 : memref<80x128xi32, #tpu.memory_space<hbm>>) dst(%arg8 : memref<80x128xi32, #tpu.memory_space<vmem>>)
      tpu.yield
    }) : () -> ()
    %run_scoped3A = arith.constant 0 : i32
    "tpu.region"() ({
      %run_scoped3A_49 = tpu.sem_alloc : memref<!tpu.dma_semaphore, #tpu.memory_space<semaphore_mem>>
      %dma_start3A_50 = arith.constant 0 : i32
      %dma_start3A_51 = arith.constant 0 : i32
      %dma_start3A_52 = tpu.memref_slice %arg4[%run_scoped3A, %arg1, %dma_start3A_50, %dma_start3A_51] : memref<2x16x80x128xi32, #tpu.memory_space<hbm>> -> memref<1x1x80x128xi32, #tpu.memory_space<hbm>>
      %dma_start3A_53 = tpu.memref_squeeze %dma_start3A_52 : memref<1x1x80x128xi32, #tpu.memory_space<hbm>> -> memref<80x128xi32, #tpu.memory_space<hbm>>
      %dma_start3A_54 = arith.constant 0 : i32
      %dma_start3A_55 = arith.constant 0 : i32
      %dma_start3A_56 = tpu.memref_slice %arg4[%run_scoped3A, %arg1, %dma_start3A_54, %dma_start3A_55] : memref<2x16x80x128xi32, #tpu.memory_space<hbm>> -> memref<1x1x80x128xi32, #tpu.memory_space<hbm>>
      %dma_start3A_57 = tpu.memref_squeeze %dma_start3A_56 : memref<1x1x80x128xi32, #tpu.memory_space<hbm>> -> memref<80x128xi32, #tpu.memory_space<hbm>>
      tpu.enqueue_dma source(%dma_start3A_57 : memref<80x128xi32, #tpu.memory_space<hbm>>) target(%arg9 : memref<80x128xi32, #tpu.memory_space<vmem>>) target_semaphore(%run_scoped3A_49 : memref<!tpu.dma_semaphore, #tpu.memory_space<semaphore_mem>>)
      %dma_wait3A = arith.constant 0 : i32
      %dma_wait3A_58 = arith.constant 0 : i32
      %dma_wait3A_59 = tpu.memref_slice %arg4[%run_scoped3A, %arg1, %dma_wait3A, %dma_wait3A_58] : memref<2x16x80x128xi32, #tpu.memory_space<hbm>> -> memref<1x1x80x128xi32, #tpu.memory_space<hbm>>
      %dma_wait3A_60 = tpu.memref_squeeze %dma_wait3A_59 : memref<1x1x80x128xi32, #tpu.memory_space<hbm>> -> memref<80x128xi32, #tpu.memory_space<hbm>>
      %dma_wait3A_61 = arith.constant 0 : i32
      %dma_wait3A_62 = arith.constant 0 : i32
      %dma_wait3A_63 = tpu.memref_slice %arg4[%run_scoped3A, %arg1, %dma_wait3A_61, %dma_wait3A_62] : memref<2x16x80x128xi32, #tpu.memory_space<hbm>> -> memref<1x1x80x128xi32, #tpu.memory_space<hbm>>
      %dma_wait3A_64 = tpu.memref_squeeze %dma_wait3A_63 : memref<1x1x80x128xi32, #tpu.memory_space<hbm>> -> memref<80x128xi32, #tpu.memory_space<hbm>>
      tpu.wait_dma2 semaphore(%run_scoped3A_49 : memref<!tpu.dma_semaphore, #tpu.memory_space<semaphore_mem>>) src(%dma_wait3A_64 : memref<80x128xi32, #tpu.memory_space<hbm>>) dst(%arg9 : memref<80x128xi32, #tpu.memory_space<vmem>>)
      tpu.yield
    }) : () -> ()
    %mul3A = arith.constant 328 : i32
    %mul3A_0 = arith.muli %arg1, %mul3A : i32
    "tpu.region"() ({
      %run_scoped3A_49 = tpu.sem_alloc : memref<!tpu.dma_semaphore, #tpu.memory_space<semaphore_mem>>
      %dma_start3A_50 = arith.constant 0 : i32
      %dma_start3A_51 = tpu.memref_slice %arg12[%mul3A_0, %dma_start3A_50] : memref<5248x128xf32, #tpu.memory_space<vmem_shared>> -> memref<328x128xf32, #tpu.memory_space<vmem_shared>>
      tpu.enqueue_dma source(%arg5 : memref<328x128xf32, #tpu.memory_space<hbm>>) target(%dma_start3A_51 : memref<328x128xf32, #tpu.memory_space<vmem_shared>>) target_semaphore(%run_scoped3A_49 : memref<!tpu.dma_semaphore, #tpu.memory_space<semaphore_mem>>)
      %dma_wait3A = arith.constant 0 : i32
      %dma_wait3A_52 = tpu.memref_slice %arg12[%mul3A_0, %dma_wait3A] : memref<5248x128xf32, #tpu.memory_space<vmem_shared>> -> memref<328x128xf32, #tpu.memory_space<vmem_shared>>
      tpu.wait_dma2 semaphore(%run_scoped3A_49 : memref<!tpu.dma_semaphore, #tpu.memory_space<semaphore_mem>>) src(%arg5 : memref<328x128xf32, #tpu.memory_space<hbm>>) dst(%dma_wait3A_52 : memref<328x128xf32, #tpu.memory_space<vmem_shared>>)
      tpu.yield
    }) : () -> ()
    %barrier3A = arith.constant 0 : index
    tpu.barrier barrier_id(%barrier3A)
    %dma_start3A = arith.constant 0 : i32
    %dma_start3A_1 = arith.constant 0 : i32
    %dma_start3A_2 = tpu.memref_slice %arg8[%dma_start3A, %dma_start3A_1] : memref<80x128xi32, #tpu.memory_space<vmem>> -> memref<1x128xi32, #tpu.memory_space<vmem>>
    %dma_start3A_3 = tpu.memref_squeeze %dma_start3A_2 : memref<1x128xi32, #tpu.memory_space<vmem>> -> memref<128xi32, #tpu.memory_space<vmem>>
    %dma_start3A_4 = arith.constant 0 : i32
    %dma_start3A_5 = arith.constant 0 : i32
    %dma_start3A_6 = tpu.memref_slice %arg2[%dma_start3A_4, %dma_start3A_5] : memref<20000x128xf32, #tpu.memory_space<hbm>> -> memref<20000x128xf32, #tpu.memory_space<hbm>>
    tpu.enqueue_indirect_dma source(%dma_start3A_6 : memref<20000x128xf32, #tpu.memory_space<hbm>>) target(%arg10 : memref<128x128xf32, #tpu.memory_space<vmem>>) offsets(%dma_start3A_3 : memref<128xi32, #tpu.memory_space<vmem>>) semaphore(%arg13 : memref<!tpu.dma_semaphore, #tpu.memory_space<semaphore_mem>>)
    %scan3A = arith.constant 0 : i32
    %scan3A_7 = arith.constant 0 : i32
    %scan3A_8 = arith.constant 40 : i32
    %scan3A_9 = arith.addi %scan3A_7, %scan3A_8 : i32
    %scan3A_10 = arith.constant 1 : i32
    scf.for %scan3A_49 = %scan3A_7 to %scan3A_9 step %scan3A_10  : i32 {
      %mul3A_50 = arith.constant 2 : i32
      %mul3A_51 = arith.muli %mul3A_50, %scan3A_49 : i32
      %add3A = arith.constant 1 : i32
      %add3A_52 = arith.addi %mul3A_51, %add3A : i32
      %dma_start3A_53 = arith.constant 0 : i32
      %dma_start3A_54 = tpu.memref_slice %arg8[%add3A_52, %dma_start3A_53] : memref<80x128xi32, #tpu.memory_space<vmem>> -> memref<1x128xi32, #tpu.memory_space<vmem>>
      %dma_start3A_55 = tpu.memref_squeeze %dma_start3A_54 : memref<1x128xi32, #tpu.memory_space<vmem>> -> memref<128xi32, #tpu.memory_space<vmem>>
      %dma_start3A_56 = arith.constant 0 : i32
      %dma_start3A_57 = arith.constant 0 : i32
      %dma_start3A_58 = tpu.memref_slice %arg2[%dma_start3A_56, %dma_start3A_57] : memref<20000x128xf32, #tpu.memory_space<hbm>> -> memref<20000x128xf32, #tpu.memory_space<hbm>>
      tpu.enqueue_indirect_dma source(%dma_start3A_58 : memref<20000x128xf32, #tpu.memory_space<hbm>>) target(%arg11 : memref<128x128xf32, #tpu.memory_space<vmem>>) offsets(%dma_start3A_55 : memref<128xi32, #tpu.memory_space<vmem>>) semaphore(%arg14 : memref<!tpu.dma_semaphore, #tpu.memory_space<semaphore_mem>>)
      %dma_wait3A = arith.constant 0 : i32
      %dma_wait3A_59 = tpu.memref_slice %arg8[%mul3A_51, %dma_wait3A] : memref<80x128xi32, #tpu.memory_space<vmem>> -> memref<1x128xi32, #tpu.memory_space<vmem>>
      %dma_wait3A_60 = tpu.memref_squeeze %dma_wait3A_59 : memref<1x128xi32, #tpu.memory_space<vmem>> -> memref<128xi32, #tpu.memory_space<vmem>>
      %dma_wait3A_61 = arith.constant 0 : i32
      %dma_wait3A_62 = arith.constant 0 : i32
      %dma_wait3A_63 = tpu.memref_slice %arg2[%dma_wait3A_61, %dma_wait3A_62] : memref<20000x128xf32, #tpu.memory_space<hbm>> -> memref<20000x128xf32, #tpu.memory_space<hbm>>
      tpu.wait_indirect_dma semaphore(%arg13 : memref<!tpu.dma_semaphore, #tpu.memory_space<semaphore_mem>>) src(%dma_wait3A_63 : memref<20000x128xf32, #tpu.memory_space<hbm>>) dst(%arg10 : memref<128x128xf32, #tpu.memory_space<vmem>>)
      "tpu.region"() ({
        %run_scoped3A_79 = tpu.sem_alloc : memref<!tpu.dma_semaphore, #tpu.memory_space<semaphore_mem>>
        %dma_start3A_80 = arith.constant 0 : i32
        %dma_start3A_81 = tpu.memref_slice %arg9[%mul3A_51, %dma_start3A_80] : memref<80x128xi32, #tpu.memory_space<vmem>> -> memref<1x128xi32, #tpu.memory_space<vmem>>
        %dma_start3A_82 = tpu.memref_squeeze %dma_start3A_81 : memref<1x128xi32, #tpu.memory_space<vmem>> -> memref<128xi32, #tpu.memory_space<vmem>>
        %dma_start3A_83 = arith.constant 0 : i32
        %dma_start3A_84 = arith.constant 0 : i32
        %dma_start3A_85 = tpu.memref_slice %arg12[%dma_start3A_83, %dma_start3A_84] : memref<5248x128xf32, #tpu.memory_space<vmem_shared>> -> memref<5248x128xf32, #tpu.memory_space<vmem_shared>>
        tpu.enqueue_indirect_dma source(%arg10 : memref<128x128xf32, #tpu.memory_space<vmem>>) target(%dma_start3A_85 : memref<5248x128xf32, #tpu.memory_space<vmem_shared>>) offsets(%dma_start3A_82 : memref<128xi32, #tpu.memory_space<vmem>>) semaphore(%run_scoped3A_79 : memref<!tpu.dma_semaphore, #tpu.memory_space<semaphore_mem>>) {add = true}
        %dma_wait3A_86 = arith.constant 0 : i32
        %dma_wait3A_87 = tpu.memref_slice %arg9[%mul3A_51, %dma_wait3A_86] : memref<80x128xi32, #tpu.memory_space<vmem>> -> memref<1x128xi32, #tpu.memory_space<vmem>>
        %dma_wait3A_88 = tpu.memref_squeeze %dma_wait3A_87 : memref<1x128xi32, #tpu.memory_space<vmem>> -> memref<128xi32, #tpu.memory_space<vmem>>
        %dma_wait3A_89 = arith.constant 0 : i32
        %dma_wait3A_90 = arith.constant 0 : i32
        %dma_wait3A_91 = tpu.memref_slice %arg12[%dma_wait3A_89, %dma_wait3A_90] : memref<5248x128xf32, #tpu.memory_space<vmem_shared>> -> memref<5248x128xf32, #tpu.memory_space<vmem_shared>>
        tpu.wait_indirect_dma semaphore(%run_scoped3A_79 : memref<!tpu.dma_semaphore, #tpu.memory_space<semaphore_mem>>) src(%arg10 : memref<128x128xf32, #tpu.memory_space<vmem>>) dst(%dma_wait3A_91 : memref<5248x128xf32, #tpu.memory_space<vmem_shared>>)
        tpu.yield
      }) : () -> ()
      %lt3A_64 = arith.constant 39 : i32
      %lt3A_65 = arith.cmpi slt, %scan3A_49, %lt3A_64 : i32
      %convert_element_type3A_66 = arith.extui %lt3A_65 : i1 to i32
      %cond3A_67 = arith.constant 0 : i32
      %cond3A_68 = arith.cmpi ne, %convert_element_type3A_66, %cond3A_67 : i32
      scf.if %cond3A_68 {
        %add3A_79 = arith.constant 2 : i32
        %add3A_80 = arith.addi %mul3A_51, %add3A_79 : i32
        %dma_start3A_81 = arith.constant 0 : i32
        %dma_start3A_82 = tpu.memref_slice %arg8[%add3A_80, %dma_start3A_81] : memref<80x128xi32, #tpu.memory_space<vmem>> -> memref<1x128xi32, #tpu.memory_space<vmem>>
        %dma_start3A_83 = tpu.memref_squeeze %dma_start3A_82 : memref<1x128xi32, #tpu.memory_space<vmem>> -> memref<128xi32, #tpu.memory_space<vmem>>
        %dma_start3A_84 = arith.constant 0 : i32
        %dma_start3A_85 = arith.constant 0 : i32
        %dma_start3A_86 = tpu.memref_slice %arg2[%dma_start3A_84, %dma_start3A_85] : memref<20000x128xf32, #tpu.memory_space<hbm>> -> memref<20000x128xf32, #tpu.memory_space<hbm>>
        tpu.enqueue_indirect_dma source(%dma_start3A_86 : memref<20000x128xf32, #tpu.memory_space<hbm>>) target(%arg10 : memref<128x128xf32, #tpu.memory_space<vmem>>) offsets(%dma_start3A_83 : memref<128xi32, #tpu.memory_space<vmem>>) semaphore(%arg13 : memref<!tpu.dma_semaphore, #tpu.memory_space<semaphore_mem>>)
      } else {
      }
      %add3A_69 = arith.constant 1 : i32
      %add3A_70 = arith.addi %mul3A_51, %add3A_69 : i32
      %dma_wait3A_71 = arith.constant 0 : i32
      %dma_wait3A_72 = tpu.memref_slice %arg8[%add3A_70, %dma_wait3A_71] : memref<80x128xi32, #tpu.memory_space<vmem>> -> memref<1x128xi32, #tpu.memory_space<vmem>>
      %dma_wait3A_73 = tpu.memref_squeeze %dma_wait3A_72 : memref<1x128xi32, #tpu.memory_space<vmem>> -> memref<128xi32, #tpu.memory_space<vmem>>
      %dma_wait3A_74 = arith.constant 0 : i32
      %dma_wait3A_75 = arith.constant 0 : i32
      %dma_wait3A_76 = tpu.memref_slice %arg2[%dma_wait3A_74, %dma_wait3A_75] : memref<20000x128xf32, #tpu.memory_space<hbm>> -> memref<20000x128xf32, #tpu.memory_space<hbm>>
      tpu.wait_indirect_dma semaphore(%arg14 : memref<!tpu.dma_semaphore, #tpu.memory_space<semaphore_mem>>) src(%dma_wait3A_76 : memref<20000x128xf32, #tpu.memory_space<hbm>>) dst(%arg11 : memref<128x128xf32, #tpu.memory_space<vmem>>)
      %add3A_77 = arith.constant 1 : i32
      %add3A_78 = arith.addi %mul3A_51, %add3A_77 : i32
      "tpu.region"() ({
        %run_scoped3A_79 = tpu.sem_alloc : memref<!tpu.dma_semaphore, #tpu.memory_space<semaphore_mem>>
        %dma_start3A_80 = arith.constant 0 : i32
        %dma_start3A_81 = tpu.memref_slice %arg9[%add3A_78, %dma_start3A_80] : memref<80x128xi32, #tpu.memory_space<vmem>> -> memref<1x128xi32, #tpu.memory_space<vmem>>
        %dma_start3A_82 = tpu.memref_squeeze %dma_start3A_81 : memref<1x128xi32, #tpu.memory_space<vmem>> -> memref<128xi32, #tpu.memory_space<vmem>>
        %dma_start3A_83 = arith.constant 0 : i32
        %dma_start3A_84 = arith.constant 0 : i32
        %dma_start3A_85 = tpu.memref_slice %arg12[%dma_start3A_83, %dma_start3A_84] : memref<5248x128xf32, #tpu.memory_space<vmem_shared>> -> memref<5248x128xf32, #tpu.memory_space<vmem_shared>>
        tpu.enqueue_indirect_dma source(%arg11 : memref<128x128xf32, #tpu.memory_space<vmem>>) target(%dma_start3A_85 : memref<5248x128xf32, #tpu.memory_space<vmem_shared>>) offsets(%dma_start3A_82 : memref<128xi32, #tpu.memory_space<vmem>>) semaphore(%run_scoped3A_79 : memref<!tpu.dma_semaphore, #tpu.memory_space<semaphore_mem>>) {add = true}
        %dma_wait3A_86 = arith.constant 0 : i32
        %dma_wait3A_87 = tpu.memref_slice %arg9[%add3A_78, %dma_wait3A_86] : memref<80x128xi32, #tpu.memory_space<vmem>> -> memref<1x128xi32, #tpu.memory_space<vmem>>
        %dma_wait3A_88 = tpu.memref_squeeze %dma_wait3A_87 : memref<1x128xi32, #tpu.memory_space<vmem>> -> memref<128xi32, #tpu.memory_space<vmem>>
        %dma_wait3A_89 = arith.constant 0 : i32
        %dma_wait3A_90 = arith.constant 0 : i32
        %dma_wait3A_91 = tpu.memref_slice %arg12[%dma_wait3A_89, %dma_wait3A_90] : memref<5248x128xf32, #tpu.memory_space<vmem_shared>> -> memref<5248x128xf32, #tpu.memory_space<vmem_shared>>
        tpu.wait_indirect_dma semaphore(%run_scoped3A_79 : memref<!tpu.dma_semaphore, #tpu.memory_space<semaphore_mem>>) src(%arg11 : memref<128x128xf32, #tpu.memory_space<vmem>>) dst(%dma_wait3A_91 : memref<5248x128xf32, #tpu.memory_space<vmem_shared>>)
        tpu.yield
      }) : () -> ()
    }
    %scan3A_11 = arith.constant 40 : i32
    %barrier3A_12 = arith.constant 0 : index
    tpu.barrier barrier_id(%barrier3A_12)
    %lt3A = arith.constant 15 : i32
    %lt3A_13 = arith.cmpi slt, %arg1, %lt3A : i32
    %convert_element_type3A = arith.extui %lt3A_13 : i1 to i32
    %cond3A = arith.constant 0 : i32
    %cond3A_14 = arith.cmpi ne, %convert_element_type3A, %cond3A : i32
    scf.if %cond3A_14 {
      %mul3A_49 = arith.constant 328 : i32
      %mul3A_50 = arith.muli %arg1, %mul3A_49 : i32
      %mul3A_51 = arith.constant 328 : i32
      %mul3A_52 = arith.muli %arg1, %mul3A_51 : i32
      %add3A = arith.constant 0 : i32
      %add3A_53 = arith.addi %add3A, %mul3A_52 : i32
      "tpu.region"() ({
        %run_scoped3A_54 = tpu.sem_alloc : memref<!tpu.dma_semaphore, #tpu.memory_space<semaphore_mem>>
        %dma_start3A_55 = arith.constant 0 : i32
        %dma_start3A_56 = arith.constant 0 : i32
        %dma_start3A_57 = tpu.memref_slice %arg7[%arg0, %dma_start3A_55, %dma_start3A_56] : memref<2x10000x128xf32, #tpu.memory_space<hbm>> -> memref<1x10000x128xf32, #tpu.memory_space<hbm>>
        %dma_start3A_58 = tpu.memref_squeeze %dma_start3A_57 : memref<1x10000x128xf32, #tpu.memory_space<hbm>> -> memref<10000x128xf32, #tpu.memory_space<hbm>>
        %dma_start3A_59 = arith.constant 0 : i32
        %dma_start3A_60 = tpu.memref_slice %dma_start3A_58[%add3A_53, %dma_start3A_59] : memref<10000x128xf32, #tpu.memory_space<hbm>> -> memref<328x128xf32, #tpu.memory_space<hbm>>
        %dma_start3A_61 = arith.constant 0 : i32
        %dma_start3A_62 = tpu.memref_slice %arg12[%mul3A_50, %dma_start3A_61] : memref<5248x128xf32, #tpu.memory_space<vmem_shared>> -> memref<328x128xf32, #tpu.memory_space<vmem_shared>>
        tpu.enqueue_dma source(%dma_start3A_62 : memref<328x128xf32, #tpu.memory_space<vmem_shared>>) target(%dma_start3A_60 : memref<328x128xf32, #tpu.memory_space<hbm>>) target_semaphore(%run_scoped3A_54 : memref<!tpu.dma_semaphore, #tpu.memory_space<semaphore_mem>>)
        %dma_wait3A = arith.constant 0 : i32
        %dma_wait3A_63 = arith.constant 0 : i32
        %dma_wait3A_64 = tpu.memref_slice %arg7[%arg0, %dma_wait3A, %dma_wait3A_63] : memref<2x10000x128xf32, #tpu.memory_space<hbm>> -> memref<1x10000x128xf32, #tpu.memory_space<hbm>>
        %dma_wait3A_65 = tpu.memref_squeeze %dma_wait3A_64 : memref<1x10000x128xf32, #tpu.memory_space<hbm>> -> memref<10000x128xf32, #tpu.memory_space<hbm>>
        %dma_wait3A_66 = arith.constant 0 : i32
        %dma_wait3A_67 = tpu.memref_slice %dma_wait3A_65[%add3A_53, %dma_wait3A_66] : memref<10000x128xf32, #tpu.memory_space<hbm>> -> memref<328x128xf32, #tpu.memory_space<hbm>>
        %dma_wait3A_68 = arith.constant 0 : i32
        %dma_wait3A_69 = tpu.memref_slice %arg12[%mul3A_50, %dma_wait3A_68] : memref<5248x128xf32, #tpu.memory_space<vmem_shared>> -> memref<328x128xf32, #tpu.memory_space<vmem_shared>>
        tpu.wait_dma2 semaphore(%run_scoped3A_54 : memref<!tpu.dma_semaphore, #tpu.memory_space<semaphore_mem>>) src(%dma_wait3A_69 : memref<328x128xf32, #tpu.memory_space<vmem_shared>>) dst(%dma_wait3A_67 : memref<328x128xf32, #tpu.memory_space<hbm>>)
        tpu.yield
      }) : () -> ()
    } else {
    }
    %eq3A = arith.constant 15 : i32
    %eq3A_15 = arith.cmpi eq, %arg1, %eq3A : i32
    %convert_element_type3A_16 = arith.extui %eq3A_15 : i1 to i32
    %cond3A_17 = arith.constant 0 : i32
    %cond3A_18 = arith.cmpi ne, %convert_element_type3A_16, %cond3A_17 : i32
    scf.if %cond3A_18 {
      "tpu.region"() ({
        %run_scoped3A_49 = tpu.sem_alloc : memref<!tpu.dma_semaphore, #tpu.memory_space<semaphore_mem>>
        %dma_start3A_50 = arith.constant 0 : i32
        %dma_start3A_51 = arith.constant 0 : i32
        %dma_start3A_52 = tpu.memref_slice %arg7[%arg0, %dma_start3A_50, %dma_start3A_51] : memref<2x10000x128xf32, #tpu.memory_space<hbm>> -> memref<1x10000x128xf32, #tpu.memory_space<hbm>>
        %dma_start3A_53 = tpu.memref_squeeze %dma_start3A_52 : memref<1x10000x128xf32, #tpu.memory_space<hbm>> -> memref<10000x128xf32, #tpu.memory_space<hbm>>
        %dma_start3A_54 = arith.constant 4920 : i32
        %dma_start3A_55 = arith.constant 0 : i32
        %dma_start3A_56 = tpu.memref_slice %dma_start3A_53[%dma_start3A_54, %dma_start3A_55] : memref<10000x128xf32, #tpu.memory_space<hbm>> -> memref<200x128xf32, #tpu.memory_space<hbm>>
        %dma_start3A_57 = arith.constant 4920 : i32
        %dma_start3A_58 = arith.constant 0 : i32
        %dma_start3A_59 = tpu.memref_slice %arg12[%dma_start3A_57, %dma_start3A_58] : memref<5248x128xf32, #tpu.memory_space<vmem_shared>> -> memref<200x128xf32, #tpu.memory_space<vmem_shared>>
        tpu.enqueue_dma source(%dma_start3A_59 : memref<200x128xf32, #tpu.memory_space<vmem_shared>>) target(%dma_start3A_56 : memref<200x128xf32, #tpu.memory_space<hbm>>) target_semaphore(%run_scoped3A_49 : memref<!tpu.dma_semaphore, #tpu.memory_space<semaphore_mem>>)
        %dma_wait3A = arith.constant 0 : i32
        %dma_wait3A_60 = arith.constant 0 : i32
        %dma_wait3A_61 = tpu.memref_slice %arg7[%arg0, %dma_wait3A, %dma_wait3A_60] : memref<2x10000x128xf32, #tpu.memory_space<hbm>> -> memref<1x10000x128xf32, #tpu.memory_space<hbm>>
        %dma_wait3A_62 = tpu.memref_squeeze %dma_wait3A_61 : memref<1x10000x128xf32, #tpu.memory_space<hbm>> -> memref<10000x128xf32, #tpu.memory_space<hbm>>
        %dma_wait3A_63 = arith.constant 4920 : i32
        %dma_wait3A_64 = arith.constant 0 : i32
        %dma_wait3A_65 = tpu.memref_slice %dma_wait3A_62[%dma_wait3A_63, %dma_wait3A_64] : memref<10000x128xf32, #tpu.memory_space<hbm>> -> memref<200x128xf32, #tpu.memory_space<hbm>>
        %dma_wait3A_66 = arith.constant 4920 : i32
        %dma_wait3A_67 = arith.constant 0 : i32
        %dma_wait3A_68 = tpu.memref_slice %arg12[%dma_wait3A_66, %dma_wait3A_67] : memref<5248x128xf32, #tpu.memory_space<vmem_shared>> -> memref<200x128xf32, #tpu.memory_space<vmem_shared>>
        tpu.wait_dma2 semaphore(%run_scoped3A_49 : memref<!tpu.dma_semaphore, #tpu.memory_space<semaphore_mem>>) src(%dma_wait3A_68 : memref<200x128xf32, #tpu.memory_space<vmem_shared>>) dst(%dma_wait3A_65 : memref<200x128xf32, #tpu.memory_space<hbm>>)
        tpu.yield
      }) : () -> ()
    } else {
    }
    %barrier3A_19 = arith.constant 0 : index
    tpu.barrier barrier_id(%barrier3A_19)
    %run_scoped3A_20 = arith.constant 1 : i32
    "tpu.region"() ({
      %run_scoped3A_49 = tpu.sem_alloc : memref<!tpu.dma_semaphore, #tpu.memory_space<semaphore_mem>>
      %dma_start3A_50 = arith.constant 0 : i32
      %dma_start3A_51 = arith.constant 0 : i32
      %dma_start3A_52 = tpu.memref_slice %arg4[%run_scoped3A_20, %arg1, %dma_start3A_50, %dma_start3A_51] : memref<2x16x80x128xi32, #tpu.memory_space<hbm>> -> memref<1x1x80x128xi32, #tpu.memory_space<hbm>>
      %dma_start3A_53 = tpu.memref_squeeze %dma_start3A_52 : memref<1x1x80x128xi32, #tpu.memory_space<hbm>> -> memref<80x128xi32, #tpu.memory_space<hbm>>
      %dma_start3A_54 = arith.constant 0 : i32
      %dma_start3A_55 = arith.constant 0 : i32
      %dma_start3A_56 = tpu.memref_slice %arg4[%run_scoped3A_20, %arg1, %dma_start3A_54, %dma_start3A_55] : memref<2x16x80x128xi32, #tpu.memory_space<hbm>> -> memref<1x1x80x128xi32, #tpu.memory_space<hbm>>
      %dma_start3A_57 = tpu.memref_squeeze %dma_start3A_56 : memref<1x1x80x128xi32, #tpu.memory_space<hbm>> -> memref<80x128xi32, #tpu.memory_space<hbm>>
      tpu.enqueue_dma source(%dma_start3A_57 : memref<80x128xi32, #tpu.memory_space<hbm>>) target(%arg9 : memref<80x128xi32, #tpu.memory_space<vmem>>) target_semaphore(%run_scoped3A_49 : memref<!tpu.dma_semaphore, #tpu.memory_space<semaphore_mem>>)
      %dma_wait3A = arith.constant 0 : i32
      %dma_wait3A_58 = arith.constant 0 : i32
      %dma_wait3A_59 = tpu.memref_slice %arg4[%run_scoped3A_20, %arg1, %dma_wait3A, %dma_wait3A_58] : memref<2x16x80x128xi32, #tpu.memory_space<hbm>> -> memref<1x1x80x128xi32, #tpu.memory_space<hbm>>
      %dma_wait3A_60 = tpu.memref_squeeze %dma_wait3A_59 : memref<1x1x80x128xi32, #tpu.memory_space<hbm>> -> memref<80x128xi32, #tpu.memory_space<hbm>>
      %dma_wait3A_61 = arith.constant 0 : i32
      %dma_wait3A_62 = arith.constant 0 : i32
      %dma_wait3A_63 = tpu.memref_slice %arg4[%run_scoped3A_20, %arg1, %dma_wait3A_61, %dma_wait3A_62] : memref<2x16x80x128xi32, #tpu.memory_space<hbm>> -> memref<1x1x80x128xi32, #tpu.memory_space<hbm>>
      %dma_wait3A_64 = tpu.memref_squeeze %dma_wait3A_63 : memref<1x1x80x128xi32, #tpu.memory_space<hbm>> -> memref<80x128xi32, #tpu.memory_space<hbm>>
      tpu.wait_dma2 semaphore(%run_scoped3A_49 : memref<!tpu.dma_semaphore, #tpu.memory_space<semaphore_mem>>) src(%dma_wait3A_64 : memref<80x128xi32, #tpu.memory_space<hbm>>) dst(%arg9 : memref<80x128xi32, #tpu.memory_space<vmem>>)
      tpu.yield
    }) : () -> ()
    %mul3A_21 = arith.constant 328 : i32
    %mul3A_22 = arith.muli %arg1, %mul3A_21 : i32
    "tpu.region"() ({
      %run_scoped3A_49 = tpu.sem_alloc : memref<!tpu.dma_semaphore, #tpu.memory_space<semaphore_mem>>
      %dma_start3A_50 = arith.constant 0 : i32
      %dma_start3A_51 = tpu.memref_slice %arg12[%mul3A_22, %dma_start3A_50] : memref<5248x128xf32, #tpu.memory_space<vmem_shared>> -> memref<328x128xf32, #tpu.memory_space<vmem_shared>>
      tpu.enqueue_dma source(%arg5 : memref<328x128xf32, #tpu.memory_space<hbm>>) target(%dma_start3A_51 : memref<328x128xf32, #tpu.memory_space<vmem_shared>>) target_semaphore(%run_scoped3A_49 : memref<!tpu.dma_semaphore, #tpu.memory_space<semaphore_mem>>)
      %dma_wait3A = arith.constant 0 : i32
      %dma_wait3A_52 = tpu.memref_slice %arg12[%mul3A_22, %dma_wait3A] : memref<5248x128xf32, #tpu.memory_space<vmem_shared>> -> memref<328x128xf32, #tpu.memory_space<vmem_shared>>
      tpu.wait_dma2 semaphore(%run_scoped3A_49 : memref<!tpu.dma_semaphore, #tpu.memory_space<semaphore_mem>>) src(%arg5 : memref<328x128xf32, #tpu.memory_space<hbm>>) dst(%dma_wait3A_52 : memref<328x128xf32, #tpu.memory_space<vmem_shared>>)
      tpu.yield
    }) : () -> ()
    %barrier3A_23 = arith.constant 0 : index
    tpu.barrier barrier_id(%barrier3A_23)
    %dma_start3A_24 = arith.constant 0 : i32
    %dma_start3A_25 = arith.constant 0 : i32
    %dma_start3A_26 = tpu.memref_slice %arg8[%dma_start3A_24, %dma_start3A_25] : memref<80x128xi32, #tpu.memory_space<vmem>> -> memref<1x128xi32, #tpu.memory_space<vmem>>
    %dma_start3A_27 = tpu.memref_squeeze %dma_start3A_26 : memref<1x128xi32, #tpu.memory_space<vmem>> -> memref<128xi32, #tpu.memory_space<vmem>>
    %dma_start3A_28 = arith.constant 0 : i32
    %dma_start3A_29 = arith.constant 0 : i32
    %dma_start3A_30 = tpu.memref_slice %arg2[%dma_start3A_28, %dma_start3A_29] : memref<20000x128xf32, #tpu.memory_space<hbm>> -> memref<20000x128xf32, #tpu.memory_space<hbm>>
    tpu.enqueue_indirect_dma source(%dma_start3A_30 : memref<20000x128xf32, #tpu.memory_space<hbm>>) target(%arg10 : memref<128x128xf32, #tpu.memory_space<vmem>>) offsets(%dma_start3A_27 : memref<128xi32, #tpu.memory_space<vmem>>) semaphore(%arg13 : memref<!tpu.dma_semaphore, #tpu.memory_space<semaphore_mem>>)
    %scan3A_31 = arith.constant 0 : i32
    %scan3A_32 = arith.constant 0 : i32
    %scan3A_33 = arith.constant 40 : i32
    %scan3A_34 = arith.addi %scan3A_32, %scan3A_33 : i32
    %scan3A_35 = arith.constant 1 : i32
    scf.for %scan3A_49 = %scan3A_32 to %scan3A_34 step %scan3A_35  : i32 {
      %mul3A_50 = arith.constant 2 : i32
      %mul3A_51 = arith.muli %mul3A_50, %scan3A_49 : i32
      %add3A = arith.constant 1 : i32
      %add3A_52 = arith.addi %mul3A_51, %add3A : i32
      %dma_start3A_53 = arith.constant 0 : i32
      %dma_start3A_54 = tpu.memref_slice %arg8[%add3A_52, %dma_start3A_53] : memref<80x128xi32, #tpu.memory_space<vmem>> -> memref<1x128xi32, #tpu.memory_space<vmem>>
      %dma_start3A_55 = tpu.memref_squeeze %dma_start3A_54 : memref<1x128xi32, #tpu.memory_space<vmem>> -> memref<128xi32, #tpu.memory_space<vmem>>
      %dma_start3A_56 = arith.constant 0 : i32
      %dma_start3A_57 = arith.constant 0 : i32
      %dma_start3A_58 = tpu.memref_slice %arg2[%dma_start3A_56, %dma_start3A_57] : memref<20000x128xf32, #tpu.memory_space<hbm>> -> memref<20000x128xf32, #tpu.memory_space<hbm>>
      tpu.enqueue_indirect_dma source(%dma_start3A_58 : memref<20000x128xf32, #tpu.memory_space<hbm>>) target(%arg11 : memref<128x128xf32, #tpu.memory_space<vmem>>) offsets(%dma_start3A_55 : memref<128xi32, #tpu.memory_space<vmem>>) semaphore(%arg14 : memref<!tpu.dma_semaphore, #tpu.memory_space<semaphore_mem>>)
      %dma_wait3A = arith.constant 0 : i32
      %dma_wait3A_59 = tpu.memref_slice %arg8[%mul3A_51, %dma_wait3A] : memref<80x128xi32, #tpu.memory_space<vmem>> -> memref<1x128xi32, #tpu.memory_space<vmem>>
      %dma_wait3A_60 = tpu.memref_squeeze %dma_wait3A_59 : memref<1x128xi32, #tpu.memory_space<vmem>> -> memref<128xi32, #tpu.memory_space<vmem>>
      %dma_wait3A_61 = arith.constant 0 : i32
      %dma_wait3A_62 = arith.constant 0 : i32
      %dma_wait3A_63 = tpu.memref_slice %arg2[%dma_wait3A_61, %dma_wait3A_62] : memref<20000x128xf32, #tpu.memory_space<hbm>> -> memref<20000x128xf32, #tpu.memory_space<hbm>>
      tpu.wait_indirect_dma semaphore(%arg13 : memref<!tpu.dma_semaphore, #tpu.memory_space<semaphore_mem>>) src(%dma_wait3A_63 : memref<20000x128xf32, #tpu.memory_space<hbm>>) dst(%arg10 : memref<128x128xf32, #tpu.memory_space<vmem>>)
      "tpu.region"() ({
        %run_scoped3A_79 = tpu.sem_alloc : memref<!tpu.dma_semaphore, #tpu.memory_space<semaphore_mem>>
        %dma_start3A_80 = arith.constant 0 : i32
        %dma_start3A_81 = tpu.memref_slice %arg9[%mul3A_51, %dma_start3A_80] : memref<80x128xi32, #tpu.memory_space<vmem>> -> memref<1x128xi32, #tpu.memory_space<vmem>>
        %dma_start3A_82 = tpu.memref_squeeze %dma_start3A_81 : memref<1x128xi32, #tpu.memory_space<vmem>> -> memref<128xi32, #tpu.memory_space<vmem>>
        %dma_start3A_83 = arith.constant 0 : i32
        %dma_start3A_84 = arith.constant 0 : i32
        %dma_start3A_85 = tpu.memref_slice %arg12[%dma_start3A_83, %dma_start3A_84] : memref<5248x128xf32, #tpu.memory_space<vmem_shared>> -> memref<5248x128xf32, #tpu.memory_space<vmem_shared>>
        tpu.enqueue_indirect_dma source(%arg10 : memref<128x128xf32, #tpu.memory_space<vmem>>) target(%dma_start3A_85 : memref<5248x128xf32, #tpu.memory_space<vmem_shared>>) offsets(%dma_start3A_82 : memref<128xi32, #tpu.memory_space<vmem>>) semaphore(%run_scoped3A_79 : memref<!tpu.dma_semaphore, #tpu.memory_space<semaphore_mem>>) {add = true}
        %dma_wait3A_86 = arith.constant 0 : i32
        %dma_wait3A_87 = tpu.memref_slice %arg9[%mul3A_51, %dma_wait3A_86] : memref<80x128xi32, #tpu.memory_space<vmem>> -> memref<1x128xi32, #tpu.memory_space<vmem>>
        %dma_wait3A_88 = tpu.memref_squeeze %dma_wait3A_87 : memref<1x128xi32, #tpu.memory_space<vmem>> -> memref<128xi32, #tpu.memory_space<vmem>>
        %dma_wait3A_89 = arith.constant 0 : i32
        %dma_wait3A_90 = arith.constant 0 : i32
        %dma_wait3A_91 = tpu.memref_slice %arg12[%dma_wait3A_89, %dma_wait3A_90] : memref<5248x128xf32, #tpu.memory_space<vmem_shared>> -> memref<5248x128xf32, #tpu.memory_space<vmem_shared>>
        tpu.wait_indirect_dma semaphore(%run_scoped3A_79 : memref<!tpu.dma_semaphore, #tpu.memory_space<semaphore_mem>>) src(%arg10 : memref<128x128xf32, #tpu.memory_space<vmem>>) dst(%dma_wait3A_91 : memref<5248x128xf32, #tpu.memory_space<vmem_shared>>)
        tpu.yield
      }) : () -> ()
      %lt3A_64 = arith.constant 39 : i32
      %lt3A_65 = arith.cmpi slt, %scan3A_49, %lt3A_64 : i32
      %convert_element_type3A_66 = arith.extui %lt3A_65 : i1 to i32
      %cond3A_67 = arith.constant 0 : i32
      %cond3A_68 = arith.cmpi ne, %convert_element_type3A_66, %cond3A_67 : i32
      scf.if %cond3A_68 {
        %add3A_79 = arith.constant 2 : i32
        %add3A_80 = arith.addi %mul3A_51, %add3A_79 : i32
        %dma_start3A_81 = arith.constant 0 : i32
        %dma_start3A_82 = tpu.memref_slice %arg8[%add3A_80, %dma_start3A_81] : memref<80x128xi32, #tpu.memory_space<vmem>> -> memref<1x128xi32, #tpu.memory_space<vmem>>
        %dma_start3A_83 = tpu.memref_squeeze %dma_start3A_82 : memref<1x128xi32, #tpu.memory_space<vmem>> -> memref<128xi32, #tpu.memory_space<vmem>>
        %dma_start3A_84 = arith.constant 0 : i32
        %dma_start3A_85 = arith.constant 0 : i32
        %dma_start3A_86 = tpu.memref_slice %arg2[%dma_start3A_84, %dma_start3A_85] : memref<20000x128xf32, #tpu.memory_space<hbm>> -> memref<20000x128xf32, #tpu.memory_space<hbm>>
        tpu.enqueue_indirect_dma source(%dma_start3A_86 : memref<20000x128xf32, #tpu.memory_space<hbm>>) target(%arg10 : memref<128x128xf32, #tpu.memory_space<vmem>>) offsets(%dma_start3A_83 : memref<128xi32, #tpu.memory_space<vmem>>) semaphore(%arg13 : memref<!tpu.dma_semaphore, #tpu.memory_space<semaphore_mem>>)
      } else {
      }
      %add3A_69 = arith.constant 1 : i32
      %add3A_70 = arith.addi %mul3A_51, %add3A_69 : i32
      %dma_wait3A_71 = arith.constant 0 : i32
      %dma_wait3A_72 = tpu.memref_slice %arg8[%add3A_70, %dma_wait3A_71] : memref<80x128xi32, #tpu.memory_space<vmem>> -> memref<1x128xi32, #tpu.memory_space<vmem>>
      %dma_wait3A_73 = tpu.memref_squeeze %dma_wait3A_72 : memref<1x128xi32, #tpu.memory_space<vmem>> -> memref<128xi32, #tpu.memory_space<vmem>>
      %dma_wait3A_74 = arith.constant 0 : i32
      %dma_wait3A_75 = arith.constant 0 : i32
      %dma_wait3A_76 = tpu.memref_slice %arg2[%dma_wait3A_74, %dma_wait3A_75] : memref<20000x128xf32, #tpu.memory_space<hbm>> -> memref<20000x128xf32, #tpu.memory_space<hbm>>
      tpu.wait_indirect_dma semaphore(%arg14 : memref<!tpu.dma_semaphore, #tpu.memory_space<semaphore_mem>>) src(%dma_wait3A_76 : memref<20000x128xf32, #tpu.memory_space<hbm>>) dst(%arg11 : memref<128x128xf32, #tpu.memory_space<vmem>>)
      %add3A_77 = arith.constant 1 : i32
      %add3A_78 = arith.addi %mul3A_51, %add3A_77 : i32
      "tpu.region"() ({
        %run_scoped3A_79 = tpu.sem_alloc : memref<!tpu.dma_semaphore, #tpu.memory_space<semaphore_mem>>
        %dma_start3A_80 = arith.constant 0 : i32
        %dma_start3A_81 = tpu.memref_slice %arg9[%add3A_78, %dma_start3A_80] : memref<80x128xi32, #tpu.memory_space<vmem>> -> memref<1x128xi32, #tpu.memory_space<vmem>>
        %dma_start3A_82 = tpu.memref_squeeze %dma_start3A_81 : memref<1x128xi32, #tpu.memory_space<vmem>> -> memref<128xi32, #tpu.memory_space<vmem>>
        %dma_start3A_83 = arith.constant 0 : i32
        %dma_start3A_84 = arith.constant 0 : i32
        %dma_start3A_85 = tpu.memref_slice %arg12[%dma_start3A_83, %dma_start3A_84] : memref<5248x128xf32, #tpu.memory_space<vmem_shared>> -> memref<5248x128xf32, #tpu.memory_space<vmem_shared>>
        tpu.enqueue_indirect_dma source(%arg11 : memref<128x128xf32, #tpu.memory_space<vmem>>) target(%dma_start3A_85 : memref<5248x128xf32, #tpu.memory_space<vmem_shared>>) offsets(%dma_start3A_82 : memref<128xi32, #tpu.memory_space<vmem>>) semaphore(%run_scoped3A_79 : memref<!tpu.dma_semaphore, #tpu.memory_space<semaphore_mem>>) {add = true}
        %dma_wait3A_86 = arith.constant 0 : i32
        %dma_wait3A_87 = tpu.memref_slice %arg9[%add3A_78, %dma_wait3A_86] : memref<80x128xi32, #tpu.memory_space<vmem>> -> memref<1x128xi32, #tpu.memory_space<vmem>>
        %dma_wait3A_88 = tpu.memref_squeeze %dma_wait3A_87 : memref<1x128xi32, #tpu.memory_space<vmem>> -> memref<128xi32, #tpu.memory_space<vmem>>
        %dma_wait3A_89 = arith.constant 0 : i32
        %dma_wait3A_90 = arith.constant 0 : i32
        %dma_wait3A_91 = tpu.memref_slice %arg12[%dma_wait3A_89, %dma_wait3A_90] : memref<5248x128xf32, #tpu.memory_space<vmem_shared>> -> memref<5248x128xf32, #tpu.memory_space<vmem_shared>>
        tpu.wait_indirect_dma semaphore(%run_scoped3A_79 : memref<!tpu.dma_semaphore, #tpu.memory_space<semaphore_mem>>) src(%arg11 : memref<128x128xf32, #tpu.memory_space<vmem>>) dst(%dma_wait3A_91 : memref<5248x128xf32, #tpu.memory_space<vmem_shared>>)
        tpu.yield
      }) : () -> ()
    }
    %scan3A_36 = arith.constant 40 : i32
    %barrier3A_37 = arith.constant 0 : index
    tpu.barrier barrier_id(%barrier3A_37)
    %lt3A_38 = arith.constant 14 : i32
    %lt3A_39 = arith.cmpi slt, %arg1, %lt3A_38 : i32
    %convert_element_type3A_40 = arith.extui %lt3A_39 : i1 to i32
    %cond3A_41 = arith.constant 0 : i32
    %cond3A_42 = arith.cmpi ne, %convert_element_type3A_40, %cond3A_41 : i32
    scf.if %cond3A_42 {
      %mul3A_49 = arith.constant 328 : i32
      %mul3A_50 = arith.muli %arg1, %mul3A_49 : i32
      %mul3A_51 = arith.constant 328 : i32
      %mul3A_52 = arith.muli %arg1, %mul3A_51 : i32
      %add3A = arith.constant 5120 : i32
      %add3A_53 = arith.addi %add3A, %mul3A_52 : i32
      "tpu.region"() ({
        %run_scoped3A_54 = tpu.sem_alloc : memref<!tpu.dma_semaphore, #tpu.memory_space<semaphore_mem>>
        %dma_start3A_55 = arith.constant 0 : i32
        %dma_start3A_56 = arith.constant 0 : i32
        %dma_start3A_57 = tpu.memref_slice %arg7[%arg0, %dma_start3A_55, %dma_start3A_56] : memref<2x10000x128xf32, #tpu.memory_space<hbm>> -> memref<1x10000x128xf32, #tpu.memory_space<hbm>>
        %dma_start3A_58 = tpu.memref_squeeze %dma_start3A_57 : memref<1x10000x128xf32, #tpu.memory_space<hbm>> -> memref<10000x128xf32, #tpu.memory_space<hbm>>
        %dma_start3A_59 = arith.constant 0 : i32
        %dma_start3A_60 = tpu.memref_slice %dma_start3A_58[%add3A_53, %dma_start3A_59] : memref<10000x128xf32, #tpu.memory_space<hbm>> -> memref<328x128xf32, #tpu.memory_space<hbm>>
        %dma_start3A_61 = arith.constant 0 : i32
        %dma_start3A_62 = tpu.memref_slice %arg12[%mul3A_50, %dma_start3A_61] : memref<5248x128xf32, #tpu.memory_space<vmem_shared>> -> memref<328x128xf32, #tpu.memory_space<vmem_shared>>
        tpu.enqueue_dma source(%dma_start3A_62 : memref<328x128xf32, #tpu.memory_space<vmem_shared>>) target(%dma_start3A_60 : memref<328x128xf32, #tpu.memory_space<hbm>>) target_semaphore(%run_scoped3A_54 : memref<!tpu.dma_semaphore, #tpu.memory_space<semaphore_mem>>)
        %dma_wait3A = arith.constant 0 : i32
        %dma_wait3A_63 = arith.constant 0 : i32
        %dma_wait3A_64 = tpu.memref_slice %arg7[%arg0, %dma_wait3A, %dma_wait3A_63] : memref<2x10000x128xf32, #tpu.memory_space<hbm>> -> memref<1x10000x128xf32, #tpu.memory_space<hbm>>
        %dma_wait3A_65 = tpu.memref_squeeze %dma_wait3A_64 : memref<1x10000x128xf32, #tpu.memory_space<hbm>> -> memref<10000x128xf32, #tpu.memory_space<hbm>>
        %dma_wait3A_66 = arith.constant 0 : i32
        %dma_wait3A_67 = tpu.memref_slice %dma_wait3A_65[%add3A_53, %dma_wait3A_66] : memref<10000x128xf32, #tpu.memory_space<hbm>> -> memref<328x128xf32, #tpu.memory_space<hbm>>
        %dma_wait3A_68 = arith.constant 0 : i32
        %dma_wait3A_69 = tpu.memref_slice %arg12[%mul3A_50, %dma_wait3A_68] : memref<5248x128xf32, #tpu.memory_space<vmem_shared>> -> memref<328x128xf32, #tpu.memory_space<vmem_shared>>
        tpu.wait_dma2 semaphore(%run_scoped3A_54 : memref<!tpu.dma_semaphore, #tpu.memory_space<semaphore_mem>>) src(%dma_wait3A_69 : memref<328x128xf32, #tpu.memory_space<vmem_shared>>) dst(%dma_wait3A_67 : memref<328x128xf32, #tpu.memory_space<hbm>>)
        tpu.yield
      }) : () -> ()
    } else {
    }
    %eq3A_43 = arith.constant 14 : i32
    %eq3A_44 = arith.cmpi eq, %arg1, %eq3A_43 : i32
    %convert_element_type3A_45 = arith.extui %eq3A_44 : i1 to i32
    %cond3A_46 = arith.constant 0 : i32
    %cond3A_47 = arith.cmpi ne, %convert_element_type3A_45, %cond3A_46 : i32
    scf.if %cond3A_47 {
      "tpu.region"() ({
        %run_scoped3A_49 = tpu.sem_alloc : memref<!tpu.dma_semaphore, #tpu.memory_space<semaphore_mem>>
        %dma_start3A_50 = arith.constant 0 : i32
        %dma_start3A_51 = arith.constant 0 : i32
        %dma_start3A_52 = tpu.memref_slice %arg7[%arg0, %dma_start3A_50, %dma_start3A_51] : memref<2x10000x128xf32, #tpu.memory_space<hbm>> -> memref<1x10000x128xf32, #tpu.memory_space<hbm>>
        %dma_start3A_53 = tpu.memref_squeeze %dma_start3A_52 : memref<1x10000x128xf32, #tpu.memory_space<hbm>> -> memref<10000x128xf32, #tpu.memory_space<hbm>>
        %dma_start3A_54 = arith.constant 9712 : i32
        %dma_start3A_55 = arith.constant 0 : i32
        %dma_start3A_56 = tpu.memref_slice %dma_start3A_53[%dma_start3A_54, %dma_start3A_55] : memref<10000x128xf32, #tpu.memory_space<hbm>> -> memref<288x128xf32, #tpu.memory_space<hbm>>
        %dma_start3A_57 = arith.constant 4592 : i32
        %dma_start3A_58 = arith.constant 0 : i32
        %dma_start3A_59 = tpu.memref_slice %arg12[%dma_start3A_57, %dma_start3A_58] : memref<5248x128xf32, #tpu.memory_space<vmem_shared>> -> memref<288x128xf32, #tpu.memory_space<vmem_shared>>
        tpu.enqueue_dma source(%dma_start3A_59 : memref<288x128xf32, #tpu.memory_space<vmem_shared>>) target(%dma_start3A_56 : memref<288x128xf32, #tpu.memory_space<hbm>>) target_semaphore(%run_scoped3A_49 : memref<!tpu.dma_semaphore, #tpu.memory_space<semaphore_mem>>)
        %dma_wait3A = arith.constant 0 : i32
        %dma_wait3A_60 = arith.constant 0 : i32
        %dma_wait3A_61 = tpu.memref_slice %arg7[%arg0, %dma_wait3A, %dma_wait3A_60] : memref<2x10000x128xf32, #tpu.memory_space<hbm>> -> memref<1x10000x128xf32, #tpu.memory_space<hbm>>
        %dma_wait3A_62 = tpu.memref_squeeze %dma_wait3A_61 : memref<1x10000x128xf32, #tpu.memory_space<hbm>> -> memref<10000x128xf32, #tpu.memory_space<hbm>>
        %dma_wait3A_63 = arith.constant 9712 : i32
        %dma_wait3A_64 = arith.constant 0 : i32
        %dma_wait3A_65 = tpu.memref_slice %dma_wait3A_62[%dma_wait3A_63, %dma_wait3A_64] : memref<10000x128xf32, #tpu.memory_space<hbm>> -> memref<288x128xf32, #tpu.memory_space<hbm>>
        %dma_wait3A_66 = arith.constant 4592 : i32
        %dma_wait3A_67 = arith.constant 0 : i32
        %dma_wait3A_68 = tpu.memref_slice %arg12[%dma_wait3A_66, %dma_wait3A_67] : memref<5248x128xf32, #tpu.memory_space<vmem_shared>> -> memref<288x128xf32, #tpu.memory_space<vmem_shared>>
        tpu.wait_dma2 semaphore(%run_scoped3A_49 : memref<!tpu.dma_semaphore, #tpu.memory_space<semaphore_mem>>) src(%dma_wait3A_68 : memref<288x128xf32, #tpu.memory_space<vmem_shared>>) dst(%dma_wait3A_65 : memref<288x128xf32, #tpu.memory_space<hbm>>)
        tpu.yield
      }) : () -> ()
    } else {
    }
    %barrier3A_48 = arith.constant 0 : index
    tpu.barrier barrier_id(%barrier3A_48)
    return
  }
}

#map = affine_map<(d0, d1) -> (0, 0)>
#map1 = affine_map<(d0, d1) -> (0, 0, 0, 0)>
#map2 = affine_map<(d0, d1) -> (0, 0, 0)>
module attributes {stable_mosaic.version = 14 : i64} {
  func.func @body(%arg0: i32, %arg1: i32, %arg2: memref<20000x128xf32, #tpu.memory_space<hbm>>, %arg3: memref<2x16x80x128xi32, #tpu.memory_space<hbm>>, %arg4: memref<3x16x80x128xi32, #tpu.memory_space<hbm>>, %arg5: memref<224x128xf32, #tpu.memory_space<hbm>>, %arg6: memref<128x128xf32, #tpu.memory_space<hbm>>, %arg7: memref<2x10000x128xf32, #tpu.memory_space<hbm>>, %arg8: memref<2x10000x128xf32, #tpu.memory_space<hbm>>, %arg9: memref<80x128xi32, #tpu.memory_space<vmem>>, %arg10: memref<80x128xi32, #tpu.memory_space<vmem>>, %arg11: memref<128x128xf32, #tpu.memory_space<vmem>>, %arg12: memref<128x128xf32, #tpu.memory_space<vmem>>, %arg13: memref<128x128xf32, #tpu.memory_space<vmem>>, %arg14: memref<3584x128xf32, #tpu.memory_space<vmem_shared>>, %arg15: memref<3584x128xf32, #tpu.memory_space<vmem_shared>>, %arg16: memref<!tpu.dma_semaphore, #tpu.memory_space<semaphore_mem>>, %arg17: memref<!tpu.dma_semaphore, #tpu.memory_space<semaphore_mem>>) attributes {dimension_semantics = [#tpu.dimension_semantics<core_parallel>, #tpu.dimension_semantics<subcore_parallel>], iteration_bounds = array<i64: 2, 16>, scalar_prefetch = 0 : i64, scratch_operands = 9 : i64, tpu.core_type = #tpu.core_type<sc_vector_subcore>, window_params = [{transform_indices = #map}, {transform_indices = #map1}, {transform_indices = #map1}, {transform_indices = #map}, {transform_indices = #map}, {transform_indices = #map2}, {transform_indices = #map2}]} {
    "tpu.region"() ({
      %run_scoped3A_114 = tpu.sem_alloc : memref<!tpu.dma_semaphore, #tpu.memory_space<semaphore_mem>>
      %dma_start3A_115 = arith.constant 0 : i32
      %dma_start3A_116 = arith.constant 0 : i32
      %dma_start3A_117 = tpu.memref_slice %arg3[%arg0, %arg1, %dma_start3A_115, %dma_start3A_116] : memref<2x16x80x128xi32, #tpu.memory_space<hbm>> -> memref<1x1x80x128xi32, #tpu.memory_space<hbm>>
      %dma_start3A_118 = tpu.memref_squeeze %dma_start3A_117 : memref<1x1x80x128xi32, #tpu.memory_space<hbm>> -> memref<80x128xi32, #tpu.memory_space<hbm>>
      %dma_start3A_119 = arith.constant 0 : i32
      %dma_start3A_120 = arith.constant 0 : i32
      %dma_start3A_121 = tpu.memref_slice %arg3[%arg0, %arg1, %dma_start3A_119, %dma_start3A_120] : memref<2x16x80x128xi32, #tpu.memory_space<hbm>> -> memref<1x1x80x128xi32, #tpu.memory_space<hbm>>
      %dma_start3A_122 = tpu.memref_squeeze %dma_start3A_121 : memref<1x1x80x128xi32, #tpu.memory_space<hbm>> -> memref<80x128xi32, #tpu.memory_space<hbm>>
      tpu.enqueue_dma source(%dma_start3A_122 : memref<80x128xi32, #tpu.memory_space<hbm>>) target(%arg9 : memref<80x128xi32, #tpu.memory_space<vmem>>) target_semaphore(%run_scoped3A_114 : memref<!tpu.dma_semaphore, #tpu.memory_space<semaphore_mem>>)
      %dma_wait3A = arith.constant 0 : i32
      %dma_wait3A_123 = arith.constant 0 : i32
      %dma_wait3A_124 = tpu.memref_slice %arg3[%arg0, %arg1, %dma_wait3A, %dma_wait3A_123] : memref<2x16x80x128xi32, #tpu.memory_space<hbm>> -> memref<1x1x80x128xi32, #tpu.memory_space<hbm>>
      %dma_wait3A_125 = tpu.memref_squeeze %dma_wait3A_124 : memref<1x1x80x128xi32, #tpu.memory_space<hbm>> -> memref<80x128xi32, #tpu.memory_space<hbm>>
      %dma_wait3A_126 = arith.constant 0 : i32
      %dma_wait3A_127 = arith.constant 0 : i32
      %dma_wait3A_128 = tpu.memref_slice %arg3[%arg0, %arg1, %dma_wait3A_126, %dma_wait3A_127] : memref<2x16x80x128xi32, #tpu.memory_space<hbm>> -> memref<1x1x80x128xi32, #tpu.memory_space<hbm>>
      %dma_wait3A_129 = tpu.memref_squeeze %dma_wait3A_128 : memref<1x1x80x128xi32, #tpu.memory_space<hbm>> -> memref<80x128xi32, #tpu.memory_space<hbm>>
      tpu.wait_dma2 semaphore(%run_scoped3A_114 : memref<!tpu.dma_semaphore, #tpu.memory_space<semaphore_mem>>) src(%dma_wait3A_129 : memref<80x128xi32, #tpu.memory_space<hbm>>) dst(%arg9 : memref<80x128xi32, #tpu.memory_space<vmem>>)
      tpu.yield
    }) : () -> ()
    "tpu.region"() ({
      %run_scoped3A_114 = tpu.sem_alloc : memref<!tpu.dma_semaphore, #tpu.memory_space<semaphore_mem>>
      tpu.enqueue_dma source(%arg6 : memref<128x128xf32, #tpu.memory_space<hbm>>) target(%arg13 : memref<128x128xf32, #tpu.memory_space<vmem>>) target_semaphore(%run_scoped3A_114 : memref<!tpu.dma_semaphore, #tpu.memory_space<semaphore_mem>>)
      tpu.wait_dma2 semaphore(%run_scoped3A_114 : memref<!tpu.dma_semaphore, #tpu.memory_space<semaphore_mem>>) src(%arg6 : memref<128x128xf32, #tpu.memory_space<hbm>>) dst(%arg13 : memref<128x128xf32, #tpu.memory_space<vmem>>)
      tpu.yield
    }) : () -> ()
    %run_scoped3A = arith.constant 0 : i32
    "tpu.region"() ({
      %run_scoped3A_114 = tpu.sem_alloc : memref<!tpu.dma_semaphore, #tpu.memory_space<semaphore_mem>>
      %dma_start3A_115 = arith.constant 0 : i32
      %dma_start3A_116 = arith.constant 0 : i32
      %dma_start3A_117 = tpu.memref_slice %arg4[%run_scoped3A, %arg1, %dma_start3A_115, %dma_start3A_116] : memref<3x16x80x128xi32, #tpu.memory_space<hbm>> -> memref<1x1x80x128xi32, #tpu.memory_space<hbm>>
      %dma_start3A_118 = tpu.memref_squeeze %dma_start3A_117 : memref<1x1x80x128xi32, #tpu.memory_space<hbm>> -> memref<80x128xi32, #tpu.memory_space<hbm>>
      %dma_start3A_119 = arith.constant 0 : i32
      %dma_start3A_120 = arith.constant 0 : i32
      %dma_start3A_121 = tpu.memref_slice %arg4[%run_scoped3A, %arg1, %dma_start3A_119, %dma_start3A_120] : memref<3x16x80x128xi32, #tpu.memory_space<hbm>> -> memref<1x1x80x128xi32, #tpu.memory_space<hbm>>
      %dma_start3A_122 = tpu.memref_squeeze %dma_start3A_121 : memref<1x1x80x128xi32, #tpu.memory_space<hbm>> -> memref<80x128xi32, #tpu.memory_space<hbm>>
      tpu.enqueue_dma source(%dma_start3A_122 : memref<80x128xi32, #tpu.memory_space<hbm>>) target(%arg10 : memref<80x128xi32, #tpu.memory_space<vmem>>) target_semaphore(%run_scoped3A_114 : memref<!tpu.dma_semaphore, #tpu.memory_space<semaphore_mem>>)
      %dma_wait3A = arith.constant 0 : i32
      %dma_wait3A_123 = arith.constant 0 : i32
      %dma_wait3A_124 = tpu.memref_slice %arg4[%run_scoped3A, %arg1, %dma_wait3A, %dma_wait3A_123] : memref<3x16x80x128xi32, #tpu.memory_space<hbm>> -> memref<1x1x80x128xi32, #tpu.memory_space<hbm>>
      %dma_wait3A_125 = tpu.memref_squeeze %dma_wait3A_124 : memref<1x1x80x128xi32, #tpu.memory_space<hbm>> -> memref<80x128xi32, #tpu.memory_space<hbm>>
      %dma_wait3A_126 = arith.constant 0 : i32
      %dma_wait3A_127 = arith.constant 0 : i32
      %dma_wait3A_128 = tpu.memref_slice %arg4[%run_scoped3A, %arg1, %dma_wait3A_126, %dma_wait3A_127] : memref<3x16x80x128xi32, #tpu.memory_space<hbm>> -> memref<1x1x80x128xi32, #tpu.memory_space<hbm>>
      %dma_wait3A_129 = tpu.memref_squeeze %dma_wait3A_128 : memref<1x1x80x128xi32, #tpu.memory_space<hbm>> -> memref<80x128xi32, #tpu.memory_space<hbm>>
      tpu.wait_dma2 semaphore(%run_scoped3A_114 : memref<!tpu.dma_semaphore, #tpu.memory_space<semaphore_mem>>) src(%dma_wait3A_129 : memref<80x128xi32, #tpu.memory_space<hbm>>) dst(%arg10 : memref<80x128xi32, #tpu.memory_space<vmem>>)
      tpu.yield
    }) : () -> ()
    %mul3A = arith.constant 224 : i32
    %mul3A_0 = arith.muli %arg1, %mul3A : i32
    "tpu.region"() ({
      %run_scoped3A_114 = tpu.sem_alloc : memref<!tpu.dma_semaphore, #tpu.memory_space<semaphore_mem>>
      %dma_start3A_115 = arith.constant 0 : i32
      %dma_start3A_116 = tpu.memref_slice %arg14[%mul3A_0, %dma_start3A_115] : memref<3584x128xf32, #tpu.memory_space<vmem_shared>> -> memref<224x128xf32, #tpu.memory_space<vmem_shared>>
      tpu.enqueue_dma source(%arg5 : memref<224x128xf32, #tpu.memory_space<hbm>>) target(%dma_start3A_116 : memref<224x128xf32, #tpu.memory_space<vmem_shared>>) target_semaphore(%run_scoped3A_114 : memref<!tpu.dma_semaphore, #tpu.memory_space<semaphore_mem>>)
      %dma_wait3A = arith.constant 0 : i32
      %dma_wait3A_117 = tpu.memref_slice %arg14[%mul3A_0, %dma_wait3A] : memref<3584x128xf32, #tpu.memory_space<vmem_shared>> -> memref<224x128xf32, #tpu.memory_space<vmem_shared>>
      tpu.wait_dma2 semaphore(%run_scoped3A_114 : memref<!tpu.dma_semaphore, #tpu.memory_space<semaphore_mem>>) src(%arg5 : memref<224x128xf32, #tpu.memory_space<hbm>>) dst(%dma_wait3A_117 : memref<224x128xf32, #tpu.memory_space<vmem_shared>>)
      tpu.yield
    }) : () -> ()
    %mul3A_1 = arith.constant 224 : i32
    %mul3A_2 = arith.muli %arg1, %mul3A_1 : i32
    "tpu.region"() ({
      %run_scoped3A_114 = tpu.sem_alloc : memref<!tpu.dma_semaphore, #tpu.memory_space<semaphore_mem>>
      %dma_start3A_115 = arith.constant 0 : i32
      %dma_start3A_116 = tpu.memref_slice %arg15[%mul3A_2, %dma_start3A_115] : memref<3584x128xf32, #tpu.memory_space<vmem_shared>> -> memref<224x128xf32, #tpu.memory_space<vmem_shared>>
      tpu.enqueue_dma source(%arg5 : memref<224x128xf32, #tpu.memory_space<hbm>>) target(%dma_start3A_116 : memref<224x128xf32, #tpu.memory_space<vmem_shared>>) target_semaphore(%run_scoped3A_114 : memref<!tpu.dma_semaphore, #tpu.memory_space<semaphore_mem>>)
      %dma_wait3A = arith.constant 0 : i32
      %dma_wait3A_117 = tpu.memref_slice %arg15[%mul3A_2, %dma_wait3A] : memref<3584x128xf32, #tpu.memory_space<vmem_shared>> -> memref<224x128xf32, #tpu.memory_space<vmem_shared>>
      tpu.wait_dma2 semaphore(%run_scoped3A_114 : memref<!tpu.dma_semaphore, #tpu.memory_space<semaphore_mem>>) src(%arg5 : memref<224x128xf32, #tpu.memory_space<hbm>>) dst(%dma_wait3A_117 : memref<224x128xf32, #tpu.memory_space<vmem_shared>>)
      tpu.yield
    }) : () -> ()
    %barrier3A = arith.constant 0 : index
    tpu.barrier barrier_id(%barrier3A)
    %dma_start3A = arith.constant 0 : i32
    %dma_start3A_3 = arith.constant 0 : i32
    %dma_start3A_4 = tpu.memref_slice %arg9[%dma_start3A, %dma_start3A_3] : memref<80x128xi32, #tpu.memory_space<vmem>> -> memref<1x128xi32, #tpu.memory_space<vmem>>
    %dma_start3A_5 = tpu.memref_squeeze %dma_start3A_4 : memref<1x128xi32, #tpu.memory_space<vmem>> -> memref<128xi32, #tpu.memory_space<vmem>>
    %dma_start3A_6 = arith.constant 0 : i32
    %dma_start3A_7 = arith.constant 0 : i32
    %dma_start3A_8 = tpu.memref_slice %arg2[%dma_start3A_6, %dma_start3A_7] : memref<20000x128xf32, #tpu.memory_space<hbm>> -> memref<20000x128xf32, #tpu.memory_space<hbm>>
    tpu.enqueue_indirect_dma source(%dma_start3A_8 : memref<20000x128xf32, #tpu.memory_space<hbm>>) target(%arg11 : memref<128x128xf32, #tpu.memory_space<vmem>>) offsets(%dma_start3A_5 : memref<128xi32, #tpu.memory_space<vmem>>) semaphore(%arg16 : memref<!tpu.dma_semaphore, #tpu.memory_space<semaphore_mem>>)
    %scan3A = arith.constant 0 : i32
    %scan3A_9 = arith.constant 0 : i32
    %scan3A_10 = arith.constant 40 : i32
    %scan3A_11 = arith.addi %scan3A_9, %scan3A_10 : i32
    %scan3A_12 = arith.constant 1 : i32
    scf.for %scan3A_114 = %scan3A_9 to %scan3A_11 step %scan3A_12  : i32 {
      %mul3A_115 = arith.constant 2 : i32
      %mul3A_116 = arith.muli %mul3A_115, %scan3A_114 : i32
      %add3A = arith.constant 1 : i32
      %add3A_117 = arith.addi %mul3A_116, %add3A : i32
      %dma_start3A_118 = arith.constant 0 : i32
      %dma_start3A_119 = tpu.memref_slice %arg9[%add3A_117, %dma_start3A_118] : memref<80x128xi32, #tpu.memory_space<vmem>> -> memref<1x128xi32, #tpu.memory_space<vmem>>
      %dma_start3A_120 = tpu.memref_squeeze %dma_start3A_119 : memref<1x128xi32, #tpu.memory_space<vmem>> -> memref<128xi32, #tpu.memory_space<vmem>>
      %dma_start3A_121 = arith.constant 0 : i32
      %dma_start3A_122 = arith.constant 0 : i32
      %dma_start3A_123 = tpu.memref_slice %arg2[%dma_start3A_121, %dma_start3A_122] : memref<20000x128xf32, #tpu.memory_space<hbm>> -> memref<20000x128xf32, #tpu.memory_space<hbm>>
      tpu.enqueue_indirect_dma source(%dma_start3A_123 : memref<20000x128xf32, #tpu.memory_space<hbm>>) target(%arg12 : memref<128x128xf32, #tpu.memory_space<vmem>>) offsets(%dma_start3A_120 : memref<128xi32, #tpu.memory_space<vmem>>) semaphore(%arg17 : memref<!tpu.dma_semaphore, #tpu.memory_space<semaphore_mem>>)
      %dma_wait3A = arith.constant 0 : i32
      %dma_wait3A_124 = tpu.memref_slice %arg9[%mul3A_116, %dma_wait3A] : memref<80x128xi32, #tpu.memory_space<vmem>> -> memref<1x128xi32, #tpu.memory_space<vmem>>
      %dma_wait3A_125 = tpu.memref_squeeze %dma_wait3A_124 : memref<1x128xi32, #tpu.memory_space<vmem>> -> memref<128xi32, #tpu.memory_space<vmem>>
      %dma_wait3A_126 = arith.constant 0 : i32
      %dma_wait3A_127 = arith.constant 0 : i32
      %dma_wait3A_128 = tpu.memref_slice %arg2[%dma_wait3A_126, %dma_wait3A_127] : memref<20000x128xf32, #tpu.memory_space<hbm>> -> memref<20000x128xf32, #tpu.memory_space<hbm>>
      tpu.wait_indirect_dma semaphore(%arg16 : memref<!tpu.dma_semaphore, #tpu.memory_space<semaphore_mem>>) src(%dma_wait3A_128 : memref<20000x128xf32, #tpu.memory_space<hbm>>) dst(%arg11 : memref<128x128xf32, #tpu.memory_space<vmem>>)
      "tpu.region"() ({
        %run_scoped3A_155 = tpu.sem_alloc : memref<!tpu.dma_semaphore, #tpu.memory_space<semaphore_mem>>
        %dma_start3A_156 = arith.constant 0 : i32
        %dma_start3A_157 = tpu.memref_slice %arg10[%mul3A_116, %dma_start3A_156] : memref<80x128xi32, #tpu.memory_space<vmem>> -> memref<1x128xi32, #tpu.memory_space<vmem>>
        %dma_start3A_158 = tpu.memref_squeeze %dma_start3A_157 : memref<1x128xi32, #tpu.memory_space<vmem>> -> memref<128xi32, #tpu.memory_space<vmem>>
        %dma_start3A_159 = arith.constant 0 : i32
        %dma_start3A_160 = arith.constant 0 : i32
        %dma_start3A_161 = tpu.memref_slice %arg14[%dma_start3A_159, %dma_start3A_160] : memref<3584x128xf32, #tpu.memory_space<vmem_shared>> -> memref<3584x128xf32, #tpu.memory_space<vmem_shared>>
        tpu.enqueue_indirect_dma source(%arg11 : memref<128x128xf32, #tpu.memory_space<vmem>>) target(%dma_start3A_161 : memref<3584x128xf32, #tpu.memory_space<vmem_shared>>) offsets(%dma_start3A_158 : memref<128xi32, #tpu.memory_space<vmem>>) semaphore(%run_scoped3A_155 : memref<!tpu.dma_semaphore, #tpu.memory_space<semaphore_mem>>) {add = true}
        %dma_wait3A_162 = arith.constant 0 : i32
        %dma_wait3A_163 = tpu.memref_slice %arg10[%mul3A_116, %dma_wait3A_162] : memref<80x128xi32, #tpu.memory_space<vmem>> -> memref<1x128xi32, #tpu.memory_space<vmem>>
        %dma_wait3A_164 = tpu.memref_squeeze %dma_wait3A_163 : memref<1x128xi32, #tpu.memory_space<vmem>> -> memref<128xi32, #tpu.memory_space<vmem>>
        %dma_wait3A_165 = arith.constant 0 : i32
        %dma_wait3A_166 = arith.constant 0 : i32
        %dma_wait3A_167 = tpu.memref_slice %arg14[%dma_wait3A_165, %dma_wait3A_166] : memref<3584x128xf32, #tpu.memory_space<vmem_shared>> -> memref<3584x128xf32, #tpu.memory_space<vmem_shared>>
        tpu.wait_indirect_dma semaphore(%run_scoped3A_155 : memref<!tpu.dma_semaphore, #tpu.memory_space<semaphore_mem>>) src(%arg11 : memref<128x128xf32, #tpu.memory_space<vmem>>) dst(%dma_wait3A_167 : memref<3584x128xf32, #tpu.memory_space<vmem_shared>>)
        tpu.yield
      }) : () -> ()
      %rem3A = arith.constant 2 : i32
      %rem3A_129 = arith.remsi %mul3A_116, %rem3A : i32
      %eq3A_130 = arith.cmpi eq, %arg0, %rem3A_129 : i32
      %convert_element_type3A_131 = arith.extui %eq3A_130 : i1 to i32
      %cond3A_132 = arith.constant 0 : i32
      %cond3A_133 = arith.cmpi ne, %convert_element_type3A_131, %cond3A_132 : i32
      scf.if %cond3A_133 {
        "tpu.region"() ({
          %run_scoped3A_155 = tpu.sem_alloc : memref<!tpu.dma_semaphore, #tpu.memory_space<semaphore_mem>>
          %dma_start3A_156 = arith.constant 0 : i32
          %dma_start3A_157 = tpu.memref_slice %arg10[%mul3A_116, %dma_start3A_156] : memref<80x128xi32, #tpu.memory_space<vmem>> -> memref<1x128xi32, #tpu.memory_space<vmem>>
          %dma_start3A_158 = tpu.memref_squeeze %dma_start3A_157 : memref<1x128xi32, #tpu.memory_space<vmem>> -> memref<128xi32, #tpu.memory_space<vmem>>
          %dma_start3A_159 = arith.constant 0 : i32
          %dma_start3A_160 = arith.constant 0 : i32
          %dma_start3A_161 = tpu.memref_slice %arg15[%dma_start3A_159, %dma_start3A_160] : memref<3584x128xf32, #tpu.memory_space<vmem_shared>> -> memref<3584x128xf32, #tpu.memory_space<vmem_shared>>
          tpu.enqueue_indirect_dma source(%arg13 : memref<128x128xf32, #tpu.memory_space<vmem>>) target(%dma_start3A_161 : memref<3584x128xf32, #tpu.memory_space<vmem_shared>>) offsets(%dma_start3A_158 : memref<128xi32, #tpu.memory_space<vmem>>) semaphore(%run_scoped3A_155 : memref<!tpu.dma_semaphore, #tpu.memory_space<semaphore_mem>>) {add = true}
          %dma_wait3A_162 = arith.constant 0 : i32
          %dma_wait3A_163 = tpu.memref_slice %arg10[%mul3A_116, %dma_wait3A_162] : memref<80x128xi32, #tpu.memory_space<vmem>> -> memref<1x128xi32, #tpu.memory_space<vmem>>
          %dma_wait3A_164 = tpu.memref_squeeze %dma_wait3A_163 : memref<1x128xi32, #tpu.memory_space<vmem>> -> memref<128xi32, #tpu.memory_space<vmem>>
          %dma_wait3A_165 = arith.constant 0 : i32
          %dma_wait3A_166 = arith.constant 0 : i32
          %dma_wait3A_167 = tpu.memref_slice %arg15[%dma_wait3A_165, %dma_wait3A_166] : memref<3584x128xf32, #tpu.memory_space<vmem_shared>> -> memref<3584x128xf32, #tpu.memory_space<vmem_shared>>
          tpu.wait_indirect_dma semaphore(%run_scoped3A_155 : memref<!tpu.dma_semaphore, #tpu.memory_space<semaphore_mem>>) src(%arg13 : memref<128x128xf32, #tpu.memory_space<vmem>>) dst(%dma_wait3A_167 : memref<3584x128xf32, #tpu.memory_space<vmem_shared>>)
          tpu.yield
        }) : () -> ()
      } else {
      }
      %lt3A_134 = arith.constant 39 : i32
      %lt3A_135 = arith.cmpi slt, %scan3A_114, %lt3A_134 : i32
      %convert_element_type3A_136 = arith.extui %lt3A_135 : i1 to i32
      %cond3A_137 = arith.constant 0 : i32
      %cond3A_138 = arith.cmpi ne, %convert_element_type3A_136, %cond3A_137 : i32
      scf.if %cond3A_138 {
        %add3A_155 = arith.constant 2 : i32
        %add3A_156 = arith.addi %mul3A_116, %add3A_155 : i32
        %dma_start3A_157 = arith.constant 0 : i32
        %dma_start3A_158 = tpu.memref_slice %arg9[%add3A_156, %dma_start3A_157] : memref<80x128xi32, #tpu.memory_space<vmem>> -> memref<1x128xi32, #tpu.memory_space<vmem>>
        %dma_start3A_159 = tpu.memref_squeeze %dma_start3A_158 : memref<1x128xi32, #tpu.memory_space<vmem>> -> memref<128xi32, #tpu.memory_space<vmem>>
        %dma_start3A_160 = arith.constant 0 : i32
        %dma_start3A_161 = arith.constant 0 : i32
        %dma_start3A_162 = tpu.memref_slice %arg2[%dma_start3A_160, %dma_start3A_161] : memref<20000x128xf32, #tpu.memory_space<hbm>> -> memref<20000x128xf32, #tpu.memory_space<hbm>>
        tpu.enqueue_indirect_dma source(%dma_start3A_162 : memref<20000x128xf32, #tpu.memory_space<hbm>>) target(%arg11 : memref<128x128xf32, #tpu.memory_space<vmem>>) offsets(%dma_start3A_159 : memref<128xi32, #tpu.memory_space<vmem>>) semaphore(%arg16 : memref<!tpu.dma_semaphore, #tpu.memory_space<semaphore_mem>>)
      } else {
      }
      %add3A_139 = arith.constant 1 : i32
      %add3A_140 = arith.addi %mul3A_116, %add3A_139 : i32
      %dma_wait3A_141 = arith.constant 0 : i32
      %dma_wait3A_142 = tpu.memref_slice %arg9[%add3A_140, %dma_wait3A_141] : memref<80x128xi32, #tpu.memory_space<vmem>> -> memref<1x128xi32, #tpu.memory_space<vmem>>
      %dma_wait3A_143 = tpu.memref_squeeze %dma_wait3A_142 : memref<1x128xi32, #tpu.memory_space<vmem>> -> memref<128xi32, #tpu.memory_space<vmem>>
      %dma_wait3A_144 = arith.constant 0 : i32
      %dma_wait3A_145 = arith.constant 0 : i32
      %dma_wait3A_146 = tpu.memref_slice %arg2[%dma_wait3A_144, %dma_wait3A_145] : memref<20000x128xf32, #tpu.memory_space<hbm>> -> memref<20000x128xf32, #tpu.memory_space<hbm>>
      tpu.wait_indirect_dma semaphore(%arg17 : memref<!tpu.dma_semaphore, #tpu.memory_space<semaphore_mem>>) src(%dma_wait3A_146 : memref<20000x128xf32, #tpu.memory_space<hbm>>) dst(%arg12 : memref<128x128xf32, #tpu.memory_space<vmem>>)
      %add3A_147 = arith.constant 1 : i32
      %add3A_148 = arith.addi %mul3A_116, %add3A_147 : i32
      "tpu.region"() ({
        %run_scoped3A_155 = tpu.sem_alloc : memref<!tpu.dma_semaphore, #tpu.memory_space<semaphore_mem>>
        %dma_start3A_156 = arith.constant 0 : i32
        %dma_start3A_157 = tpu.memref_slice %arg10[%add3A_148, %dma_start3A_156] : memref<80x128xi32, #tpu.memory_space<vmem>> -> memref<1x128xi32, #tpu.memory_space<vmem>>
        %dma_start3A_158 = tpu.memref_squeeze %dma_start3A_157 : memref<1x128xi32, #tpu.memory_space<vmem>> -> memref<128xi32, #tpu.memory_space<vmem>>
        %dma_start3A_159 = arith.constant 0 : i32
        %dma_start3A_160 = arith.constant 0 : i32
        %dma_start3A_161 = tpu.memref_slice %arg14[%dma_start3A_159, %dma_start3A_160] : memref<3584x128xf32, #tpu.memory_space<vmem_shared>> -> memref<3584x128xf32, #tpu.memory_space<vmem_shared>>
        tpu.enqueue_indirect_dma source(%arg12 : memref<128x128xf32, #tpu.memory_space<vmem>>) target(%dma_start3A_161 : memref<3584x128xf32, #tpu.memory_space<vmem_shared>>) offsets(%dma_start3A_158 : memref<128xi32, #tpu.memory_space<vmem>>) semaphore(%run_scoped3A_155 : memref<!tpu.dma_semaphore, #tpu.memory_space<semaphore_mem>>) {add = true}
        %dma_wait3A_162 = arith.constant 0 : i32
        %dma_wait3A_163 = tpu.memref_slice %arg10[%add3A_148, %dma_wait3A_162] : memref<80x128xi32, #tpu.memory_space<vmem>> -> memref<1x128xi32, #tpu.memory_space<vmem>>
        %dma_wait3A_164 = tpu.memref_squeeze %dma_wait3A_163 : memref<1x128xi32, #tpu.memory_space<vmem>> -> memref<128xi32, #tpu.memory_space<vmem>>
        %dma_wait3A_165 = arith.constant 0 : i32
        %dma_wait3A_166 = arith.constant 0 : i32
        %dma_wait3A_167 = tpu.memref_slice %arg14[%dma_wait3A_165, %dma_wait3A_166] : memref<3584x128xf32, #tpu.memory_space<vmem_shared>> -> memref<3584x128xf32, #tpu.memory_space<vmem_shared>>
        tpu.wait_indirect_dma semaphore(%run_scoped3A_155 : memref<!tpu.dma_semaphore, #tpu.memory_space<semaphore_mem>>) src(%arg12 : memref<128x128xf32, #tpu.memory_space<vmem>>) dst(%dma_wait3A_167 : memref<3584x128xf32, #tpu.memory_space<vmem_shared>>)
        tpu.yield
      }) : () -> ()
      %rem3A_149 = arith.constant 2 : i32
      %rem3A_150 = arith.remsi %add3A_148, %rem3A_149 : i32
      %eq3A_151 = arith.cmpi eq, %arg0, %rem3A_150 : i32
      %convert_element_type3A_152 = arith.extui %eq3A_151 : i1 to i32
      %cond3A_153 = arith.constant 0 : i32
      %cond3A_154 = arith.cmpi ne, %convert_element_type3A_152, %cond3A_153 : i32
      scf.if %cond3A_154 {
        "tpu.region"() ({
          %run_scoped3A_155 = tpu.sem_alloc : memref<!tpu.dma_semaphore, #tpu.memory_space<semaphore_mem>>
          %dma_start3A_156 = arith.constant 0 : i32
          %dma_start3A_157 = tpu.memref_slice %arg10[%add3A_148, %dma_start3A_156] : memref<80x128xi32, #tpu.memory_space<vmem>> -> memref<1x128xi32, #tpu.memory_space<vmem>>
          %dma_start3A_158 = tpu.memref_squeeze %dma_start3A_157 : memref<1x128xi32, #tpu.memory_space<vmem>> -> memref<128xi32, #tpu.memory_space<vmem>>
          %dma_start3A_159 = arith.constant 0 : i32
          %dma_start3A_160 = arith.constant 0 : i32
          %dma_start3A_161 = tpu.memref_slice %arg15[%dma_start3A_159, %dma_start3A_160] : memref<3584x128xf32, #tpu.memory_space<vmem_shared>> -> memref<3584x128xf32, #tpu.memory_space<vmem_shared>>
          tpu.enqueue_indirect_dma source(%arg13 : memref<128x128xf32, #tpu.memory_space<vmem>>) target(%dma_start3A_161 : memref<3584x128xf32, #tpu.memory_space<vmem_shared>>) offsets(%dma_start3A_158 : memref<128xi32, #tpu.memory_space<vmem>>) semaphore(%run_scoped3A_155 : memref<!tpu.dma_semaphore, #tpu.memory_space<semaphore_mem>>) {add = true}
          %dma_wait3A_162 = arith.constant 0 : i32
          %dma_wait3A_163 = tpu.memref_slice %arg10[%add3A_148, %dma_wait3A_162] : memref<80x128xi32, #tpu.memory_space<vmem>> -> memref<1x128xi32, #tpu.memory_space<vmem>>
          %dma_wait3A_164 = tpu.memref_squeeze %dma_wait3A_163 : memref<1x128xi32, #tpu.memory_space<vmem>> -> memref<128xi32, #tpu.memory_space<vmem>>
          %dma_wait3A_165 = arith.constant 0 : i32
          %dma_wait3A_166 = arith.constant 0 : i32
          %dma_wait3A_167 = tpu.memref_slice %arg15[%dma_wait3A_165, %dma_wait3A_166] : memref<3584x128xf32, #tpu.memory_space<vmem_shared>> -> memref<3584x128xf32, #tpu.memory_space<vmem_shared>>
          tpu.wait_indirect_dma semaphore(%run_scoped3A_155 : memref<!tpu.dma_semaphore, #tpu.memory_space<semaphore_mem>>) src(%arg13 : memref<128x128xf32, #tpu.memory_space<vmem>>) dst(%dma_wait3A_167 : memref<3584x128xf32, #tpu.memory_space<vmem_shared>>)
          tpu.yield
        }) : () -> ()
      } else {
      }
    }
    %scan3A_13 = arith.constant 40 : i32
    %barrier3A_14 = arith.constant 0 : index
    tpu.barrier barrier_id(%barrier3A_14)
    %lt3A = arith.constant 15 : i32
    %lt3A_15 = arith.cmpi slt, %arg1, %lt3A : i32
    %convert_element_type3A = arith.extui %lt3A_15 : i1 to i32
    %cond3A = arith.constant 0 : i32
    %cond3A_16 = arith.cmpi ne, %convert_element_type3A, %cond3A : i32
    scf.if %cond3A_16 {
      %mul3A_114 = arith.constant 224 : i32
      %mul3A_115 = arith.muli %arg1, %mul3A_114 : i32
      %mul3A_116 = arith.constant 224 : i32
      %mul3A_117 = arith.muli %arg1, %mul3A_116 : i32
      %add3A = arith.constant 0 : i32
      %add3A_118 = arith.addi %add3A, %mul3A_117 : i32
      "tpu.region"() ({
        %run_scoped3A_119 = tpu.sem_alloc : memref<!tpu.dma_semaphore, #tpu.memory_space<semaphore_mem>>
        %dma_start3A_120 = arith.constant 0 : i32
        %dma_start3A_121 = arith.constant 0 : i32
        %dma_start3A_122 = tpu.memref_slice %arg7[%arg0, %dma_start3A_120, %dma_start3A_121] : memref<2x10000x128xf32, #tpu.memory_space<hbm>> -> memref<1x10000x128xf32, #tpu.memory_space<hbm>>
        %dma_start3A_123 = tpu.memref_squeeze %dma_start3A_122 : memref<1x10000x128xf32, #tpu.memory_space<hbm>> -> memref<10000x128xf32, #tpu.memory_space<hbm>>
        %dma_start3A_124 = arith.constant 0 : i32
        %dma_start3A_125 = tpu.memref_slice %dma_start3A_123[%add3A_118, %dma_start3A_124] : memref<10000x128xf32, #tpu.memory_space<hbm>> -> memref<224x128xf32, #tpu.memory_space<hbm>>
        %dma_start3A_126 = arith.constant 0 : i32
        %dma_start3A_127 = tpu.memref_slice %arg14[%mul3A_115, %dma_start3A_126] : memref<3584x128xf32, #tpu.memory_space<vmem_shared>> -> memref<224x128xf32, #tpu.memory_space<vmem_shared>>
        tpu.enqueue_dma source(%dma_start3A_127 : memref<224x128xf32, #tpu.memory_space<vmem_shared>>) target(%dma_start3A_125 : memref<224x128xf32, #tpu.memory_space<hbm>>) target_semaphore(%run_scoped3A_119 : memref<!tpu.dma_semaphore, #tpu.memory_space<semaphore_mem>>)
        %dma_wait3A = arith.constant 0 : i32
        %dma_wait3A_128 = arith.constant 0 : i32
        %dma_wait3A_129 = tpu.memref_slice %arg7[%arg0, %dma_wait3A, %dma_wait3A_128] : memref<2x10000x128xf32, #tpu.memory_space<hbm>> -> memref<1x10000x128xf32, #tpu.memory_space<hbm>>
        %dma_wait3A_130 = tpu.memref_squeeze %dma_wait3A_129 : memref<1x10000x128xf32, #tpu.memory_space<hbm>> -> memref<10000x128xf32, #tpu.memory_space<hbm>>
        %dma_wait3A_131 = arith.constant 0 : i32
        %dma_wait3A_132 = tpu.memref_slice %dma_wait3A_130[%add3A_118, %dma_wait3A_131] : memref<10000x128xf32, #tpu.memory_space<hbm>> -> memref<224x128xf32, #tpu.memory_space<hbm>>
        %dma_wait3A_133 = arith.constant 0 : i32
        %dma_wait3A_134 = tpu.memref_slice %arg14[%mul3A_115, %dma_wait3A_133] : memref<3584x128xf32, #tpu.memory_space<vmem_shared>> -> memref<224x128xf32, #tpu.memory_space<vmem_shared>>
        tpu.wait_dma2 semaphore(%run_scoped3A_119 : memref<!tpu.dma_semaphore, #tpu.memory_space<semaphore_mem>>) src(%dma_wait3A_134 : memref<224x128xf32, #tpu.memory_space<vmem_shared>>) dst(%dma_wait3A_132 : memref<224x128xf32, #tpu.memory_space<hbm>>)
        tpu.yield
      }) : () -> ()
    } else {
    }
    %eq3A = arith.constant 15 : i32
    %eq3A_17 = arith.cmpi eq, %arg1, %eq3A : i32
    %convert_element_type3A_18 = arith.extui %eq3A_17 : i1 to i32
    %cond3A_19 = arith.constant 0 : i32
    %cond3A_20 = arith.cmpi ne, %convert_element_type3A_18, %cond3A_19 : i32
    scf.if %cond3A_20 {
      "tpu.region"() ({
        %run_scoped3A_114 = tpu.sem_alloc : memref<!tpu.dma_semaphore, #tpu.memory_space<semaphore_mem>>
        %dma_start3A_115 = arith.constant 0 : i32
        %dma_start3A_116 = arith.constant 0 : i32
        %dma_start3A_117 = tpu.memref_slice %arg7[%arg0, %dma_start3A_115, %dma_start3A_116] : memref<2x10000x128xf32, #tpu.memory_space<hbm>> -> memref<1x10000x128xf32, #tpu.memory_space<hbm>>
        %dma_start3A_118 = tpu.memref_squeeze %dma_start3A_117 : memref<1x10000x128xf32, #tpu.memory_space<hbm>> -> memref<10000x128xf32, #tpu.memory_space<hbm>>
        %dma_start3A_119 = arith.constant 3360 : i32
        %dma_start3A_120 = arith.constant 0 : i32
        %dma_start3A_121 = tpu.memref_slice %dma_start3A_118[%dma_start3A_119, %dma_start3A_120] : memref<10000x128xf32, #tpu.memory_space<hbm>> -> memref<96x128xf32, #tpu.memory_space<hbm>>
        %dma_start3A_122 = arith.constant 3360 : i32
        %dma_start3A_123 = arith.constant 0 : i32
        %dma_start3A_124 = tpu.memref_slice %arg14[%dma_start3A_122, %dma_start3A_123] : memref<3584x128xf32, #tpu.memory_space<vmem_shared>> -> memref<96x128xf32, #tpu.memory_space<vmem_shared>>
        tpu.enqueue_dma source(%dma_start3A_124 : memref<96x128xf32, #tpu.memory_space<vmem_shared>>) target(%dma_start3A_121 : memref<96x128xf32, #tpu.memory_space<hbm>>) target_semaphore(%run_scoped3A_114 : memref<!tpu.dma_semaphore, #tpu.memory_space<semaphore_mem>>)
        %dma_wait3A = arith.constant 0 : i32
        %dma_wait3A_125 = arith.constant 0 : i32
        %dma_wait3A_126 = tpu.memref_slice %arg7[%arg0, %dma_wait3A, %dma_wait3A_125] : memref<2x10000x128xf32, #tpu.memory_space<hbm>> -> memref<1x10000x128xf32, #tpu.memory_space<hbm>>
        %dma_wait3A_127 = tpu.memref_squeeze %dma_wait3A_126 : memref<1x10000x128xf32, #tpu.memory_space<hbm>> -> memref<10000x128xf32, #tpu.memory_space<hbm>>
        %dma_wait3A_128 = arith.constant 3360 : i32
        %dma_wait3A_129 = arith.constant 0 : i32
        %dma_wait3A_130 = tpu.memref_slice %dma_wait3A_127[%dma_wait3A_128, %dma_wait3A_129] : memref<10000x128xf32, #tpu.memory_space<hbm>> -> memref<96x128xf32, #tpu.memory_space<hbm>>
        %dma_wait3A_131 = arith.constant 3360 : i32
        %dma_wait3A_132 = arith.constant 0 : i32
        %dma_wait3A_133 = tpu.memref_slice %arg14[%dma_wait3A_131, %dma_wait3A_132] : memref<3584x128xf32, #tpu.memory_space<vmem_shared>> -> memref<96x128xf32, #tpu.memory_space<vmem_shared>>
        tpu.wait_dma2 semaphore(%run_scoped3A_114 : memref<!tpu.dma_semaphore, #tpu.memory_space<semaphore_mem>>) src(%dma_wait3A_133 : memref<96x128xf32, #tpu.memory_space<vmem_shared>>) dst(%dma_wait3A_130 : memref<96x128xf32, #tpu.memory_space<hbm>>)
        tpu.yield
      }) : () -> ()
    } else {
    }
    %lt3A_21 = arith.constant 15 : i32
    %lt3A_22 = arith.cmpi slt, %arg1, %lt3A_21 : i32
    %convert_element_type3A_23 = arith.extui %lt3A_22 : i1 to i32
    %cond3A_24 = arith.constant 0 : i32
    %cond3A_25 = arith.cmpi ne, %convert_element_type3A_23, %cond3A_24 : i32
    scf.if %cond3A_25 {
      %mul3A_114 = arith.constant 224 : i32
      %mul3A_115 = arith.muli %arg1, %mul3A_114 : i32
      %mul3A_116 = arith.constant 224 : i32
      %mul3A_117 = arith.muli %arg1, %mul3A_116 : i32
      %add3A = arith.constant 0 : i32
      %add3A_118 = arith.addi %add3A, %mul3A_117 : i32
      "tpu.region"() ({
        %run_scoped3A_119 = tpu.sem_alloc : memref<!tpu.dma_semaphore, #tpu.memory_space<semaphore_mem>>
        %dma_start3A_120 = arith.constant 0 : i32
        %dma_start3A_121 = arith.constant 0 : i32
        %dma_start3A_122 = tpu.memref_slice %arg8[%arg0, %dma_start3A_120, %dma_start3A_121] : memref<2x10000x128xf32, #tpu.memory_space<hbm>> -> memref<1x10000x128xf32, #tpu.memory_space<hbm>>
        %dma_start3A_123 = tpu.memref_squeeze %dma_start3A_122 : memref<1x10000x128xf32, #tpu.memory_space<hbm>> -> memref<10000x128xf32, #tpu.memory_space<hbm>>
        %dma_start3A_124 = arith.constant 0 : i32
        %dma_start3A_125 = tpu.memref_slice %dma_start3A_123[%add3A_118, %dma_start3A_124] : memref<10000x128xf32, #tpu.memory_space<hbm>> -> memref<224x128xf32, #tpu.memory_space<hbm>>
        %dma_start3A_126 = arith.constant 0 : i32
        %dma_start3A_127 = tpu.memref_slice %arg15[%mul3A_115, %dma_start3A_126] : memref<3584x128xf32, #tpu.memory_space<vmem_shared>> -> memref<224x128xf32, #tpu.memory_space<vmem_shared>>
        tpu.enqueue_dma source(%dma_start3A_127 : memref<224x128xf32, #tpu.memory_space<vmem_shared>>) target(%dma_start3A_125 : memref<224x128xf32, #tpu.memory_space<hbm>>) target_semaphore(%run_scoped3A_119 : memref<!tpu.dma_semaphore, #tpu.memory_space<semaphore_mem>>)
        %dma_wait3A = arith.constant 0 : i32
        %dma_wait3A_128 = arith.constant 0 : i32
        %dma_wait3A_129 = tpu.memref_slice %arg8[%arg0, %dma_wait3A, %dma_wait3A_128] : memref<2x10000x128xf32, #tpu.memory_space<hbm>> -> memref<1x10000x128xf32, #tpu.memory_space<hbm>>
        %dma_wait3A_130 = tpu.memref_squeeze %dma_wait3A_129 : memref<1x10000x128xf32, #tpu.memory_space<hbm>> -> memref<10000x128xf32, #tpu.memory_space<hbm>>
        %dma_wait3A_131 = arith.constant 0 : i32
        %dma_wait3A_132 = tpu.memref_slice %dma_wait3A_130[%add3A_118, %dma_wait3A_131] : memref<10000x128xf32, #tpu.memory_space<hbm>> -> memref<224x128xf32, #tpu.memory_space<hbm>>
        %dma_wait3A_133 = arith.constant 0 : i32
        %dma_wait3A_134 = tpu.memref_slice %arg15[%mul3A_115, %dma_wait3A_133] : memref<3584x128xf32, #tpu.memory_space<vmem_shared>> -> memref<224x128xf32, #tpu.memory_space<vmem_shared>>
        tpu.wait_dma2 semaphore(%run_scoped3A_119 : memref<!tpu.dma_semaphore, #tpu.memory_space<semaphore_mem>>) src(%dma_wait3A_134 : memref<224x128xf32, #tpu.memory_space<vmem_shared>>) dst(%dma_wait3A_132 : memref<224x128xf32, #tpu.memory_space<hbm>>)
        tpu.yield
      }) : () -> ()
    } else {
    }
    %eq3A_26 = arith.constant 15 : i32
    %eq3A_27 = arith.cmpi eq, %arg1, %eq3A_26 : i32
    %convert_element_type3A_28 = arith.extui %eq3A_27 : i1 to i32
    %cond3A_29 = arith.constant 0 : i32
    %cond3A_30 = arith.cmpi ne, %convert_element_type3A_28, %cond3A_29 : i32
    scf.if %cond3A_30 {
      "tpu.region"() ({
        %run_scoped3A_114 = tpu.sem_alloc : memref<!tpu.dma_semaphore, #tpu.memory_space<semaphore_mem>>
        %dma_start3A_115 = arith.constant 0 : i32
        %dma_start3A_116 = arith.constant 0 : i32
        %dma_start3A_117 = tpu.memref_slice %arg8[%arg0, %dma_start3A_115, %dma_start3A_116] : memref<2x10000x128xf32, #tpu.memory_space<hbm>> -> memref<1x10000x128xf32, #tpu.memory_space<hbm>>
        %dma_start3A_118 = tpu.memref_squeeze %dma_start3A_117 : memref<1x10000x128xf32, #tpu.memory_space<hbm>> -> memref<10000x128xf32, #tpu.memory_space<hbm>>
        %dma_start3A_119 = arith.constant 3360 : i32
        %dma_start3A_120 = arith.constant 0 : i32
        %dma_start3A_121 = tpu.memref_slice %dma_start3A_118[%dma_start3A_119, %dma_start3A_120] : memref<10000x128xf32, #tpu.memory_space<hbm>> -> memref<96x128xf32, #tpu.memory_space<hbm>>
        %dma_start3A_122 = arith.constant 3360 : i32
        %dma_start3A_123 = arith.constant 0 : i32
        %dma_start3A_124 = tpu.memref_slice %arg15[%dma_start3A_122, %dma_start3A_123] : memref<3584x128xf32, #tpu.memory_space<vmem_shared>> -> memref<96x128xf32, #tpu.memory_space<vmem_shared>>
        tpu.enqueue_dma source(%dma_start3A_124 : memref<96x128xf32, #tpu.memory_space<vmem_shared>>) target(%dma_start3A_121 : memref<96x128xf32, #tpu.memory_space<hbm>>) target_semaphore(%run_scoped3A_114 : memref<!tpu.dma_semaphore, #tpu.memory_space<semaphore_mem>>)
        %dma_wait3A = arith.constant 0 : i32
        %dma_wait3A_125 = arith.constant 0 : i32
        %dma_wait3A_126 = tpu.memref_slice %arg8[%arg0, %dma_wait3A, %dma_wait3A_125] : memref<2x10000x128xf32, #tpu.memory_space<hbm>> -> memref<1x10000x128xf32, #tpu.memory_space<hbm>>
        %dma_wait3A_127 = tpu.memref_squeeze %dma_wait3A_126 : memref<1x10000x128xf32, #tpu.memory_space<hbm>> -> memref<10000x128xf32, #tpu.memory_space<hbm>>
        %dma_wait3A_128 = arith.constant 3360 : i32
        %dma_wait3A_129 = arith.constant 0 : i32
        %dma_wait3A_130 = tpu.memref_slice %dma_wait3A_127[%dma_wait3A_128, %dma_wait3A_129] : memref<10000x128xf32, #tpu.memory_space<hbm>> -> memref<96x128xf32, #tpu.memory_space<hbm>>
        %dma_wait3A_131 = arith.constant 3360 : i32
        %dma_wait3A_132 = arith.constant 0 : i32
        %dma_wait3A_133 = tpu.memref_slice %arg15[%dma_wait3A_131, %dma_wait3A_132] : memref<3584x128xf32, #tpu.memory_space<vmem_shared>> -> memref<96x128xf32, #tpu.memory_space<vmem_shared>>
        tpu.wait_dma2 semaphore(%run_scoped3A_114 : memref<!tpu.dma_semaphore, #tpu.memory_space<semaphore_mem>>) src(%dma_wait3A_133 : memref<96x128xf32, #tpu.memory_space<vmem_shared>>) dst(%dma_wait3A_130 : memref<96x128xf32, #tpu.memory_space<hbm>>)
        tpu.yield
      }) : () -> ()
    } else {
    }
    %barrier3A_31 = arith.constant 0 : index
    tpu.barrier barrier_id(%barrier3A_31)
    %run_scoped3A_32 = arith.constant 1 : i32
    "tpu.region"() ({
      %run_scoped3A_114 = tpu.sem_alloc : memref<!tpu.dma_semaphore, #tpu.memory_space<semaphore_mem>>
      %dma_start3A_115 = arith.constant 0 : i32
      %dma_start3A_116 = arith.constant 0 : i32
      %dma_start3A_117 = tpu.memref_slice %arg4[%run_scoped3A_32, %arg1, %dma_start3A_115, %dma_start3A_116] : memref<3x16x80x128xi32, #tpu.memory_space<hbm>> -> memref<1x1x80x128xi32, #tpu.memory_space<hbm>>
      %dma_start3A_118 = tpu.memref_squeeze %dma_start3A_117 : memref<1x1x80x128xi32, #tpu.memory_space<hbm>> -> memref<80x128xi32, #tpu.memory_space<hbm>>
      %dma_start3A_119 = arith.constant 0 : i32
      %dma_start3A_120 = arith.constant 0 : i32
      %dma_start3A_121 = tpu.memref_slice %arg4[%run_scoped3A_32, %arg1, %dma_start3A_119, %dma_start3A_120] : memref<3x16x80x128xi32, #tpu.memory_space<hbm>> -> memref<1x1x80x128xi32, #tpu.memory_space<hbm>>
      %dma_start3A_122 = tpu.memref_squeeze %dma_start3A_121 : memref<1x1x80x128xi32, #tpu.memory_space<hbm>> -> memref<80x128xi32, #tpu.memory_space<hbm>>
      tpu.enqueue_dma source(%dma_start3A_122 : memref<80x128xi32, #tpu.memory_space<hbm>>) target(%arg10 : memref<80x128xi32, #tpu.memory_space<vmem>>) target_semaphore(%run_scoped3A_114 : memref<!tpu.dma_semaphore, #tpu.memory_space<semaphore_mem>>)
      %dma_wait3A = arith.constant 0 : i32
      %dma_wait3A_123 = arith.constant 0 : i32
      %dma_wait3A_124 = tpu.memref_slice %arg4[%run_scoped3A_32, %arg1, %dma_wait3A, %dma_wait3A_123] : memref<3x16x80x128xi32, #tpu.memory_space<hbm>> -> memref<1x1x80x128xi32, #tpu.memory_space<hbm>>
      %dma_wait3A_125 = tpu.memref_squeeze %dma_wait3A_124 : memref<1x1x80x128xi32, #tpu.memory_space<hbm>> -> memref<80x128xi32, #tpu.memory_space<hbm>>
      %dma_wait3A_126 = arith.constant 0 : i32
      %dma_wait3A_127 = arith.constant 0 : i32
      %dma_wait3A_128 = tpu.memref_slice %arg4[%run_scoped3A_32, %arg1, %dma_wait3A_126, %dma_wait3A_127] : memref<3x16x80x128xi32, #tpu.memory_space<hbm>> -> memref<1x1x80x128xi32, #tpu.memory_space<hbm>>
      %dma_wait3A_129 = tpu.memref_squeeze %dma_wait3A_128 : memref<1x1x80x128xi32, #tpu.memory_space<hbm>> -> memref<80x128xi32, #tpu.memory_space<hbm>>
      tpu.wait_dma2 semaphore(%run_scoped3A_114 : memref<!tpu.dma_semaphore, #tpu.memory_space<semaphore_mem>>) src(%dma_wait3A_129 : memref<80x128xi32, #tpu.memory_space<hbm>>) dst(%arg10 : memref<80x128xi32, #tpu.memory_space<vmem>>)
      tpu.yield
    }) : () -> ()
    %mul3A_33 = arith.constant 224 : i32
    %mul3A_34 = arith.muli %arg1, %mul3A_33 : i32
    "tpu.region"() ({
      %run_scoped3A_114 = tpu.sem_alloc : memref<!tpu.dma_semaphore, #tpu.memory_space<semaphore_mem>>
      %dma_start3A_115 = arith.constant 0 : i32
      %dma_start3A_116 = tpu.memref_slice %arg14[%mul3A_34, %dma_start3A_115] : memref<3584x128xf32, #tpu.memory_space<vmem_shared>> -> memref<224x128xf32, #tpu.memory_space<vmem_shared>>
      tpu.enqueue_dma source(%arg5 : memref<224x128xf32, #tpu.memory_space<hbm>>) target(%dma_start3A_116 : memref<224x128xf32, #tpu.memory_space<vmem_shared>>) target_semaphore(%run_scoped3A_114 : memref<!tpu.dma_semaphore, #tpu.memory_space<semaphore_mem>>)
      %dma_wait3A = arith.constant 0 : i32
      %dma_wait3A_117 = tpu.memref_slice %arg14[%mul3A_34, %dma_wait3A] : memref<3584x128xf32, #tpu.memory_space<vmem_shared>> -> memref<224x128xf32, #tpu.memory_space<vmem_shared>>
      tpu.wait_dma2 semaphore(%run_scoped3A_114 : memref<!tpu.dma_semaphore, #tpu.memory_space<semaphore_mem>>) src(%arg5 : memref<224x128xf32, #tpu.memory_space<hbm>>) dst(%dma_wait3A_117 : memref<224x128xf32, #tpu.memory_space<vmem_shared>>)
      tpu.yield
    }) : () -> ()
    %mul3A_35 = arith.constant 224 : i32
    %mul3A_36 = arith.muli %arg1, %mul3A_35 : i32
    "tpu.region"() ({
      %run_scoped3A_114 = tpu.sem_alloc : memref<!tpu.dma_semaphore, #tpu.memory_space<semaphore_mem>>
      %dma_start3A_115 = arith.constant 0 : i32
      %dma_start3A_116 = tpu.memref_slice %arg15[%mul3A_36, %dma_start3A_115] : memref<3584x128xf32, #tpu.memory_space<vmem_shared>> -> memref<224x128xf32, #tpu.memory_space<vmem_shared>>
      tpu.enqueue_dma source(%arg5 : memref<224x128xf32, #tpu.memory_space<hbm>>) target(%dma_start3A_116 : memref<224x128xf32, #tpu.memory_space<vmem_shared>>) target_semaphore(%run_scoped3A_114 : memref<!tpu.dma_semaphore, #tpu.memory_space<semaphore_mem>>)
      %dma_wait3A = arith.constant 0 : i32
      %dma_wait3A_117 = tpu.memref_slice %arg15[%mul3A_36, %dma_wait3A] : memref<3584x128xf32, #tpu.memory_space<vmem_shared>> -> memref<224x128xf32, #tpu.memory_space<vmem_shared>>
      tpu.wait_dma2 semaphore(%run_scoped3A_114 : memref<!tpu.dma_semaphore, #tpu.memory_space<semaphore_mem>>) src(%arg5 : memref<224x128xf32, #tpu.memory_space<hbm>>) dst(%dma_wait3A_117 : memref<224x128xf32, #tpu.memory_space<vmem_shared>>)
      tpu.yield
    }) : () -> ()
    %barrier3A_37 = arith.constant 0 : index
    tpu.barrier barrier_id(%barrier3A_37)
    %dma_start3A_38 = arith.constant 0 : i32
    %dma_start3A_39 = arith.constant 0 : i32
    %dma_start3A_40 = tpu.memref_slice %arg9[%dma_start3A_38, %dma_start3A_39] : memref<80x128xi32, #tpu.memory_space<vmem>> -> memref<1x128xi32, #tpu.memory_space<vmem>>
    %dma_start3A_41 = tpu.memref_squeeze %dma_start3A_40 : memref<1x128xi32, #tpu.memory_space<vmem>> -> memref<128xi32, #tpu.memory_space<vmem>>
    %dma_start3A_42 = arith.constant 0 : i32
    %dma_start3A_43 = arith.constant 0 : i32
    %dma_start3A_44 = tpu.memref_slice %arg2[%dma_start3A_42, %dma_start3A_43] : memref<20000x128xf32, #tpu.memory_space<hbm>> -> memref<20000x128xf32, #tpu.memory_space<hbm>>
    tpu.enqueue_indirect_dma source(%dma_start3A_44 : memref<20000x128xf32, #tpu.memory_space<hbm>>) target(%arg11 : memref<128x128xf32, #tpu.memory_space<vmem>>) offsets(%dma_start3A_41 : memref<128xi32, #tpu.memory_space<vmem>>) semaphore(%arg16 : memref<!tpu.dma_semaphore, #tpu.memory_space<semaphore_mem>>)
    %scan3A_45 = arith.constant 0 : i32
    %scan3A_46 = arith.constant 0 : i32
    %scan3A_47 = arith.constant 40 : i32
    %scan3A_48 = arith.addi %scan3A_46, %scan3A_47 : i32
    %scan3A_49 = arith.constant 1 : i32
    scf.for %scan3A_114 = %scan3A_46 to %scan3A_48 step %scan3A_49  : i32 {
      %mul3A_115 = arith.constant 2 : i32
      %mul3A_116 = arith.muli %mul3A_115, %scan3A_114 : i32
      %add3A = arith.constant 1 : i32
      %add3A_117 = arith.addi %mul3A_116, %add3A : i32
      %dma_start3A_118 = arith.constant 0 : i32
      %dma_start3A_119 = tpu.memref_slice %arg9[%add3A_117, %dma_start3A_118] : memref<80x128xi32, #tpu.memory_space<vmem>> -> memref<1x128xi32, #tpu.memory_space<vmem>>
      %dma_start3A_120 = tpu.memref_squeeze %dma_start3A_119 : memref<1x128xi32, #tpu.memory_space<vmem>> -> memref<128xi32, #tpu.memory_space<vmem>>
      %dma_start3A_121 = arith.constant 0 : i32
      %dma_start3A_122 = arith.constant 0 : i32
      %dma_start3A_123 = tpu.memref_slice %arg2[%dma_start3A_121, %dma_start3A_122] : memref<20000x128xf32, #tpu.memory_space<hbm>> -> memref<20000x128xf32, #tpu.memory_space<hbm>>
      tpu.enqueue_indirect_dma source(%dma_start3A_123 : memref<20000x128xf32, #tpu.memory_space<hbm>>) target(%arg12 : memref<128x128xf32, #tpu.memory_space<vmem>>) offsets(%dma_start3A_120 : memref<128xi32, #tpu.memory_space<vmem>>) semaphore(%arg17 : memref<!tpu.dma_semaphore, #tpu.memory_space<semaphore_mem>>)
      %dma_wait3A = arith.constant 0 : i32
      %dma_wait3A_124 = tpu.memref_slice %arg9[%mul3A_116, %dma_wait3A] : memref<80x128xi32, #tpu.memory_space<vmem>> -> memref<1x128xi32, #tpu.memory_space<vmem>>
      %dma_wait3A_125 = tpu.memref_squeeze %dma_wait3A_124 : memref<1x128xi32, #tpu.memory_space<vmem>> -> memref<128xi32, #tpu.memory_space<vmem>>
      %dma_wait3A_126 = arith.constant 0 : i32
      %dma_wait3A_127 = arith.constant 0 : i32
      %dma_wait3A_128 = tpu.memref_slice %arg2[%dma_wait3A_126, %dma_wait3A_127] : memref<20000x128xf32, #tpu.memory_space<hbm>> -> memref<20000x128xf32, #tpu.memory_space<hbm>>
      tpu.wait_indirect_dma semaphore(%arg16 : memref<!tpu.dma_semaphore, #tpu.memory_space<semaphore_mem>>) src(%dma_wait3A_128 : memref<20000x128xf32, #tpu.memory_space<hbm>>) dst(%arg11 : memref<128x128xf32, #tpu.memory_space<vmem>>)
      "tpu.region"() ({
        %run_scoped3A_155 = tpu.sem_alloc : memref<!tpu.dma_semaphore, #tpu.memory_space<semaphore_mem>>
        %dma_start3A_156 = arith.constant 0 : i32
        %dma_start3A_157 = tpu.memref_slice %arg10[%mul3A_116, %dma_start3A_156] : memref<80x128xi32, #tpu.memory_space<vmem>> -> memref<1x128xi32, #tpu.memory_space<vmem>>
        %dma_start3A_158 = tpu.memref_squeeze %dma_start3A_157 : memref<1x128xi32, #tpu.memory_space<vmem>> -> memref<128xi32, #tpu.memory_space<vmem>>
        %dma_start3A_159 = arith.constant 0 : i32
        %dma_start3A_160 = arith.constant 0 : i32
        %dma_start3A_161 = tpu.memref_slice %arg14[%dma_start3A_159, %dma_start3A_160] : memref<3584x128xf32, #tpu.memory_space<vmem_shared>> -> memref<3584x128xf32, #tpu.memory_space<vmem_shared>>
        tpu.enqueue_indirect_dma source(%arg11 : memref<128x128xf32, #tpu.memory_space<vmem>>) target(%dma_start3A_161 : memref<3584x128xf32, #tpu.memory_space<vmem_shared>>) offsets(%dma_start3A_158 : memref<128xi32, #tpu.memory_space<vmem>>) semaphore(%run_scoped3A_155 : memref<!tpu.dma_semaphore, #tpu.memory_space<semaphore_mem>>) {add = true}
        %dma_wait3A_162 = arith.constant 0 : i32
        %dma_wait3A_163 = tpu.memref_slice %arg10[%mul3A_116, %dma_wait3A_162] : memref<80x128xi32, #tpu.memory_space<vmem>> -> memref<1x128xi32, #tpu.memory_space<vmem>>
        %dma_wait3A_164 = tpu.memref_squeeze %dma_wait3A_163 : memref<1x128xi32, #tpu.memory_space<vmem>> -> memref<128xi32, #tpu.memory_space<vmem>>
        %dma_wait3A_165 = arith.constant 0 : i32
        %dma_wait3A_166 = arith.constant 0 : i32
        %dma_wait3A_167 = tpu.memref_slice %arg14[%dma_wait3A_165, %dma_wait3A_166] : memref<3584x128xf32, #tpu.memory_space<vmem_shared>> -> memref<3584x128xf32, #tpu.memory_space<vmem_shared>>
        tpu.wait_indirect_dma semaphore(%run_scoped3A_155 : memref<!tpu.dma_semaphore, #tpu.memory_space<semaphore_mem>>) src(%arg11 : memref<128x128xf32, #tpu.memory_space<vmem>>) dst(%dma_wait3A_167 : memref<3584x128xf32, #tpu.memory_space<vmem_shared>>)
        tpu.yield
      }) : () -> ()
      %rem3A = arith.constant 2 : i32
      %rem3A_129 = arith.remsi %mul3A_116, %rem3A : i32
      %eq3A_130 = arith.cmpi eq, %arg0, %rem3A_129 : i32
      %convert_element_type3A_131 = arith.extui %eq3A_130 : i1 to i32
      %cond3A_132 = arith.constant 0 : i32
      %cond3A_133 = arith.cmpi ne, %convert_element_type3A_131, %cond3A_132 : i32
      scf.if %cond3A_133 {
        "tpu.region"() ({
          %run_scoped3A_155 = tpu.sem_alloc : memref<!tpu.dma_semaphore, #tpu.memory_space<semaphore_mem>>
          %dma_start3A_156 = arith.constant 0 : i32
          %dma_start3A_157 = tpu.memref_slice %arg10[%mul3A_116, %dma_start3A_156] : memref<80x128xi32, #tpu.memory_space<vmem>> -> memref<1x128xi32, #tpu.memory_space<vmem>>
          %dma_start3A_158 = tpu.memref_squeeze %dma_start3A_157 : memref<1x128xi32, #tpu.memory_space<vmem>> -> memref<128xi32, #tpu.memory_space<vmem>>
          %dma_start3A_159 = arith.constant 0 : i32
          %dma_start3A_160 = arith.constant 0 : i32
          %dma_start3A_161 = tpu.memref_slice %arg15[%dma_start3A_159, %dma_start3A_160] : memref<3584x128xf32, #tpu.memory_space<vmem_shared>> -> memref<3584x128xf32, #tpu.memory_space<vmem_shared>>
          tpu.enqueue_indirect_dma source(%arg13 : memref<128x128xf32, #tpu.memory_space<vmem>>) target(%dma_start3A_161 : memref<3584x128xf32, #tpu.memory_space<vmem_shared>>) offsets(%dma_start3A_158 : memref<128xi32, #tpu.memory_space<vmem>>) semaphore(%run_scoped3A_155 : memref<!tpu.dma_semaphore, #tpu.memory_space<semaphore_mem>>) {add = true}
          %dma_wait3A_162 = arith.constant 0 : i32
          %dma_wait3A_163 = tpu.memref_slice %arg10[%mul3A_116, %dma_wait3A_162] : memref<80x128xi32, #tpu.memory_space<vmem>> -> memref<1x128xi32, #tpu.memory_space<vmem>>
          %dma_wait3A_164 = tpu.memref_squeeze %dma_wait3A_163 : memref<1x128xi32, #tpu.memory_space<vmem>> -> memref<128xi32, #tpu.memory_space<vmem>>
          %dma_wait3A_165 = arith.constant 0 : i32
          %dma_wait3A_166 = arith.constant 0 : i32
          %dma_wait3A_167 = tpu.memref_slice %arg15[%dma_wait3A_165, %dma_wait3A_166] : memref<3584x128xf32, #tpu.memory_space<vmem_shared>> -> memref<3584x128xf32, #tpu.memory_space<vmem_shared>>
          tpu.wait_indirect_dma semaphore(%run_scoped3A_155 : memref<!tpu.dma_semaphore, #tpu.memory_space<semaphore_mem>>) src(%arg13 : memref<128x128xf32, #tpu.memory_space<vmem>>) dst(%dma_wait3A_167 : memref<3584x128xf32, #tpu.memory_space<vmem_shared>>)
          tpu.yield
        }) : () -> ()
      } else {
      }
      %lt3A_134 = arith.constant 39 : i32
      %lt3A_135 = arith.cmpi slt, %scan3A_114, %lt3A_134 : i32
      %convert_element_type3A_136 = arith.extui %lt3A_135 : i1 to i32
      %cond3A_137 = arith.constant 0 : i32
      %cond3A_138 = arith.cmpi ne, %convert_element_type3A_136, %cond3A_137 : i32
      scf.if %cond3A_138 {
        %add3A_155 = arith.constant 2 : i32
        %add3A_156 = arith.addi %mul3A_116, %add3A_155 : i32
        %dma_start3A_157 = arith.constant 0 : i32
        %dma_start3A_158 = tpu.memref_slice %arg9[%add3A_156, %dma_start3A_157] : memref<80x128xi32, #tpu.memory_space<vmem>> -> memref<1x128xi32, #tpu.memory_space<vmem>>
        %dma_start3A_159 = tpu.memref_squeeze %dma_start3A_158 : memref<1x128xi32, #tpu.memory_space<vmem>> -> memref<128xi32, #tpu.memory_space<vmem>>
        %dma_start3A_160 = arith.constant 0 : i32
        %dma_start3A_161 = arith.constant 0 : i32
        %dma_start3A_162 = tpu.memref_slice %arg2[%dma_start3A_160, %dma_start3A_161] : memref<20000x128xf32, #tpu.memory_space<hbm>> -> memref<20000x128xf32, #tpu.memory_space<hbm>>
        tpu.enqueue_indirect_dma source(%dma_start3A_162 : memref<20000x128xf32, #tpu.memory_space<hbm>>) target(%arg11 : memref<128x128xf32, #tpu.memory_space<vmem>>) offsets(%dma_start3A_159 : memref<128xi32, #tpu.memory_space<vmem>>) semaphore(%arg16 : memref<!tpu.dma_semaphore, #tpu.memory_space<semaphore_mem>>)
      } else {
      }
      %add3A_139 = arith.constant 1 : i32
      %add3A_140 = arith.addi %mul3A_116, %add3A_139 : i32
      %dma_wait3A_141 = arith.constant 0 : i32
      %dma_wait3A_142 = tpu.memref_slice %arg9[%add3A_140, %dma_wait3A_141] : memref<80x128xi32, #tpu.memory_space<vmem>> -> memref<1x128xi32, #tpu.memory_space<vmem>>
      %dma_wait3A_143 = tpu.memref_squeeze %dma_wait3A_142 : memref<1x128xi32, #tpu.memory_space<vmem>> -> memref<128xi32, #tpu.memory_space<vmem>>
      %dma_wait3A_144 = arith.constant 0 : i32
      %dma_wait3A_145 = arith.constant 0 : i32
      %dma_wait3A_146 = tpu.memref_slice %arg2[%dma_wait3A_144, %dma_wait3A_145] : memref<20000x128xf32, #tpu.memory_space<hbm>> -> memref<20000x128xf32, #tpu.memory_space<hbm>>
      tpu.wait_indirect_dma semaphore(%arg17 : memref<!tpu.dma_semaphore, #tpu.memory_space<semaphore_mem>>) src(%dma_wait3A_146 : memref<20000x128xf32, #tpu.memory_space<hbm>>) dst(%arg12 : memref<128x128xf32, #tpu.memory_space<vmem>>)
      %add3A_147 = arith.constant 1 : i32
      %add3A_148 = arith.addi %mul3A_116, %add3A_147 : i32
      "tpu.region"() ({
        %run_scoped3A_155 = tpu.sem_alloc : memref<!tpu.dma_semaphore, #tpu.memory_space<semaphore_mem>>
        %dma_start3A_156 = arith.constant 0 : i32
        %dma_start3A_157 = tpu.memref_slice %arg10[%add3A_148, %dma_start3A_156] : memref<80x128xi32, #tpu.memory_space<vmem>> -> memref<1x128xi32, #tpu.memory_space<vmem>>
        %dma_start3A_158 = tpu.memref_squeeze %dma_start3A_157 : memref<1x128xi32, #tpu.memory_space<vmem>> -> memref<128xi32, #tpu.memory_space<vmem>>
        %dma_start3A_159 = arith.constant 0 : i32
        %dma_start3A_160 = arith.constant 0 : i32
        %dma_start3A_161 = tpu.memref_slice %arg14[%dma_start3A_159, %dma_start3A_160] : memref<3584x128xf32, #tpu.memory_space<vmem_shared>> -> memref<3584x128xf32, #tpu.memory_space<vmem_shared>>
        tpu.enqueue_indirect_dma source(%arg12 : memref<128x128xf32, #tpu.memory_space<vmem>>) target(%dma_start3A_161 : memref<3584x128xf32, #tpu.memory_space<vmem_shared>>) offsets(%dma_start3A_158 : memref<128xi32, #tpu.memory_space<vmem>>) semaphore(%run_scoped3A_155 : memref<!tpu.dma_semaphore, #tpu.memory_space<semaphore_mem>>) {add = true}
        %dma_wait3A_162 = arith.constant 0 : i32
        %dma_wait3A_163 = tpu.memref_slice %arg10[%add3A_148, %dma_wait3A_162] : memref<80x128xi32, #tpu.memory_space<vmem>> -> memref<1x128xi32, #tpu.memory_space<vmem>>
        %dma_wait3A_164 = tpu.memref_squeeze %dma_wait3A_163 : memref<1x128xi32, #tpu.memory_space<vmem>> -> memref<128xi32, #tpu.memory_space<vmem>>
        %dma_wait3A_165 = arith.constant 0 : i32
        %dma_wait3A_166 = arith.constant 0 : i32
        %dma_wait3A_167 = tpu.memref_slice %arg14[%dma_wait3A_165, %dma_wait3A_166] : memref<3584x128xf32, #tpu.memory_space<vmem_shared>> -> memref<3584x128xf32, #tpu.memory_space<vmem_shared>>
        tpu.wait_indirect_dma semaphore(%run_scoped3A_155 : memref<!tpu.dma_semaphore, #tpu.memory_space<semaphore_mem>>) src(%arg12 : memref<128x128xf32, #tpu.memory_space<vmem>>) dst(%dma_wait3A_167 : memref<3584x128xf32, #tpu.memory_space<vmem_shared>>)
        tpu.yield
      }) : () -> ()
      %rem3A_149 = arith.constant 2 : i32
      %rem3A_150 = arith.remsi %add3A_148, %rem3A_149 : i32
      %eq3A_151 = arith.cmpi eq, %arg0, %rem3A_150 : i32
      %convert_element_type3A_152 = arith.extui %eq3A_151 : i1 to i32
      %cond3A_153 = arith.constant 0 : i32
      %cond3A_154 = arith.cmpi ne, %convert_element_type3A_152, %cond3A_153 : i32
      scf.if %cond3A_154 {
        "tpu.region"() ({
          %run_scoped3A_155 = tpu.sem_alloc : memref<!tpu.dma_semaphore, #tpu.memory_space<semaphore_mem>>
          %dma_start3A_156 = arith.constant 0 : i32
          %dma_start3A_157 = tpu.memref_slice %arg10[%add3A_148, %dma_start3A_156] : memref<80x128xi32, #tpu.memory_space<vmem>> -> memref<1x128xi32, #tpu.memory_space<vmem>>
          %dma_start3A_158 = tpu.memref_squeeze %dma_start3A_157 : memref<1x128xi32, #tpu.memory_space<vmem>> -> memref<128xi32, #tpu.memory_space<vmem>>
          %dma_start3A_159 = arith.constant 0 : i32
          %dma_start3A_160 = arith.constant 0 : i32
          %dma_start3A_161 = tpu.memref_slice %arg15[%dma_start3A_159, %dma_start3A_160] : memref<3584x128xf32, #tpu.memory_space<vmem_shared>> -> memref<3584x128xf32, #tpu.memory_space<vmem_shared>>
          tpu.enqueue_indirect_dma source(%arg13 : memref<128x128xf32, #tpu.memory_space<vmem>>) target(%dma_start3A_161 : memref<3584x128xf32, #tpu.memory_space<vmem_shared>>) offsets(%dma_start3A_158 : memref<128xi32, #tpu.memory_space<vmem>>) semaphore(%run_scoped3A_155 : memref<!tpu.dma_semaphore, #tpu.memory_space<semaphore_mem>>) {add = true}
          %dma_wait3A_162 = arith.constant 0 : i32
          %dma_wait3A_163 = tpu.memref_slice %arg10[%add3A_148, %dma_wait3A_162] : memref<80x128xi32, #tpu.memory_space<vmem>> -> memref<1x128xi32, #tpu.memory_space<vmem>>
          %dma_wait3A_164 = tpu.memref_squeeze %dma_wait3A_163 : memref<1x128xi32, #tpu.memory_space<vmem>> -> memref<128xi32, #tpu.memory_space<vmem>>
          %dma_wait3A_165 = arith.constant 0 : i32
          %dma_wait3A_166 = arith.constant 0 : i32
          %dma_wait3A_167 = tpu.memref_slice %arg15[%dma_wait3A_165, %dma_wait3A_166] : memref<3584x128xf32, #tpu.memory_space<vmem_shared>> -> memref<3584x128xf32, #tpu.memory_space<vmem_shared>>
          tpu.wait_indirect_dma semaphore(%run_scoped3A_155 : memref<!tpu.dma_semaphore, #tpu.memory_space<semaphore_mem>>) src(%arg13 : memref<128x128xf32, #tpu.memory_space<vmem>>) dst(%dma_wait3A_167 : memref<3584x128xf32, #tpu.memory_space<vmem_shared>>)
          tpu.yield
        }) : () -> ()
      } else {
      }
    }
    %scan3A_50 = arith.constant 40 : i32
    %barrier3A_51 = arith.constant 0 : index
    tpu.barrier barrier_id(%barrier3A_51)
    %lt3A_52 = arith.constant 15 : i32
    %lt3A_53 = arith.cmpi slt, %arg1, %lt3A_52 : i32
    %convert_element_type3A_54 = arith.extui %lt3A_53 : i1 to i32
    %cond3A_55 = arith.constant 0 : i32
    %cond3A_56 = arith.cmpi ne, %convert_element_type3A_54, %cond3A_55 : i32
    scf.if %cond3A_56 {
      %mul3A_114 = arith.constant 224 : i32
      %mul3A_115 = arith.muli %arg1, %mul3A_114 : i32
      %mul3A_116 = arith.constant 224 : i32
      %mul3A_117 = arith.muli %arg1, %mul3A_116 : i32
      %add3A = arith.constant 3456 : i32
      %add3A_118 = arith.addi %add3A, %mul3A_117 : i32
      "tpu.region"() ({
        %run_scoped3A_119 = tpu.sem_alloc : memref<!tpu.dma_semaphore, #tpu.memory_space<semaphore_mem>>
        %dma_start3A_120 = arith.constant 0 : i32
        %dma_start3A_121 = arith.constant 0 : i32
        %dma_start3A_122 = tpu.memref_slice %arg7[%arg0, %dma_start3A_120, %dma_start3A_121] : memref<2x10000x128xf32, #tpu.memory_space<hbm>> -> memref<1x10000x128xf32, #tpu.memory_space<hbm>>
        %dma_start3A_123 = tpu.memref_squeeze %dma_start3A_122 : memref<1x10000x128xf32, #tpu.memory_space<hbm>> -> memref<10000x128xf32, #tpu.memory_space<hbm>>
        %dma_start3A_124 = arith.constant 0 : i32
        %dma_start3A_125 = tpu.memref_slice %dma_start3A_123[%add3A_118, %dma_start3A_124] : memref<10000x128xf32, #tpu.memory_space<hbm>> -> memref<224x128xf32, #tpu.memory_space<hbm>>
        %dma_start3A_126 = arith.constant 0 : i32
        %dma_start3A_127 = tpu.memref_slice %arg14[%mul3A_115, %dma_start3A_126] : memref<3584x128xf32, #tpu.memory_space<vmem_shared>> -> memref<224x128xf32, #tpu.memory_space<vmem_shared>>
        tpu.enqueue_dma source(%dma_start3A_127 : memref<224x128xf32, #tpu.memory_space<vmem_shared>>) target(%dma_start3A_125 : memref<224x128xf32, #tpu.memory_space<hbm>>) target_semaphore(%run_scoped3A_119 : memref<!tpu.dma_semaphore, #tpu.memory_space<semaphore_mem>>)
        %dma_wait3A = arith.constant 0 : i32
        %dma_wait3A_128 = arith.constant 0 : i32
        %dma_wait3A_129 = tpu.memref_slice %arg7[%arg0, %dma_wait3A, %dma_wait3A_128] : memref<2x10000x128xf32, #tpu.memory_space<hbm>> -> memref<1x10000x128xf32, #tpu.memory_space<hbm>>
        %dma_wait3A_130 = tpu.memref_squeeze %dma_wait3A_129 : memref<1x10000x128xf32, #tpu.memory_space<hbm>> -> memref<10000x128xf32, #tpu.memory_space<hbm>>
        %dma_wait3A_131 = arith.constant 0 : i32
        %dma_wait3A_132 = tpu.memref_slice %dma_wait3A_130[%add3A_118, %dma_wait3A_131] : memref<10000x128xf32, #tpu.memory_space<hbm>> -> memref<224x128xf32, #tpu.memory_space<hbm>>
        %dma_wait3A_133 = arith.constant 0 : i32
        %dma_wait3A_134 = tpu.memref_slice %arg14[%mul3A_115, %dma_wait3A_133] : memref<3584x128xf32, #tpu.memory_space<vmem_shared>> -> memref<224x128xf32, #tpu.memory_space<vmem_shared>>
        tpu.wait_dma2 semaphore(%run_scoped3A_119 : memref<!tpu.dma_semaphore, #tpu.memory_space<semaphore_mem>>) src(%dma_wait3A_134 : memref<224x128xf32, #tpu.memory_space<vmem_shared>>) dst(%dma_wait3A_132 : memref<224x128xf32, #tpu.memory_space<hbm>>)
        tpu.yield
      }) : () -> ()
    } else {
    }
    %eq3A_57 = arith.constant 15 : i32
    %eq3A_58 = arith.cmpi eq, %arg1, %eq3A_57 : i32
    %convert_element_type3A_59 = arith.extui %eq3A_58 : i1 to i32
    %cond3A_60 = arith.constant 0 : i32
    %cond3A_61 = arith.cmpi ne, %convert_element_type3A_59, %cond3A_60 : i32
    scf.if %cond3A_61 {
      "tpu.region"() ({
        %run_scoped3A_114 = tpu.sem_alloc : memref<!tpu.dma_semaphore, #tpu.memory_space<semaphore_mem>>
        %dma_start3A_115 = arith.constant 0 : i32
        %dma_start3A_116 = arith.constant 0 : i32
        %dma_start3A_117 = tpu.memref_slice %arg7[%arg0, %dma_start3A_115, %dma_start3A_116] : memref<2x10000x128xf32, #tpu.memory_space<hbm>> -> memref<1x10000x128xf32, #tpu.memory_space<hbm>>
        %dma_start3A_118 = tpu.memref_squeeze %dma_start3A_117 : memref<1x10000x128xf32, #tpu.memory_space<hbm>> -> memref<10000x128xf32, #tpu.memory_space<hbm>>
        %dma_start3A_119 = arith.constant 6816 : i32
        %dma_start3A_120 = arith.constant 0 : i32
        %dma_start3A_121 = tpu.memref_slice %dma_start3A_118[%dma_start3A_119, %dma_start3A_120] : memref<10000x128xf32, #tpu.memory_space<hbm>> -> memref<96x128xf32, #tpu.memory_space<hbm>>
        %dma_start3A_122 = arith.constant 3360 : i32
        %dma_start3A_123 = arith.constant 0 : i32
        %dma_start3A_124 = tpu.memref_slice %arg14[%dma_start3A_122, %dma_start3A_123] : memref<3584x128xf32, #tpu.memory_space<vmem_shared>> -> memref<96x128xf32, #tpu.memory_space<vmem_shared>>
        tpu.enqueue_dma source(%dma_start3A_124 : memref<96x128xf32, #tpu.memory_space<vmem_shared>>) target(%dma_start3A_121 : memref<96x128xf32, #tpu.memory_space<hbm>>) target_semaphore(%run_scoped3A_114 : memref<!tpu.dma_semaphore, #tpu.memory_space<semaphore_mem>>)
        %dma_wait3A = arith.constant 0 : i32
        %dma_wait3A_125 = arith.constant 0 : i32
        %dma_wait3A_126 = tpu.memref_slice %arg7[%arg0, %dma_wait3A, %dma_wait3A_125] : memref<2x10000x128xf32, #tpu.memory_space<hbm>> -> memref<1x10000x128xf32, #tpu.memory_space<hbm>>
        %dma_wait3A_127 = tpu.memref_squeeze %dma_wait3A_126 : memref<1x10000x128xf32, #tpu.memory_space<hbm>> -> memref<10000x128xf32, #tpu.memory_space<hbm>>
        %dma_wait3A_128 = arith.constant 6816 : i32
        %dma_wait3A_129 = arith.constant 0 : i32
        %dma_wait3A_130 = tpu.memref_slice %dma_wait3A_127[%dma_wait3A_128, %dma_wait3A_129] : memref<10000x128xf32, #tpu.memory_space<hbm>> -> memref<96x128xf32, #tpu.memory_space<hbm>>
        %dma_wait3A_131 = arith.constant 3360 : i32
        %dma_wait3A_132 = arith.constant 0 : i32
        %dma_wait3A_133 = tpu.memref_slice %arg14[%dma_wait3A_131, %dma_wait3A_132] : memref<3584x128xf32, #tpu.memory_space<vmem_shared>> -> memref<96x128xf32, #tpu.memory_space<vmem_shared>>
        tpu.wait_dma2 semaphore(%run_scoped3A_114 : memref<!tpu.dma_semaphore, #tpu.memory_space<semaphore_mem>>) src(%dma_wait3A_133 : memref<96x128xf32, #tpu.memory_space<vmem_shared>>) dst(%dma_wait3A_130 : memref<96x128xf32, #tpu.memory_space<hbm>>)
        tpu.yield
      }) : () -> ()
    } else {
    }
    %lt3A_62 = arith.constant 15 : i32
    %lt3A_63 = arith.cmpi slt, %arg1, %lt3A_62 : i32
    %convert_element_type3A_64 = arith.extui %lt3A_63 : i1 to i32
    %cond3A_65 = arith.constant 0 : i32
    %cond3A_66 = arith.cmpi ne, %convert_element_type3A_64, %cond3A_65 : i32
    scf.if %cond3A_66 {
      %mul3A_114 = arith.constant 224 : i32
      %mul3A_115 = arith.muli %arg1, %mul3A_114 : i32
      %mul3A_116 = arith.constant 224 : i32
      %mul3A_117 = arith.muli %arg1, %mul3A_116 : i32
      %add3A = arith.constant 3456 : i32
      %add3A_118 = arith.addi %add3A, %mul3A_117 : i32
      "tpu.region"() ({
        %run_scoped3A_119 = tpu.sem_alloc : memref<!tpu.dma_semaphore, #tpu.memory_space<semaphore_mem>>
        %dma_start3A_120 = arith.constant 0 : i32
        %dma_start3A_121 = arith.constant 0 : i32
        %dma_start3A_122 = tpu.memref_slice %arg8[%arg0, %dma_start3A_120, %dma_start3A_121] : memref<2x10000x128xf32, #tpu.memory_space<hbm>> -> memref<1x10000x128xf32, #tpu.memory_space<hbm>>
        %dma_start3A_123 = tpu.memref_squeeze %dma_start3A_122 : memref<1x10000x128xf32, #tpu.memory_space<hbm>> -> memref<10000x128xf32, #tpu.memory_space<hbm>>
        %dma_start3A_124 = arith.constant 0 : i32
        %dma_start3A_125 = tpu.memref_slice %dma_start3A_123[%add3A_118, %dma_start3A_124] : memref<10000x128xf32, #tpu.memory_space<hbm>> -> memref<224x128xf32, #tpu.memory_space<hbm>>
        %dma_start3A_126 = arith.constant 0 : i32
        %dma_start3A_127 = tpu.memref_slice %arg15[%mul3A_115, %dma_start3A_126] : memref<3584x128xf32, #tpu.memory_space<vmem_shared>> -> memref<224x128xf32, #tpu.memory_space<vmem_shared>>
        tpu.enqueue_dma source(%dma_start3A_127 : memref<224x128xf32, #tpu.memory_space<vmem_shared>>) target(%dma_start3A_125 : memref<224x128xf32, #tpu.memory_space<hbm>>) target_semaphore(%run_scoped3A_119 : memref<!tpu.dma_semaphore, #tpu.memory_space<semaphore_mem>>)
        %dma_wait3A = arith.constant 0 : i32
        %dma_wait3A_128 = arith.constant 0 : i32
        %dma_wait3A_129 = tpu.memref_slice %arg8[%arg0, %dma_wait3A, %dma_wait3A_128] : memref<2x10000x128xf32, #tpu.memory_space<hbm>> -> memref<1x10000x128xf32, #tpu.memory_space<hbm>>
        %dma_wait3A_130 = tpu.memref_squeeze %dma_wait3A_129 : memref<1x10000x128xf32, #tpu.memory_space<hbm>> -> memref<10000x128xf32, #tpu.memory_space<hbm>>
        %dma_wait3A_131 = arith.constant 0 : i32
        %dma_wait3A_132 = tpu.memref_slice %dma_wait3A_130[%add3A_118, %dma_wait3A_131] : memref<10000x128xf32, #tpu.memory_space<hbm>> -> memref<224x128xf32, #tpu.memory_space<hbm>>
        %dma_wait3A_133 = arith.constant 0 : i32
        %dma_wait3A_134 = tpu.memref_slice %arg15[%mul3A_115, %dma_wait3A_133] : memref<3584x128xf32, #tpu.memory_space<vmem_shared>> -> memref<224x128xf32, #tpu.memory_space<vmem_shared>>
        tpu.wait_dma2 semaphore(%run_scoped3A_119 : memref<!tpu.dma_semaphore, #tpu.memory_space<semaphore_mem>>) src(%dma_wait3A_134 : memref<224x128xf32, #tpu.memory_space<vmem_shared>>) dst(%dma_wait3A_132 : memref<224x128xf32, #tpu.memory_space<hbm>>)
        tpu.yield
      }) : () -> ()
    } else {
    }
    %eq3A_67 = arith.constant 15 : i32
    %eq3A_68 = arith.cmpi eq, %arg1, %eq3A_67 : i32
    %convert_element_type3A_69 = arith.extui %eq3A_68 : i1 to i32
    %cond3A_70 = arith.constant 0 : i32
    %cond3A_71 = arith.cmpi ne, %convert_element_type3A_69, %cond3A_70 : i32
    scf.if %cond3A_71 {
      "tpu.region"() ({
        %run_scoped3A_114 = tpu.sem_alloc : memref<!tpu.dma_semaphore, #tpu.memory_space<semaphore_mem>>
        %dma_start3A_115 = arith.constant 0 : i32
        %dma_start3A_116 = arith.constant 0 : i32
        %dma_start3A_117 = tpu.memref_slice %arg8[%arg0, %dma_start3A_115, %dma_start3A_116] : memref<2x10000x128xf32, #tpu.memory_space<hbm>> -> memref<1x10000x128xf32, #tpu.memory_space<hbm>>
        %dma_start3A_118 = tpu.memref_squeeze %dma_start3A_117 : memref<1x10000x128xf32, #tpu.memory_space<hbm>> -> memref<10000x128xf32, #tpu.memory_space<hbm>>
        %dma_start3A_119 = arith.constant 6816 : i32
        %dma_start3A_120 = arith.constant 0 : i32
        %dma_start3A_121 = tpu.memref_slice %dma_start3A_118[%dma_start3A_119, %dma_start3A_120] : memref<10000x128xf32, #tpu.memory_space<hbm>> -> memref<96x128xf32, #tpu.memory_space<hbm>>
        %dma_start3A_122 = arith.constant 3360 : i32
        %dma_start3A_123 = arith.constant 0 : i32
        %dma_start3A_124 = tpu.memref_slice %arg15[%dma_start3A_122, %dma_start3A_123] : memref<3584x128xf32, #tpu.memory_space<vmem_shared>> -> memref<96x128xf32, #tpu.memory_space<vmem_shared>>
        tpu.enqueue_dma source(%dma_start3A_124 : memref<96x128xf32, #tpu.memory_space<vmem_shared>>) target(%dma_start3A_121 : memref<96x128xf32, #tpu.memory_space<hbm>>) target_semaphore(%run_scoped3A_114 : memref<!tpu.dma_semaphore, #tpu.memory_space<semaphore_mem>>)
        %dma_wait3A = arith.constant 0 : i32
        %dma_wait3A_125 = arith.constant 0 : i32
        %dma_wait3A_126 = tpu.memref_slice %arg8[%arg0, %dma_wait3A, %dma_wait3A_125] : memref<2x10000x128xf32, #tpu.memory_space<hbm>> -> memref<1x10000x128xf32, #tpu.memory_space<hbm>>
        %dma_wait3A_127 = tpu.memref_squeeze %dma_wait3A_126 : memref<1x10000x128xf32, #tpu.memory_space<hbm>> -> memref<10000x128xf32, #tpu.memory_space<hbm>>
        %dma_wait3A_128 = arith.constant 6816 : i32
        %dma_wait3A_129 = arith.constant 0 : i32
        %dma_wait3A_130 = tpu.memref_slice %dma_wait3A_127[%dma_wait3A_128, %dma_wait3A_129] : memref<10000x128xf32, #tpu.memory_space<hbm>> -> memref<96x128xf32, #tpu.memory_space<hbm>>
        %dma_wait3A_131 = arith.constant 3360 : i32
        %dma_wait3A_132 = arith.constant 0 : i32
        %dma_wait3A_133 = tpu.memref_slice %arg15[%dma_wait3A_131, %dma_wait3A_132] : memref<3584x128xf32, #tpu.memory_space<vmem_shared>> -> memref<96x128xf32, #tpu.memory_space<vmem_shared>>
        tpu.wait_dma2 semaphore(%run_scoped3A_114 : memref<!tpu.dma_semaphore, #tpu.memory_space<semaphore_mem>>) src(%dma_wait3A_133 : memref<96x128xf32, #tpu.memory_space<vmem_shared>>) dst(%dma_wait3A_130 : memref<96x128xf32, #tpu.memory_space<hbm>>)
        tpu.yield
      }) : () -> ()
    } else {
    }
    %barrier3A_72 = arith.constant 0 : index
    tpu.barrier barrier_id(%barrier3A_72)
    %run_scoped3A_73 = arith.constant 2 : i32
    "tpu.region"() ({
      %run_scoped3A_114 = tpu.sem_alloc : memref<!tpu.dma_semaphore, #tpu.memory_space<semaphore_mem>>
      %dma_start3A_115 = arith.constant 0 : i32
      %dma_start3A_116 = arith.constant 0 : i32
      %dma_start3A_117 = tpu.memref_slice %arg4[%run_scoped3A_73, %arg1, %dma_start3A_115, %dma_start3A_116] : memref<3x16x80x128xi32, #tpu.memory_space<hbm>> -> memref<1x1x80x128xi32, #tpu.memory_space<hbm>>
      %dma_start3A_118 = tpu.memref_squeeze %dma_start3A_117 : memref<1x1x80x128xi32, #tpu.memory_space<hbm>> -> memref<80x128xi32, #tpu.memory_space<hbm>>
      %dma_start3A_119 = arith.constant 0 : i32
      %dma_start3A_120 = arith.constant 0 : i32
      %dma_start3A_121 = tpu.memref_slice %arg4[%run_scoped3A_73, %arg1, %dma_start3A_119, %dma_start3A_120] : memref<3x16x80x128xi32, #tpu.memory_space<hbm>> -> memref<1x1x80x128xi32, #tpu.memory_space<hbm>>
      %dma_start3A_122 = tpu.memref_squeeze %dma_start3A_121 : memref<1x1x80x128xi32, #tpu.memory_space<hbm>> -> memref<80x128xi32, #tpu.memory_space<hbm>>
      tpu.enqueue_dma source(%dma_start3A_122 : memref<80x128xi32, #tpu.memory_space<hbm>>) target(%arg10 : memref<80x128xi32, #tpu.memory_space<vmem>>) target_semaphore(%run_scoped3A_114 : memref<!tpu.dma_semaphore, #tpu.memory_space<semaphore_mem>>)
      %dma_wait3A = arith.constant 0 : i32
      %dma_wait3A_123 = arith.constant 0 : i32
      %dma_wait3A_124 = tpu.memref_slice %arg4[%run_scoped3A_73, %arg1, %dma_wait3A, %dma_wait3A_123] : memref<3x16x80x128xi32, #tpu.memory_space<hbm>> -> memref<1x1x80x128xi32, #tpu.memory_space<hbm>>
      %dma_wait3A_125 = tpu.memref_squeeze %dma_wait3A_124 : memref<1x1x80x128xi32, #tpu.memory_space<hbm>> -> memref<80x128xi32, #tpu.memory_space<hbm>>
      %dma_wait3A_126 = arith.constant 0 : i32
      %dma_wait3A_127 = arith.constant 0 : i32
      %dma_wait3A_128 = tpu.memref_slice %arg4[%run_scoped3A_73, %arg1, %dma_wait3A_126, %dma_wait3A_127] : memref<3x16x80x128xi32, #tpu.memory_space<hbm>> -> memref<1x1x80x128xi32, #tpu.memory_space<hbm>>
      %dma_wait3A_129 = tpu.memref_squeeze %dma_wait3A_128 : memref<1x1x80x128xi32, #tpu.memory_space<hbm>> -> memref<80x128xi32, #tpu.memory_space<hbm>>
      tpu.wait_dma2 semaphore(%run_scoped3A_114 : memref<!tpu.dma_semaphore, #tpu.memory_space<semaphore_mem>>) src(%dma_wait3A_129 : memref<80x128xi32, #tpu.memory_space<hbm>>) dst(%arg10 : memref<80x128xi32, #tpu.memory_space<vmem>>)
      tpu.yield
    }) : () -> ()
    %mul3A_74 = arith.constant 224 : i32
    %mul3A_75 = arith.muli %arg1, %mul3A_74 : i32
    "tpu.region"() ({
      %run_scoped3A_114 = tpu.sem_alloc : memref<!tpu.dma_semaphore, #tpu.memory_space<semaphore_mem>>
      %dma_start3A_115 = arith.constant 0 : i32
      %dma_start3A_116 = tpu.memref_slice %arg14[%mul3A_75, %dma_start3A_115] : memref<3584x128xf32, #tpu.memory_space<vmem_shared>> -> memref<224x128xf32, #tpu.memory_space<vmem_shared>>
      tpu.enqueue_dma source(%arg5 : memref<224x128xf32, #tpu.memory_space<hbm>>) target(%dma_start3A_116 : memref<224x128xf32, #tpu.memory_space<vmem_shared>>) target_semaphore(%run_scoped3A_114 : memref<!tpu.dma_semaphore, #tpu.memory_space<semaphore_mem>>)
      %dma_wait3A = arith.constant 0 : i32
      %dma_wait3A_117 = tpu.memref_slice %arg14[%mul3A_75, %dma_wait3A] : memref<3584x128xf32, #tpu.memory_space<vmem_shared>> -> memref<224x128xf32, #tpu.memory_space<vmem_shared>>
      tpu.wait_dma2 semaphore(%run_scoped3A_114 : memref<!tpu.dma_semaphore, #tpu.memory_space<semaphore_mem>>) src(%arg5 : memref<224x128xf32, #tpu.memory_space<hbm>>) dst(%dma_wait3A_117 : memref<224x128xf32, #tpu.memory_space<vmem_shared>>)
      tpu.yield
    }) : () -> ()
    %mul3A_76 = arith.constant 224 : i32
    %mul3A_77 = arith.muli %arg1, %mul3A_76 : i32
    "tpu.region"() ({
      %run_scoped3A_114 = tpu.sem_alloc : memref<!tpu.dma_semaphore, #tpu.memory_space<semaphore_mem>>
      %dma_start3A_115 = arith.constant 0 : i32
      %dma_start3A_116 = tpu.memref_slice %arg15[%mul3A_77, %dma_start3A_115] : memref<3584x128xf32, #tpu.memory_space<vmem_shared>> -> memref<224x128xf32, #tpu.memory_space<vmem_shared>>
      tpu.enqueue_dma source(%arg5 : memref<224x128xf32, #tpu.memory_space<hbm>>) target(%dma_start3A_116 : memref<224x128xf32, #tpu.memory_space<vmem_shared>>) target_semaphore(%run_scoped3A_114 : memref<!tpu.dma_semaphore, #tpu.memory_space<semaphore_mem>>)
      %dma_wait3A = arith.constant 0 : i32
      %dma_wait3A_117 = tpu.memref_slice %arg15[%mul3A_77, %dma_wait3A] : memref<3584x128xf32, #tpu.memory_space<vmem_shared>> -> memref<224x128xf32, #tpu.memory_space<vmem_shared>>
      tpu.wait_dma2 semaphore(%run_scoped3A_114 : memref<!tpu.dma_semaphore, #tpu.memory_space<semaphore_mem>>) src(%arg5 : memref<224x128xf32, #tpu.memory_space<hbm>>) dst(%dma_wait3A_117 : memref<224x128xf32, #tpu.memory_space<vmem_shared>>)
      tpu.yield
    }) : () -> ()
    %barrier3A_78 = arith.constant 0 : index
    tpu.barrier barrier_id(%barrier3A_78)
    %dma_start3A_79 = arith.constant 0 : i32
    %dma_start3A_80 = arith.constant 0 : i32
    %dma_start3A_81 = tpu.memref_slice %arg9[%dma_start3A_79, %dma_start3A_80] : memref<80x128xi32, #tpu.memory_space<vmem>> -> memref<1x128xi32, #tpu.memory_space<vmem>>
    %dma_start3A_82 = tpu.memref_squeeze %dma_start3A_81 : memref<1x128xi32, #tpu.memory_space<vmem>> -> memref<128xi32, #tpu.memory_space<vmem>>
    %dma_start3A_83 = arith.constant 0 : i32
    %dma_start3A_84 = arith.constant 0 : i32
    %dma_start3A_85 = tpu.memref_slice %arg2[%dma_start3A_83, %dma_start3A_84] : memref<20000x128xf32, #tpu.memory_space<hbm>> -> memref<20000x128xf32, #tpu.memory_space<hbm>>
    tpu.enqueue_indirect_dma source(%dma_start3A_85 : memref<20000x128xf32, #tpu.memory_space<hbm>>) target(%arg11 : memref<128x128xf32, #tpu.memory_space<vmem>>) offsets(%dma_start3A_82 : memref<128xi32, #tpu.memory_space<vmem>>) semaphore(%arg16 : memref<!tpu.dma_semaphore, #tpu.memory_space<semaphore_mem>>)
    %scan3A_86 = arith.constant 0 : i32
    %scan3A_87 = arith.constant 0 : i32
    %scan3A_88 = arith.constant 40 : i32
    %scan3A_89 = arith.addi %scan3A_87, %scan3A_88 : i32
    %scan3A_90 = arith.constant 1 : i32
    scf.for %scan3A_114 = %scan3A_87 to %scan3A_89 step %scan3A_90  : i32 {
      %mul3A_115 = arith.constant 2 : i32
      %mul3A_116 = arith.muli %mul3A_115, %scan3A_114 : i32
      %add3A = arith.constant 1 : i32
      %add3A_117 = arith.addi %mul3A_116, %add3A : i32
      %dma_start3A_118 = arith.constant 0 : i32
      %dma_start3A_119 = tpu.memref_slice %arg9[%add3A_117, %dma_start3A_118] : memref<80x128xi32, #tpu.memory_space<vmem>> -> memref<1x128xi32, #tpu.memory_space<vmem>>
      %dma_start3A_120 = tpu.memref_squeeze %dma_start3A_119 : memref<1x128xi32, #tpu.memory_space<vmem>> -> memref<128xi32, #tpu.memory_space<vmem>>
      %dma_start3A_121 = arith.constant 0 : i32
      %dma_start3A_122 = arith.constant 0 : i32
      %dma_start3A_123 = tpu.memref_slice %arg2[%dma_start3A_121, %dma_start3A_122] : memref<20000x128xf32, #tpu.memory_space<hbm>> -> memref<20000x128xf32, #tpu.memory_space<hbm>>
      tpu.enqueue_indirect_dma source(%dma_start3A_123 : memref<20000x128xf32, #tpu.memory_space<hbm>>) target(%arg12 : memref<128x128xf32, #tpu.memory_space<vmem>>) offsets(%dma_start3A_120 : memref<128xi32, #tpu.memory_space<vmem>>) semaphore(%arg17 : memref<!tpu.dma_semaphore, #tpu.memory_space<semaphore_mem>>)
      %dma_wait3A = arith.constant 0 : i32
      %dma_wait3A_124 = tpu.memref_slice %arg9[%mul3A_116, %dma_wait3A] : memref<80x128xi32, #tpu.memory_space<vmem>> -> memref<1x128xi32, #tpu.memory_space<vmem>>
      %dma_wait3A_125 = tpu.memref_squeeze %dma_wait3A_124 : memref<1x128xi32, #tpu.memory_space<vmem>> -> memref<128xi32, #tpu.memory_space<vmem>>
      %dma_wait3A_126 = arith.constant 0 : i32
      %dma_wait3A_127 = arith.constant 0 : i32
      %dma_wait3A_128 = tpu.memref_slice %arg2[%dma_wait3A_126, %dma_wait3A_127] : memref<20000x128xf32, #tpu.memory_space<hbm>> -> memref<20000x128xf32, #tpu.memory_space<hbm>>
      tpu.wait_indirect_dma semaphore(%arg16 : memref<!tpu.dma_semaphore, #tpu.memory_space<semaphore_mem>>) src(%dma_wait3A_128 : memref<20000x128xf32, #tpu.memory_space<hbm>>) dst(%arg11 : memref<128x128xf32, #tpu.memory_space<vmem>>)
      "tpu.region"() ({
        %run_scoped3A_155 = tpu.sem_alloc : memref<!tpu.dma_semaphore, #tpu.memory_space<semaphore_mem>>
        %dma_start3A_156 = arith.constant 0 : i32
        %dma_start3A_157 = tpu.memref_slice %arg10[%mul3A_116, %dma_start3A_156] : memref<80x128xi32, #tpu.memory_space<vmem>> -> memref<1x128xi32, #tpu.memory_space<vmem>>
        %dma_start3A_158 = tpu.memref_squeeze %dma_start3A_157 : memref<1x128xi32, #tpu.memory_space<vmem>> -> memref<128xi32, #tpu.memory_space<vmem>>
        %dma_start3A_159 = arith.constant 0 : i32
        %dma_start3A_160 = arith.constant 0 : i32
        %dma_start3A_161 = tpu.memref_slice %arg14[%dma_start3A_159, %dma_start3A_160] : memref<3584x128xf32, #tpu.memory_space<vmem_shared>> -> memref<3584x128xf32, #tpu.memory_space<vmem_shared>>
        tpu.enqueue_indirect_dma source(%arg11 : memref<128x128xf32, #tpu.memory_space<vmem>>) target(%dma_start3A_161 : memref<3584x128xf32, #tpu.memory_space<vmem_shared>>) offsets(%dma_start3A_158 : memref<128xi32, #tpu.memory_space<vmem>>) semaphore(%run_scoped3A_155 : memref<!tpu.dma_semaphore, #tpu.memory_space<semaphore_mem>>) {add = true}
        %dma_wait3A_162 = arith.constant 0 : i32
        %dma_wait3A_163 = tpu.memref_slice %arg10[%mul3A_116, %dma_wait3A_162] : memref<80x128xi32, #tpu.memory_space<vmem>> -> memref<1x128xi32, #tpu.memory_space<vmem>>
        %dma_wait3A_164 = tpu.memref_squeeze %dma_wait3A_163 : memref<1x128xi32, #tpu.memory_space<vmem>> -> memref<128xi32, #tpu.memory_space<vmem>>
        %dma_wait3A_165 = arith.constant 0 : i32
        %dma_wait3A_166 = arith.constant 0 : i32
        %dma_wait3A_167 = tpu.memref_slice %arg14[%dma_wait3A_165, %dma_wait3A_166] : memref<3584x128xf32, #tpu.memory_space<vmem_shared>> -> memref<3584x128xf32, #tpu.memory_space<vmem_shared>>
        tpu.wait_indirect_dma semaphore(%run_scoped3A_155 : memref<!tpu.dma_semaphore, #tpu.memory_space<semaphore_mem>>) src(%arg11 : memref<128x128xf32, #tpu.memory_space<vmem>>) dst(%dma_wait3A_167 : memref<3584x128xf32, #tpu.memory_space<vmem_shared>>)
        tpu.yield
      }) : () -> ()
      %rem3A = arith.constant 2 : i32
      %rem3A_129 = arith.remsi %mul3A_116, %rem3A : i32
      %eq3A_130 = arith.cmpi eq, %arg0, %rem3A_129 : i32
      %convert_element_type3A_131 = arith.extui %eq3A_130 : i1 to i32
      %cond3A_132 = arith.constant 0 : i32
      %cond3A_133 = arith.cmpi ne, %convert_element_type3A_131, %cond3A_132 : i32
      scf.if %cond3A_133 {
        "tpu.region"() ({
          %run_scoped3A_155 = tpu.sem_alloc : memref<!tpu.dma_semaphore, #tpu.memory_space<semaphore_mem>>
          %dma_start3A_156 = arith.constant 0 : i32
          %dma_start3A_157 = tpu.memref_slice %arg10[%mul3A_116, %dma_start3A_156] : memref<80x128xi32, #tpu.memory_space<vmem>> -> memref<1x128xi32, #tpu.memory_space<vmem>>
          %dma_start3A_158 = tpu.memref_squeeze %dma_start3A_157 : memref<1x128xi32, #tpu.memory_space<vmem>> -> memref<128xi32, #tpu.memory_space<vmem>>
          %dma_start3A_159 = arith.constant 0 : i32
          %dma_start3A_160 = arith.constant 0 : i32
          %dma_start3A_161 = tpu.memref_slice %arg15[%dma_start3A_159, %dma_start3A_160] : memref<3584x128xf32, #tpu.memory_space<vmem_shared>> -> memref<3584x128xf32, #tpu.memory_space<vmem_shared>>
          tpu.enqueue_indirect_dma source(%arg13 : memref<128x128xf32, #tpu.memory_space<vmem>>) target(%dma_start3A_161 : memref<3584x128xf32, #tpu.memory_space<vmem_shared>>) offsets(%dma_start3A_158 : memref<128xi32, #tpu.memory_space<vmem>>) semaphore(%run_scoped3A_155 : memref<!tpu.dma_semaphore, #tpu.memory_space<semaphore_mem>>) {add = true}
          %dma_wait3A_162 = arith.constant 0 : i32
          %dma_wait3A_163 = tpu.memref_slice %arg10[%mul3A_116, %dma_wait3A_162] : memref<80x128xi32, #tpu.memory_space<vmem>> -> memref<1x128xi32, #tpu.memory_space<vmem>>
          %dma_wait3A_164 = tpu.memref_squeeze %dma_wait3A_163 : memref<1x128xi32, #tpu.memory_space<vmem>> -> memref<128xi32, #tpu.memory_space<vmem>>
          %dma_wait3A_165 = arith.constant 0 : i32
          %dma_wait3A_166 = arith.constant 0 : i32
          %dma_wait3A_167 = tpu.memref_slice %arg15[%dma_wait3A_165, %dma_wait3A_166] : memref<3584x128xf32, #tpu.memory_space<vmem_shared>> -> memref<3584x128xf32, #tpu.memory_space<vmem_shared>>
          tpu.wait_indirect_dma semaphore(%run_scoped3A_155 : memref<!tpu.dma_semaphore, #tpu.memory_space<semaphore_mem>>) src(%arg13 : memref<128x128xf32, #tpu.memory_space<vmem>>) dst(%dma_wait3A_167 : memref<3584x128xf32, #tpu.memory_space<vmem_shared>>)
          tpu.yield
        }) : () -> ()
      } else {
      }
      %lt3A_134 = arith.constant 39 : i32
      %lt3A_135 = arith.cmpi slt, %scan3A_114, %lt3A_134 : i32
      %convert_element_type3A_136 = arith.extui %lt3A_135 : i1 to i32
      %cond3A_137 = arith.constant 0 : i32
      %cond3A_138 = arith.cmpi ne, %convert_element_type3A_136, %cond3A_137 : i32
      scf.if %cond3A_138 {
        %add3A_155 = arith.constant 2 : i32
        %add3A_156 = arith.addi %mul3A_116, %add3A_155 : i32
        %dma_start3A_157 = arith.constant 0 : i32
        %dma_start3A_158 = tpu.memref_slice %arg9[%add3A_156, %dma_start3A_157] : memref<80x128xi32, #tpu.memory_space<vmem>> -> memref<1x128xi32, #tpu.memory_space<vmem>>
        %dma_start3A_159 = tpu.memref_squeeze %dma_start3A_158 : memref<1x128xi32, #tpu.memory_space<vmem>> -> memref<128xi32, #tpu.memory_space<vmem>>
        %dma_start3A_160 = arith.constant 0 : i32
        %dma_start3A_161 = arith.constant 0 : i32
        %dma_start3A_162 = tpu.memref_slice %arg2[%dma_start3A_160, %dma_start3A_161] : memref<20000x128xf32, #tpu.memory_space<hbm>> -> memref<20000x128xf32, #tpu.memory_space<hbm>>
        tpu.enqueue_indirect_dma source(%dma_start3A_162 : memref<20000x128xf32, #tpu.memory_space<hbm>>) target(%arg11 : memref<128x128xf32, #tpu.memory_space<vmem>>) offsets(%dma_start3A_159 : memref<128xi32, #tpu.memory_space<vmem>>) semaphore(%arg16 : memref<!tpu.dma_semaphore, #tpu.memory_space<semaphore_mem>>)
      } else {
      }
      %add3A_139 = arith.constant 1 : i32
      %add3A_140 = arith.addi %mul3A_116, %add3A_139 : i32
      %dma_wait3A_141 = arith.constant 0 : i32
      %dma_wait3A_142 = tpu.memref_slice %arg9[%add3A_140, %dma_wait3A_141] : memref<80x128xi32, #tpu.memory_space<vmem>> -> memref<1x128xi32, #tpu.memory_space<vmem>>
      %dma_wait3A_143 = tpu.memref_squeeze %dma_wait3A_142 : memref<1x128xi32, #tpu.memory_space<vmem>> -> memref<128xi32, #tpu.memory_space<vmem>>
      %dma_wait3A_144 = arith.constant 0 : i32
      %dma_wait3A_145 = arith.constant 0 : i32
      %dma_wait3A_146 = tpu.memref_slice %arg2[%dma_wait3A_144, %dma_wait3A_145] : memref<20000x128xf32, #tpu.memory_space<hbm>> -> memref<20000x128xf32, #tpu.memory_space<hbm>>
      tpu.wait_indirect_dma semaphore(%arg17 : memref<!tpu.dma_semaphore, #tpu.memory_space<semaphore_mem>>) src(%dma_wait3A_146 : memref<20000x128xf32, #tpu.memory_space<hbm>>) dst(%arg12 : memref<128x128xf32, #tpu.memory_space<vmem>>)
      %add3A_147 = arith.constant 1 : i32
      %add3A_148 = arith.addi %mul3A_116, %add3A_147 : i32
      "tpu.region"() ({
        %run_scoped3A_155 = tpu.sem_alloc : memref<!tpu.dma_semaphore, #tpu.memory_space<semaphore_mem>>
        %dma_start3A_156 = arith.constant 0 : i32
        %dma_start3A_157 = tpu.memref_slice %arg10[%add3A_148, %dma_start3A_156] : memref<80x128xi32, #tpu.memory_space<vmem>> -> memref<1x128xi32, #tpu.memory_space<vmem>>
        %dma_start3A_158 = tpu.memref_squeeze %dma_start3A_157 : memref<1x128xi32, #tpu.memory_space<vmem>> -> memref<128xi32, #tpu.memory_space<vmem>>
        %dma_start3A_159 = arith.constant 0 : i32
        %dma_start3A_160 = arith.constant 0 : i32
        %dma_start3A_161 = tpu.memref_slice %arg14[%dma_start3A_159, %dma_start3A_160] : memref<3584x128xf32, #tpu.memory_space<vmem_shared>> -> memref<3584x128xf32, #tpu.memory_space<vmem_shared>>
        tpu.enqueue_indirect_dma source(%arg12 : memref<128x128xf32, #tpu.memory_space<vmem>>) target(%dma_start3A_161 : memref<3584x128xf32, #tpu.memory_space<vmem_shared>>) offsets(%dma_start3A_158 : memref<128xi32, #tpu.memory_space<vmem>>) semaphore(%run_scoped3A_155 : memref<!tpu.dma_semaphore, #tpu.memory_space<semaphore_mem>>) {add = true}
        %dma_wait3A_162 = arith.constant 0 : i32
        %dma_wait3A_163 = tpu.memref_slice %arg10[%add3A_148, %dma_wait3A_162] : memref<80x128xi32, #tpu.memory_space<vmem>> -> memref<1x128xi32, #tpu.memory_space<vmem>>
        %dma_wait3A_164 = tpu.memref_squeeze %dma_wait3A_163 : memref<1x128xi32, #tpu.memory_space<vmem>> -> memref<128xi32, #tpu.memory_space<vmem>>
        %dma_wait3A_165 = arith.constant 0 : i32
        %dma_wait3A_166 = arith.constant 0 : i32
        %dma_wait3A_167 = tpu.memref_slice %arg14[%dma_wait3A_165, %dma_wait3A_166] : memref<3584x128xf32, #tpu.memory_space<vmem_shared>> -> memref<3584x128xf32, #tpu.memory_space<vmem_shared>>
        tpu.wait_indirect_dma semaphore(%run_scoped3A_155 : memref<!tpu.dma_semaphore, #tpu.memory_space<semaphore_mem>>) src(%arg12 : memref<128x128xf32, #tpu.memory_space<vmem>>) dst(%dma_wait3A_167 : memref<3584x128xf32, #tpu.memory_space<vmem_shared>>)
        tpu.yield
      }) : () -> ()
      %rem3A_149 = arith.constant 2 : i32
      %rem3A_150 = arith.remsi %add3A_148, %rem3A_149 : i32
      %eq3A_151 = arith.cmpi eq, %arg0, %rem3A_150 : i32
      %convert_element_type3A_152 = arith.extui %eq3A_151 : i1 to i32
      %cond3A_153 = arith.constant 0 : i32
      %cond3A_154 = arith.cmpi ne, %convert_element_type3A_152, %cond3A_153 : i32
      scf.if %cond3A_154 {
        "tpu.region"() ({
          %run_scoped3A_155 = tpu.sem_alloc : memref<!tpu.dma_semaphore, #tpu.memory_space<semaphore_mem>>
          %dma_start3A_156 = arith.constant 0 : i32
          %dma_start3A_157 = tpu.memref_slice %arg10[%add3A_148, %dma_start3A_156] : memref<80x128xi32, #tpu.memory_space<vmem>> -> memref<1x128xi32, #tpu.memory_space<vmem>>
          %dma_start3A_158 = tpu.memref_squeeze %dma_start3A_157 : memref<1x128xi32, #tpu.memory_space<vmem>> -> memref<128xi32, #tpu.memory_space<vmem>>
          %dma_start3A_159 = arith.constant 0 : i32
          %dma_start3A_160 = arith.constant 0 : i32
          %dma_start3A_161 = tpu.memref_slice %arg15[%dma_start3A_159, %dma_start3A_160] : memref<3584x128xf32, #tpu.memory_space<vmem_shared>> -> memref<3584x128xf32, #tpu.memory_space<vmem_shared>>
          tpu.enqueue_indirect_dma source(%arg13 : memref<128x128xf32, #tpu.memory_space<vmem>>) target(%dma_start3A_161 : memref<3584x128xf32, #tpu.memory_space<vmem_shared>>) offsets(%dma_start3A_158 : memref<128xi32, #tpu.memory_space<vmem>>) semaphore(%run_scoped3A_155 : memref<!tpu.dma_semaphore, #tpu.memory_space<semaphore_mem>>) {add = true}
          %dma_wait3A_162 = arith.constant 0 : i32
          %dma_wait3A_163 = tpu.memref_slice %arg10[%add3A_148, %dma_wait3A_162] : memref<80x128xi32, #tpu.memory_space<vmem>> -> memref<1x128xi32, #tpu.memory_space<vmem>>
          %dma_wait3A_164 = tpu.memref_squeeze %dma_wait3A_163 : memref<1x128xi32, #tpu.memory_space<vmem>> -> memref<128xi32, #tpu.memory_space<vmem>>
          %dma_wait3A_165 = arith.constant 0 : i32
          %dma_wait3A_166 = arith.constant 0 : i32
          %dma_wait3A_167 = tpu.memref_slice %arg15[%dma_wait3A_165, %dma_wait3A_166] : memref<3584x128xf32, #tpu.memory_space<vmem_shared>> -> memref<3584x128xf32, #tpu.memory_space<vmem_shared>>
          tpu.wait_indirect_dma semaphore(%run_scoped3A_155 : memref<!tpu.dma_semaphore, #tpu.memory_space<semaphore_mem>>) src(%arg13 : memref<128x128xf32, #tpu.memory_space<vmem>>) dst(%dma_wait3A_167 : memref<3584x128xf32, #tpu.memory_space<vmem_shared>>)
          tpu.yield
        }) : () -> ()
      } else {
      }
    }
    %scan3A_91 = arith.constant 40 : i32
    %barrier3A_92 = arith.constant 0 : index
    tpu.barrier barrier_id(%barrier3A_92)
    %lt3A_93 = arith.constant 13 : i32
    %lt3A_94 = arith.cmpi slt, %arg1, %lt3A_93 : i32
    %convert_element_type3A_95 = arith.extui %lt3A_94 : i1 to i32
    %cond3A_96 = arith.constant 0 : i32
    %cond3A_97 = arith.cmpi ne, %convert_element_type3A_95, %cond3A_96 : i32
    scf.if %cond3A_97 {
      %mul3A_114 = arith.constant 224 : i32
      %mul3A_115 = arith.muli %arg1, %mul3A_114 : i32
      %mul3A_116 = arith.constant 224 : i32
      %mul3A_117 = arith.muli %arg1, %mul3A_116 : i32
      %add3A = arith.constant 6912 : i32
      %add3A_118 = arith.addi %add3A, %mul3A_117 : i32
      "tpu.region"() ({
        %run_scoped3A_119 = tpu.sem_alloc : memref<!tpu.dma_semaphore, #tpu.memory_space<semaphore_mem>>
        %dma_start3A_120 = arith.constant 0 : i32
        %dma_start3A_121 = arith.constant 0 : i32
        %dma_start3A_122 = tpu.memref_slice %arg7[%arg0, %dma_start3A_120, %dma_start3A_121] : memref<2x10000x128xf32, #tpu.memory_space<hbm>> -> memref<1x10000x128xf32, #tpu.memory_space<hbm>>
        %dma_start3A_123 = tpu.memref_squeeze %dma_start3A_122 : memref<1x10000x128xf32, #tpu.memory_space<hbm>> -> memref<10000x128xf32, #tpu.memory_space<hbm>>
        %dma_start3A_124 = arith.constant 0 : i32
        %dma_start3A_125 = tpu.memref_slice %dma_start3A_123[%add3A_118, %dma_start3A_124] : memref<10000x128xf32, #tpu.memory_space<hbm>> -> memref<224x128xf32, #tpu.memory_space<hbm>>
        %dma_start3A_126 = arith.constant 0 : i32
        %dma_start3A_127 = tpu.memref_slice %arg14[%mul3A_115, %dma_start3A_126] : memref<3584x128xf32, #tpu.memory_space<vmem_shared>> -> memref<224x128xf32, #tpu.memory_space<vmem_shared>>
        tpu.enqueue_dma source(%dma_start3A_127 : memref<224x128xf32, #tpu.memory_space<vmem_shared>>) target(%dma_start3A_125 : memref<224x128xf32, #tpu.memory_space<hbm>>) target_semaphore(%run_scoped3A_119 : memref<!tpu.dma_semaphore, #tpu.memory_space<semaphore_mem>>)
        %dma_wait3A = arith.constant 0 : i32
        %dma_wait3A_128 = arith.constant 0 : i32
        %dma_wait3A_129 = tpu.memref_slice %arg7[%arg0, %dma_wait3A, %dma_wait3A_128] : memref<2x10000x128xf32, #tpu.memory_space<hbm>> -> memref<1x10000x128xf32, #tpu.memory_space<hbm>>
        %dma_wait3A_130 = tpu.memref_squeeze %dma_wait3A_129 : memref<1x10000x128xf32, #tpu.memory_space<hbm>> -> memref<10000x128xf32, #tpu.memory_space<hbm>>
        %dma_wait3A_131 = arith.constant 0 : i32
        %dma_wait3A_132 = tpu.memref_slice %dma_wait3A_130[%add3A_118, %dma_wait3A_131] : memref<10000x128xf32, #tpu.memory_space<hbm>> -> memref<224x128xf32, #tpu.memory_space<hbm>>
        %dma_wait3A_133 = arith.constant 0 : i32
        %dma_wait3A_134 = tpu.memref_slice %arg14[%mul3A_115, %dma_wait3A_133] : memref<3584x128xf32, #tpu.memory_space<vmem_shared>> -> memref<224x128xf32, #tpu.memory_space<vmem_shared>>
        tpu.wait_dma2 semaphore(%run_scoped3A_119 : memref<!tpu.dma_semaphore, #tpu.memory_space<semaphore_mem>>) src(%dma_wait3A_134 : memref<224x128xf32, #tpu.memory_space<vmem_shared>>) dst(%dma_wait3A_132 : memref<224x128xf32, #tpu.memory_space<hbm>>)
        tpu.yield
      }) : () -> ()
    } else {
    }
    %eq3A_98 = arith.constant 13 : i32
    %eq3A_99 = arith.cmpi eq, %arg1, %eq3A_98 : i32
    %convert_element_type3A_100 = arith.extui %eq3A_99 : i1 to i32
    %cond3A_101 = arith.constant 0 : i32
    %cond3A_102 = arith.cmpi ne, %convert_element_type3A_100, %cond3A_101 : i32
    scf.if %cond3A_102 {
      "tpu.region"() ({
        %run_scoped3A_114 = tpu.sem_alloc : memref<!tpu.dma_semaphore, #tpu.memory_space<semaphore_mem>>
        %dma_start3A_115 = arith.constant 0 : i32
        %dma_start3A_116 = arith.constant 0 : i32
        %dma_start3A_117 = tpu.memref_slice %arg7[%arg0, %dma_start3A_115, %dma_start3A_116] : memref<2x10000x128xf32, #tpu.memory_space<hbm>> -> memref<1x10000x128xf32, #tpu.memory_space<hbm>>
        %dma_start3A_118 = tpu.memref_squeeze %dma_start3A_117 : memref<1x10000x128xf32, #tpu.memory_space<hbm>> -> memref<10000x128xf32, #tpu.memory_space<hbm>>
        %dma_start3A_119 = arith.constant 9824 : i32
        %dma_start3A_120 = arith.constant 0 : i32
        %dma_start3A_121 = tpu.memref_slice %dma_start3A_118[%dma_start3A_119, %dma_start3A_120] : memref<10000x128xf32, #tpu.memory_space<hbm>> -> memref<176x128xf32, #tpu.memory_space<hbm>>
        %dma_start3A_122 = arith.constant 2912 : i32
        %dma_start3A_123 = arith.constant 0 : i32
        %dma_start3A_124 = tpu.memref_slice %arg14[%dma_start3A_122, %dma_start3A_123] : memref<3584x128xf32, #tpu.memory_space<vmem_shared>> -> memref<176x128xf32, #tpu.memory_space<vmem_shared>>
        tpu.enqueue_dma source(%dma_start3A_124 : memref<176x128xf32, #tpu.memory_space<vmem_shared>>) target(%dma_start3A_121 : memref<176x128xf32, #tpu.memory_space<hbm>>) target_semaphore(%run_scoped3A_114 : memref<!tpu.dma_semaphore, #tpu.memory_space<semaphore_mem>>)
        %dma_wait3A = arith.constant 0 : i32
        %dma_wait3A_125 = arith.constant 0 : i32
        %dma_wait3A_126 = tpu.memref_slice %arg7[%arg0, %dma_wait3A, %dma_wait3A_125] : memref<2x10000x128xf32, #tpu.memory_space<hbm>> -> memref<1x10000x128xf32, #tpu.memory_space<hbm>>
        %dma_wait3A_127 = tpu.memref_squeeze %dma_wait3A_126 : memref<1x10000x128xf32, #tpu.memory_space<hbm>> -> memref<10000x128xf32, #tpu.memory_space<hbm>>
        %dma_wait3A_128 = arith.constant 9824 : i32
        %dma_wait3A_129 = arith.constant 0 : i32
        %dma_wait3A_130 = tpu.memref_slice %dma_wait3A_127[%dma_wait3A_128, %dma_wait3A_129] : memref<10000x128xf32, #tpu.memory_space<hbm>> -> memref<176x128xf32, #tpu.memory_space<hbm>>
        %dma_wait3A_131 = arith.constant 2912 : i32
        %dma_wait3A_132 = arith.constant 0 : i32
        %dma_wait3A_133 = tpu.memref_slice %arg14[%dma_wait3A_131, %dma_wait3A_132] : memref<3584x128xf32, #tpu.memory_space<vmem_shared>> -> memref<176x128xf32, #tpu.memory_space<vmem_shared>>
        tpu.wait_dma2 semaphore(%run_scoped3A_114 : memref<!tpu.dma_semaphore, #tpu.memory_space<semaphore_mem>>) src(%dma_wait3A_133 : memref<176x128xf32, #tpu.memory_space<vmem_shared>>) dst(%dma_wait3A_130 : memref<176x128xf32, #tpu.memory_space<hbm>>)
        tpu.yield
      }) : () -> ()
    } else {
    }
    %lt3A_103 = arith.constant 13 : i32
    %lt3A_104 = arith.cmpi slt, %arg1, %lt3A_103 : i32
    %convert_element_type3A_105 = arith.extui %lt3A_104 : i1 to i32
    %cond3A_106 = arith.constant 0 : i32
    %cond3A_107 = arith.cmpi ne, %convert_element_type3A_105, %cond3A_106 : i32
    scf.if %cond3A_107 {
      %mul3A_114 = arith.constant 224 : i32
      %mul3A_115 = arith.muli %arg1, %mul3A_114 : i32
      %mul3A_116 = arith.constant 224 : i32
      %mul3A_117 = arith.muli %arg1, %mul3A_116 : i32
      %add3A = arith.constant 6912 : i32
      %add3A_118 = arith.addi %add3A, %mul3A_117 : i32
      "tpu.region"() ({
        %run_scoped3A_119 = tpu.sem_alloc : memref<!tpu.dma_semaphore, #tpu.memory_space<semaphore_mem>>
        %dma_start3A_120 = arith.constant 0 : i32
        %dma_start3A_121 = arith.constant 0 : i32
        %dma_start3A_122 = tpu.memref_slice %arg8[%arg0, %dma_start3A_120, %dma_start3A_121] : memref<2x10000x128xf32, #tpu.memory_space<hbm>> -> memref<1x10000x128xf32, #tpu.memory_space<hbm>>
        %dma_start3A_123 = tpu.memref_squeeze %dma_start3A_122 : memref<1x10000x128xf32, #tpu.memory_space<hbm>> -> memref<10000x128xf32, #tpu.memory_space<hbm>>
        %dma_start3A_124 = arith.constant 0 : i32
        %dma_start3A_125 = tpu.memref_slice %dma_start3A_123[%add3A_118, %dma_start3A_124] : memref<10000x128xf32, #tpu.memory_space<hbm>> -> memref<224x128xf32, #tpu.memory_space<hbm>>
        %dma_start3A_126 = arith.constant 0 : i32
        %dma_start3A_127 = tpu.memref_slice %arg15[%mul3A_115, %dma_start3A_126] : memref<3584x128xf32, #tpu.memory_space<vmem_shared>> -> memref<224x128xf32, #tpu.memory_space<vmem_shared>>
        tpu.enqueue_dma source(%dma_start3A_127 : memref<224x128xf32, #tpu.memory_space<vmem_shared>>) target(%dma_start3A_125 : memref<224x128xf32, #tpu.memory_space<hbm>>) target_semaphore(%run_scoped3A_119 : memref<!tpu.dma_semaphore, #tpu.memory_space<semaphore_mem>>)
        %dma_wait3A = arith.constant 0 : i32
        %dma_wait3A_128 = arith.constant 0 : i32
        %dma_wait3A_129 = tpu.memref_slice %arg8[%arg0, %dma_wait3A, %dma_wait3A_128] : memref<2x10000x128xf32, #tpu.memory_space<hbm>> -> memref<1x10000x128xf32, #tpu.memory_space<hbm>>
        %dma_wait3A_130 = tpu.memref_squeeze %dma_wait3A_129 : memref<1x10000x128xf32, #tpu.memory_space<hbm>> -> memref<10000x128xf32, #tpu.memory_space<hbm>>
        %dma_wait3A_131 = arith.constant 0 : i32
        %dma_wait3A_132 = tpu.memref_slice %dma_wait3A_130[%add3A_118, %dma_wait3A_131] : memref<10000x128xf32, #tpu.memory_space<hbm>> -> memref<224x128xf32, #tpu.memory_space<hbm>>
        %dma_wait3A_133 = arith.constant 0 : i32
        %dma_wait3A_134 = tpu.memref_slice %arg15[%mul3A_115, %dma_wait3A_133] : memref<3584x128xf32, #tpu.memory_space<vmem_shared>> -> memref<224x128xf32, #tpu.memory_space<vmem_shared>>
        tpu.wait_dma2 semaphore(%run_scoped3A_119 : memref<!tpu.dma_semaphore, #tpu.memory_space<semaphore_mem>>) src(%dma_wait3A_134 : memref<224x128xf32, #tpu.memory_space<vmem_shared>>) dst(%dma_wait3A_132 : memref<224x128xf32, #tpu.memory_space<hbm>>)
        tpu.yield
      }) : () -> ()
    } else {
    }
    %eq3A_108 = arith.constant 13 : i32
    %eq3A_109 = arith.cmpi eq, %arg1, %eq3A_108 : i32
    %convert_element_type3A_110 = arith.extui %eq3A_109 : i1 to i32
    %cond3A_111 = arith.constant 0 : i32
    %cond3A_112 = arith.cmpi ne, %convert_element_type3A_110, %cond3A_111 : i32
    scf.if %cond3A_112 {
      "tpu.region"() ({
        %run_scoped3A_114 = tpu.sem_alloc : memref<!tpu.dma_semaphore, #tpu.memory_space<semaphore_mem>>
        %dma_start3A_115 = arith.constant 0 : i32
        %dma_start3A_116 = arith.constant 0 : i32
        %dma_start3A_117 = tpu.memref_slice %arg8[%arg0, %dma_start3A_115, %dma_start3A_116] : memref<2x10000x128xf32, #tpu.memory_space<hbm>> -> memref<1x10000x128xf32, #tpu.memory_space<hbm>>
        %dma_start3A_118 = tpu.memref_squeeze %dma_start3A_117 : memref<1x10000x128xf32, #tpu.memory_space<hbm>> -> memref<10000x128xf32, #tpu.memory_space<hbm>>
        %dma_start3A_119 = arith.constant 9824 : i32
        %dma_start3A_120 = arith.constant 0 : i32
        %dma_start3A_121 = tpu.memref_slice %dma_start3A_118[%dma_start3A_119, %dma_start3A_120] : memref<10000x128xf32, #tpu.memory_space<hbm>> -> memref<176x128xf32, #tpu.memory_space<hbm>>
        %dma_start3A_122 = arith.constant 2912 : i32
        %dma_start3A_123 = arith.constant 0 : i32
        %dma_start3A_124 = tpu.memref_slice %arg15[%dma_start3A_122, %dma_start3A_123] : memref<3584x128xf32, #tpu.memory_space<vmem_shared>> -> memref<176x128xf32, #tpu.memory_space<vmem_shared>>
        tpu.enqueue_dma source(%dma_start3A_124 : memref<176x128xf32, #tpu.memory_space<vmem_shared>>) target(%dma_start3A_121 : memref<176x128xf32, #tpu.memory_space<hbm>>) target_semaphore(%run_scoped3A_114 : memref<!tpu.dma_semaphore, #tpu.memory_space<semaphore_mem>>)
        %dma_wait3A = arith.constant 0 : i32
        %dma_wait3A_125 = arith.constant 0 : i32
        %dma_wait3A_126 = tpu.memref_slice %arg8[%arg0, %dma_wait3A, %dma_wait3A_125] : memref<2x10000x128xf32, #tpu.memory_space<hbm>> -> memref<1x10000x128xf32, #tpu.memory_space<hbm>>
        %dma_wait3A_127 = tpu.memref_squeeze %dma_wait3A_126 : memref<1x10000x128xf32, #tpu.memory_space<hbm>> -> memref<10000x128xf32, #tpu.memory_space<hbm>>
        %dma_wait3A_128 = arith.constant 9824 : i32
        %dma_wait3A_129 = arith.constant 0 : i32
        %dma_wait3A_130 = tpu.memref_slice %dma_wait3A_127[%dma_wait3A_128, %dma_wait3A_129] : memref<10000x128xf32, #tpu.memory_space<hbm>> -> memref<176x128xf32, #tpu.memory_space<hbm>>
        %dma_wait3A_131 = arith.constant 2912 : i32
        %dma_wait3A_132 = arith.constant 0 : i32
        %dma_wait3A_133 = tpu.memref_slice %arg15[%dma_wait3A_131, %dma_wait3A_132] : memref<3584x128xf32, #tpu.memory_space<vmem_shared>> -> memref<176x128xf32, #tpu.memory_space<vmem_shared>>
        tpu.wait_dma2 semaphore(%run_scoped3A_114 : memref<!tpu.dma_semaphore, #tpu.memory_space<semaphore_mem>>) src(%dma_wait3A_133 : memref<176x128xf32, #tpu.memory_space<vmem_shared>>) dst(%dma_wait3A_130 : memref<176x128xf32, #tpu.memory_space<hbm>>)
        tpu.yield
      }) : () -> ()
    } else {
    }
    %barrier3A_113 = arith.constant 0 : index
    tpu.barrier barrier_id(%barrier3A_113)
    return
  }
}

module attributes {stable_mosaic.version = 14 : i64} {
  func.func @_split_body(%arg0: i32, %arg1: memref<2000x256xf32, #tpu.memory_space<vmem>>, %arg2: memref<2x2000x128xf32, #tpu.memory_space<vmem>>) attributes {dimension_semantics = [#tpu.dimension_semantics<arbitrary>], iteration_bounds = array<i64: 5>, scalar_prefetch = 0 : i64, scratch_operands = 0 : i64, tpu.core_type = #tpu.core_type<tc>, window_params = [{transform_indices = @transform_0, window_bounds = array<i64: 2000, 256>}, {transform_indices = @transform_1, window_bounds = array<i64: 2, 2000, 128>}]} {
    %get3A = arith.constant 0 : index
    %get3A_0 = arith.constant 0 : index
    %get3A_1 = vector.load %arg1[%get3A, %get3A_0] : memref<2000x256xf32, #tpu.memory_space<vmem>>, vector<2000x128xf32>
    %swap3A = arith.constant 0 : index
    %swap3A_2 = arith.constant 0 : index
    %swap3A_3 = arith.constant 0 : index
    %swap3A_4 = vector.load %arg2[%swap3A, %swap3A_2, %swap3A_3] : memref<2x2000x128xf32, #tpu.memory_space<vmem>>, vector<1x2000x128xf32>
    %swap3A_5 = vector.shape_cast %swap3A_4 : vector<1x2000x128xf32> to vector<2000x128xf32>
    %swap3A_6 = vector.shape_cast %get3A_1 : vector<2000x128xf32> to vector<1x2000x128xf32>
    tpu.vector_store %arg2[%swap3A, %swap3A_2, %swap3A_3], %swap3A_6 {strides = array<i32>} : memref<2x2000x128xf32, #tpu.memory_space<vmem>>, vector<1x2000x128xf32>,
    %get3A_7 = arith.constant 0 : index
    %get3A_8 = arith.constant 128 : index
    %get3A_9 = vector.load %arg1[%get3A_7, %get3A_8] : memref<2000x256xf32, #tpu.memory_space<vmem>>, vector<2000x128xf32>
    %swap3A_10 = arith.constant 1 : index
    %swap3A_11 = arith.constant 0 : index
    %swap3A_12 = arith.constant 0 : index
    %swap3A_13 = vector.load %arg2[%swap3A_10, %swap3A_11, %swap3A_12] : memref<2x2000x128xf32, #tpu.memory_space<vmem>>, vector<1x2000x128xf32>
    %swap3A_14 = vector.shape_cast %swap3A_13 : vector<1x2000x128xf32> to vector<2000x128xf32>
    %swap3A_15 = vector.shape_cast %get3A_9 : vector<2000x128xf32> to vector<1x2000x128xf32>
    tpu.vector_store %arg2[%swap3A_10, %swap3A_11, %swap3A_12], %swap3A_15 {strides = array<i32>} : memref<2x2000x128xf32, #tpu.memory_space<vmem>>, vector<1x2000x128xf32>,
    return
  }
  func.func @transform_0(%arg0: i32) -> (i32, i32) {
    %c0_i32 = arith.constant 0 : i32
    %c0_i32_0 = arith.constant 0 : i32
    return %arg0, %c0_i32 : i32, i32
  }
  func.func @transform_1(%arg0: i32) -> (i32, i32, i32) {
    %c0_i32 = arith.constant 0 : i32
    %c0_i32_0 = arith.constant 0 : i32
    %c0_i32_1 = arith.constant 0 : i32
    return %c0_i32, %arg0, %c0_i32_0 : i32, i32, i32
  }
}

module attributes {stable_mosaic.version = 14 : i64} {
  func.func @_prep_edges_body(%arg0: i32, %arg1: memref<2x160000xi32, #tpu.memory_space<vmem>>, %arg2: memref<2x163840xi32, #tpu.memory_space<vmem>>, %arg3: memref<3x163840xi32, #tpu.memory_space<vmem>>, %arg4: memref<2x163840xi32, #tpu.memory_space<vmem>>, %arg5: memref<1x163840xi32, #tpu.memory_space<vmem>>, %arg6: memref<1x163840xi32, #tpu.memory_space<vmem>>) attributes {dimension_semantics = [#tpu.dimension_semantics<arbitrary>], iteration_bounds = array<i64: 1>, scalar_prefetch = 0 : i64, scratch_operands = 2 : i64, tpu.core_type = #tpu.core_type<tc>, window_params = [{pipeline_mode = #tpu.pipeline_mode<synchronous>, transform_indices = @transform_0, window_bounds = array<i64: 2, 160000>}, {pipeline_mode = #tpu.pipeline_mode<synchronous>, transform_indices = @transform_1, window_bounds = array<i64: 2, 163840>}, {pipeline_mode = #tpu.pipeline_mode<synchronous>, transform_indices = @transform_2, window_bounds = array<i64: 3, 163840>}, {pipeline_mode = #tpu.pipeline_mode<synchronous>, transform_indices = @transform_3, window_bounds = array<i64: 2, 163840>}]} {
    %get3A = arith.constant 0 : index
    %get3A_0 = arith.constant 0 : index
    %get3A_1 = vector.load %arg1[%get3A, %get3A_0] : memref<2x160000xi32, #tpu.memory_space<vmem>>, vector<1x10000xi32>
    %swap3A = arith.constant 0 : index
    %swap3A_2 = arith.constant 0 : index
    %swap3A_3 = vector.load %arg5[%swap3A, %swap3A_2] : memref<1x163840xi32, #tpu.memory_space<vmem>>, vector<1x10000xi32>
    tpu.vector_store %arg5[%swap3A, %swap3A_2], %get3A_1 {strides = array<i32>} : memref<1x163840xi32, #tpu.memory_space<vmem>>, vector<1x10000xi32>,
    %get3A_4 = arith.constant 1 : index
    %get3A_5 = arith.constant 0 : index
    %get3A_6 = vector.load %arg1[%get3A_4, %get3A_5] : memref<2x160000xi32, #tpu.memory_space<vmem>>, vector<1x10000xi32>
    %swap3A_7 = arith.constant 0 : index
    %swap3A_8 = arith.constant 0 : index
    %swap3A_9 = vector.load %arg6[%swap3A_7, %swap3A_8] : memref<1x163840xi32, #tpu.memory_space<vmem>>, vector<1x10000xi32>
    tpu.vector_store %arg6[%swap3A_7, %swap3A_8], %get3A_6 {strides = array<i32>} : memref<1x163840xi32, #tpu.memory_space<vmem>>, vector<1x10000xi32>,
    %iota3A = tpu.iota {dimensions = array<i32: 1>} : vector<1x240xi32>
    %add3A = arith.constant 0 : i32
    %add3A_10 = vector.broadcast %add3A : i32 to vector<1x240xi32>
    %add3A_11 = arith.addi %iota3A, %add3A_10 : vector<1x240xi32>
    %rem3A = arith.constant 10000 : i32
    %rem3A_12 = vector.broadcast %rem3A : i32 to vector<1x240xi32>
    %rem3A_13 = arith.remsi %add3A_11, %rem3A_12 : vector<1x240xi32>
    %swap3A_14 = arith.constant 0 : index
    %swap3A_15 = arith.constant 10000 : index
    %swap3A_16 = vector.load %arg5[%swap3A_14, %swap3A_15] : memref<1x163840xi32, #tpu.memory_space<vmem>>, vector<1x240xi32>
    tpu.vector_store %arg5[%swap3A_14, %swap3A_15], %rem3A_13 {strides = array<i32>} : memref<1x163840xi32, #tpu.memory_space<vmem>>, vector<1x240xi32>,
    %broadcast_in_dim3A = arith.constant 10000 : i32
    %broadcast_in_dim3A_17 = vector.broadcast %broadcast_in_dim3A : i32 to vector<1x240xi32>
    %swap3A_18 = arith.constant 0 : index
    %swap3A_19 = arith.constant 10000 : index
    %swap3A_20 = vector.load %arg6[%swap3A_18, %swap3A_19] : memref<1x163840xi32, #tpu.memory_space<vmem>>, vector<1x240xi32>
    tpu.vector_store %arg6[%swap3A_18, %swap3A_19], %broadcast_in_dim3A_17 {strides = array<i32>} : memref<1x163840xi32, #tpu.memory_space<vmem>>, vector<1x240xi32>,
    %get3A_21 = arith.constant 0 : index
    %get3A_22 = arith.constant 10000 : index
    %get3A_23 = vector.load %arg1[%get3A_21, %get3A_22] : memref<2x160000xi32, #tpu.memory_space<vmem>>, vector<1x10000xi32>
    %swap3A_24 = arith.constant 0 : index
    %swap3A_25 = arith.constant 10240 : index
    %swap3A_26 = vector.load %arg5[%swap3A_24, %swap3A_25] : memref<1x163840xi32, #tpu.memory_space<vmem>>, vector<1x10000xi32>
    tpu.vector_store %arg5[%swap3A_24, %swap3A_25], %get3A_23 {strides = array<i32>} : memref<1x163840xi32, #tpu.memory_space<vmem>>, vector<1x10000xi32>,
    %get3A_27 = arith.constant 1 : index
    %get3A_28 = arith.constant 10000 : index
    %get3A_29 = vector.load %arg1[%get3A_27, %get3A_28] : memref<2x160000xi32, #tpu.memory_space<vmem>>, vector<1x10000xi32>
    %swap3A_30 = arith.constant 0 : index
    %swap3A_31 = arith.constant 10240 : index
    %swap3A_32 = vector.load %arg6[%swap3A_30, %swap3A_31] : memref<1x163840xi32, #tpu.memory_space<vmem>>, vector<1x10000xi32>
    tpu.vector_store %arg6[%swap3A_30, %swap3A_31], %get3A_29 {strides = array<i32>} : memref<1x163840xi32, #tpu.memory_space<vmem>>, vector<1x10000xi32>,
    %iota3A_33 = tpu.iota {dimensions = array<i32: 1>} : vector<1x240xi32>
    %add3A_34 = arith.constant 240 : i32
    %add3A_35 = vector.broadcast %add3A_34 : i32 to vector<1x240xi32>
    %add3A_36 = arith.addi %iota3A_33, %add3A_35 : vector<1x240xi32>
    %rem3A_37 = arith.constant 10000 : i32
    %rem3A_38 = vector.broadcast %rem3A_37 : i32 to vector<1x240xi32>
    %rem3A_39 = arith.remsi %add3A_36, %rem3A_38 : vector<1x240xi32>
    %swap3A_40 = arith.constant 0 : index
    %swap3A_41 = arith.constant 20240 : index
    %swap3A_42 = vector.load %arg5[%swap3A_40, %swap3A_41] : memref<1x163840xi32, #tpu.memory_space<vmem>>, vector<1x240xi32>
    tpu.vector_store %arg5[%swap3A_40, %swap3A_41], %rem3A_39 {strides = array<i32>} : memref<1x163840xi32, #tpu.memory_space<vmem>>, vector<1x240xi32>,
    %broadcast_in_dim3A_43 = arith.constant 10000 : i32
    %broadcast_in_dim3A_44 = vector.broadcast %broadcast_in_dim3A_43 : i32 to vector<1x240xi32>
    %swap3A_45 = arith.constant 0 : index
    %swap3A_46 = arith.constant 20240 : index
    %swap3A_47 = vector.load %arg6[%swap3A_45, %swap3A_46] : memref<1x163840xi32, #tpu.memory_space<vmem>>, vector<1x240xi32>
    tpu.vector_store %arg6[%swap3A_45, %swap3A_46], %broadcast_in_dim3A_44 {strides = array<i32>} : memref<1x163840xi32, #tpu.memory_space<vmem>>, vector<1x240xi32>,
    %get3A_48 = arith.constant 0 : index
    %get3A_49 = arith.constant 20000 : index
    %get3A_50 = vector.load %arg1[%get3A_48, %get3A_49] : memref<2x160000xi32, #tpu.memory_space<vmem>>, vector<1x10000xi32>
    %swap3A_51 = arith.constant 0 : index
    %swap3A_52 = arith.constant 20480 : index
    %swap3A_53 = vector.load %arg5[%swap3A_51, %swap3A_52] : memref<1x163840xi32, #tpu.memory_space<vmem>>, vector<1x10000xi32>
    tpu.vector_store %arg5[%swap3A_51, %swap3A_52], %get3A_50 {strides = array<i32>} : memref<1x163840xi32, #tpu.memory_space<vmem>>, vector<1x10000xi32>,
    %get3A_54 = arith.constant 1 : index
    %get3A_55 = arith.constant 20000 : index
    %get3A_56 = vector.load %arg1[%get3A_54, %get3A_55] : memref<2x160000xi32, #tpu.memory_space<vmem>>, vector<1x10000xi32>
    %swap3A_57 = arith.constant 0 : index
    %swap3A_58 = arith.constant 20480 : index
    %swap3A_59 = vector.load %arg6[%swap3A_57, %swap3A_58] : memref<1x163840xi32, #tpu.memory_space<vmem>>, vector<1x10000xi32>
    tpu.vector_store %arg6[%swap3A_57, %swap3A_58], %get3A_56 {strides = array<i32>} : memref<1x163840xi32, #tpu.memory_space<vmem>>, vector<1x10000xi32>,
    %iota3A_60 = tpu.iota {dimensions = array<i32: 1>} : vector<1x240xi32>
    %add3A_61 = arith.constant 480 : i32
    %add3A_62 = vector.broadcast %add3A_61 : i32 to vector<1x240xi32>
    %add3A_63 = arith.addi %iota3A_60, %add3A_62 : vector<1x240xi32>
    %rem3A_64 = arith.constant 10000 : i32
    %rem3A_65 = vector.broadcast %rem3A_64 : i32 to vector<1x240xi32>
    %rem3A_66 = arith.remsi %add3A_63, %rem3A_65 : vector<1x240xi32>
    %swap3A_67 = arith.constant 0 : index
    %swap3A_68 = arith.constant 30480 : index
    %swap3A_69 = vector.load %arg5[%swap3A_67, %swap3A_68] : memref<1x163840xi32, #tpu.memory_space<vmem>>, vector<1x240xi32>
    tpu.vector_store %arg5[%swap3A_67, %swap3A_68], %rem3A_66 {strides = array<i32>} : memref<1x163840xi32, #tpu.memory_space<vmem>>, vector<1x240xi32>,
    %broadcast_in_dim3A_70 = arith.constant 10000 : i32
    %broadcast_in_dim3A_71 = vector.broadcast %broadcast_in_dim3A_70 : i32 to vector<1x240xi32>
    %swap3A_72 = arith.constant 0 : index
    %swap3A_73 = arith.constant 30480 : index
    %swap3A_74 = vector.load %arg6[%swap3A_72, %swap3A_73] : memref<1x163840xi32, #tpu.memory_space<vmem>>, vector<1x240xi32>
    tpu.vector_store %arg6[%swap3A_72, %swap3A_73], %broadcast_in_dim3A_71 {strides = array<i32>} : memref<1x163840xi32, #tpu.memory_space<vmem>>, vector<1x240xi32>,
    %get3A_75 = arith.constant 0 : index
    %get3A_76 = arith.constant 30000 : index
    %get3A_77 = vector.load %arg1[%get3A_75, %get3A_76] : memref<2x160000xi32, #tpu.memory_space<vmem>>, vector<1x10000xi32>
    %swap3A_78 = arith.constant 0 : index
    %swap3A_79 = arith.constant 30720 : index
    %swap3A_80 = vector.load %arg5[%swap3A_78, %swap3A_79] : memref<1x163840xi32, #tpu.memory_space<vmem>>, vector<1x10000xi32>
    tpu.vector_store %arg5[%swap3A_78, %swap3A_79], %get3A_77 {strides = array<i32>} : memref<1x163840xi32, #tpu.memory_space<vmem>>, vector<1x10000xi32>,
    %get3A_81 = arith.constant 1 : index
    %get3A_82 = arith.constant 30000 : index
    %get3A_83 = vector.load %arg1[%get3A_81, %get3A_82] : memref<2x160000xi32, #tpu.memory_space<vmem>>, vector<1x10000xi32>
    %swap3A_84 = arith.constant 0 : index
    %swap3A_85 = arith.constant 30720 : index
    %swap3A_86 = vector.load %arg6[%swap3A_84, %swap3A_85] : memref<1x163840xi32, #tpu.memory_space<vmem>>, vector<1x10000xi32>
    tpu.vector_store %arg6[%swap3A_84, %swap3A_85], %get3A_83 {strides = array<i32>} : memref<1x163840xi32, #tpu.memory_space<vmem>>, vector<1x10000xi32>,
    %iota3A_87 = tpu.iota {dimensions = array<i32: 1>} : vector<1x240xi32>
    %add3A_88 = arith.constant 720 : i32
    %add3A_89 = vector.broadcast %add3A_88 : i32 to vector<1x240xi32>
    %add3A_90 = arith.addi %iota3A_87, %add3A_89 : vector<1x240xi32>
    %rem3A_91 = arith.constant 10000 : i32
    %rem3A_92 = vector.broadcast %rem3A_91 : i32 to vector<1x240xi32>
    %rem3A_93 = arith.remsi %add3A_90, %rem3A_92 : vector<1x240xi32>
    %swap3A_94 = arith.constant 0 : index
    %swap3A_95 = arith.constant 40720 : index
    %swap3A_96 = vector.load %arg5[%swap3A_94, %swap3A_95] : memref<1x163840xi32, #tpu.memory_space<vmem>>, vector<1x240xi32>
    tpu.vector_store %arg5[%swap3A_94, %swap3A_95], %rem3A_93 {strides = array<i32>} : memref<1x163840xi32, #tpu.memory_space<vmem>>, vector<1x240xi32>,
    %broadcast_in_dim3A_97 = arith.constant 10000 : i32
    %broadcast_in_dim3A_98 = vector.broadcast %broadcast_in_dim3A_97 : i32 to vector<1x240xi32>
    %swap3A_99 = arith.constant 0 : index
    %swap3A_100 = arith.constant 40720 : index
    %swap3A_101 = vector.load %arg6[%swap3A_99, %swap3A_100] : memref<1x163840xi32, #tpu.memory_space<vmem>>, vector<1x240xi32>
    tpu.vector_store %arg6[%swap3A_99, %swap3A_100], %broadcast_in_dim3A_98 {strides = array<i32>} : memref<1x163840xi32, #tpu.memory_space<vmem>>, vector<1x240xi32>,
    %get3A_102 = arith.constant 0 : index
    %get3A_103 = arith.constant 40000 : index
    %get3A_104 = vector.load %arg1[%get3A_102, %get3A_103] : memref<2x160000xi32, #tpu.memory_space<vmem>>, vector<1x10000xi32>
    %swap3A_105 = arith.constant 0 : index
    %swap3A_106 = arith.constant 40960 : index
    %swap3A_107 = vector.load %arg5[%swap3A_105, %swap3A_106] : memref<1x163840xi32, #tpu.memory_space<vmem>>, vector<1x10000xi32>
    tpu.vector_store %arg5[%swap3A_105, %swap3A_106], %get3A_104 {strides = array<i32>} : memref<1x163840xi32, #tpu.memory_space<vmem>>, vector<1x10000xi32>,
    %get3A_108 = arith.constant 1 : index
    %get3A_109 = arith.constant 40000 : index
    %get3A_110 = vector.load %arg1[%get3A_108, %get3A_109] : memref<2x160000xi32, #tpu.memory_space<vmem>>, vector<1x10000xi32>
    %swap3A_111 = arith.constant 0 : index
    %swap3A_112 = arith.constant 40960 : index
    %swap3A_113 = vector.load %arg6[%swap3A_111, %swap3A_112] : memref<1x163840xi32, #tpu.memory_space<vmem>>, vector<1x10000xi32>
    tpu.vector_store %arg6[%swap3A_111, %swap3A_112], %get3A_110 {strides = array<i32>} : memref<1x163840xi32, #tpu.memory_space<vmem>>, vector<1x10000xi32>,
    %iota3A_114 = tpu.iota {dimensions = array<i32: 1>} : vector<1x240xi32>
    %add3A_115 = arith.constant 960 : i32
    %add3A_116 = vector.broadcast %add3A_115 : i32 to vector<1x240xi32>
    %add3A_117 = arith.addi %iota3A_114, %add3A_116 : vector<1x240xi32>
    %rem3A_118 = arith.constant 10000 : i32
    %rem3A_119 = vector.broadcast %rem3A_118 : i32 to vector<1x240xi32>
    %rem3A_120 = arith.remsi %add3A_117, %rem3A_119 : vector<1x240xi32>
    %swap3A_121 = arith.constant 0 : index
    %swap3A_122 = arith.constant 50960 : index
    %swap3A_123 = vector.load %arg5[%swap3A_121, %swap3A_122] : memref<1x163840xi32, #tpu.memory_space<vmem>>, vector<1x240xi32>
    tpu.vector_store %arg5[%swap3A_121, %swap3A_122], %rem3A_120 {strides = array<i32>} : memref<1x163840xi32, #tpu.memory_space<vmem>>, vector<1x240xi32>,
    %broadcast_in_dim3A_124 = arith.constant 10000 : i32
    %broadcast_in_dim3A_125 = vector.broadcast %broadcast_in_dim3A_124 : i32 to vector<1x240xi32>
    %swap3A_126 = arith.constant 0 : index
    %swap3A_127 = arith.constant 50960 : index
    %swap3A_128 = vector.load %arg6[%swap3A_126, %swap3A_127] : memref<1x163840xi32, #tpu.memory_space<vmem>>, vector<1x240xi32>
    tpu.vector_store %arg6[%swap3A_126, %swap3A_127], %broadcast_in_dim3A_125 {strides = array<i32>} : memref<1x163840xi32, #tpu.memory_space<vmem>>, vector<1x240xi32>,
    %get3A_129 = arith.constant 0 : index
    %get3A_130 = arith.constant 50000 : index
    %get3A_131 = vector.load %arg1[%get3A_129, %get3A_130] : memref<2x160000xi32, #tpu.memory_space<vmem>>, vector<1x10000xi32>
    %swap3A_132 = arith.constant 0 : index
    %swap3A_133 = arith.constant 51200 : index
    %swap3A_134 = vector.load %arg5[%swap3A_132, %swap3A_133] : memref<1x163840xi32, #tpu.memory_space<vmem>>, vector<1x10000xi32>
    tpu.vector_store %arg5[%swap3A_132, %swap3A_133], %get3A_131 {strides = array<i32>} : memref<1x163840xi32, #tpu.memory_space<vmem>>, vector<1x10000xi32>,
    %get3A_135 = arith.constant 1 : index
    %get3A_136 = arith.constant 50000 : index
    %get3A_137 = vector.load %arg1[%get3A_135, %get3A_136] : memref<2x160000xi32, #tpu.memory_space<vmem>>, vector<1x10000xi32>
    %swap3A_138 = arith.constant 0 : index
    %swap3A_139 = arith.constant 51200 : index
    %swap3A_140 = vector.load %arg6[%swap3A_138, %swap3A_139] : memref<1x163840xi32, #tpu.memory_space<vmem>>, vector<1x10000xi32>
    tpu.vector_store %arg6[%swap3A_138, %swap3A_139], %get3A_137 {strides = array<i32>} : memref<1x163840xi32, #tpu.memory_space<vmem>>, vector<1x10000xi32>,
    %iota3A_141 = tpu.iota {dimensions = array<i32: 1>} : vector<1x240xi32>
    %add3A_142 = arith.constant 1200 : i32
    %add3A_143 = vector.broadcast %add3A_142 : i32 to vector<1x240xi32>
    %add3A_144 = arith.addi %iota3A_141, %add3A_143 : vector<1x240xi32>
    %rem3A_145 = arith.constant 10000 : i32
    %rem3A_146 = vector.broadcast %rem3A_145 : i32 to vector<1x240xi32>
    %rem3A_147 = arith.remsi %add3A_144, %rem3A_146 : vector<1x240xi32>
    %swap3A_148 = arith.constant 0 : index
    %swap3A_149 = arith.constant 61200 : index
    %swap3A_150 = vector.load %arg5[%swap3A_148, %swap3A_149] : memref<1x163840xi32, #tpu.memory_space<vmem>>, vector<1x240xi32>
    tpu.vector_store %arg5[%swap3A_148, %swap3A_149], %rem3A_147 {strides = array<i32>} : memref<1x163840xi32, #tpu.memory_space<vmem>>, vector<1x240xi32>,
    %broadcast_in_dim3A_151 = arith.constant 10000 : i32
    %broadcast_in_dim3A_152 = vector.broadcast %broadcast_in_dim3A_151 : i32 to vector<1x240xi32>
    %swap3A_153 = arith.constant 0 : index
    %swap3A_154 = arith.constant 61200 : index
    %swap3A_155 = vector.load %arg6[%swap3A_153, %swap3A_154] : memref<1x163840xi32, #tpu.memory_space<vmem>>, vector<1x240xi32>
    tpu.vector_store %arg6[%swap3A_153, %swap3A_154], %broadcast_in_dim3A_152 {strides = array<i32>} : memref<1x163840xi32, #tpu.memory_space<vmem>>, vector<1x240xi32>,
    %get3A_156 = arith.constant 0 : index
    %get3A_157 = arith.constant 60000 : index
    %get3A_158 = vector.load %arg1[%get3A_156, %get3A_157] : memref<2x160000xi32, #tpu.memory_space<vmem>>, vector<1x10000xi32>
    %swap3A_159 = arith.constant 0 : index
    %swap3A_160 = arith.constant 61440 : index
    %swap3A_161 = vector.load %arg5[%swap3A_159, %swap3A_160] : memref<1x163840xi32, #tpu.memory_space<vmem>>, vector<1x10000xi32>
    tpu.vector_store %arg5[%swap3A_159, %swap3A_160], %get3A_158 {strides = array<i32>} : memref<1x163840xi32, #tpu.memory_space<vmem>>, vector<1x10000xi32>,
    %get3A_162 = arith.constant 1 : index
    %get3A_163 = arith.constant 60000 : index
    %get3A_164 = vector.load %arg1[%get3A_162, %get3A_163] : memref<2x160000xi32, #tpu.memory_space<vmem>>, vector<1x10000xi32>
    %swap3A_165 = arith.constant 0 : index
    %swap3A_166 = arith.constant 61440 : index
    %swap3A_167 = vector.load %arg6[%swap3A_165, %swap3A_166] : memref<1x163840xi32, #tpu.memory_space<vmem>>, vector<1x10000xi32>
    tpu.vector_store %arg6[%swap3A_165, %swap3A_166], %get3A_164 {strides = array<i32>} : memref<1x163840xi32, #tpu.memory_space<vmem>>, vector<1x10000xi32>,
    %iota3A_168 = tpu.iota {dimensions = array<i32: 1>} : vector<1x240xi32>
    %add3A_169 = arith.constant 1440 : i32
    %add3A_170 = vector.broadcast %add3A_169 : i32 to vector<1x240xi32>
    %add3A_171 = arith.addi %iota3A_168, %add3A_170 : vector<1x240xi32>
    %rem3A_172 = arith.constant 10000 : i32
    %rem3A_173 = vector.broadcast %rem3A_172 : i32 to vector<1x240xi32>
    %rem3A_174 = arith.remsi %add3A_171, %rem3A_173 : vector<1x240xi32>
    %swap3A_175 = arith.constant 0 : index
    %swap3A_176 = arith.constant 71440 : index
    %swap3A_177 = vector.load %arg5[%swap3A_175, %swap3A_176] : memref<1x163840xi32, #tpu.memory_space<vmem>>, vector<1x240xi32>
    tpu.vector_store %arg5[%swap3A_175, %swap3A_176], %rem3A_174 {strides = array<i32>} : memref<1x163840xi32, #tpu.memory_space<vmem>>, vector<1x240xi32>,
    %broadcast_in_dim3A_178 = arith.constant 10000 : i32
    %broadcast_in_dim3A_179 = vector.broadcast %broadcast_in_dim3A_178 : i32 to vector<1x240xi32>
    %swap3A_180 = arith.constant 0 : index
    %swap3A_181 = arith.constant 71440 : index
    %swap3A_182 = vector.load %arg6[%swap3A_180, %swap3A_181] : memref<1x163840xi32, #tpu.memory_space<vmem>>, vector<1x240xi32>
    tpu.vector_store %arg6[%swap3A_180, %swap3A_181], %broadcast_in_dim3A_179 {strides = array<i32>} : memref<1x163840xi32, #tpu.memory_space<vmem>>, vector<1x240xi32>,
    %get3A_183 = arith.constant 0 : index
    %get3A_184 = arith.constant 70000 : index
    %get3A_185 = vector.load %arg1[%get3A_183, %get3A_184] : memref<2x160000xi32, #tpu.memory_space<vmem>>, vector<1x10000xi32>
    %swap3A_186 = arith.constant 0 : index
    %swap3A_187 = arith.constant 71680 : index
    %swap3A_188 = vector.load %arg5[%swap3A_186, %swap3A_187] : memref<1x163840xi32, #tpu.memory_space<vmem>>, vector<1x10000xi32>
    tpu.vector_store %arg5[%swap3A_186, %swap3A_187], %get3A_185 {strides = array<i32>} : memref<1x163840xi32, #tpu.memory_space<vmem>>, vector<1x10000xi32>,
    %get3A_189 = arith.constant 1 : index
    %get3A_190 = arith.constant 70000 : index
    %get3A_191 = vector.load %arg1[%get3A_189, %get3A_190] : memref<2x160000xi32, #tpu.memory_space<vmem>>, vector<1x10000xi32>
    %swap3A_192 = arith.constant 0 : index
    %swap3A_193 = arith.constant 71680 : index
    %swap3A_194 = vector.load %arg6[%swap3A_192, %swap3A_193] : memref<1x163840xi32, #tpu.memory_space<vmem>>, vector<1x10000xi32>
    tpu.vector_store %arg6[%swap3A_192, %swap3A_193], %get3A_191 {strides = array<i32>} : memref<1x163840xi32, #tpu.memory_space<vmem>>, vector<1x10000xi32>,
    %iota3A_195 = tpu.iota {dimensions = array<i32: 1>} : vector<1x240xi32>
    %add3A_196 = arith.constant 1680 : i32
    %add3A_197 = vector.broadcast %add3A_196 : i32 to vector<1x240xi32>
    %add3A_198 = arith.addi %iota3A_195, %add3A_197 : vector<1x240xi32>
    %rem3A_199 = arith.constant 10000 : i32
    %rem3A_200 = vector.broadcast %rem3A_199 : i32 to vector<1x240xi32>
    %rem3A_201 = arith.remsi %add3A_198, %rem3A_200 : vector<1x240xi32>
    %swap3A_202 = arith.constant 0 : index
    %swap3A_203 = arith.constant 81680 : index
    %swap3A_204 = vector.load %arg5[%swap3A_202, %swap3A_203] : memref<1x163840xi32, #tpu.memory_space<vmem>>, vector<1x240xi32>
    tpu.vector_store %arg5[%swap3A_202, %swap3A_203], %rem3A_201 {strides = array<i32>} : memref<1x163840xi32, #tpu.memory_space<vmem>>, vector<1x240xi32>,
    %broadcast_in_dim3A_205 = arith.constant 10000 : i32
    %broadcast_in_dim3A_206 = vector.broadcast %broadcast_in_dim3A_205 : i32 to vector<1x240xi32>
    %swap3A_207 = arith.constant 0 : index
    %swap3A_208 = arith.constant 81680 : index
    %swap3A_209 = vector.load %arg6[%swap3A_207, %swap3A_208] : memref<1x163840xi32, #tpu.memory_space<vmem>>, vector<1x240xi32>
    tpu.vector_store %arg6[%swap3A_207, %swap3A_208], %broadcast_in_dim3A_206 {strides = array<i32>} : memref<1x163840xi32, #tpu.memory_space<vmem>>, vector<1x240xi32>,
    %get3A_210 = arith.constant 0 : index
    %get3A_211 = arith.constant 80000 : index
    %get3A_212 = vector.load %arg1[%get3A_210, %get3A_211] : memref<2x160000xi32, #tpu.memory_space<vmem>>, vector<1x10000xi32>
    %swap3A_213 = arith.constant 0 : index
    %swap3A_214 = arith.constant 81920 : index
    %swap3A_215 = vector.load %arg5[%swap3A_213, %swap3A_214] : memref<1x163840xi32, #tpu.memory_space<vmem>>, vector<1x10000xi32>
    tpu.vector_store %arg5[%swap3A_213, %swap3A_214], %get3A_212 {strides = array<i32>} : memref<1x163840xi32, #tpu.memory_space<vmem>>, vector<1x10000xi32>,
    %get3A_216 = arith.constant 1 : index
    %get3A_217 = arith.constant 80000 : index
    %get3A_218 = vector.load %arg1[%get3A_216, %get3A_217] : memref<2x160000xi32, #tpu.memory_space<vmem>>, vector<1x10000xi32>
    %swap3A_219 = arith.constant 0 : index
    %swap3A_220 = arith.constant 81920 : index
    %swap3A_221 = vector.load %arg6[%swap3A_219, %swap3A_220] : memref<1x163840xi32, #tpu.memory_space<vmem>>, vector<1x10000xi32>
    tpu.vector_store %arg6[%swap3A_219, %swap3A_220], %get3A_218 {strides = array<i32>} : memref<1x163840xi32, #tpu.memory_space<vmem>>, vector<1x10000xi32>,
    %iota3A_222 = tpu.iota {dimensions = array<i32: 1>} : vector<1x240xi32>
    %add3A_223 = arith.constant 1920 : i32
    %add3A_224 = vector.broadcast %add3A_223 : i32 to vector<1x240xi32>
    %add3A_225 = arith.addi %iota3A_222, %add3A_224 : vector<1x240xi32>
    %rem3A_226 = arith.constant 10000 : i32
    %rem3A_227 = vector.broadcast %rem3A_226 : i32 to vector<1x240xi32>
    %rem3A_228 = arith.remsi %add3A_225, %rem3A_227 : vector<1x240xi32>
    %swap3A_229 = arith.constant 0 : index
    %swap3A_230 = arith.constant 91920 : index
    %swap3A_231 = vector.load %arg5[%swap3A_229, %swap3A_230] : memref<1x163840xi32, #tpu.memory_space<vmem>>, vector<1x240xi32>
    tpu.vector_store %arg5[%swap3A_229, %swap3A_230], %rem3A_228 {strides = array<i32>} : memref<1x163840xi32, #tpu.memory_space<vmem>>, vector<1x240xi32>,
    %broadcast_in_dim3A_232 = arith.constant 10000 : i32
    %broadcast_in_dim3A_233 = vector.broadcast %broadcast_in_dim3A_232 : i32 to vector<1x240xi32>
    %swap3A_234 = arith.constant 0 : index
    %swap3A_235 = arith.constant 91920 : index
    %swap3A_236 = vector.load %arg6[%swap3A_234, %swap3A_235] : memref<1x163840xi32, #tpu.memory_space<vmem>>, vector<1x240xi32>
    tpu.vector_store %arg6[%swap3A_234, %swap3A_235], %broadcast_in_dim3A_233 {strides = array<i32>} : memref<1x163840xi32, #tpu.memory_space<vmem>>, vector<1x240xi32>,
    %get3A_237 = arith.constant 0 : index
    %get3A_238 = arith.constant 90000 : index
    %get3A_239 = vector.load %arg1[%get3A_237, %get3A_238] : memref<2x160000xi32, #tpu.memory_space<vmem>>, vector<1x10000xi32>
    %swap3A_240 = arith.constant 0 : index
    %swap3A_241 = arith.constant 92160 : index
    %swap3A_242 = vector.load %arg5[%swap3A_240, %swap3A_241] : memref<1x163840xi32, #tpu.memory_space<vmem>>, vector<1x10000xi32>
    tpu.vector_store %arg5[%swap3A_240, %swap3A_241], %get3A_239 {strides = array<i32>} : memref<1x163840xi32, #tpu.memory_space<vmem>>, vector<1x10000xi32>,
    %get3A_243 = arith.constant 1 : index
    %get3A_244 = arith.constant 90000 : index
    %get3A_245 = vector.load %arg1[%get3A_243, %get3A_244] : memref<2x160000xi32, #tpu.memory_space<vmem>>, vector<1x10000xi32>
    %swap3A_246 = arith.constant 0 : index
    %swap3A_247 = arith.constant 92160 : index
    %swap3A_248 = vector.load %arg6[%swap3A_246, %swap3A_247] : memref<1x163840xi32, #tpu.memory_space<vmem>>, vector<1x10000xi32>
    tpu.vector_store %arg6[%swap3A_246, %swap3A_247], %get3A_245 {strides = array<i32>} : memref<1x163840xi32, #tpu.memory_space<vmem>>, vector<1x10000xi32>,
    %iota3A_249 = tpu.iota {dimensions = array<i32: 1>} : vector<1x240xi32>
    %add3A_250 = arith.constant 2160 : i32
    %add3A_251 = vector.broadcast %add3A_250 : i32 to vector<1x240xi32>
    %add3A_252 = arith.addi %iota3A_249, %add3A_251 : vector<1x240xi32>
    %rem3A_253 = arith.constant 10000 : i32
    %rem3A_254 = vector.broadcast %rem3A_253 : i32 to vector<1x240xi32>
    %rem3A_255 = arith.remsi %add3A_252, %rem3A_254 : vector<1x240xi32>
    %swap3A_256 = arith.constant 0 : index
    %swap3A_257 = arith.constant 102160 : index
    %swap3A_258 = vector.load %arg5[%swap3A_256, %swap3A_257] : memref<1x163840xi32, #tpu.memory_space<vmem>>, vector<1x240xi32>
    tpu.vector_store %arg5[%swap3A_256, %swap3A_257], %rem3A_255 {strides = array<i32>} : memref<1x163840xi32, #tpu.memory_space<vmem>>, vector<1x240xi32>,
    %broadcast_in_dim3A_259 = arith.constant 10000 : i32
    %broadcast_in_dim3A_260 = vector.broadcast %broadcast_in_dim3A_259 : i32 to vector<1x240xi32>
    %swap3A_261 = arith.constant 0 : index
    %swap3A_262 = arith.constant 102160 : index
    %swap3A_263 = vector.load %arg6[%swap3A_261, %swap3A_262] : memref<1x163840xi32, #tpu.memory_space<vmem>>, vector<1x240xi32>
    tpu.vector_store %arg6[%swap3A_261, %swap3A_262], %broadcast_in_dim3A_260 {strides = array<i32>} : memref<1x163840xi32, #tpu.memory_space<vmem>>, vector<1x240xi32>,
    %get3A_264 = arith.constant 0 : index
    %get3A_265 = arith.constant 100000 : index
    %get3A_266 = vector.load %arg1[%get3A_264, %get3A_265] : memref<2x160000xi32, #tpu.memory_space<vmem>>, vector<1x10000xi32>
    %swap3A_267 = arith.constant 0 : index
    %swap3A_268 = arith.constant 102400 : index
    %swap3A_269 = vector.load %arg5[%swap3A_267, %swap3A_268] : memref<1x163840xi32, #tpu.memory_space<vmem>>, vector<1x10000xi32>
    tpu.vector_store %arg5[%swap3A_267, %swap3A_268], %get3A_266 {strides = array<i32>} : memref<1x163840xi32, #tpu.memory_space<vmem>>, vector<1x10000xi32>,
    %get3A_270 = arith.constant 1 : index
    %get3A_271 = arith.constant 100000 : index
    %get3A_272 = vector.load %arg1[%get3A_270, %get3A_271] : memref<2x160000xi32, #tpu.memory_space<vmem>>, vector<1x10000xi32>
    %swap3A_273 = arith.constant 0 : index
    %swap3A_274 = arith.constant 102400 : index
    %swap3A_275 = vector.load %arg6[%swap3A_273, %swap3A_274] : memref<1x163840xi32, #tpu.memory_space<vmem>>, vector<1x10000xi32>
    tpu.vector_store %arg6[%swap3A_273, %swap3A_274], %get3A_272 {strides = array<i32>} : memref<1x163840xi32, #tpu.memory_space<vmem>>, vector<1x10000xi32>,
    %iota3A_276 = tpu.iota {dimensions = array<i32: 1>} : vector<1x240xi32>
    %add3A_277 = arith.constant 2400 : i32
    %add3A_278 = vector.broadcast %add3A_277 : i32 to vector<1x240xi32>
    %add3A_279 = arith.addi %iota3A_276, %add3A_278 : vector<1x240xi32>
    %rem3A_280 = arith.constant 10000 : i32
    %rem3A_281 = vector.broadcast %rem3A_280 : i32 to vector<1x240xi32>
    %rem3A_282 = arith.remsi %add3A_279, %rem3A_281 : vector<1x240xi32>
    %swap3A_283 = arith.constant 0 : index
    %swap3A_284 = arith.constant 112400 : index
    %swap3A_285 = vector.load %arg5[%swap3A_283, %swap3A_284] : memref<1x163840xi32, #tpu.memory_space<vmem>>, vector<1x240xi32>
    tpu.vector_store %arg5[%swap3A_283, %swap3A_284], %rem3A_282 {strides = array<i32>} : memref<1x163840xi32, #tpu.memory_space<vmem>>, vector<1x240xi32>,
    %broadcast_in_dim3A_286 = arith.constant 10000 : i32
    %broadcast_in_dim3A_287 = vector.broadcast %broadcast_in_dim3A_286 : i32 to vector<1x240xi32>
    %swap3A_288 = arith.constant 0 : index
    %swap3A_289 = arith.constant 112400 : index
    %swap3A_290 = vector.load %arg6[%swap3A_288, %swap3A_289] : memref<1x163840xi32, #tpu.memory_space<vmem>>, vector<1x240xi32>
    tpu.vector_store %arg6[%swap3A_288, %swap3A_289], %broadcast_in_dim3A_287 {strides = array<i32>} : memref<1x163840xi32, #tpu.memory_space<vmem>>, vector<1x240xi32>,
    %get3A_291 = arith.constant 0 : index
    %get3A_292 = arith.constant 110000 : index
    %get3A_293 = vector.load %arg1[%get3A_291, %get3A_292] : memref<2x160000xi32, #tpu.memory_space<vmem>>, vector<1x10000xi32>
    %swap3A_294 = arith.constant 0 : index
    %swap3A_295 = arith.constant 112640 : index
    %swap3A_296 = vector.load %arg5[%swap3A_294, %swap3A_295] : memref<1x163840xi32, #tpu.memory_space<vmem>>, vector<1x10000xi32>
    tpu.vector_store %arg5[%swap3A_294, %swap3A_295], %get3A_293 {strides = array<i32>} : memref<1x163840xi32, #tpu.memory_space<vmem>>, vector<1x10000xi32>,
    %get3A_297 = arith.constant 1 : index
    %get3A_298 = arith.constant 110000 : index
    %get3A_299 = vector.load %arg1[%get3A_297, %get3A_298] : memref<2x160000xi32, #tpu.memory_space<vmem>>, vector<1x10000xi32>
    %swap3A_300 = arith.constant 0 : index
    %swap3A_301 = arith.constant 112640 : index
    %swap3A_302 = vector.load %arg6[%swap3A_300, %swap3A_301] : memref<1x163840xi32, #tpu.memory_space<vmem>>, vector<1x10000xi32>
    tpu.vector_store %arg6[%swap3A_300, %swap3A_301], %get3A_299 {strides = array<i32>} : memref<1x163840xi32, #tpu.memory_space<vmem>>, vector<1x10000xi32>,
    %iota3A_303 = tpu.iota {dimensions = array<i32: 1>} : vector<1x240xi32>
    %add3A_304 = arith.constant 2640 : i32
    %add3A_305 = vector.broadcast %add3A_304 : i32 to vector<1x240xi32>
    %add3A_306 = arith.addi %iota3A_303, %add3A_305 : vector<1x240xi32>
    %rem3A_307 = arith.constant 10000 : i32
    %rem3A_308 = vector.broadcast %rem3A_307 : i32 to vector<1x240xi32>
    %rem3A_309 = arith.remsi %add3A_306, %rem3A_308 : vector<1x240xi32>
    %swap3A_310 = arith.constant 0 : index
    %swap3A_311 = arith.constant 122640 : index
    %swap3A_312 = vector.load %arg5[%swap3A_310, %swap3A_311] : memref<1x163840xi32, #tpu.memory_space<vmem>>, vector<1x240xi32>
    tpu.vector_store %arg5[%swap3A_310, %swap3A_311], %rem3A_309 {strides = array<i32>} : memref<1x163840xi32, #tpu.memory_space<vmem>>, vector<1x240xi32>,
    %broadcast_in_dim3A_313 = arith.constant 10000 : i32
    %broadcast_in_dim3A_314 = vector.broadcast %broadcast_in_dim3A_313 : i32 to vector<1x240xi32>
    %swap3A_315 = arith.constant 0 : index
    %swap3A_316 = arith.constant 122640 : index
    %swap3A_317 = vector.load %arg6[%swap3A_315, %swap3A_316] : memref<1x163840xi32, #tpu.memory_space<vmem>>, vector<1x240xi32>
    tpu.vector_store %arg6[%swap3A_315, %swap3A_316], %broadcast_in_dim3A_314 {strides = array<i32>} : memref<1x163840xi32, #tpu.memory_space<vmem>>, vector<1x240xi32>,
    %get3A_318 = arith.constant 0 : index
    %get3A_319 = arith.constant 120000 : index
    %get3A_320 = vector.load %arg1[%get3A_318, %get3A_319] : memref<2x160000xi32, #tpu.memory_space<vmem>>, vector<1x10000xi32>
    %swap3A_321 = arith.constant 0 : index
    %swap3A_322 = arith.constant 122880 : index
    %swap3A_323 = vector.load %arg5[%swap3A_321, %swap3A_322] : memref<1x163840xi32, #tpu.memory_space<vmem>>, vector<1x10000xi32>
    tpu.vector_store %arg5[%swap3A_321, %swap3A_322], %get3A_320 {strides = array<i32>} : memref<1x163840xi32, #tpu.memory_space<vmem>>, vector<1x10000xi32>,
    %get3A_324 = arith.constant 1 : index
    %get3A_325 = arith.constant 120000 : index
    %get3A_326 = vector.load %arg1[%get3A_324, %get3A_325] : memref<2x160000xi32, #tpu.memory_space<vmem>>, vector<1x10000xi32>
    %swap3A_327 = arith.constant 0 : index
    %swap3A_328 = arith.constant 122880 : index
    %swap3A_329 = vector.load %arg6[%swap3A_327, %swap3A_328] : memref<1x163840xi32, #tpu.memory_space<vmem>>, vector<1x10000xi32>
    tpu.vector_store %arg6[%swap3A_327, %swap3A_328], %get3A_326 {strides = array<i32>} : memref<1x163840xi32, #tpu.memory_space<vmem>>, vector<1x10000xi32>,
    %iota3A_330 = tpu.iota {dimensions = array<i32: 1>} : vector<1x240xi32>
    %add3A_331 = arith.constant 2880 : i32
    %add3A_332 = vector.broadcast %add3A_331 : i32 to vector<1x240xi32>
    %add3A_333 = arith.addi %iota3A_330, %add3A_332 : vector<1x240xi32>
    %rem3A_334 = arith.constant 10000 : i32
    %rem3A_335 = vector.broadcast %rem3A_334 : i32 to vector<1x240xi32>
    %rem3A_336 = arith.remsi %add3A_333, %rem3A_335 : vector<1x240xi32>
    %swap3A_337 = arith.constant 0 : index
    %swap3A_338 = arith.constant 132880 : index
    %swap3A_339 = vector.load %arg5[%swap3A_337, %swap3A_338] : memref<1x163840xi32, #tpu.memory_space<vmem>>, vector<1x240xi32>
    tpu.vector_store %arg5[%swap3A_337, %swap3A_338], %rem3A_336 {strides = array<i32>} : memref<1x163840xi32, #tpu.memory_space<vmem>>, vector<1x240xi32>,
    %broadcast_in_dim3A_340 = arith.constant 10000 : i32
    %broadcast_in_dim3A_341 = vector.broadcast %broadcast_in_dim3A_340 : i32 to vector<1x240xi32>
    %swap3A_342 = arith.constant 0 : index
    %swap3A_343 = arith.constant 132880 : index
    %swap3A_344 = vector.load %arg6[%swap3A_342, %swap3A_343] : memref<1x163840xi32, #tpu.memory_space<vmem>>, vector<1x240xi32>
    tpu.vector_store %arg6[%swap3A_342, %swap3A_343], %broadcast_in_dim3A_341 {strides = array<i32>} : memref<1x163840xi32, #tpu.memory_space<vmem>>, vector<1x240xi32>,
    %get3A_345 = arith.constant 0 : index
    %get3A_346 = arith.constant 130000 : index
    %get3A_347 = vector.load %arg1[%get3A_345, %get3A_346] : memref<2x160000xi32, #tpu.memory_space<vmem>>, vector<1x10000xi32>
    %swap3A_348 = arith.constant 0 : index
    %swap3A_349 = arith.constant 133120 : index
    %swap3A_350 = vector.load %arg5[%swap3A_348, %swap3A_349] : memref<1x163840xi32, #tpu.memory_space<vmem>>, vector<1x10000xi32>
    tpu.vector_store %arg5[%swap3A_348, %swap3A_349], %get3A_347 {strides = array<i32>} : memref<1x163840xi32, #tpu.memory_space<vmem>>, vector<1x10000xi32>,
    %get3A_351 = arith.constant 1 : index
    %get3A_352 = arith.constant 130000 : index
    %get3A_353 = vector.load %arg1[%get3A_351, %get3A_352] : memref<2x160000xi32, #tpu.memory_space<vmem>>, vector<1x10000xi32>
    %swap3A_354 = arith.constant 0 : index
    %swap3A_355 = arith.constant 133120 : index
    %swap3A_356 = vector.load %arg6[%swap3A_354, %swap3A_355] : memref<1x163840xi32, #tpu.memory_space<vmem>>, vector<1x10000xi32>
    tpu.vector_store %arg6[%swap3A_354, %swap3A_355], %get3A_353 {strides = array<i32>} : memref<1x163840xi32, #tpu.memory_space<vmem>>, vector<1x10000xi32>,
    %iota3A_357 = tpu.iota {dimensions = array<i32: 1>} : vector<1x240xi32>
    %add3A_358 = arith.constant 3120 : i32
    %add3A_359 = vector.broadcast %add3A_358 : i32 to vector<1x240xi32>
    %add3A_360 = arith.addi %iota3A_357, %add3A_359 : vector<1x240xi32>
    %rem3A_361 = arith.constant 10000 : i32
    %rem3A_362 = vector.broadcast %rem3A_361 : i32 to vector<1x240xi32>
    %rem3A_363 = arith.remsi %add3A_360, %rem3A_362 : vector<1x240xi32>
    %swap3A_364 = arith.constant 0 : index
    %swap3A_365 = arith.constant 143120 : index
    %swap3A_366 = vector.load %arg5[%swap3A_364, %swap3A_365] : memref<1x163840xi32, #tpu.memory_space<vmem>>, vector<1x240xi32>
    tpu.vector_store %arg5[%swap3A_364, %swap3A_365], %rem3A_363 {strides = array<i32>} : memref<1x163840xi32, #tpu.memory_space<vmem>>, vector<1x240xi32>,
    %broadcast_in_dim3A_367 = arith.constant 10000 : i32
    %broadcast_in_dim3A_368 = vector.broadcast %broadcast_in_dim3A_367 : i32 to vector<1x240xi32>
    %swap3A_369 = arith.constant 0 : index
    %swap3A_370 = arith.constant 143120 : index
    %swap3A_371 = vector.load %arg6[%swap3A_369, %swap3A_370] : memref<1x163840xi32, #tpu.memory_space<vmem>>, vector<1x240xi32>
    tpu.vector_store %arg6[%swap3A_369, %swap3A_370], %broadcast_in_dim3A_368 {strides = array<i32>} : memref<1x163840xi32, #tpu.memory_space<vmem>>, vector<1x240xi32>,
    %get3A_372 = arith.constant 0 : index
    %get3A_373 = arith.constant 140000 : index
    %get3A_374 = vector.load %arg1[%get3A_372, %get3A_373] : memref<2x160000xi32, #tpu.memory_space<vmem>>, vector<1x10000xi32>
    %swap3A_375 = arith.constant 0 : index
    %swap3A_376 = arith.constant 143360 : index
    %swap3A_377 = vector.load %arg5[%swap3A_375, %swap3A_376] : memref<1x163840xi32, #tpu.memory_space<vmem>>, vector<1x10000xi32>
    tpu.vector_store %arg5[%swap3A_375, %swap3A_376], %get3A_374 {strides = array<i32>} : memref<1x163840xi32, #tpu.memory_space<vmem>>, vector<1x10000xi32>,
    %get3A_378 = arith.constant 1 : index
    %get3A_379 = arith.constant 140000 : index
    %get3A_380 = vector.load %arg1[%get3A_378, %get3A_379] : memref<2x160000xi32, #tpu.memory_space<vmem>>, vector<1x10000xi32>
    %swap3A_381 = arith.constant 0 : index
    %swap3A_382 = arith.constant 143360 : index
    %swap3A_383 = vector.load %arg6[%swap3A_381, %swap3A_382] : memref<1x163840xi32, #tpu.memory_space<vmem>>, vector<1x10000xi32>
    tpu.vector_store %arg6[%swap3A_381, %swap3A_382], %get3A_380 {strides = array<i32>} : memref<1x163840xi32, #tpu.memory_space<vmem>>, vector<1x10000xi32>,
    %iota3A_384 = tpu.iota {dimensions = array<i32: 1>} : vector<1x240xi32>
    %add3A_385 = arith.constant 3360 : i32
    %add3A_386 = vector.broadcast %add3A_385 : i32 to vector<1x240xi32>
    %add3A_387 = arith.addi %iota3A_384, %add3A_386 : vector<1x240xi32>
    %rem3A_388 = arith.constant 10000 : i32
    %rem3A_389 = vector.broadcast %rem3A_388 : i32 to vector<1x240xi32>
    %rem3A_390 = arith.remsi %add3A_387, %rem3A_389 : vector<1x240xi32>
    %swap3A_391 = arith.constant 0 : index
    %swap3A_392 = arith.constant 153360 : index
    %swap3A_393 = vector.load %arg5[%swap3A_391, %swap3A_392] : memref<1x163840xi32, #tpu.memory_space<vmem>>, vector<1x240xi32>
    tpu.vector_store %arg5[%swap3A_391, %swap3A_392], %rem3A_390 {strides = array<i32>} : memref<1x163840xi32, #tpu.memory_space<vmem>>, vector<1x240xi32>,
    %broadcast_in_dim3A_394 = arith.constant 10000 : i32
    %broadcast_in_dim3A_395 = vector.broadcast %broadcast_in_dim3A_394 : i32 to vector<1x240xi32>
    %swap3A_396 = arith.constant 0 : index
    %swap3A_397 = arith.constant 153360 : index
    %swap3A_398 = vector.load %arg6[%swap3A_396, %swap3A_397] : memref<1x163840xi32, #tpu.memory_space<vmem>>, vector<1x240xi32>
    tpu.vector_store %arg6[%swap3A_396, %swap3A_397], %broadcast_in_dim3A_395 {strides = array<i32>} : memref<1x163840xi32, #tpu.memory_space<vmem>>, vector<1x240xi32>,
    %get3A_399 = arith.constant 0 : index
    %get3A_400 = arith.constant 150000 : index
    %get3A_401 = vector.load %arg1[%get3A_399, %get3A_400] : memref<2x160000xi32, #tpu.memory_space<vmem>>, vector<1x10000xi32>
    %swap3A_402 = arith.constant 0 : index
    %swap3A_403 = arith.constant 153600 : index
    %swap3A_404 = vector.load %arg5[%swap3A_402, %swap3A_403] : memref<1x163840xi32, #tpu.memory_space<vmem>>, vector<1x10000xi32>
    tpu.vector_store %arg5[%swap3A_402, %swap3A_403], %get3A_401 {strides = array<i32>} : memref<1x163840xi32, #tpu.memory_space<vmem>>, vector<1x10000xi32>,
    %get3A_405 = arith.constant 1 : index
    %get3A_406 = arith.constant 150000 : index
    %get3A_407 = vector.load %arg1[%get3A_405, %get3A_406] : memref<2x160000xi32, #tpu.memory_space<vmem>>, vector<1x10000xi32>
    %swap3A_408 = arith.constant 0 : index
    %swap3A_409 = arith.constant 153600 : index
    %swap3A_410 = vector.load %arg6[%swap3A_408, %swap3A_409] : memref<1x163840xi32, #tpu.memory_space<vmem>>, vector<1x10000xi32>
    tpu.vector_store %arg6[%swap3A_408, %swap3A_409], %get3A_407 {strides = array<i32>} : memref<1x163840xi32, #tpu.memory_space<vmem>>, vector<1x10000xi32>,
    %iota3A_411 = tpu.iota {dimensions = array<i32: 1>} : vector<1x240xi32>
    %add3A_412 = arith.constant 3600 : i32
    %add3A_413 = vector.broadcast %add3A_412 : i32 to vector<1x240xi32>
    %add3A_414 = arith.addi %iota3A_411, %add3A_413 : vector<1x240xi32>
    %rem3A_415 = arith.constant 10000 : i32
    %rem3A_416 = vector.broadcast %rem3A_415 : i32 to vector<1x240xi32>
    %rem3A_417 = arith.remsi %add3A_414, %rem3A_416 : vector<1x240xi32>
    %swap3A_418 = arith.constant 0 : index
    %swap3A_419 = arith.constant 163600 : index
    %swap3A_420 = vector.load %arg5[%swap3A_418, %swap3A_419] : memref<1x163840xi32, #tpu.memory_space<vmem>>, vector<1x240xi32>
    tpu.vector_store %arg5[%swap3A_418, %swap3A_419], %rem3A_417 {strides = array<i32>} : memref<1x163840xi32, #tpu.memory_space<vmem>>, vector<1x240xi32>,
    %broadcast_in_dim3A_421 = arith.constant 10000 : i32
    %broadcast_in_dim3A_422 = vector.broadcast %broadcast_in_dim3A_421 : i32 to vector<1x240xi32>
    %swap3A_423 = arith.constant 0 : index
    %swap3A_424 = arith.constant 163600 : index
    %swap3A_425 = vector.load %arg6[%swap3A_423, %swap3A_424] : memref<1x163840xi32, #tpu.memory_space<vmem>>, vector<1x240xi32>
    tpu.vector_store %arg6[%swap3A_423, %swap3A_424], %broadcast_in_dim3A_422 {strides = array<i32>} : memref<1x163840xi32, #tpu.memory_space<vmem>>, vector<1x240xi32>,
    %get3A_426 = arith.constant 0 : index
    %get3A_427 = arith.constant 0 : index
    %get3A_428 = vector.load %arg5[%get3A_426, %get3A_427] : memref<1x163840xi32, #tpu.memory_space<vmem>>, vector<1x163840xi32>
    %get3A_429 = arith.constant 0 : index
    %get3A_430 = arith.constant 0 : index
    %get3A_431 = vector.load %arg6[%get3A_429, %get3A_430] : memref<1x163840xi32, #tpu.memory_space<vmem>>, vector<1x163840xi32>
    %squeeze3A = vector.shape_cast %get3A_428 : vector<1x163840xi32> to vector<163840xi32>
    %add3A_432 = arith.constant 0 : i32
    %add3A_433 = vector.broadcast %add3A_432 : i32 to vector<163840xi32>
    %add3A_434 = arith.addi %squeeze3A, %add3A_433 : vector<163840xi32>
    %swap3A_435 = arith.constant 0 : index
    %swap3A_436 = arith.constant 0 : index
    %swap3A_437 = vector.load %arg2[%swap3A_435, %swap3A_436] : memref<2x163840xi32, #tpu.memory_space<vmem>>, vector<1x163840xi32>
    %swap3A_438 = vector.shape_cast %swap3A_437 : vector<1x163840xi32> to vector<163840xi32>
    %swap3A_439 = vector.shape_cast %add3A_434 : vector<163840xi32> to vector<1x163840xi32>
    tpu.vector_store %arg2[%swap3A_435, %swap3A_436], %swap3A_439 {strides = array<i32>} : memref<2x163840xi32, #tpu.memory_space<vmem>>, vector<1x163840xi32>,
    %squeeze3A_440 = vector.shape_cast %get3A_428 : vector<1x163840xi32> to vector<163840xi32>
    %add3A_441 = arith.constant 10000 : i32
    %add3A_442 = vector.broadcast %add3A_441 : i32 to vector<163840xi32>
    %add3A_443 = arith.addi %squeeze3A_440, %add3A_442 : vector<163840xi32>
    %swap3A_444 = arith.constant 1 : index
    %swap3A_445 = arith.constant 0 : index
    %swap3A_446 = vector.load %arg2[%swap3A_444, %swap3A_445] : memref<2x163840xi32, #tpu.memory_space<vmem>>, vector<1x163840xi32>
    %swap3A_447 = vector.shape_cast %swap3A_446 : vector<1x163840xi32> to vector<163840xi32>
    %swap3A_448 = vector.shape_cast %add3A_443 : vector<163840xi32> to vector<1x163840xi32>
    tpu.vector_store %arg2[%swap3A_444, %swap3A_445], %swap3A_448 {strides = array<i32>} : memref<2x163840xi32, #tpu.memory_space<vmem>>, vector<1x163840xi32>,
    %ge3A = arith.constant 0 : i32
    %ge3A_449 = vector.broadcast %ge3A : i32 to vector<1x163840xi32>
    %ge3A_450 = arith.cmpi sge, %get3A_431, %ge3A_449 : vector<1x163840xi32>
    %lt3A = arith.constant 3456 : i32
    %lt3A_451 = vector.broadcast %lt3A : i32 to vector<1x163840xi32>
    %lt3A_452 = arith.cmpi slt, %get3A_431, %lt3A_451 : vector<1x163840xi32>
    %and3A = arith.andi %ge3A_450, %lt3A_452 : vector<1x163840xi1>
    %sub3A = arith.constant 0 : i32
    %sub3A_453 = vector.broadcast %sub3A : i32 to vector<1x163840xi32>
    %sub3A_454 = arith.subi %get3A_431, %sub3A_453 : vector<1x163840xi32>
    %rem3A_455 = arith.constant 128 : i32
    %rem3A_456 = vector.broadcast %rem3A_455 : i32 to vector<1x163840xi32>
    %rem3A_457 = arith.remsi %get3A_431, %rem3A_456 : vector<1x163840xi32>
    %add3A_458 = arith.constant 3456 : i32
    %add3A_459 = vector.broadcast %add3A_458 : i32 to vector<1x163840xi32>
    %add3A_460 = arith.addi %add3A_459, %rem3A_457 : vector<1x163840xi32>
    %select_n3A = arith.select %and3A, %sub3A_454, %add3A_460 : vector<1x163840xi1>, vector<1x163840xi32>
    %squeeze3A_461 = vector.shape_cast %select_n3A : vector<1x163840xi32> to vector<163840xi32>
    %swap3A_462 = arith.constant 0 : index
    %swap3A_463 = arith.constant 0 : index
    %swap3A_464 = vector.load %arg3[%swap3A_462, %swap3A_463] : memref<3x163840xi32, #tpu.memory_space<vmem>>, vector<1x163840xi32>
    %swap3A_465 = vector.shape_cast %swap3A_464 : vector<1x163840xi32> to vector<163840xi32>
    %swap3A_466 = vector.shape_cast %squeeze3A_461 : vector<163840xi32> to vector<1x163840xi32>
    tpu.vector_store %arg3[%swap3A_462, %swap3A_463], %swap3A_466 {strides = array<i32>} : memref<3x163840xi32, #tpu.memory_space<vmem>>, vector<1x163840xi32>,
    %ge3A_467 = arith.constant 3456 : i32
    %ge3A_468 = vector.broadcast %ge3A_467 : i32 to vector<1x163840xi32>
    %ge3A_469 = arith.cmpi sge, %get3A_431, %ge3A_468 : vector<1x163840xi32>
    %lt3A_470 = arith.constant 6912 : i32
    %lt3A_471 = vector.broadcast %lt3A_470 : i32 to vector<1x163840xi32>
    %lt3A_472 = arith.cmpi slt, %get3A_431, %lt3A_471 : vector<1x163840xi32>
    %and3A_473 = arith.andi %ge3A_469, %lt3A_472 : vector<1x163840xi1>
    %sub3A_474 = arith.constant 3456 : i32
    %sub3A_475 = vector.broadcast %sub3A_474 : i32 to vector<1x163840xi32>
    %sub3A_476 = arith.subi %get3A_431, %sub3A_475 : vector<1x163840xi32>
    %rem3A_477 = arith.constant 128 : i32
    %rem3A_478 = vector.broadcast %rem3A_477 : i32 to vector<1x163840xi32>
    %rem3A_479 = arith.remsi %get3A_431, %rem3A_478 : vector<1x163840xi32>
    %add3A_480 = arith.constant 3456 : i32
    %add3A_481 = vector.broadcast %add3A_480 : i32 to vector<1x163840xi32>
    %add3A_482 = arith.addi %add3A_481, %rem3A_479 : vector<1x163840xi32>
    %select_n3A_483 = arith.select %and3A_473, %sub3A_476, %add3A_482 : vector<1x163840xi1>, vector<1x163840xi32>
    %squeeze3A_484 = vector.shape_cast %select_n3A_483 : vector<1x163840xi32> to vector<163840xi32>
    %swap3A_485 = arith.constant 1 : index
    %swap3A_486 = arith.constant 0 : index
    %swap3A_487 = vector.load %arg3[%swap3A_485, %swap3A_486] : memref<3x163840xi32, #tpu.memory_space<vmem>>, vector<1x163840xi32>
    %swap3A_488 = vector.shape_cast %swap3A_487 : vector<1x163840xi32> to vector<163840xi32>
    %swap3A_489 = vector.shape_cast %squeeze3A_484 : vector<163840xi32> to vector<1x163840xi32>
    tpu.vector_store %arg3[%swap3A_485, %swap3A_486], %swap3A_489 {strides = array<i32>} : memref<3x163840xi32, #tpu.memory_space<vmem>>, vector<1x163840xi32>,
    %ge3A_490 = arith.constant 6912 : i32
    %ge3A_491 = vector.broadcast %ge3A_490 : i32 to vector<1x163840xi32>
    %ge3A_492 = arith.cmpi sge, %get3A_431, %ge3A_491 : vector<1x163840xi32>
    %lt3A_493 = arith.constant 10368 : i32
    %lt3A_494 = vector.broadcast %lt3A_493 : i32 to vector<1x163840xi32>
    %lt3A_495 = arith.cmpi slt, %get3A_431, %lt3A_494 : vector<1x163840xi32>
    %and3A_496 = arith.andi %ge3A_492, %lt3A_495 : vector<1x163840xi1>
    %sub3A_497 = arith.constant 6912 : i32
    %sub3A_498 = vector.broadcast %sub3A_497 : i32 to vector<1x163840xi32>
    %sub3A_499 = arith.subi %get3A_431, %sub3A_498 : vector<1x163840xi32>
    %rem3A_500 = arith.constant 128 : i32
    %rem3A_501 = vector.broadcast %rem3A_500 : i32 to vector<1x163840xi32>
    %rem3A_502 = arith.remsi %get3A_431, %rem3A_501 : vector<1x163840xi32>
    %add3A_503 = arith.constant 3456 : i32
    %add3A_504 = vector.broadcast %add3A_503 : i32 to vector<1x163840xi32>
    %add3A_505 = arith.addi %add3A_504, %rem3A_502 : vector<1x163840xi32>
    %select_n3A_506 = arith.select %and3A_496, %sub3A_499, %add3A_505 : vector<1x163840xi1>, vector<1x163840xi32>
    %squeeze3A_507 = vector.shape_cast %select_n3A_506 : vector<1x163840xi32> to vector<163840xi32>
    %swap3A_508 = arith.constant 2 : index
    %swap3A_509 = arith.constant 0 : index
    %swap3A_510 = vector.load %arg3[%swap3A_508, %swap3A_509] : memref<3x163840xi32, #tpu.memory_space<vmem>>, vector<1x163840xi32>
    %swap3A_511 = vector.shape_cast %swap3A_510 : vector<1x163840xi32> to vector<163840xi32>
    %swap3A_512 = vector.shape_cast %squeeze3A_507 : vector<163840xi32> to vector<1x163840xi32>
    tpu.vector_store %arg3[%swap3A_508, %swap3A_509], %swap3A_512 {strides = array<i32>} : memref<3x163840xi32, #tpu.memory_space<vmem>>, vector<1x163840xi32>,
    %ge3A_513 = arith.constant 0 : i32
    %ge3A_514 = vector.broadcast %ge3A_513 : i32 to vector<1x163840xi32>
    %ge3A_515 = arith.cmpi sge, %get3A_431, %ge3A_514 : vector<1x163840xi32>
    %lt3A_516 = arith.constant 5120 : i32
    %lt3A_517 = vector.broadcast %lt3A_516 : i32 to vector<1x163840xi32>
    %lt3A_518 = arith.cmpi slt, %get3A_431, %lt3A_517 : vector<1x163840xi32>
    %and3A_519 = arith.andi %ge3A_515, %lt3A_518 : vector<1x163840xi1>
    %sub3A_520 = arith.constant 0 : i32
    %sub3A_521 = vector.broadcast %sub3A_520 : i32 to vector<1x163840xi32>
    %sub3A_522 = arith.subi %get3A_431, %sub3A_521 : vector<1x163840xi32>
    %rem3A_523 = arith.constant 128 : i32
    %rem3A_524 = vector.broadcast %rem3A_523 : i32 to vector<1x163840xi32>
    %rem3A_525 = arith.remsi %get3A_431, %rem3A_524 : vector<1x163840xi32>
    %add3A_526 = arith.constant 5120 : i32
    %add3A_527 = vector.broadcast %add3A_526 : i32 to vector<1x163840xi32>
    %add3A_528 = arith.addi %add3A_527, %rem3A_525 : vector<1x163840xi32>
    %select_n3A_529 = arith.select %and3A_519, %sub3A_522, %add3A_528 : vector<1x163840xi1>, vector<1x163840xi32>
    %squeeze3A_530 = vector.shape_cast %select_n3A_529 : vector<1x163840xi32> to vector<163840xi32>
    %swap3A_531 = arith.constant 0 : index
    %swap3A_532 = arith.constant 0 : index
    %swap3A_533 = vector.load %arg4[%swap3A_531, %swap3A_532] : memref<2x163840xi32, #tpu.memory_space<vmem>>, vector<1x163840xi32>
    %swap3A_534 = vector.shape_cast %swap3A_533 : vector<1x163840xi32> to vector<163840xi32>
    %swap3A_535 = vector.shape_cast %squeeze3A_530 : vector<163840xi32> to vector<1x163840xi32>
    tpu.vector_store %arg4[%swap3A_531, %swap3A_532], %swap3A_535 {strides = array<i32>} : memref<2x163840xi32, #tpu.memory_space<vmem>>, vector<1x163840xi32>,
    %ge3A_536 = arith.constant 5120 : i32
    %ge3A_537 = vector.broadcast %ge3A_536 : i32 to vector<1x163840xi32>
    %ge3A_538 = arith.cmpi sge, %get3A_431, %ge3A_537 : vector<1x163840xi32>
    %lt3A_539 = arith.constant 10240 : i32
    %lt3A_540 = vector.broadcast %lt3A_539 : i32 to vector<1x163840xi32>
    %lt3A_541 = arith.cmpi slt, %get3A_431, %lt3A_540 : vector<1x163840xi32>
    %and3A_542 = arith.andi %ge3A_538, %lt3A_541 : vector<1x163840xi1>
    %sub3A_543 = arith.constant 5120 : i32
    %sub3A_544 = vector.broadcast %sub3A_543 : i32 to vector<1x163840xi32>
    %sub3A_545 = arith.subi %get3A_431, %sub3A_544 : vector<1x163840xi32>
    %rem3A_546 = arith.constant 128 : i32
    %rem3A_547 = vector.broadcast %rem3A_546 : i32 to vector<1x163840xi32>
    %rem3A_548 = arith.remsi %get3A_431, %rem3A_547 : vector<1x163840xi32>
    %add3A_549 = arith.constant 5120 : i32
    %add3A_550 = vector.broadcast %add3A_549 : i32 to vector<1x163840xi32>
    %add3A_551 = arith.addi %add3A_550, %rem3A_548 : vector<1x163840xi32>
    %select_n3A_552 = arith.select %and3A_542, %sub3A_545, %add3A_551 : vector<1x163840xi1>, vector<1x163840xi32>
    %squeeze3A_553 = vector.shape_cast %select_n3A_552 : vector<1x163840xi32> to vector<163840xi32>
    %swap3A_554 = arith.constant 1 : index
    %swap3A_555 = arith.constant 0 : index
    %swap3A_556 = vector.load %arg4[%swap3A_554, %swap3A_555] : memref<2x163840xi32, #tpu.memory_space<vmem>>, vector<1x163840xi32>
    %swap3A_557 = vector.shape_cast %swap3A_556 : vector<1x163840xi32> to vector<163840xi32>
    %swap3A_558 = vector.shape_cast %squeeze3A_553 : vector<163840xi32> to vector<1x163840xi32>
    tpu.vector_store %arg4[%swap3A_554, %swap3A_555], %swap3A_558 {strides = array<i32>} : memref<2x163840xi32, #tpu.memory_space<vmem>>, vector<1x163840xi32>,
    return
  }
  func.func @transform_0(%arg0: i32) -> (i32, i32) {
    %c0_i32 = arith.constant 0 : i32
    %c0_i32_0 = arith.constant 0 : i32
    %c0_i32_1 = arith.constant 0 : i32
    return %c0_i32, %c0_i32_0 : i32, i32
  }
  func.func @transform_1(%arg0: i32) -> (i32, i32) {
    %c0_i32 = arith.constant 0 : i32
    %c0_i32_0 = arith.constant 0 : i32
    %c0_i32_1 = arith.constant 0 : i32
    return %c0_i32, %c0_i32_0 : i32, i32
  }
  func.func @transform_2(%arg0: i32) -> (i32, i32) {
    %c0_i32 = arith.constant 0 : i32
    %c0_i32_0 = arith.constant 0 : i32
    %c0_i32_1 = arith.constant 0 : i32
    return %c0_i32, %c0_i32_0 : i32, i32
  }
  func.func @transform_3(%arg0: i32) -> (i32, i32) {
    %c0_i32 = arith.constant 0 : i32
    %c0_i32_0 = arith.constant 0 : i32
    %c0_i32_1 = arith.constant 0 : i32
    return %c0_i32, %c0_i32_0 : i32, i32
  }
}

module attributes {stable_mosaic.version = 14 : i64} {
  func.func @_dense_layer_body(%arg0: i32, %arg1: memref<2x1000x128xf32, #tpu.memory_space<vmem>>, %arg2: memref<2x1000x1xf32, #tpu.memory_space<vmem>>, %arg3: memref<2x1000x128xf32, #tpu.memory_space<vmem>>, %arg4: memref<256x256xf32, #tpu.memory_space<vmem>>, %arg5: memref<1x256xf32, #tpu.memory_space<vmem>>, %arg6: memref<256x256xf32, #tpu.memory_space<vmem>>, %arg7: memref<2x1000x128xf32, #tpu.memory_space<vmem>>) attributes {dimension_semantics = [#tpu.dimension_semantics<arbitrary>], iteration_bounds = array<i64: 10>, scalar_prefetch = 0 : i64, scratch_operands = 0 : i64, tpu.core_type = #tpu.core_type<tc>, window_params = [{transform_indices = @transform_0, window_bounds = array<i64: 2, 1000, 128>}, {transform_indices = @transform_1, window_bounds = array<i64: 2, 1000, 1>}, {transform_indices = @transform_2, window_bounds = array<i64: 2, 1000, 128>}, {pipeline_mode = #tpu.pipeline_mode<synchronous>, transform_indices = @transform_3, window_bounds = array<i64: 256, 256>}, {pipeline_mode = #tpu.pipeline_mode<synchronous>, transform_indices = @transform_4, window_bounds = array<i64: 1, 256>}, {pipeline_mode = #tpu.pipeline_mode<synchronous>, transform_indices = @transform_5, window_bounds = array<i64: 256, 256>}, {transform_indices = @transform_6, window_bounds = array<i64: 2, 1000, 128>}]} {
    %get3A = arith.constant 0 : index
    %get3A_0 = arith.constant 0 : index
    %get3A_1 = arith.constant 0 : index
    %get3A_2 = vector.load %arg2[%get3A, %get3A_0, %get3A_1] : memref<2x1000x1xf32, #tpu.memory_space<vmem>>, vector<1x1000x1xf32>
    %get3A_3 = vector.shape_cast %get3A_2 : vector<1x1000x1xf32> to vector<1000x1xf32>
    %get3A_4 = arith.constant 1 : index
    %get3A_5 = arith.constant 0 : index
    %get3A_6 = arith.constant 0 : index
    %get3A_7 = vector.load %arg2[%get3A_4, %get3A_5, %get3A_6] : memref<2x1000x1xf32, #tpu.memory_space<vmem>>, vector<1x1000x1xf32>
    %get3A_8 = vector.shape_cast %get3A_7 : vector<1x1000x1xf32> to vector<1000x1xf32>
    %add3A = arith.addf %get3A_3, %get3A_8 : vector<1000x1xf32>
    %max3A = arith.constant 1.000000e+00 : f32
    %max3A_9 = vector.broadcast %max3A : f32 to vector<1000x1xf32>
    %max3A_10 = arith.maximumf %add3A, %max3A_9 : vector<1000x1xf32>
    %div3A = arith.constant 1.000000e+00 : f32
    %div3A_11 = vector.broadcast %div3A : f32 to vector<1000x1xf32>
    %div3A_12 = arith.divf %div3A_11, %max3A_10 : vector<1000x1xf32>
    %get3A_13 = arith.constant 0 : index
    %get3A_14 = arith.constant 0 : index
    %get3A_15 = vector.load %arg5[%get3A_13, %get3A_14] : memref<1x256xf32, #tpu.memory_space<vmem>>, vector<1x256xf32>
    %get3A_16 = arith.constant 0 : index
    %get3A_17 = arith.constant 0 : index
    %get3A_18 = arith.constant 0 : index
    %get3A_19 = vector.load %arg1[%get3A_16, %get3A_17, %get3A_18] : memref<2x1000x128xf32, #tpu.memory_space<vmem>>, vector<1x1000x128xf32>
    %get3A_20 = vector.shape_cast %get3A_19 : vector<1x1000x128xf32> to vector<1000x128xf32>
    %mul3A = vector.broadcast %div3A_12 : vector<1000x1xf32> to vector<1000x128xf32>
    %mul3A_21 = arith.mulf %get3A_20, %mul3A : vector<1000x128xf32>
    %get3A_22 = arith.constant 0 : index
    %get3A_23 = arith.constant 0 : index
    %get3A_24 = vector.load %arg4[%get3A_22, %get3A_23] : memref<256x256xf32, #tpu.memory_space<vmem>>, vector<128x256xf32>
    %dot_general3A = arith.constant dense<0.000000e+00> : vector<1000x256xf32>
    %dot_general3A_25 = tpu.matmul %mul3A_21, %get3A_24, %dot_general3A {dimension_numbers = #tpu.dot_dimension_numbers<[1], [0], [0], [1], [0, 0, 1, 1], [], []>, precision = #tpu.contract_precision<fp32>, transpose_lhs_hint = false} : vector<1000x128xf32>, vector<128x256xf32>, vector<1000x256xf32> -> vector<1000x256xf32>
    %add3A_26 = vector.broadcast %get3A_15 : vector<1x256xf32> to vector<1000x256xf32>
    %add3A_27 = arith.addf %add3A_26, %dot_general3A_25 : vector<1000x256xf32>
    %get3A_28 = arith.constant 0 : index
    %get3A_29 = arith.constant 0 : index
    %get3A_30 = arith.constant 0 : index
    %get3A_31 = vector.load %arg3[%get3A_28, %get3A_29, %get3A_30] : memref<2x1000x128xf32, #tpu.memory_space<vmem>>, vector<1x1000x128xf32>
    %get3A_32 = vector.shape_cast %get3A_31 : vector<1x1000x128xf32> to vector<1000x128xf32>
    %get3A_33 = arith.constant 0 : index
    %get3A_34 = arith.constant 0 : index
    %get3A_35 = vector.load %arg6[%get3A_33, %get3A_34] : memref<256x256xf32, #tpu.memory_space<vmem>>, vector<128x256xf32>
    %dot_general3A_36 = arith.constant dense<0.000000e+00> : vector<1000x256xf32>
    %dot_general3A_37 = tpu.matmul %get3A_32, %get3A_35, %dot_general3A_36 {dimension_numbers = #tpu.dot_dimension_numbers<[1], [0], [0], [1], [0, 0, 1, 1], [], []>, precision = #tpu.contract_precision<fp32>, transpose_lhs_hint = false} : vector<1000x128xf32>, vector<128x256xf32>, vector<1000x256xf32> -> vector<1000x256xf32>
    %add3A_38 = arith.addf %add3A_27, %dot_general3A_37 : vector<1000x256xf32>
    %get3A_39 = arith.constant 1 : index
    %get3A_40 = arith.constant 0 : index
    %get3A_41 = arith.constant 0 : index
    %get3A_42 = vector.load %arg1[%get3A_39, %get3A_40, %get3A_41] : memref<2x1000x128xf32, #tpu.memory_space<vmem>>, vector<1x1000x128xf32>
    %get3A_43 = vector.shape_cast %get3A_42 : vector<1x1000x128xf32> to vector<1000x128xf32>
    %mul3A_44 = vector.broadcast %div3A_12 : vector<1000x1xf32> to vector<1000x128xf32>
    %mul3A_45 = arith.mulf %get3A_43, %mul3A_44 : vector<1000x128xf32>
    %get3A_46 = arith.constant 128 : index
    %get3A_47 = arith.constant 0 : index
    %get3A_48 = vector.load %arg4[%get3A_46, %get3A_47] : memref<256x256xf32, #tpu.memory_space<vmem>>, vector<128x256xf32>
    %dot_general3A_49 = arith.constant dense<0.000000e+00> : vector<1000x256xf32>
    %dot_general3A_50 = tpu.matmul %mul3A_45, %get3A_48, %dot_general3A_49 {dimension_numbers = #tpu.dot_dimension_numbers<[1], [0], [0], [1], [0, 0, 1, 1], [], []>, precision = #tpu.contract_precision<fp32>, transpose_lhs_hint = false} : vector<1000x128xf32>, vector<128x256xf32>, vector<1000x256xf32> -> vector<1000x256xf32>
    %add3A_51 = arith.addf %add3A_38, %dot_general3A_50 : vector<1000x256xf32>
    %get3A_52 = arith.constant 1 : index
    %get3A_53 = arith.constant 0 : index
    %get3A_54 = arith.constant 0 : index
    %get3A_55 = vector.load %arg3[%get3A_52, %get3A_53, %get3A_54] : memref<2x1000x128xf32, #tpu.memory_space<vmem>>, vector<1x1000x128xf32>
    %get3A_56 = vector.shape_cast %get3A_55 : vector<1x1000x128xf32> to vector<1000x128xf32>
    %get3A_57 = arith.constant 128 : index
    %get3A_58 = arith.constant 0 : index
    %get3A_59 = vector.load %arg6[%get3A_57, %get3A_58] : memref<256x256xf32, #tpu.memory_space<vmem>>, vector<128x256xf32>
    %dot_general3A_60 = arith.constant dense<0.000000e+00> : vector<1000x256xf32>
    %dot_general3A_61 = tpu.matmul %get3A_56, %get3A_59, %dot_general3A_60 {dimension_numbers = #tpu.dot_dimension_numbers<[1], [0], [0], [1], [0, 0, 1, 1], [], []>, precision = #tpu.contract_precision<fp32>, transpose_lhs_hint = false} : vector<1000x128xf32>, vector<128x256xf32>, vector<1000x256xf32> -> vector<1000x256xf32>
    %add3A_62 = arith.addf %add3A_51, %dot_general3A_61 : vector<1000x256xf32>
    %max3A_63 = arith.constant 0.000000e+00 : f32
    %max3A_64 = vector.broadcast %max3A_63 : f32 to vector<1000x256xf32>
    %max3A_65 = arith.maximumf %add3A_62, %max3A_64 : vector<1000x256xf32>
    %slice3A = vector.extract_strided_slice %max3A_65 {offsets = [0, 0], sizes = [1000, 128], strides = [1, 1]} : vector<1000x256xf32> to vector<1000x128xf32>
    %swap3A = arith.constant 0 : index
    %swap3A_66 = arith.constant 0 : index
    %swap3A_67 = arith.constant 0 : index
    %swap3A_68 = vector.load %arg7[%swap3A, %swap3A_66, %swap3A_67] : memref<2x1000x128xf32, #tpu.memory_space<vmem>>, vector<1x1000x128xf32>
    %swap3A_69 = vector.shape_cast %swap3A_68 : vector<1x1000x128xf32> to vector<1000x128xf32>
    %swap3A_70 = vector.shape_cast %slice3A : vector<1000x128xf32> to vector<1x1000x128xf32>
    tpu.vector_store %arg7[%swap3A, %swap3A_66, %swap3A_67], %swap3A_70 {strides = array<i32>} : memref<2x1000x128xf32, #tpu.memory_space<vmem>>, vector<1x1000x128xf32>,
    %slice3A_71 = vector.extract_strided_slice %max3A_65 {offsets = [0, 128], sizes = [1000, 128], strides = [1, 1]} : vector<1000x256xf32> to vector<1000x128xf32>
    %swap3A_72 = arith.constant 1 : index
    %swap3A_73 = arith.constant 0 : index
    %swap3A_74 = arith.constant 0 : index
    %swap3A_75 = vector.load %arg7[%swap3A_72, %swap3A_73, %swap3A_74] : memref<2x1000x128xf32, #tpu.memory_space<vmem>>, vector<1x1000x128xf32>
    %swap3A_76 = vector.shape_cast %swap3A_75 : vector<1x1000x128xf32> to vector<1000x128xf32>
    %swap3A_77 = vector.shape_cast %slice3A_71 : vector<1000x128xf32> to vector<1x1000x128xf32>
    tpu.vector_store %arg7[%swap3A_72, %swap3A_73, %swap3A_74], %swap3A_77 {strides = array<i32>} : memref<2x1000x128xf32, #tpu.memory_space<vmem>>, vector<1x1000x128xf32>,
    return
  }
  func.func @transform_0(%arg0: i32) -> (i32, i32, i32) {
    %c0_i32 = arith.constant 0 : i32
    %c0_i32_0 = arith.constant 0 : i32
    %c0_i32_1 = arith.constant 0 : i32
    return %c0_i32, %arg0, %c0_i32_0 : i32, i32, i32
  }
  func.func @transform_1(%arg0: i32) -> (i32, i32, i32) {
    %c0_i32 = arith.constant 0 : i32
    %c0_i32_0 = arith.constant 0 : i32
    %c0_i32_1 = arith.constant 0 : i32
    return %c0_i32, %arg0, %c0_i32_0 : i32, i32, i32
  }
  func.func @transform_2(%arg0: i32) -> (i32, i32, i32) {
    %c0_i32 = arith.constant 0 : i32
    %c0_i32_0 = arith.constant 0 : i32
    %c0_i32_1 = arith.constant 0 : i32
    return %c0_i32, %arg0, %c0_i32_0 : i32, i32, i32
  }
  func.func @transform_3(%arg0: i32) -> (i32, i32) {
    %c0_i32 = arith.constant 0 : i32
    %c0_i32_0 = arith.constant 0 : i32
    %c0_i32_1 = arith.constant 0 : i32
    return %c0_i32, %c0_i32_0 : i32, i32
  }
  func.func @transform_4(%arg0: i32) -> (i32, i32) {
    %c0_i32 = arith.constant 0 : i32
    %c0_i32_0 = arith.constant 0 : i32
    %c0_i32_1 = arith.constant 0 : i32
    return %c0_i32, %c0_i32_0 : i32, i32
  }
  func.func @transform_5(%arg0: i32) -> (i32, i32) {
    %c0_i32 = arith.constant 0 : i32
    %c0_i32_0 = arith.constant 0 : i32
    %c0_i32_1 = arith.constant 0 : i32
    return %c0_i32, %c0_i32_0 : i32, i32
  }
  func.func @transform_6(%arg0: i32) -> (i32, i32, i32) {
    %c0_i32 = arith.constant 0 : i32
    %c0_i32_0 = arith.constant 0 : i32
    %c0_i32_1 = arith.constant 0 : i32
    return %c0_i32, %arg0, %c0_i32_0 : i32, i32, i32
  }
}

module attributes {stable_mosaic.version = 14 : i64} {
  func.func @_dense_layer_body(%arg0: i32, %arg1: memref<2x1000x128xf32, #tpu.memory_space<vmem>>, %arg2: memref<2x1000x1xf32, #tpu.memory_space<vmem>>, %arg3: memref<2x1000x128xf32, #tpu.memory_space<vmem>>, %arg4: memref<256x256xf32, #tpu.memory_space<vmem>>, %arg5: memref<1x256xf32, #tpu.memory_space<vmem>>, %arg6: memref<256x256xf32, #tpu.memory_space<vmem>>, %arg7: memref<1000x256xf32, #tpu.memory_space<vmem>>) attributes {dimension_semantics = [#tpu.dimension_semantics<arbitrary>], iteration_bounds = array<i64: 10>, scalar_prefetch = 0 : i64, scratch_operands = 0 : i64, tpu.core_type = #tpu.core_type<tc>, window_params = [{transform_indices = @transform_0, window_bounds = array<i64: 2, 1000, 128>}, {transform_indices = @transform_1, window_bounds = array<i64: 2, 1000, 1>}, {transform_indices = @transform_2, window_bounds = array<i64: 2, 1000, 128>}, {pipeline_mode = #tpu.pipeline_mode<synchronous>, transform_indices = @transform_3, window_bounds = array<i64: 256, 256>}, {pipeline_mode = #tpu.pipeline_mode<synchronous>, transform_indices = @transform_4, window_bounds = array<i64: 1, 256>}, {pipeline_mode = #tpu.pipeline_mode<synchronous>, transform_indices = @transform_5, window_bounds = array<i64: 256, 256>}, {transform_indices = @transform_6, window_bounds = array<i64: 1000, 256>}]} {
    %get3A = arith.constant 0 : index
    %get3A_0 = arith.constant 0 : index
    %get3A_1 = arith.constant 0 : index
    %get3A_2 = vector.load %arg2[%get3A, %get3A_0, %get3A_1] : memref<2x1000x1xf32, #tpu.memory_space<vmem>>, vector<1x1000x1xf32>
    %get3A_3 = vector.shape_cast %get3A_2 : vector<1x1000x1xf32> to vector<1000x1xf32>
    %get3A_4 = arith.constant 1 : index
    %get3A_5 = arith.constant 0 : index
    %get3A_6 = arith.constant 0 : index
    %get3A_7 = vector.load %arg2[%get3A_4, %get3A_5, %get3A_6] : memref<2x1000x1xf32, #tpu.memory_space<vmem>>, vector<1x1000x1xf32>
    %get3A_8 = vector.shape_cast %get3A_7 : vector<1x1000x1xf32> to vector<1000x1xf32>
    %add3A = arith.addf %get3A_3, %get3A_8 : vector<1000x1xf32>
    %max3A = arith.constant 1.000000e+00 : f32
    %max3A_9 = vector.broadcast %max3A : f32 to vector<1000x1xf32>
    %max3A_10 = arith.maximumf %add3A, %max3A_9 : vector<1000x1xf32>
    %div3A = arith.constant 1.000000e+00 : f32
    %div3A_11 = vector.broadcast %div3A : f32 to vector<1000x1xf32>
    %div3A_12 = arith.divf %div3A_11, %max3A_10 : vector<1000x1xf32>
    %get3A_13 = arith.constant 0 : index
    %get3A_14 = arith.constant 0 : index
    %get3A_15 = vector.load %arg5[%get3A_13, %get3A_14] : memref<1x256xf32, #tpu.memory_space<vmem>>, vector<1x256xf32>
    %get3A_16 = arith.constant 0 : index
    %get3A_17 = arith.constant 0 : index
    %get3A_18 = arith.constant 0 : index
    %get3A_19 = vector.load %arg1[%get3A_16, %get3A_17, %get3A_18] : memref<2x1000x128xf32, #tpu.memory_space<vmem>>, vector<1x1000x128xf32>
    %get3A_20 = vector.shape_cast %get3A_19 : vector<1x1000x128xf32> to vector<1000x128xf32>
    %mul3A = vector.broadcast %div3A_12 : vector<1000x1xf32> to vector<1000x128xf32>
    %mul3A_21 = arith.mulf %get3A_20, %mul3A : vector<1000x128xf32>
    %get3A_22 = arith.constant 0 : index
    %get3A_23 = arith.constant 0 : index
    %get3A_24 = vector.load %arg4[%get3A_22, %get3A_23] : memref<256x256xf32, #tpu.memory_space<vmem>>, vector<128x256xf32>
    %dot_general3A = arith.constant dense<0.000000e+00> : vector<1000x256xf32>
    %dot_general3A_25 = tpu.matmul %mul3A_21, %get3A_24, %dot_general3A {dimension_numbers = #tpu.dot_dimension_numbers<[1], [0], [0], [1], [0, 0, 1, 1], [], []>, precision = #tpu.contract_precision<fp32>, transpose_lhs_hint = false} : vector<1000x128xf32>, vector<128x256xf32>, vector<1000x256xf32> -> vector<1000x256xf32>
    %add3A_26 = vector.broadcast %get3A_15 : vector<1x256xf32> to vector<1000x256xf32>
    %add3A_27 = arith.addf %add3A_26, %dot_general3A_25 : vector<1000x256xf32>
    %get3A_28 = arith.constant 0 : index
    %get3A_29 = arith.constant 0 : index
    %get3A_30 = arith.constant 0 : index
    %get3A_31 = vector.load %arg3[%get3A_28, %get3A_29, %get3A_30] : memref<2x1000x128xf32, #tpu.memory_space<vmem>>, vector<1x1000x128xf32>
    %get3A_32 = vector.shape_cast %get3A_31 : vector<1x1000x128xf32> to vector<1000x128xf32>
    %get3A_33 = arith.constant 0 : index
    %get3A_34 = arith.constant 0 : index
    %get3A_35 = vector.load %arg6[%get3A_33, %get3A_34] : memref<256x256xf32, #tpu.memory_space<vmem>>, vector<128x256xf32>
    %dot_general3A_36 = arith.constant dense<0.000000e+00> : vector<1000x256xf32>
    %dot_general3A_37 = tpu.matmul %get3A_32, %get3A_35, %dot_general3A_36 {dimension_numbers = #tpu.dot_dimension_numbers<[1], [0], [0], [1], [0, 0, 1, 1], [], []>, precision = #tpu.contract_precision<fp32>, transpose_lhs_hint = false} : vector<1000x128xf32>, vector<128x256xf32>, vector<1000x256xf32> -> vector<1000x256xf32>
    %add3A_38 = arith.addf %add3A_27, %dot_general3A_37 : vector<1000x256xf32>
    %get3A_39 = arith.constant 1 : index
    %get3A_40 = arith.constant 0 : index
    %get3A_41 = arith.constant 0 : index
    %get3A_42 = vector.load %arg1[%get3A_39, %get3A_40, %get3A_41] : memref<2x1000x128xf32, #tpu.memory_space<vmem>>, vector<1x1000x128xf32>
    %get3A_43 = vector.shape_cast %get3A_42 : vector<1x1000x128xf32> to vector<1000x128xf32>
    %mul3A_44 = vector.broadcast %div3A_12 : vector<1000x1xf32> to vector<1000x128xf32>
    %mul3A_45 = arith.mulf %get3A_43, %mul3A_44 : vector<1000x128xf32>
    %get3A_46 = arith.constant 128 : index
    %get3A_47 = arith.constant 0 : index
    %get3A_48 = vector.load %arg4[%get3A_46, %get3A_47] : memref<256x256xf32, #tpu.memory_space<vmem>>, vector<128x256xf32>
    %dot_general3A_49 = arith.constant dense<0.000000e+00> : vector<1000x256xf32>
    %dot_general3A_50 = tpu.matmul %mul3A_45, %get3A_48, %dot_general3A_49 {dimension_numbers = #tpu.dot_dimension_numbers<[1], [0], [0], [1], [0, 0, 1, 1], [], []>, precision = #tpu.contract_precision<fp32>, transpose_lhs_hint = false} : vector<1000x128xf32>, vector<128x256xf32>, vector<1000x256xf32> -> vector<1000x256xf32>
    %add3A_51 = arith.addf %add3A_38, %dot_general3A_50 : vector<1000x256xf32>
    %get3A_52 = arith.constant 1 : index
    %get3A_53 = arith.constant 0 : index
    %get3A_54 = arith.constant 0 : index
    %get3A_55 = vector.load %arg3[%get3A_52, %get3A_53, %get3A_54] : memref<2x1000x128xf32, #tpu.memory_space<vmem>>, vector<1x1000x128xf32>
    %get3A_56 = vector.shape_cast %get3A_55 : vector<1x1000x128xf32> to vector<1000x128xf32>
    %get3A_57 = arith.constant 128 : index
    %get3A_58 = arith.constant 0 : index
    %get3A_59 = vector.load %arg6[%get3A_57, %get3A_58] : memref<256x256xf32, #tpu.memory_space<vmem>>, vector<128x256xf32>
    %dot_general3A_60 = arith.constant dense<0.000000e+00> : vector<1000x256xf32>
    %dot_general3A_61 = tpu.matmul %get3A_56, %get3A_59, %dot_general3A_60 {dimension_numbers = #tpu.dot_dimension_numbers<[1], [0], [0], [1], [0, 0, 1, 1], [], []>, precision = #tpu.contract_precision<fp32>, transpose_lhs_hint = false} : vector<1000x128xf32>, vector<128x256xf32>, vector<1000x256xf32> -> vector<1000x256xf32>
    %add3A_62 = arith.addf %add3A_51, %dot_general3A_61 : vector<1000x256xf32>
    %max3A_63 = arith.constant 0.000000e+00 : f32
    %max3A_64 = vector.broadcast %max3A_63 : f32 to vector<1000x256xf32>
    %max3A_65 = arith.maximumf %add3A_62, %max3A_64 : vector<1000x256xf32>
    %swap3A = arith.constant 0 : index
    %swap3A_66 = arith.constant 0 : index
    %swap3A_67 = vector.load %arg7[%swap3A, %swap3A_66] : memref<1000x256xf32, #tpu.memory_space<vmem>>, vector<1000x256xf32>
    tpu.vector_store %arg7[%swap3A, %swap3A_66], %max3A_65 {strides = array<i32>} : memref<1000x256xf32, #tpu.memory_space<vmem>>, vector<1000x256xf32>,
    return
  }
  func.func @transform_0(%arg0: i32) -> (i32, i32, i32) {
    %c0_i32 = arith.constant 0 : i32
    %c0_i32_0 = arith.constant 0 : i32
    %c0_i32_1 = arith.constant 0 : i32
    return %c0_i32, %arg0, %c0_i32_0 : i32, i32, i32
  }
  func.func @transform_1(%arg0: i32) -> (i32, i32, i32) {
    %c0_i32 = arith.constant 0 : i32
    %c0_i32_0 = arith.constant 0 : i32
    %c0_i32_1 = arith.constant 0 : i32
    return %c0_i32, %arg0, %c0_i32_0 : i32, i32, i32
  }
  func.func @transform_2(%arg0: i32) -> (i32, i32, i32) {
    %c0_i32 = arith.constant 0 : i32
    %c0_i32_0 = arith.constant 0 : i32
    %c0_i32_1 = arith.constant 0 : i32
    return %c0_i32, %arg0, %c0_i32_0 : i32, i32, i32
  }
  func.func @transform_3(%arg0: i32) -> (i32, i32) {
    %c0_i32 = arith.constant 0 : i32
    %c0_i32_0 = arith.constant 0 : i32
    %c0_i32_1 = arith.constant 0 : i32
    return %c0_i32, %c0_i32_0 : i32, i32
  }
  func.func @transform_4(%arg0: i32) -> (i32, i32) {
    %c0_i32 = arith.constant 0 : i32
    %c0_i32_0 = arith.constant 0 : i32
    %c0_i32_1 = arith.constant 0 : i32
    return %c0_i32, %c0_i32_0 : i32, i32
  }
  func.func @transform_5(%arg0: i32) -> (i32, i32) {
    %c0_i32 = arith.constant 0 : i32
    %c0_i32_0 = arith.constant 0 : i32
    %c0_i32_1 = arith.constant 0 : i32
    return %c0_i32, %c0_i32_0 : i32, i32
  }
  func.func @transform_6(%arg0: i32) -> (i32, i32) {
    %c0_i32 = arith.constant 0 : i32
    %c0_i32_0 = arith.constant 0 : i32
    return %arg0, %c0_i32 : i32, i32
  }
}

module attributes {stable_mosaic.version = 14 : i64} {
  func.func @_head_body(%arg0: i32, %arg1: memref<100x512xf32, #tpu.memory_space<vmem>>, %arg2: memref<512x512xf32, #tpu.memory_space<vmem>>, %arg3: memref<1x512xf32, #tpu.memory_space<vmem>>, %arg4: memref<512x128xf32, #tpu.memory_space<vmem>>, %arg5: memref<1x128xf32, #tpu.memory_space<vmem>>, %arg6: memref<100x128xf32, #tpu.memory_space<vmem>>, %arg7: memref<100x512xf32, #tpu.memory_space<vmem>>) attributes {dimension_semantics = [#tpu.dimension_semantics<arbitrary>], iteration_bounds = array<i64: 50>, scalar_prefetch = 0 : i64, scratch_operands = 1 : i64, tpu.core_type = #tpu.core_type<tc>, window_params = [{transform_indices = @transform_0, window_bounds = array<i64: 100, 512>}, {transform_indices = @transform_1, window_bounds = array<i64: 512, 512>}, {pipeline_mode = #tpu.pipeline_mode<synchronous>, transform_indices = @transform_2, window_bounds = array<i64: 1, 512>}, {pipeline_mode = #tpu.pipeline_mode<synchronous>, transform_indices = @transform_3, window_bounds = array<i64: 512, 128>}, {pipeline_mode = #tpu.pipeline_mode<synchronous>, transform_indices = @transform_4, window_bounds = array<i64: 1, 128>}, {pipeline_mode = #tpu.pipeline_mode<synchronous>, transform_indices = @transform_5, window_bounds = array<i64: 100, 128>}]} {
    %eq3A = arith.constant 0 : i32
    %eq3A_0 = arith.cmpi eq, %arg0, %eq3A : i32
    %convert_element_type3A = arith.extui %eq3A_0 : i1 to i32
    %cond3A = arith.constant 0 : i32
    %cond3A_1 = arith.cmpi ne, %convert_element_type3A, %cond3A : i32
    scf.if %cond3A_1 {
      %broadcast_in_dim3A = arith.constant 0.000000e+00 : f32
      %broadcast_in_dim3A_18 = vector.broadcast %broadcast_in_dim3A : f32 to vector<100x512xf32>
      %swap3A_19 = arith.constant 0 : index
      %swap3A_20 = arith.constant 0 : index
      %swap3A_21 = vector.load %arg7[%swap3A_19, %swap3A_20] : memref<100x512xf32, #tpu.memory_space<vmem>>, vector<100x512xf32>
      tpu.vector_store %arg7[%swap3A_19, %swap3A_20], %broadcast_in_dim3A_18 {strides = array<i32>} : memref<100x512xf32, #tpu.memory_space<vmem>>, vector<100x512xf32>,
    } else {
    }
    %get3A = arith.constant 0 : index
    %get3A_2 = arith.constant 0 : index
    %get3A_3 = vector.load %arg7[%get3A, %get3A_2] : memref<100x512xf32, #tpu.memory_space<vmem>>, vector<100x512xf32>
    %get3A_4 = arith.constant 0 : index
    %get3A_5 = arith.constant 0 : index
    %get3A_6 = vector.load %arg1[%get3A_4, %get3A_5] : memref<100x512xf32, #tpu.memory_space<vmem>>, vector<100x512xf32>
    %get3A_7 = arith.constant 0 : index
    %get3A_8 = arith.constant 0 : index
    %get3A_9 = vector.load %arg2[%get3A_7, %get3A_8] : memref<512x512xf32, #tpu.memory_space<vmem>>, vector<512x512xf32>
    %dot_general3A = arith.constant dense<0.000000e+00> : vector<100x512xf32>
    %dot_general3A_10 = tpu.matmul %get3A_6, %get3A_9, %dot_general3A {dimension_numbers = #tpu.dot_dimension_numbers<[1], [0], [0], [1], [0, 0, 1, 1], [], []>, precision = #tpu.contract_precision<fp32>, transpose_lhs_hint = false} : vector<100x512xf32>, vector<512x512xf32>, vector<100x512xf32> -> vector<100x512xf32>
    %add3A = arith.addf %get3A_3, %dot_general3A_10 : vector<100x512xf32>
    %swap3A = arith.constant 0 : index
    %swap3A_11 = arith.constant 0 : index
    %swap3A_12 = vector.load %arg7[%swap3A, %swap3A_11] : memref<100x512xf32, #tpu.memory_space<vmem>>, vector<100x512xf32>
    tpu.vector_store %arg7[%swap3A, %swap3A_11], %add3A {strides = array<i32>} : memref<100x512xf32, #tpu.memory_space<vmem>>, vector<100x512xf32>,
    %eq3A_13 = arith.constant 49 : i32
    %eq3A_14 = arith.cmpi eq, %arg0, %eq3A_13 : i32
    %convert_element_type3A_15 = arith.extui %eq3A_14 : i1 to i32
    %cond3A_16 = arith.constant 0 : i32
    %cond3A_17 = arith.cmpi ne, %convert_element_type3A_15, %cond3A_16 : i32
    scf.if %cond3A_17 {
      %get3A_18 = arith.constant 0 : index
      %get3A_19 = arith.constant 0 : index
      %get3A_20 = vector.load %arg7[%get3A_18, %get3A_19] : memref<100x512xf32, #tpu.memory_space<vmem>>, vector<100x512xf32>
      %get3A_21 = arith.constant 0 : index
      %get3A_22 = arith.constant 0 : index
      %get3A_23 = vector.load %arg3[%get3A_21, %get3A_22] : memref<1x512xf32, #tpu.memory_space<vmem>>, vector<1x512xf32>
      %add3A_24 = vector.broadcast %get3A_23 : vector<1x512xf32> to vector<100x512xf32>
      %add3A_25 = arith.addf %get3A_20, %add3A_24 : vector<100x512xf32>
      %max3A = arith.constant 0.000000e+00 : f32
      %max3A_26 = vector.broadcast %max3A : f32 to vector<100x512xf32>
      %max3A_27 = arith.maximumf %add3A_25, %max3A_26 : vector<100x512xf32>
      %get3A_28 = arith.constant 0 : index
      %get3A_29 = arith.constant 0 : index
      %get3A_30 = vector.load %arg4[%get3A_28, %get3A_29] : memref<512x128xf32, #tpu.memory_space<vmem>>, vector<512x128xf32>
      %dot_general3A_31 = arith.constant dense<0.000000e+00> : vector<100x128xf32>
      %dot_general3A_32 = tpu.matmul %max3A_27, %get3A_30, %dot_general3A_31 {dimension_numbers = #tpu.dot_dimension_numbers<[1], [0], [0], [1], [0, 0, 1, 1], [], []>, precision = #tpu.contract_precision<fp32>, transpose_lhs_hint = false} : vector<100x512xf32>, vector<512x128xf32>, vector<100x128xf32> -> vector<100x128xf32>
      %get3A_33 = arith.constant 0 : index
      %get3A_34 = arith.constant 0 : index
      %get3A_35 = vector.load %arg5[%get3A_33, %get3A_34] : memref<1x128xf32, #tpu.memory_space<vmem>>, vector<1x128xf32>
      %add3A_36 = vector.broadcast %get3A_35 : vector<1x128xf32> to vector<100x128xf32>
      %add3A_37 = arith.addf %dot_general3A_32, %add3A_36 : vector<100x128xf32>
      %swap3A_38 = arith.constant 0 : index
      %swap3A_39 = arith.constant 0 : index
      %swap3A_40 = vector.load %arg6[%swap3A_38, %swap3A_39] : memref<100x128xf32, #tpu.memory_space<vmem>>, vector<100x128xf32>
      tpu.vector_store %arg6[%swap3A_38, %swap3A_39], %add3A_37 {strides = array<i32>} : memref<100x128xf32, #tpu.memory_space<vmem>>, vector<100x128xf32>,
    } else {
    }
    return
  }
  func.func @transform_0(%arg0: i32) -> (i32, i32) {
    %c0_i32 = arith.constant 0 : i32
    %c0_i32_0 = arith.constant 0 : i32
    return %c0_i32, %arg0 : i32, i32
  }
  func.func @transform_1(%arg0: i32) -> (i32, i32) {
    %c0_i32 = arith.constant 0 : i32
    %c0_i32_0 = arith.constant 0 : i32
    return %arg0, %c0_i32 : i32, i32
  }
  func.func @transform_2(%arg0: i32) -> (i32, i32) {
    %c0_i32 = arith.constant 0 : i32
    %c0_i32_0 = arith.constant 0 : i32
    %c0_i32_1 = arith.constant 0 : i32
    return %c0_i32, %c0_i32_0 : i32, i32
  }
  func.func @transform_3(%arg0: i32) -> (i32, i32) {
    %c0_i32 = arith.constant 0 : i32
    %c0_i32_0 = arith.constant 0 : i32
    %c0_i32_1 = arith.constant 0 : i32
    return %c0_i32, %c0_i32_0 : i32, i32
  }
  func.func @transform_4(%arg0: i32) -> (i32, i32) {
    %c0_i32 = arith.constant 0 : i32
    %c0_i32_0 = arith.constant 0 : i32
    %c0_i32_1 = arith.constant 0 : i32
    return %c0_i32, %c0_i32_0 : i32, i32
  }
  func.func @transform_5(%arg0: i32) -> (i32, i32) {
    %c0_i32 = arith.constant 0 : i32
    %c0_i32_0 = arith.constant 0 : i32
    %c0_i32_1 = arith.constant 0 : i32
    return %c0_i32, %c0_i32_0 : i32, i32
  }
}

</mosaic_0001>

<sc_bundles>
// kernel: kernel.12.cloned.1.call-start
scs
__scs_entry_jumppad:
0x0: {  	(pc) =	sbr.rel $0x88, $3  }
0x1: {  	(tag) =	ssettag $0x0;
	lr =	simm.s32 $0x1  }
0x2: {  	[smem:$0x3F95] =	sst lr;
	_ =	strace $0xD0000000  }
0x3: {  	_ = 	snop  }
0x4: {  	_ = 	snop  }
0x5: {  	_ = 	snop  }
0x6: {  	_ = 	snop  }
0x7: {  	_ = 	snop  }
__scs_overlays_trampoline_lowered:
0x8: {  	[smem:$0x3FA4] =	sst s0  }
0x9: {  	[smem:$0x3FA5] =	sst s1  }
0xa: {  	[smem:$0x3FA6] =	sst s2  }
0xb: {  	[smem:$0x3FA7] =	sst s3  }
0xc: {  	[smem:$0x3FA8] =	sst s4  }
0xd: {  	[smem:$0x3FA9] =	sst s5  }
0xe: {  	[smem:$0x3FAA] =	sst s6  }
0xf: {  	[smem:$0x3FAB] =	sst s7  }
0x10: {  	[smem:$0x3FAC] =	sst s8  }
0x11: {  	[smem:$0x3FAD] =	sst s9;
	s0 =	simm.s32 @!p0 $0x0  }
0x12: {  	s1 =	sld [smem:$0x3F93];
	s0 =	simm.s32 @p0 $0x1  }
0x13: {  	[smem:$0x3FAE] =	sst s0;
	s0 =	simm.s32 @!p1 $0x0  }
0x14: {  	s2 =	sld [smem:$0x3F92];
	s0 =	simm.s32 @p1 $0x1  }
0x15: {  	[smem:$0x3FAF] =	sst s0;
	s0 =	simm.s32 @!p2 $0x0  }
0x16: {  	s3 =	sld [smem:$0x3FDB];
	s0 =	simm.s32 @p2 $0x1  }
0x17: {  	s4 =	simm.s32 $0x1BF5;
	[smem:$0x3FB1] =	sst s0  }
0x18: {  	s0 =	sld [smem:$0x3F94];
	_ =	swait.ge [sflag:s4], $0x0  }
0x19: {  	s7 =	sld [smem:$0x3F95]  }
0x1a: {  	s8 =	sadd.s32 $0xFFFFE003, lr  }
0x1b: {  	s9 =	sadd.s32 $0xFFFFFEF7, lr;
	s5 =	simm.s32 $0xFFFFFFFF;
	p2 =	slt.u32 s8, $0xFFFFF086  }
0x1c: {  	p1 =	slt.u32 s9, $0xF7A;
	s5 =	simm.s32 @!p2 $0x0  }
0x1d: {  	s5 =	simm.s32 @p1 $0x1;
	p0 =	seq.s32 s7, s2  }
0x1e: {  	s7 =	smul.u32 @!p0 $0xF7A, s2;
	p2 =	seq.s32 @!p0 s5, $0x0  }
0x1f: {  	s9 =	smul.u32 $0xF7A, s1;
	s8 =	simm.s32 @!p0 $0x1BF5;
	p2 =	por !p2, p0  }
0x20: {  	[sflag:s8] =	ssyncset.s32 @!p0 $0xFFFFF086;
	s6 =	sadd.s32 @!p0 s3, s7;
	s7 =	simm.s32 @!p0 $0x108  }
0x21: {  	s3 =	sadd.s32 s3, s9;
	s6 =	sadd.s32 @!p0 $0x88, s6;
	s7 =	simm.s32 @p2 $0x1082  }
0x22: {  	[simem:s7], [sflag:s8] =	dma.local @!p0 [hbm:s6], $0xF7A  }
0x23: {  	s9 =	sor.u32 $0xD0000000, s2;
	s6 =	simm.s32 $0x108;
	_ =	swait.ge @!p0 [sflag:s8], $0x0  }
0x24: {  	s3 =	sadd.s32 $0x88, s3;
	s6 =	simm.s32 @!p1 $0x1082;
	[sflag:s4] =	ssyncset.s32 $0xFFFFF086  }
0x25: {  	[simem:s6], [sflag:s4] =	dma.local [hbm:s3], $0xF7A  }
0x26: {  	[smem:$0x3F95] =	sst s1;
	(tag) =	ssettag s2;
	_ =	strace s9  }
0x27: {  	s1 =	sld [smem:$0x3FA5]  }
0x28: {  	s2 =	sld [smem:$0x3FA6]  }
0x29: {  	s4 =	sld [smem:$0x3FA8]  }
0x2a: {  	p0 =	seq.s32 s5, $0x0;
	s5 =	sld [smem:$0x3FA9]  }
0x2b: {  	s6 =	sld [smem:$0x3FAA]  }
0x2c: {  	s7 =	sld [smem:$0x3FAB]  }
0x2d: {  	s3 =	simm.s32 $0x108;
	s8 =	sld [smem:$0x3FAC]  }
0x2e: {  	s3 =	simm.s32 @!p0 $0x1082;
	s9 =	sld [smem:$0x3FAD]  }
0x2f: {  	lr =	sadd.s32 s0, s3;
	s0 =	sld [smem:$0x3FA4]  }
0x30: {  	s3 =	sld [smem:$0x3FA7]  }
0x31: {  	[smem:$0x3FB0] =	sst s10  }
0x32: {  	s10 =	sld [smem:$0x3FAE];
	_ =	sdelay $0x3  }
0x33: {  	p0 =	seq.s32 s10, $0x1;
	s10 =	sld [smem:$0x3FB0];
	_ =	sdelay $0x3  }
0x34: {  	[smem:$0x3FB0] =	sst s10  }
0x35: {  	s10 =	sld [smem:$0x3FAF];
	_ =	sdelay $0x3  }
0x36: {  	p1 =	seq.s32 s10, $0x1;
	s10 =	sld [smem:$0x3FB0];
	_ =	sdelay $0x3  }
0x37: {  	[smem:$0x3FB0] =	sst s10  }
0x38: {  	s10 =	sld [smem:$0x3FB1]  }
0x39: {  	_ = 	snop;
	(pc) =	sbr.ind lr, $3  }
0x3a: {  	_ = 	snop  }
0x3b: {  	_ = 	snop  }
0x3c: {  	p2 =	seq.s32 s10, $0x1;
	s10 =	sld [smem:$0x3FB0]  }
0x3d: {  	_ =	shalt  }
0x3e: {  	_ =	shalt  }
0x3f: {  	_ =	shalt  }
0x40: {  	_ =	shalt  }
0x41: {  	_ =	shalt  }
0x42: {  	_ =	shalt  }
0x43: {  	_ =	shalt  }
0x44: {  	_ =	shalt  }
0x45: {  	_ =	shalt  }
0x46: {  	_ =	shalt  }
0x47: {  	_ =	shalt  }
0x48: {  	_ =	shalt  }
0x49: {  	_ =	shalt  }
0x4a: {  	_ =	shalt  }
0x4b: {  	_ =	shalt  }
0x4c: {  	_ =	shalt  }
0x4d: {  	_ =	shalt  }
0x4e: {  	_ =	shalt  }
0x4f: {  	_ =	shalt  }
0x50: {  	_ =	shalt  }
0x51: {  	_ =	shalt  }
0x52: {  	_ =	shalt  }
0x53: {  	_ =	shalt  }
0x54: {  	_ =	shalt  }
0x55: {  	_ =	shalt  }
0x56: {  	_ =	shalt  }
0x57: {  	_ =	shalt  }
0x58: {  	_ =	shalt  }
0x59: {  	_ =	shalt  }
0x5a: {  	_ =	shalt  }
0x5b: {  	_ =	shalt  }
0x5c: {  	_ =	shalt  }
0x5d: {  	_ =	shalt  }
0x5e: {  	_ =	shalt  }
0x5f: {  	_ =	shalt  }
0x60: {  	_ =	shalt  }
0x61: {  	_ =	shalt  }
0x62: {  	_ =	shalt  }
0x63: {  	_ =	shalt  }
0x64: {  	_ =	shalt  }
0x65: {  	_ =	shalt  }
0x66: {  	_ =	shalt  }
0x67: {  	_ =	shalt  }
0x68: {  	_ =	shalt  }
0x69: {  	_ =	shalt  }
0x6a: {  	_ =	shalt  }
0x6b: {  	_ =	shalt  }
0x6c: {  	_ =	shalt  }
0x6d: {  	_ =	shalt  }
0x6e: {  	_ =	shalt  }
0x6f: {  	_ =	shalt  }
0x70: {  	_ =	shalt  }
0x71: {  	_ =	shalt  }
0x72: {  	_ =	shalt  }
0x73: {  	_ =	shalt  }
0x74: {  	_ =	shalt  }
0x75: {  	_ =	shalt  }
0x76: {  	_ =	shalt  }
0x77: {  	_ =	shalt  }
0x78: {  	_ =	shalt  }
0x79: {  	_ =	shalt  }
0x7a: {  	_ =	shalt  }
0x7b: {  	_ =	shalt  }
0x7c: {  	_ =	shalt  }
0x7d: {  	_ =	shalt  }
0x7e: {  	_ =	shalt  }
0x7f: {  	_ =	shalt  }
0x80: {  	_ =	shalt  }
0x81: {  	_ =	shalt  }
0x82: {  	_ =	shalt  }
0x83: {  	_ =	shalt  }
0x84: {  	_ =	shalt  }
0x85: {  	_ =	shalt  }
0x86: {  	_ =	shalt  }
0x87: {  	_ =	shalt  }
.Lfunc_end0:
.L_simem_size_0:
called_computation.1_lowered:
.L_overlay_start_0:
0x88: {  	s2 =	sld [smem:$0x3FD9]  }
0x89: {  	s3 =	sld [smem:$0x3FFE];
	_ =	sdelay $0x1  }
0x8a: {  	s1 =	srdreg.scid  }
0x8b: {  	s0 =	sand.u32 $0x1, s1  }
0x8c: {  	s16 =	sshll.u32 s0, $0xA;
	s2 =	sadd.s32 s3, s2  }
0x8d: {  	s2 =	sadd.s32 s2, s16  }
0x8e: {  	[smem:$0x3FBC] =	sst s2  }
0x8f: {  	_ = 	snop  }
0x90: {  	(tm) =	ssettm $0x1  }
0x91: {  	s17 =	sld [smem:$0x3FFB];
	_ =	sdelay $0x3  }
0x92: {  	_ =	strace s17  }
0x93: {  	s2 =	sld [smem:$0x3FFC];
	_ =	sdelay $0x3  }
0x94: {  	_ =	strace s2  }
0x95: {  	s2 =	sld [smem:$0x3FFD];
	_ =	sdelay $0x3  }
0x96: {  	_ =	strace s2  }
0x97: {  	_ =	strace $0x8FFFFFFF  }
0x98: {  	s18 =	sld [smem:$0x3FDB];
	_ =	sdelay $0x1  }
0x99: {  	s19 =	simm.s32 $_scs_section_size  }
0x9a: {  	s4 =	simm.s32 $_size__tile_overlayer_lowered;
	s5 =	simm.s32 $_tile_overlayer_lowered  }
0x9b: {  	s22 =	simm.s32 $0x1BFF;
	s21 =	sshll.u32 s5, $0x1;
	s2 =	sadd.s32 s19, s18  }
0x9c: {  	s6 =	simm.s32 $0x0;
	s20 =	sshll.u32 s4, $0x1;
	s4 =	sadd.s32 s21, s2  }
0x9d: {  	[timem:s6], [sflag:s22] =	dma.local [hbm:s4], s20  }
0x9e: {  	_ =	swait.ge [sflag:s22], s20  }
0x9f: {  	s3 =	ssub.s32 $0x0, s20;
	[sflag:s22] =	ssyncset.done $0x0  }
0xa0: {  	[sflag:s22] =	ssyncadd.s32 s3;
	_ =	sdelay $0x1  }
0xa1: {  	s23 =	simm.s32 $0x1B8B  }
0xa2: {  	_ =	swait.ge [sflag:s23], $0x1  }
0xa3: {  	[sflag:s23] =	ssyncset.done $0x0  }
0xa4: {  	s25 =	simm.s32 $0x1B8E;
	s24 =	sld [smem:$0x3FFE];
	[sflag:s23] =	ssyncadd.s32 $0xFFFFFFFF  }
0xa5: {  	s26 =	simm.s32 $execute0_lowered;
	[smem:$0x3FD2] =	sst s25  }
0xa6: {  	s4 =	sshll.u32 s26, $0x1;
	_ =	strace $0x80000049;
	[dreg:$0x1] =	wrdreg $0xFFFFFFFF  }
0xa7: {  	s28 =	simm.s32 $_size_execute0_lowered;
	s2 =	sadd.s32 s2, s4;
	[dreg:$0x0] =	wrdreg $0x0  }
0xa8: {  	s4 =	sshll.u32 s28, $0x1;
	[dreg:$0x2] =	wrdreg s2  }
0xa9: {  	[dreg:$0x3] =	wrdreg s4  }
0xaa: {  	[dreg:$0x4] =	wrdreg $0xC0  }
0xab: {  	_ =	task [dreg:s6], $0x5FFFF  }
0xac: {  	[dreg:$0x1] =	wrdreg $0xFFFFFFFF  }
0xad: {  	[dreg:$0x0] =	wrdreg $0x60  }
0xae: {  	[dreg:$0x2] =	wrdreg s24  }
0xaf: {  	[dreg:$0x3] =	wrdreg $0xD0000  }
0xb0: {  	[dreg:$0x4] =	wrdreg $0x9  }
0xb1: {  	_ =	task.clear_ibuf [dreg:s6], $0x5FFFF;
	_ =	strace $0x90000049  }
0xb2: {  	s29 =	simm.s32 $0x9;
	_ =	strace $0x8000004B  }
0xb3: {  	_ =	swait.ge [sflag:s29], $0x1  }
0xb4: {  	[sflag:s29] =	ssyncadd.s32 $0xFFFFFFFF  }
0xb5: {  	_ =	strace $0x9000004B  }
0xb6: {  	_ =	sfence  }
0xb7: {  	s30 =	sld [smem:$0x0];
	_ =	sdelay $0x2  }
0xb8: {  	s31 =	sshll.u32 s1, $0xD;
	s1 =	sshrl.u32 s1, $0x2  }
0xb9: {  	s3 =	sand.u32 $0x4000, s31;
	s1 =	sadd.s32 s1, s30  }
0xba: {  	s0 =	sor.u32 s3, s0;
	s1 =	sshll.u32 s1, $0x11  }
0xbb: {  	s0 =	sor.u32 s1, s0  }
0xbc: {  	s0 =	sadd.s32 $0x8F2B, s0  }
0xbd: {  	[sflag:s0] =	ssyncadd.remote.s32 $0x1  }
0xbe: {  	_ =	sfence.sel $0xFFFF  }
0xbf: {  	[dreg:$0x0] =	wrdreg $0xFFFFFFFF;
	(pc) =	sbr.abs _section_cstart, $3  }
0xc0: {  	[dreg:$0x1] =	wrdreg $0xFFFFFFFF  }
0xc1: {  	_ =	task.clear_ibuf [dreg:s6], $0x2FFFF;
	_ =	strace $0x9FFFFFFF  }
0xc2: {  	(tm) =	ssettm $0x7FFFFFFF  }
0xc3: {  	_ =	shalt  }
tec
execute0_lowered:
.L_overlay_start_1:
0x0: {  	(tag) =	ssettag $0x1  }
0x1: {  	s1 =	srdreg.scid;
	s6 =	rddreg [dreg:$0x0]  }
0x2: {  	s0 =	stileid.u32;
	s2 =	rddreg [dreg:$0x1];
	s3 =	simm.s32 $0x0  }
0x3: {  	s13 =	simm.s32 $0x2800;
	s16 =	simm.s32 $0x80;
	s17 =	simm.s32 $0x5000  }
0x4: {  	s18 =	simm.s32 $0x9000;
	s19 =	simm.s32 $0x1;
	s7 =	smul.u32 $0x2800, s0  }
0x5: {  	s20 =	simm.s32 $0x2;
	s21 =	simm.s32 $0x2780;
	s11 =	smul.u32 $0x29000, s0  }
0x6: {  	s28 =	simm.s32 $0x4F80;
	s29 =	simm.s32 $0x0;
	s31 =	smul.u32 $0xA400, s0  }
0x7: {  	s5 =	sand.u32 $0x1, s1;
	[smem:$0x7FF] =	sst s3;
	s23 =	smul.u32 $0x1480, s0  }
0x8: {  	s22 =	sadd.s32 $0x99C00, s2;
	s14 =	sshll.u32 s0, $0x6;
	p0 =	sgt.u32 s0, $0xD  }
0x9: {  	p1 =	seq.s32 s0, $0xF;
	s4 =	smul.u32 $0x28000, s5;
	_ =	strace $0x8000004A  }
0xa: {  	s9 =	smul.u32 $0x27100, s5;
	s24 =	ssub.s32 $0x2, s5;
	s5 =	sadd.s32 $0xCC00, s6  }
0xb: {  	s14 =	sor.u32 $0x1C03, s14;
	p2 =	sne.s32 @p0 s0, $0xE;
	s22 =	sshrl.u32 @p1 s22, $0x3  }
0xc: {  	s25 =	sshrl.u32 s24, $0x1;
	s30 =	sshrl.u32 s11, $0x2;
	s11 =	sshrl.u32 s31, $0x3  }
0xd: {  	p2 =	por p2, !p0;
	s8 =	sadd.s32 s7, s4;
	s4 =	sadd.s32 $0x6A600, s6  }
0xe: {  	s7 =	sshrl.u32 s7, $0x3;
	s9 =	sadd.s32 s9, s6;
	s12 =	ssub.s32 s24, s25  }
0xf: {  	s24 =	sadd.s32 $0x8F800, s2;
	s25 =	sadd.s32 $0x14000, s11;
	s8 =	sshrl.u32 s8, $0x3  }
0x10: {  	s10 =	sadd.s32 s7, s6;
	s9 =	sadd.s32 $0xE200, s9;
	s11 =	smax.u32 s12, $0x1  }
0x11: {  	s12 =	simm.s32 $0x3;
	s24 =	sshrl.u32 @!p2 s24, $0x3;
	s8 =	sadd.s32 s8, s6  }
0x12: {  	s7 =	sadd.s32 $0x107800, s10;
	s10 =	sadd.s32 $0x10C800, s10;
	s23 =	sadd.s32 @!p1 s23, s9  }
0x13: {  	s25 =	sadd.s32 @!p0 s25, s9;
	s26 =	sadd.s32 $0x2C00, s8;
	s8 =	sadd.s32 s30, s2  }
0x14: {  	[dreg:$0x3] =	wrdreg s26;
	s15 =	sshrl.u32 s8, $0x3;
	s26 =	simm.s32 $0x4F00  }
.LBB2_1:
0x15: {  	s0 =	rddreg [dreg:$0x3]  }
0x16: {  	[tilespmem:s3], [sflag:$0x3] =	stream.linear.gather [hbm4b:s0+s3], $0x2800, $0x38;
	[tilespmem:$0x17400] =	vst v63  }
0x17: {  	_ =	swait.ge [sflag:s12], $0x2800  }
0x18: {  	[sflag:s12] =	ssyncset.done $0x0  }
0x19: {  	[sflag:s12] =	ssyncadd.s32 $0xFFFFD800  }
0x1a: {  	[tilespmem:s13], [sflag:$0x3] =	stream.linear.gather [hbm4b:s7+s3], $0x2800, $0x38;
	[tilespmem:$0x17400] =	vst v63  }
0x1b: {  	_ =	swait.ge [sflag:s12], $0x2800  }
0x1c: {  	[sflag:s12] =	ssyncset.done $0x0  }
0x1d: {  	[sflag:s12] =	ssyncadd.s32 $0xFFFFD800  }
0x1e: {  	[spmem:s15], [sflag:s14] =	dma.local [hbm:s5], $0x1480  }
0x1f: {  	_ =	swait.ge [sflag:s12], $0x1480  }
0x20: {  	[sflag:s12] =	ssyncset.done $0x0  }
0x21: {  	[sflag:s12] =	ssyncadd.s32 $0xFFFFEB80  }
0x22: {  	[bflag:$0x0] =	sbarrier.arrive $0xFFFF  }
0x23: {  	[tilespmem:s17], [sflag:$0x1] =	stream.indirect.gather [hbm4b:s4+s16], $0x80, s3, s16, $0xb8;
	[tilespmem:$0x17400] =	vst v63  }
0x24: {  	s30 =	simm.s32 $0x80  }
0x25: {  	[tilespmem:s18], [sflag:$0x2] =	stream.indirect.gather [hbm4b:s4+s16], $0x80, s30, s16, $0xb8;
	[tilespmem:$0x17400] =	vst v63  }
0x26: {  	_ =	swait.ge [sflag:s19], $0x4000  }
0x27: {  	[sflag:s19] =	ssyncset.done $0x0  }
0x28: {  	s30 =	simm.s32 $0x2800;
	[sflag:s19] =	ssyncadd.s32 $0xFFFFC000  }
0x29: {  	[spmem:s2] =	stream.indirect.scatter.add.f32 [tilespmem:s17], [sflag:$0x3], $0x80, s30, s16, $0xb8;
	[tilespmem:$0x17400] =	vst v63  }
0x2a: {  	_ =	swait.ge [sflag:s12], $0x4000  }
0x2b: {  	[sflag:s12] =	ssyncset.done $0x0  }
0x2c: {  	s30 =	simm.s32 $0x100;
	[sflag:s12] =	ssyncadd.s32 $0xFFFFC000  }
0x2d: {  	[tilespmem:s17], [sflag:$0x1] =	stream.indirect.gather [hbm4b:s4+s16], $0x80, s30, s16, $0xb8;
	[tilespmem:$0x17400] =	vst v63  }
0x2e: {  	_ =	swait.ge [sflag:s20], $0x4000  }
0x2f: {  	[sflag:s20] =	ssyncset.done $0x0  }
0x30: {  	s30 =	simm.s32 $0x2880;
	[sflag:s20] =	ssyncadd.s32 $0xFFFFC000  }
0x31: {  	[spmem:s2] =	stream.indirect.scatter.add.f32 [tilespmem:s18], [sflag:$0x3], $0x80, s30, s16, $0xb8;
	[tilespmem:$0x17400] =	vst v63  }
0x32: {  	_ =	swait.ge [sflag:s12], $0x4000  }
0x33: {  	s31 =	simm.s32 $0x800;
	s30 =	simm.s32 $0x100;
	[sflag:s12] =	ssyncset.done $0x0  }
.LBB2_2:
0x34: {  	s1 =	sadd.s32 $0x80, s30  }
0x35: {  	[sflag:s12] =	ssyncadd.s32 $0xFFFFC000;
	s0 =	smov.u32 s31;
	s6 =	sadd.s32 $0x400, s31  }
0x36: {  	[tilespmem:s18], [sflag:$0x2] =	stream.indirect.gather [hbm4b:s4+s16], $0x80, s1, s16, $0xb8;
	[tilespmem:$0x17400] =	vst v63  }
0x37: {  	p3 =	sne.s32 s31, $0x9800;
	_ =	swait.ge [sflag:s19], $0x4000  }
0x38: {  	[sflag:s19] =	ssyncset.done $0x0  }
0x39: {  	s1 =	sadd.s32 $0x2800, s30;
	[sflag:s19] =	ssyncadd.s32 $0xFFFFC000  }
0x3a: {  	[spmem:s2] =	stream.indirect.scatter.add.f32 [tilespmem:s17], [sflag:$0x3], $0x80, s1, s16, $0xb8;
	[tilespmem:$0x17400] =	vst v63  }
0x3b: {  	_ =	swait.ge [sflag:s12], $0x4000  }
0x3c: {  	[sflag:s12] =	ssyncset.done $0x0  }
0x3d: {  	s1 =	sadd.s32 $0x100, s30;
	[sflag:s12] =	ssyncadd.s32 $0xFFFFC000  }
0x3e: {  	[tilespmem:s17], [sflag:$0x1] =	stream.indirect.gather [hbm4b:s4+s16], $0x80, s1, s16, $0xb8;
	[tilespmem:$0x17400] =	vst v63  }
0x3f: {  	_ =	swait.ge [sflag:s20], $0x4000  }
.Ltmp0:
0x40: {  	[sflag:s20] =	ssyncset.done $0x0;
	(pc) =	sbr.rel @p3 .LBB2_2-.Ltmp0, $4  }
0x41: {  	s1 =	sadd.s32 $0x2880, s30;
	[sflag:s20] =	ssyncadd.s32 $0xFFFFC000  }
0x42: {  	[spmem:s2] =	stream.indirect.scatter.add.f32 [tilespmem:s18], [sflag:$0x3], $0x80, s1, s16, $0xb8;
	[tilespmem:$0x17400] =	vst v63  }
0x43: {  	_ =	swait.ge [sflag:s12], $0x4000  }
0x44: {  	s31 =	smov.u32 s6;
	s30 =	sshra.s32 s0, $0x2;
	[sflag:s12] =	ssyncset.done $0x0  }
0x45: {  	s0 =	sadd.s32 $0x80, s30;
	[sflag:s12] =	ssyncadd.s32 $0xFFFFC000  }
0x46: {  	[tilespmem:s18], [sflag:$0x2] =	stream.indirect.gather [hbm4b:s4+s16], $0x80, s0, s16, $0xb8;
	[tilespmem:$0x17400] =	vst v63  }
0x47: {  	_ =	swait.ge [sflag:s19], $0x4000  }
0x48: {  	[sflag:s19] =	ssyncset.done $0x0  }
0x49: {  	s1 =	sadd.s32 $0x2800, s30;
	[sflag:s19] =	ssyncadd.s32 $0xFFFFC000  }
0x4a: {  	[spmem:s2] =	stream.indirect.scatter.add.f32 [tilespmem:s17], [sflag:$0x3], $0x80, s1, s16, $0xb8;
	[tilespmem:$0x17400] =	vst v63  }
0x4b: {  	_ =	swait.ge [sflag:s12], $0x4000  }
0x4c: {  	[sflag:s12] =	ssyncset.done $0x0  }
0x4d: {  	s6 =	sadd.s32 $0x100, s30;
	[sflag:s12] =	ssyncadd.s32 $0xFFFFC000  }
0x4e: {  	[tilespmem:s17], [sflag:$0x1] =	stream.indirect.gather [hbm4b:s4+s16], $0x80, s6, s16, $0xb8;
	[tilespmem:$0x17400] =	vst v63  }
0x4f: {  	_ =	swait.ge [sflag:s20], $0x4000  }
0x50: {  	[sflag:s20] =	ssyncset.done $0x0  }
0x51: {  	s1 =	sadd.s32 $0x2880, s30;
	[sflag:s20] =	ssyncadd.s32 $0xFFFFC000  }
0x52: {  	[spmem:s2] =	stream.indirect.scatter.add.f32 [tilespmem:s18], [sflag:$0x3], $0x80, s1, s16, $0xb8;
	[tilespmem:$0x17400] =	vst v63  }
0x53: {  	_ =	swait.ge [sflag:s12], $0x4000  }
0x54: {  	[sflag:s12] =	ssyncset.done $0x0  }
0x55: {  	[sflag:s12] =	ssyncadd.s32 $0xFFFFC000  }
0x56: {  	[tilespmem:s18], [sflag:$0x2] =	stream.indirect.gather [hbm4b:s4+s16], $0x80, s21, s16, $0xb8;
	[tilespmem:$0x17400] =	vst v63  }
0x57: {  	_ =	swait.ge [sflag:s19], $0x4000  }
0x58: {  	[sflag:s19] =	ssyncset.done $0x0  }
0x59: {  	[sflag:s19] =	ssyncadd.s32 $0xFFFFC000  }
0x5a: {  	[spmem:s2] =	stream.indirect.scatter.add.f32 [tilespmem:s17], [sflag:$0x3], $0x80, s26, s16, $0xb8;
	[tilespmem:$0x17400] =	vst v63  }
0x5b: {  	_ =	swait.ge [sflag:s12], $0x4000  }
0x5c: {  	[sflag:s12] =	ssyncset.done $0x0  }
0x5d: {  	[sflag:s12] =	ssyncadd.s32 $0xFFFFC000  }
0x5e: {  	_ =	swait.ge [sflag:s20], $0x4000  }
0x5f: {  	[sflag:s20] =	ssyncset.done $0x0  }
0x60: {  	[sflag:s20] =	ssyncadd.s32 $0xFFFFC000  }
0x61: {  	[spmem:s2] =	stream.indirect.scatter.add.f32 [tilespmem:s18], [sflag:$0x3], $0x80, s28, s16, $0xb8;
	[tilespmem:$0x17400] =	vst v63  }
0x62: {  	_ =	swait.ge [sflag:s12], $0x4000  }
0x63: {  	[sflag:s12] =	ssyncset.done $0x0  }
0x64: {  	[sflag:s12] =	ssyncadd.s32 $0xFFFFC000  }
0x65: {  	s0 =	sadd.s32 @p1 $0x13380, s9;
	[bflag:$0x0] =	sbarrier.arrive $0xFFFF  }
0x66: {  	[hbm:s0], [sflag:s14] =	dma.local @p1 [spmem:s22], $0xC80  }
0x67: {  	s0 =	simm.s32 @p1 $0x3  }
0x68: {  	_ =	swait.ge @p1 [sflag:s0], $0xC80  }
0x69: {  	[sflag:s0] =	ssyncset.done @p1 $0x0  }
0x6a: {  	[sflag:s0] =	ssyncadd.s32 @p1 $0xFFFFF380;
	s0 =	sshrl.u32 @!p1 s8, $0x3  }
0x6b: {  	[hbm:s23], [sflag:s14] =	dma.local @!p1 [spmem:s0], $0x1480  }
0x6c: {  	s0 =	simm.s32 @!p1 $0x3  }
0x6d: {  	_ =	swait.ge @!p1 [sflag:s0], $0x1480  }
0x6e: {  	[sflag:s0] =	ssyncset.done @!p1 $0x0  }
0x6f: {  	[sflag:s0] =	ssyncadd.s32 @!p1 $0xFFFFEB80  }
0x70: {  	s6 =	simm.s32 $0x0;
	[bflag:$0x0] =	sbarrier.arrive $0xFFFF  }
0x71: {  	[tilespmem:s13], [sflag:$0x3] =	stream.linear.gather [hbm4b:s10+s6], $0x2800, $0x38;
	[tilespmem:$0x17400] =	vst v63  }
0x72: {  	_ =	swait.ge [sflag:s12], $0x2800  }
0x73: {  	[sflag:s12] =	ssyncset.done $0x0  }
0x74: {  	[sflag:s12] =	ssyncadd.s32 $0xFFFFD800  }
0x75: {  	[spmem:s15], [sflag:s14] =	dma.local [hbm:s5], $0x1480  }
0x76: {  	_ =	swait.ge [sflag:s12], $0x1480  }
0x77: {  	[sflag:s12] =	ssyncset.done $0x0  }
0x78: {  	[sflag:s12] =	ssyncadd.s32 $0xFFFFEB80  }
0x79: {  	[bflag:$0x0] =	sbarrier.arrive $0xFFFF  }
0x7a: {  	[tilespmem:s17], [sflag:$0x1] =	stream.indirect.gather [hbm4b:s4+s16], $0x80, s6, s16, $0xb8;
	[tilespmem:$0x17400] =	vst v63  }
0x7b: {  	s1 =	simm.s32 $0x80  }
0x7c: {  	[tilespmem:s18], [sflag:$0x2] =	stream.indirect.gather [hbm4b:s4+s16], $0x80, s1, s16, $0xb8;
	[tilespmem:$0x17400] =	vst v63  }
0x7d: {  	_ =	swait.ge [sflag:s19], $0x4000  }
0x7e: {  	[sflag:s19] =	ssyncset.done $0x0  }
0x7f: {  	s6 =	simm.s32 $0x2800;
	[sflag:s19] =	ssyncadd.s32 $0xFFFFC000  }
0x80: {  	[spmem:s2] =	stream.indirect.scatter.add.f32 [tilespmem:s17], [sflag:$0x3], $0x80, s6, s16, $0xb8;
	[tilespmem:$0x17400] =	vst v63  }
0x81: {  	_ =	swait.ge [sflag:s12], $0x4000  }
0x82: {  	[sflag:s12] =	ssyncset.done $0x0  }
0x83: {  	s1 =	simm.s32 $0x100;
	[sflag:s12] =	ssyncadd.s32 $0xFFFFC000  }
0x84: {  	[tilespmem:s17], [sflag:$0x1] =	stream.indirect.gather [hbm4b:s4+s16], $0x80, s1, s16, $0xb8;
	[tilespmem:$0x17400] =	vst v63  }
0x85: {  	_ =	swait.ge [sflag:s20], $0x4000  }
0x86: {  	[sflag:s20] =	ssyncset.done $0x0  }
0x87: {  	s6 =	simm.s32 $0x2880;
	[sflag:s20] =	ssyncadd.s32 $0xFFFFC000  }
0x88: {  	[spmem:s2] =	stream.indirect.scatter.add.f32 [tilespmem:s18], [sflag:$0x3], $0x80, s6, s16, $0xb8;
	[tilespmem:$0x17400] =	vst v63  }
0x89: {  	_ =	swait.ge [sflag:s12], $0x4000  }
0x8a: {  	s31 =	simm.s32 $0x800;
	s30 =	simm.s32 $0x100;
	[sflag:s12] =	ssyncset.done $0x0  }
.LBB2_4:
0x8b: {  	s0 =	sadd.s32 $0x80, s30  }
0x8c: {  	[sflag:s12] =	ssyncadd.s32 $0xFFFFC000;
	s1 =	smov.u32 s31;
	s6 =	sadd.s32 $0x400, s31  }
0x8d: {  	[tilespmem:s18], [sflag:$0x2] =	stream.indirect.gather [hbm4b:s4+s16], $0x80, s0, s16, $0xb8;
	[tilespmem:$0x17400] =	vst v63  }
0x8e: {  	p3 =	sne.s32 s31, $0x9800;
	_ =	swait.ge [sflag:s19], $0x4000  }
0x8f: {  	[sflag:s19] =	ssyncset.done $0x0  }
0x90: {  	s0 =	sadd.s32 $0x2800, s30;
	[sflag:s19] =	ssyncadd.s32 $0xFFFFC000  }
0x91: {  	[spmem:s2] =	stream.indirect.scatter.add.f32 [tilespmem:s17], [sflag:$0x3], $0x80, s0, s16, $0xb8;
	[tilespmem:$0x17400] =	vst v63  }
0x92: {  	_ =	swait.ge [sflag:s12], $0x4000  }
0x93: {  	[sflag:s12] =	ssyncset.done $0x0  }
0x94: {  	s0 =	sadd.s32 $0x100, s30;
	[sflag:s12] =	ssyncadd.s32 $0xFFFFC000  }
0x95: {  	[tilespmem:s17], [sflag:$0x1] =	stream.indirect.gather [hbm4b:s4+s16], $0x80, s0, s16, $0xb8;
	[tilespmem:$0x17400] =	vst v63  }
0x96: {  	_ =	swait.ge [sflag:s20], $0x4000  }
.Ltmp1:
0x97: {  	[sflag:s20] =	ssyncset.done $0x0;
	(pc) =	sbr.rel @p3 .LBB2_4-.Ltmp1, $4  }
0x98: {  	s0 =	sadd.s32 $0x2880, s30;
	[sflag:s20] =	ssyncadd.s32 $0xFFFFC000  }
0x99: {  	[spmem:s2] =	stream.indirect.scatter.add.f32 [tilespmem:s18], [sflag:$0x3], $0x80, s0, s16, $0xb8;
	[tilespmem:$0x17400] =	vst v63  }
0x9a: {  	_ =	swait.ge [sflag:s12], $0x4000  }
0x9b: {  	s31 =	smov.u32 s6;
	s30 =	sshra.s32 s1, $0x2;
	[sflag:s12] =	ssyncset.done $0x0  }
0x9c: {  	s0 =	sadd.s32 $0x80, s30;
	[sflag:s12] =	ssyncadd.s32 $0xFFFFC000  }
0x9d: {  	[tilespmem:s18], [sflag:$0x2] =	stream.indirect.gather [hbm4b:s4+s16], $0x80, s0, s16, $0xb8;
	[tilespmem:$0x17400] =	vst v63  }
0x9e: {  	_ =	swait.ge [sflag:s19], $0x4000  }
0x9f: {  	[sflag:s19] =	ssyncset.done $0x0  }
0xa0: {  	s1 =	sadd.s32 $0x2800, s30;
	[sflag:s19] =	ssyncadd.s32 $0xFFFFC000  }
0xa1: {  	[spmem:s2] =	stream.indirect.scatter.add.f32 [tilespmem:s17], [sflag:$0x3], $0x80, s1, s16, $0xb8;
	[tilespmem:$0x17400] =	vst v63  }
0xa2: {  	_ =	swait.ge [sflag:s12], $0x4000  }
0xa3: {  	[sflag:s12] =	ssyncset.done $0x0  }
0xa4: {  	s6 =	sadd.s32 $0x100, s30;
	[sflag:s12] =	ssyncadd.s32 $0xFFFFC000  }
0xa5: {  	[tilespmem:s17], [sflag:$0x1] =	stream.indirect.gather [hbm4b:s4+s16], $0x80, s6, s16, $0xb8;
	[tilespmem:$0x17400] =	vst v63  }
0xa6: {  	_ =	swait.ge [sflag:s20], $0x4000  }
0xa7: {  	[sflag:s20] =	ssyncset.done $0x0  }
0xa8: {  	s31 =	sadd.s32 $0x2880, s30;
	[sflag:s20] =	ssyncadd.s32 $0xFFFFC000  }
0xa9: {  	[spmem:s2] =	stream.indirect.scatter.add.f32 [tilespmem:s18], [sflag:$0x3], $0x80, s31, s16, $0xb8;
	[tilespmem:$0x17400] =	vst v63  }
0xaa: {  	_ =	swait.ge [sflag:s12], $0x4000  }
0xab: {  	[sflag:s12] =	ssyncset.done $0x0  }
0xac: {  	[sflag:s12] =	ssyncadd.s32 $0xFFFFC000  }
0xad: {  	[tilespmem:s18], [sflag:$0x2] =	stream.indirect.gather [hbm4b:s4+s16], $0x80, s21, s16, $0xb8;
	[tilespmem:$0x17400] =	vst v63  }
0xae: {  	_ =	swait.ge [sflag:s19], $0x4000  }
0xaf: {  	[sflag:s19] =	ssyncset.done $0x0  }
0xb0: {  	[sflag:s19] =	ssyncadd.s32 $0xFFFFC000  }
0xb1: {  	[spmem:s2] =	stream.indirect.scatter.add.f32 [tilespmem:s17], [sflag:$0x3], $0x80, s26, s16, $0xb8;
	[tilespmem:$0x17400] =	vst v63  }
0xb2: {  	_ =	swait.ge [sflag:s12], $0x4000  }
0xb3: {  	[sflag:s12] =	ssyncset.done $0x0  }
0xb4: {  	[sflag:s12] =	ssyncadd.s32 $0xFFFFC000  }
0xb5: {  	_ =	swait.ge [sflag:s20], $0x4000  }
0xb6: {  	[sflag:s20] =	ssyncset.done $0x0  }
0xb7: {  	[sflag:s20] =	ssyncadd.s32 $0xFFFFC000  }
0xb8: {  	[spmem:s2] =	stream.indirect.scatter.add.f32 [tilespmem:s18], [sflag:$0x3], $0x80, s28, s16, $0xb8;
	[tilespmem:$0x17400] =	vst v63  }
0xb9: {  	_ =	swait.ge [sflag:s12], $0x4000  }
0xba: {  	[sflag:s12] =	ssyncset.done $0x0  }
0xbb: {  	[sflag:s12] =	ssyncadd.s32 $0xFFFFC000  }
0xbc: {  	s0 =	sadd.s32 @!p2 $0x25F00, s9;
	[bflag:$0x0] =	sbarrier.arrive $0xFFFF  }
0xbd: {  	[hbm:s0], [sflag:s14] =	dma.local @!p2 [spmem:s24], $0x1200  }
0xbe: {  	s0 =	simm.s32 @!p2 $0x3  }
0xbf: {  	_ =	swait.ge @!p2 [sflag:s0], $0x1200  }
0xc0: {  	[sflag:s0] =	ssyncset.done @!p2 $0x0  }
0xc1: {  	s29 =	sadd.s32 $0x1, s29;
	[sflag:s0] =	ssyncadd.s32 @!p2 $0xFFFFEE00;
	s0 =	sshrl.u32 @!p0 s8, $0x3  }
0xc2: {  	[hbm:s25], [sflag:s14] =	dma.local @!p0 [spmem:s0], $0x1480  }
0xc3: {  	p3 =	sne.s32 s29, s11;
	s0 =	simm.s32 @!p0 $0x3  }
.Ltmp2:
0xc4: {  	_ =	swait.ge @!p0 [sflag:s0], $0x1480;
	(pc) =	sbr.rel @p3 .LBB2_1-.Ltmp2, $3  }
0xc5: {  	[sflag:s0] =	ssyncset.done @!p0 $0x0  }
0xc6: {  	[sflag:s0] =	ssyncadd.s32 @!p0 $0xFFFFEB80  }
0xc7: {  	[bflag:$0x0] =	sbarrier.arrive $0xFFFF;
	_ =	sdelay $0x1  }
0xc8: {  	_ =	sfence.sel $0x180000  }
0xc9: {  	[bflag:$0x0] =	sbarrier.arrive $0xFFFF  }
0xca: {  	_ =	strace $0x9000004A  }
0xcb: {  	s0 =	stileid.u32;
	[bflag:$0x2] =	sbarrier.arrive $0xFFFF  }
0xcc: {  	p0 =	sne.s32 s0, $0x0;
	s0 =	rddreg [dreg:$0x2]  }
0xcd: {  	s0 =	sadd.s32 @!p0 $0x100000, s0  }
0xce: {  	[sflag:s0] =	ssyncadd.tile.s32 @!p0 $0x1;
	_ =	shalt  }
.Lfunc_end2:
_tile_overlayer_lowered:
.L_overlay_start_2:
0xcf: {  	(tag) =	ssettag $0x2  }
0xd0: {  	s0 =	rddreg [dreg:$0x0];
	s2 =	stileid.u32  }
0xd1: {  	s1 =	rddreg [dreg:$0x1];
	p0 =	sne.s32 s2, $0x0  }
0xd2: {  	s3 =	rddreg [dreg:$0x2];
	[bflag:$0x3] =	sbarrier.arrive $0xFFFF;
	s2 =	simm.s32 @!p0 $0x1C03  }
0xd3: {  	[timem:s3], [sflag:s2] =	dma.local @!p0 [hbm:s0], s1  }
0xd4: {  	s0 =	simm.s32 @!p0 $0x3  }
0xd5: {  	_ =	swait.ge @!p0 [sflag:s0], s1  }
0xd6: {  	s1 =	ssub.s32 @!p0 $0x0, s1;
	[sflag:s0] =	ssyncset.done @!p0 $0x0  }
0xd7: {  	[sflag:s0] =	ssyncadd.s32 @!p0 s1  }
0xd8: {  	[bflag:$0x3] =	sbarrier.arrive $0xFFFF  }
0xd9: {  	_ =	shalt  }

// kernel: kernel.9.cloned.1.call-start
scs
__scs_entry_jumppad:
0x0: {  	(pc) =	sbr.rel $0x88, $3  }
0x1: {  	(tag) =	ssettag $0x0;
	lr =	simm.s32 $0x1  }
0x2: {  	[smem:$0x3F95] =	sst lr;
	_ =	strace $0xD0000000  }
0x3: {  	_ = 	snop  }
0x4: {  	_ = 	snop  }
0x5: {  	_ = 	snop  }
0x6: {  	_ = 	snop  }
0x7: {  	_ = 	snop  }
__scs_overlays_trampoline_lowered:
0x8: {  	[smem:$0x3FA4] =	sst s0  }
0x9: {  	[smem:$0x3FA5] =	sst s1  }
0xa: {  	[smem:$0x3FA6] =	sst s2  }
0xb: {  	[smem:$0x3FA7] =	sst s3  }
0xc: {  	[smem:$0x3FA8] =	sst s4  }
0xd: {  	[smem:$0x3FA9] =	sst s5  }
0xe: {  	[smem:$0x3FAA] =	sst s6  }
0xf: {  	[smem:$0x3FAB] =	sst s7  }
0x10: {  	[smem:$0x3FAC] =	sst s8  }
0x11: {  	[smem:$0x3FAD] =	sst s9;
	s0 =	simm.s32 @!p0 $0x0  }
0x12: {  	s1 =	sld [smem:$0x3F93];
	s0 =	simm.s32 @p0 $0x1  }
0x13: {  	[smem:$0x3FAE] =	sst s0;
	s0 =	simm.s32 @!p1 $0x0  }
0x14: {  	s2 =	sld [smem:$0x3F92];
	s0 =	simm.s32 @p1 $0x1  }
0x15: {  	[smem:$0x3FAF] =	sst s0;
	s0 =	simm.s32 @!p2 $0x0  }
0x16: {  	s3 =	sld [smem:$0x3FDB];
	s0 =	simm.s32 @p2 $0x1  }
0x17: {  	s4 =	simm.s32 $0x1BF5;
	[smem:$0x3FB1] =	sst s0  }
0x18: {  	s0 =	sld [smem:$0x3F94];
	_ =	swait.ge [sflag:s4], $0x0  }
0x19: {  	s7 =	sld [smem:$0x3F95]  }
0x1a: {  	s8 =	sadd.s32 $0xFFFFE003, lr  }
0x1b: {  	s9 =	sadd.s32 $0xFFFFFEF7, lr;
	s5 =	simm.s32 $0xFFFFFFFF;
	p2 =	slt.u32 s8, $0xFFFFF086  }
0x1c: {  	p1 =	slt.u32 s9, $0xF7A;
	s5 =	simm.s32 @!p2 $0x0  }
0x1d: {  	s5 =	simm.s32 @p1 $0x1;
	p0 =	seq.s32 s7, s2  }
0x1e: {  	s7 =	smul.u32 @!p0 $0xF7A, s2;
	p2 =	seq.s32 @!p0 s5, $0x0  }
0x1f: {  	s9 =	smul.u32 $0xF7A, s1;
	s8 =	simm.s32 @!p0 $0x1BF5;
	p2 =	por !p2, p0  }
0x20: {  	[sflag:s8] =	ssyncset.s32 @!p0 $0xFFFFF086;
	s6 =	sadd.s32 @!p0 s3, s7;
	s7 =	simm.s32 @!p0 $0x108  }
0x21: {  	s3 =	sadd.s32 s3, s9;
	s6 =	sadd.s32 @!p0 $0x88, s6;
	s7 =	simm.s32 @p2 $0x1082  }
0x22: {  	[simem:s7], [sflag:s8] =	dma.local @!p0 [hbm:s6], $0xF7A  }
0x23: {  	s9 =	sor.u32 $0xD0000000, s2;
	s6 =	simm.s32 $0x108;
	_ =	swait.ge @!p0 [sflag:s8], $0x0  }
0x24: {  	s3 =	sadd.s32 $0x88, s3;
	s6 =	simm.s32 @!p1 $0x1082;
	[sflag:s4] =	ssyncset.s32 $0xFFFFF086  }
0x25: {  	[simem:s6], [sflag:s4] =	dma.local [hbm:s3], $0xF7A  }
0x26: {  	[smem:$0x3F95] =	sst s1;
	(tag) =	ssettag s2;
	_ =	strace s9  }
0x27: {  	s1 =	sld [smem:$0x3FA5]  }
0x28: {  	s2 =	sld [smem:$0x3FA6]  }
0x29: {  	s4 =	sld [smem:$0x3FA8]  }
0x2a: {  	p0 =	seq.s32 s5, $0x0;
	s5 =	sld [smem:$0x3FA9]  }
0x2b: {  	s6 =	sld [smem:$0x3FAA]  }
0x2c: {  	s7 =	sld [smem:$0x3FAB]  }
0x2d: {  	s3 =	simm.s32 $0x108;
	s8 =	sld [smem:$0x3FAC]  }
0x2e: {  	s3 =	simm.s32 @!p0 $0x1082;
	s9 =	sld [smem:$0x3FAD]  }
0x2f: {  	lr =	sadd.s32 s0, s3;
	s0 =	sld [smem:$0x3FA4]  }
0x30: {  	s3 =	sld [smem:$0x3FA7]  }
0x31: {  	[smem:$0x3FB0] =	sst s10  }
0x32: {  	s10 =	sld [smem:$0x3FAE];
	_ =	sdelay $0x3  }
0x33: {  	p0 =	seq.s32 s10, $0x1;
	s10 =	sld [smem:$0x3FB0];
	_ =	sdelay $0x3  }
0x34: {  	[smem:$0x3FB0] =	sst s10  }
0x35: {  	s10 =	sld [smem:$0x3FAF];
	_ =	sdelay $0x3  }
0x36: {  	p1 =	seq.s32 s10, $0x1;
	s10 =	sld [smem:$0x3FB0];
	_ =	sdelay $0x3  }
0x37: {  	[smem:$0x3FB0] =	sst s10  }
0x38: {  	s10 =	sld [smem:$0x3FB1]  }
0x39: {  	_ = 	snop;
	(pc) =	sbr.ind lr, $3  }
0x3a: {  	_ = 	snop  }
0x3b: {  	_ = 	snop  }
0x3c: {  	p2 =	seq.s32 s10, $0x1;
	s10 =	sld [smem:$0x3FB0]  }
0x3d: {  	_ =	shalt  }
0x3e: {  	_ =	shalt  }
0x3f: {  	_ =	shalt  }
0x40: {  	_ =	shalt  }
0x41: {  	_ =	shalt  }
0x42: {  	_ =	shalt  }
0x43: {  	_ =	shalt  }
0x44: {  	_ =	shalt  }
0x45: {  	_ =	shalt  }
0x46: {  	_ =	shalt  }
0x47: {  	_ =	shalt  }
0x48: {  	_ =	shalt  }
0x49: {  	_ =	shalt  }
0x4a: {  	_ =	shalt  }
0x4b: {  	_ =	shalt  }
0x4c: {  	_ =	shalt  }
0x4d: {  	_ =	shalt  }
0x4e: {  	_ =	shalt  }
0x4f: {  	_ =	shalt  }
0x50: {  	_ =	shalt  }
0x51: {  	_ =	shalt  }
0x52: {  	_ =	shalt  }
0x53: {  	_ =	shalt  }
0x54: {  	_ =	shalt  }
0x55: {  	_ =	shalt  }
0x56: {  	_ =	shalt  }
0x57: {  	_ =	shalt  }
0x58: {  	_ =	shalt  }
0x59: {  	_ =	shalt  }
0x5a: {  	_ =	shalt  }
0x5b: {  	_ =	shalt  }
0x5c: {  	_ =	shalt  }
0x5d: {  	_ =	shalt  }
0x5e: {  	_ =	shalt  }
0x5f: {  	_ =	shalt  }
0x60: {  	_ =	shalt  }
0x61: {  	_ =	shalt  }
0x62: {  	_ =	shalt  }
0x63: {  	_ =	shalt  }
0x64: {  	_ =	shalt  }
0x65: {  	_ =	shalt  }
0x66: {  	_ =	shalt  }
0x67: {  	_ =	shalt  }
0x68: {  	_ =	shalt  }
0x69: {  	_ =	shalt  }
0x6a: {  	_ =	shalt  }
0x6b: {  	_ =	shalt  }
0x6c: {  	_ =	shalt  }
0x6d: {  	_ =	shalt  }
0x6e: {  	_ =	shalt  }
0x6f: {  	_ =	shalt  }
0x70: {  	_ =	shalt  }
0x71: {  	_ =	shalt  }
0x72: {  	_ =	shalt  }
0x73: {  	_ =	shalt  }
0x74: {  	_ =	shalt  }
0x75: {  	_ =	shalt  }
0x76: {  	_ =	shalt  }
0x77: {  	_ =	shalt  }
0x78: {  	_ =	shalt  }
0x79: {  	_ =	shalt  }
0x7a: {  	_ =	shalt  }
0x7b: {  	_ =	shalt  }
0x7c: {  	_ =	shalt  }
0x7d: {  	_ =	shalt  }
0x7e: {  	_ =	shalt  }
0x7f: {  	_ =	shalt  }
0x80: {  	_ =	shalt  }
0x81: {  	_ =	shalt  }
0x82: {  	_ =	shalt  }
0x83: {  	_ =	shalt  }
0x84: {  	_ =	shalt  }
0x85: {  	_ =	shalt  }
0x86: {  	_ =	shalt  }
0x87: {  	_ =	shalt  }
.Lfunc_end0:
.L_simem_size_0:
called_computation_lowered:
.L_overlay_start_0:
0x88: {  	s2 =	sld [smem:$0x3FD9]  }
0x89: {  	s3 =	sld [smem:$0x3FFE];
	_ =	sdelay $0x1  }
0x8a: {  	s1 =	srdreg.scid  }
0x8b: {  	s0 =	sand.u32 $0x1, s1  }
0x8c: {  	s16 =	sshll.u32 s0, $0xA;
	s2 =	sadd.s32 s3, s2  }
0x8d: {  	s2 =	sadd.s32 s2, s16  }
0x8e: {  	[smem:$0x3FBC] =	sst s2  }
0x8f: {  	_ = 	snop  }
0x90: {  	(tm) =	ssettm $0x1  }
0x91: {  	s17 =	sld [smem:$0x3FFB];
	_ =	sdelay $0x3  }
0x92: {  	_ =	strace s17  }
0x93: {  	s2 =	sld [smem:$0x3FFC];
	_ =	sdelay $0x3  }
0x94: {  	_ =	strace s2  }
0x95: {  	s2 =	sld [smem:$0x3FFD];
	_ =	sdelay $0x3  }
0x96: {  	_ =	strace s2  }
0x97: {  	_ =	strace $0x8FFFFFFF  }
0x98: {  	s18 =	sld [smem:$0x3FDB];
	_ =	sdelay $0x1  }
0x99: {  	s19 =	simm.s32 $_scs_section_size  }
0x9a: {  	s4 =	simm.s32 $_size__tile_overlayer_lowered;
	s5 =	simm.s32 $_tile_overlayer_lowered  }
0x9b: {  	s22 =	simm.s32 $0x1BFF;
	s21 =	sshll.u32 s5, $0x1;
	s2 =	sadd.s32 s19, s18  }
0x9c: {  	s6 =	simm.s32 $0x0;
	s20 =	sshll.u32 s4, $0x1;
	s4 =	sadd.s32 s21, s2  }
0x9d: {  	[timem:s6], [sflag:s22] =	dma.local [hbm:s4], s20  }
0x9e: {  	_ =	swait.ge [sflag:s22], s20  }
0x9f: {  	s3 =	ssub.s32 $0x0, s20;
	[sflag:s22] =	ssyncset.done $0x0  }
0xa0: {  	[sflag:s22] =	ssyncadd.s32 s3;
	_ =	sdelay $0x1  }
0xa1: {  	s23 =	simm.s32 $0x1B8B  }
0xa2: {  	_ =	swait.ge [sflag:s23], $0x1  }
0xa3: {  	[sflag:s23] =	ssyncset.done $0x0  }
0xa4: {  	s25 =	simm.s32 $0x1B8E;
	s24 =	sld [smem:$0x3FFE];
	[sflag:s23] =	ssyncadd.s32 $0xFFFFFFFF  }
0xa5: {  	s26 =	simm.s32 $execute0_lowered;
	[smem:$0x3FD2] =	sst s25  }
0xa6: {  	s4 =	sshll.u32 s26, $0x1;
	_ =	strace $0x80000046;
	[dreg:$0x1] =	wrdreg $0xFFFFFFFF  }
0xa7: {  	s28 =	simm.s32 $_size_execute0_lowered;
	s2 =	sadd.s32 s2, s4;
	[dreg:$0x0] =	wrdreg $0x0  }
0xa8: {  	s4 =	sshll.u32 s28, $0x1;
	[dreg:$0x2] =	wrdreg s2  }
0xa9: {  	[dreg:$0x3] =	wrdreg s4  }
0xaa: {  	[dreg:$0x4] =	wrdreg $0xC0  }
0xab: {  	_ =	task [dreg:s6], $0x5FFFF  }
0xac: {  	[dreg:$0x1] =	wrdreg $0xFFFFFFFF  }
0xad: {  	[dreg:$0x0] =	wrdreg $0x60  }
0xae: {  	[dreg:$0x2] =	wrdreg s24  }
0xaf: {  	[dreg:$0x3] =	wrdreg $0x110000  }
0xb0: {  	[dreg:$0x4] =	wrdreg $0x180000  }
0xb1: {  	[dreg:$0x5] =	wrdreg $0x9  }
0xb2: {  	_ =	task.clear_ibuf [dreg:s6], $0x6FFFF;
	_ =	strace $0x90000046  }
0xb3: {  	s29 =	simm.s32 $0x9;
	_ =	strace $0x80000048  }
0xb4: {  	_ =	swait.ge [sflag:s29], $0x1  }
0xb5: {  	[sflag:s29] =	ssyncadd.s32 $0xFFFFFFFF  }
0xb6: {  	_ =	strace $0x90000048  }
0xb7: {  	_ =	sfence  }
0xb8: {  	s30 =	sld [smem:$0x0];
	_ =	sdelay $0x2  }
0xb9: {  	s31 =	sshll.u32 s1, $0xD;
	s1 =	sshrl.u32 s1, $0x2  }
0xba: {  	s3 =	sand.u32 $0x4000, s31;
	s1 =	sadd.s32 s1, s30  }
0xbb: {  	s0 =	sor.u32 s3, s0;
	s1 =	sshll.u32 s1, $0x11  }
0xbc: {  	s0 =	sor.u32 s1, s0  }
0xbd: {  	s0 =	sadd.s32 $0x8F2B, s0  }
0xbe: {  	[sflag:s0] =	ssyncadd.remote.s32 $0x1  }
0xbf: {  	_ =	sfence.sel $0xFFFF  }
0xc0: {  	[dreg:$0x0] =	wrdreg $0xFFFFFFFF;
	(pc) =	sbr.abs _section_cstart, $3  }
0xc1: {  	[dreg:$0x1] =	wrdreg $0xFFFFFFFF  }
0xc2: {  	_ =	task.clear_ibuf [dreg:s6], $0x2FFFF;
	_ =	strace $0x9FFFFFFF  }
0xc3: {  	(tm) =	ssettm $0x7FFFFFFF  }
tec
execute0_lowered:
.L_overlay_start_1:
0x0: {  	(tag) =	ssettag $0x1  }
0x1: {  	s0 =	rddreg [dreg:$0x0]  }
0x2: {  	s1 =	srdreg.scid;
	s2 =	rddreg [dreg:$0x1]  }
0x3: {  	s11 =	stileid.u32;
	s3 =	rddreg [dreg:$0x2]  }
0x4: {  	s6 =	simm.s32 $0x0;
	s28 =	simm.s32 $0x80;
	s29 =	simm.s32 $0x5000  }
0x5: {  	s30 =	simm.s32 $0x9000;
	s31 =	simm.s32 $0x1;
	s4 =	smul.u32 $0x2800, s11  }
0x6: {  	s1 =	sand.u32 $0x1, s1;
	[smem:$0x7FF] =	sst s6;
	s13 =	smul.u32 $0x7000, s11  }
0x7: {  	s6 =	sadd.s32 $0x6A600, s0;
	s10 =	sadd.s32 $0x69E00, s0;
	s20 =	smul.u32 $0xE00, s11  }
0x8: {  	s21 =	sadd.s32 $0x69000, s2;
	s22 =	sadd.s32 $0x69000, s3;
	p0 =	slt.u32 s11, $0xD  }
0x9: {  	s5 =	smul.u32 $0x28000, s1;
	_ =	strace $0x80000047;
	[dreg:$0x4] =	wrdreg s10  }
0xa: {  	p3 =	seq.s32 s11, $0xF;
	s8 =	smul.u32 $0x27100, s1;
	[dreg:$0xa] =	wrdreg s21  }
0xb: {  	s9 =	ssub.s32 $0x2, s1;
	[dreg:$0xb] =	wrdreg s22;
	s22 =	simm.s32 $0x3  }
0xc: {  	p1 =	sne.s32 s1, $0x0;
	p2 =	seq.s32 s1, $0x0;
	p4 =	seq.s32 @!p0 s11, $0xD  }
0xd: {  	s16 =	sshrl.u32 s9, $0x1;
	s10 =	sadd.s32 s13, s2;
	s19 =	sadd.s32 s13, s3  }
0xe: {  	[dreg:$0x9] =	wrdreg s20;
	s23 =	sshrl.u32 s13, $0x3;
	p4 =	por !p4, p0  }
0xf: {  	s5 =	sadd.s32 s4, s5;
	s4 =	sshrl.u32 s4, $0x3;
	s17 =	ssub.s32 s9, s16  }
0x10: {  	s25 =	sadd.s32 $0xD800, s23;
	s11 =	smov.u32 s19;
	[dreg:$0x7] =	wrdreg s10  }
0x11: {  	s15 =	sshrl.u32 s5, $0x3;
	s5 =	sadd.s32 $0x1BC00, s0;
	[dreg:$0xd] =	wrdreg s25  }
0x12: {  	s4 =	sadd.s32 s4, s0;
	s26 =	smax.u32 s17, $0x1;
	[dreg:$0x8] =	wrdreg s11  }
0x13: {  	s7 =	sadd.s32 s15, s0;
	s18 =	sadd.s32 $0xCC00, s4;
	[dreg:$0x10] =	wrdreg s26  }
0x14: {  	s0 =	sadd.s32 s8, s0;
	s24 =	sadd.s32 $0x11C00, s4;
	[dreg:$0x6] =	wrdreg s18  }
0x15: {  	s4 =	sadd.s32 $0x16C00, s4;
	s7 =	sadd.s32 $0x2C00, s7;
	[dreg:$0xc] =	wrdreg s24  }
0x16: {  	s12 =	sadd.s32 $0x6B400, s0;
	s14 =	sadd.s32 $0xB9600, s0;
	[dreg:$0xe] =	wrdreg s4  }
0x17: {  	s4 =	sadd.s32 $0x5B000, s2;
	s0 =	sadd.s32 $0x1B000, s23;
	[dreg:$0x5] =	wrdreg s7  }
0x18: {  	s7 =	sadd.s32 $0x5B000, s3;
	[dreg:$0xf] =	wrdreg s0;
	s0 =	sshrl.u32 @!p4 s4, $0x3  }
0x19: {  	s1 =	simm.s32 $0x4;
	[dreg:$0x11] =	wrdreg s0;
	s0 =	sshrl.u32 @!p4 s7, $0x3  }
0x1a: {  	s8 =	simm.s32 $0x0;
	s23 =	simm.s32 $0x2;
	[dreg:$0x12] =	wrdreg s0  }
.LBB2_1:
0x1b: {  	s4 =	simm.s32 $0x0;
	s0 =	rddreg [dreg:$0x5]  }
0x1c: {  	[tilespmem:s4], [sflag:$0x3] =	stream.linear.gather [hbm4b:s0+s4], $0x2800, $0x38;
	[tilespmem:$0x1F000] =	vst v63  }
0x1d: {  	_ =	swait.ge [sflag:s22], $0x2800  }
0x1e: {  	[sflag:s22] =	ssyncset.done $0x0  }
0x1f: {  	s7 =	simm.s32 $0xD000;
	s19 =	rddreg [dreg:$0x4];
	[sflag:s22] =	ssyncadd.s32 $0xFFFFD800  }
0x20: {  	[tilespmem:s7], [sflag:$0x3] =	stream.linear.gather [hbm4b:s19+s4], $0x4000, $0x38;
	[tilespmem:$0x1F000] =	vst v63  }
0x21: {  	_ =	swait.ge [sflag:s22], $0x4000  }
0x22: {  	[sflag:s22] =	ssyncset.done $0x0  }
0x23: {  	s21 =	simm.s32 $0x2800;
	s20 =	rddreg [dreg:$0x6];
	[sflag:s22] =	ssyncadd.s32 $0xFFFFC000  }
0x24: {  	[tilespmem:s21], [sflag:$0x3] =	stream.linear.gather [hbm4b:s20+s4], $0x2800, $0x38;
	[tilespmem:$0x1F000] =	vst v63  }
0x25: {  	s24 =	stileid.u32;
	_ =	swait.ge [sflag:s22], $0x2800  }
0x26: {  	s0 =	sshll.u32 s24, $0x6;
	[sflag:s22] =	ssyncset.done $0x0  }
0x27: {  	s15 =	sshrl.u32 s10, $0x3;
	s9 =	sor.u32 $0x1C03, s0;
	[sflag:s22] =	ssyncadd.s32 $0xFFFFD800  }
0x28: {  	[spmem:s15], [sflag:s9] =	dma.local [hbm:s6], $0xE00  }
0x29: {  	_ =	swait.ge [sflag:s22], $0xE00  }
0x2a: {  	[sflag:s22] =	ssyncset.done $0x0  }
0x2b: {  	s16 =	sshrl.u32 s11, $0x3;
	[sflag:s22] =	ssyncadd.s32 $0xFFFFF200  }
0x2c: {  	[spmem:s16], [sflag:s9] =	dma.local [hbm:s6], $0xE00  }
0x2d: {  	_ =	swait.ge [sflag:s22], $0xE00  }
0x2e: {  	[sflag:s22] =	ssyncset.done $0x0  }
0x2f: {  	[sflag:s22] =	ssyncadd.s32 $0xFFFFF200  }
0x30: {  	[bflag:$0x0] =	sbarrier.arrive $0xFFFF  }
0x31: {  	[tilespmem:s29], [sflag:$0x1] =	stream.indirect.gather [hbm4b:s5+s28], $0x80, s4, s28, $0xb8;
	[tilespmem:$0x1F000] =	vst v63  }
0x32: {  	s25 =	simm.s32 $0x80  }
0x33: {  	[tilespmem:s30], [sflag:$0x2] =	stream.indirect.gather [hbm4b:s5+s28], $0x80, s25, s28, $0xb8;
	[tilespmem:$0x1F000] =	vst v63  }
0x34: {  	_ =	swait.ge [sflag:s31], $0x4000  }
0x35: {  	[sflag:s31] =	ssyncset.done $0x0  }
0x36: {  	s13 =	simm.s32 $0x2800;
	[sflag:s31] =	ssyncadd.s32 $0xFFFFC000  }
0x37: {  	[spmem:s2] =	stream.indirect.scatter.add.f32 [tilespmem:s29], [sflag:$0x4], $0x80, s13, s28, $0xb8;
	[tilespmem:$0x1F000] =	vst v63  }
0x38: {  	_ =	swait.ge [sflag:s1], $0x4000  }
0x39: {  	s0 =	simm.s32 @!p1 $0x4;
	[sflag:s1] =	ssyncset.done $0x0  }
0x3a: {  	s7 =	simm.s32 @!p1 $0xD000;
	s4 =	simm.s32 @!p1 $0x80;
	[sflag:s1] =	ssyncadd.s32 $0xFFFFC000  }
0x3b: {  	[spmem:s3] =	stream.indirect.scatter.add.f32 @!p1 [tilespmem:s7], [sflag:$0x4], $0x80, s13, s4, $0xb8;
	[tilespmem:$0x1F000] =	vst v63  }
0x3c: {  	_ =	swait.ge @!p1 [sflag:s0], $0x4000  }
0x3d: {  	[sflag:s0] =	ssyncset.done @!p1 $0x0  }
0x3e: {  	s26 =	simm.s32 $0x100;
	[sflag:s0] =	ssyncadd.s32 @!p1 $0xFFFFC000  }
0x3f: {  	[tilespmem:s29], [sflag:$0x1] =	stream.indirect.gather [hbm4b:s5+s28], $0x80, s26, s28, $0xb8;
	[tilespmem:$0x1F000] =	vst v63  }
0x40: {  	_ =	swait.ge [sflag:s23], $0x4000  }
0x41: {  	[sflag:s23] =	ssyncset.done $0x0  }
0x42: {  	s13 =	simm.s32 $0x2880;
	[sflag:s23] =	ssyncadd.s32 $0xFFFFC000  }
0x43: {  	[spmem:s2] =	stream.indirect.scatter.add.f32 [tilespmem:s30], [sflag:$0x4], $0x80, s13, s28, $0xb8;
	[tilespmem:$0x1F000] =	vst v63  }
0x44: {  	_ =	swait.ge [sflag:s1], $0x4000  }
0x45: {  	s17 =	simm.s32 @!p2 $0x3;
	[sflag:s1] =	ssyncset.done $0x0  }
0x46: {  	s18 =	simm.s32 @!p2 $0x80;
	s19 =	simm.s32 @!p2 $0xD000;
	[sflag:s1] =	ssyncadd.s32 $0xFFFFC000  }
0x47: {  	[spmem:s3] =	stream.indirect.scatter.add.f32 @!p2 [tilespmem:s19], [sflag:$0x3], $0x80, s13, s18, $0xb8;
	[tilespmem:$0x1F000] =	vst v63  }
0x48: {  	_ =	swait.ge @!p2 [sflag:s17], $0x4000  }
0x49: {  	s21 =	simm.s32 $0x800;
	s13 =	simm.s32 $0x100;
	[sflag:s17] =	ssyncset.done @!p2 $0x0  }
.LBB2_2:
0x4a: {  	s20 =	sadd.s32 $0x80, s13  }
0x4b: {  	[sflag:s17] =	ssyncadd.s32 @!p2 $0xFFFFC000;
	s24 =	smov.u32 s21;
	s21 =	sadd.s32 $0x400, s21  }
0x4c: {  	[tilespmem:s30], [sflag:$0x2] =	stream.indirect.gather [hbm4b:s5+s28], $0x80, s20, s28, $0xb8;
	[tilespmem:$0x1F000] =	vst v63  }
0x4d: {  	p5 =	sne.s32 s21, $0x9C00;
	_ =	swait.ge [sflag:s31], $0x4000  }
0x4e: {  	[sflag:s31] =	ssyncset.done $0x0  }
0x4f: {  	s20 =	sadd.s32 $0x2800, s13;
	[sflag:s31] =	ssyncadd.s32 $0xFFFFC000  }
0x50: {  	[spmem:s2] =	stream.indirect.scatter.add.f32 [tilespmem:s29], [sflag:$0x4], $0x80, s20, s28, $0xb8;
	[tilespmem:$0x1F000] =	vst v63  }
0x51: {  	_ =	swait.ge [sflag:s1], $0x4000  }
0x52: {  	[sflag:s1] =	ssyncset.done $0x0  }
0x53: {  	[sflag:s1] =	ssyncadd.s32 $0xFFFFC000  }
0x54: {  	[spmem:s3] =	stream.indirect.scatter.add.f32 @!p1 [tilespmem:s7], [sflag:$0x4], $0x80, s20, s4, $0xb8;
	[tilespmem:$0x1F000] =	vst v63  }
0x55: {  	_ =	swait.ge @!p1 [sflag:s0], $0x4000  }
0x56: {  	[sflag:s0] =	ssyncset.done @!p1 $0x0  }
0x57: {  	s20 =	sadd.s32 $0x100, s13;
	[sflag:s0] =	ssyncadd.s32 @!p1 $0xFFFFC000  }
0x58: {  	[tilespmem:s29], [sflag:$0x1] =	stream.indirect.gather [hbm4b:s5+s28], $0x80, s20, s28, $0xb8;
	[tilespmem:$0x1F000] =	vst v63  }
0x59: {  	_ =	swait.ge [sflag:s23], $0x4000  }
0x5a: {  	[sflag:s23] =	ssyncset.done $0x0  }
0x5b: {  	s13 =	sadd.s32 $0x2880, s13;
	[sflag:s23] =	ssyncadd.s32 $0xFFFFC000  }
0x5c: {  	[spmem:s2] =	stream.indirect.scatter.add.f32 [tilespmem:s30], [sflag:$0x4], $0x80, s13, s28, $0xb8;
	[tilespmem:$0x1F000] =	vst v63  }
0x5d: {  	_ =	swait.ge [sflag:s1], $0x4000  }
.Ltmp0:
0x5e: {  	[sflag:s1] =	ssyncset.done $0x0;
	(pc) =	sbr.rel @p5 .LBB2_2-.Ltmp0, $4  }
0x5f: {  	[sflag:s1] =	ssyncadd.s32 $0xFFFFC000  }
0x60: {  	[spmem:s3] =	stream.indirect.scatter.add.f32 @!p2 [tilespmem:s19], [sflag:$0x3], $0x80, s13, s18, $0xb8;
	[tilespmem:$0x1F000] =	vst v63  }
0x61: {  	_ =	swait.ge @!p2 [sflag:s17], $0x4000  }
0x62: {  	s13 =	sshra.s32 s24, $0x2;
	[sflag:s17] =	ssyncset.done @!p2 $0x0  }
0x63: {  	s0 =	sadd.s32 $0x80, s13;
	[sflag:s17] =	ssyncadd.s32 @!p2 $0xFFFFC000  }
0x64: {  	[tilespmem:s30], [sflag:$0x2] =	stream.indirect.gather [hbm4b:s5+s28], $0x80, s0, s28, $0xb8;
	[tilespmem:$0x1F000] =	vst v63  }
0x65: {  	_ =	swait.ge [sflag:s31], $0x4000  }
0x66: {  	[sflag:s31] =	ssyncset.done $0x0  }
0x67: {  	s4 =	sadd.s32 $0x2800, s13;
	[sflag:s31] =	ssyncadd.s32 $0xFFFFC000  }
0x68: {  	[spmem:s2] =	stream.indirect.scatter.add.f32 [tilespmem:s29], [sflag:$0x4], $0x80, s4, s28, $0xb8;
	[tilespmem:$0x1F000] =	vst v63  }
0x69: {  	_ =	swait.ge [sflag:s1], $0x4000  }
0x6a: {  	s25 =	simm.s32 @!p1 $0x4;
	[sflag:s1] =	ssyncset.done $0x0  }
0x6b: {  	s26 =	simm.s32 @!p1 $0x80;
	s0 =	simm.s32 @!p1 $0xD000;
	[sflag:s1] =	ssyncadd.s32 $0xFFFFC000  }
0x6c: {  	[spmem:s3] =	stream.indirect.scatter.add.f32 @!p1 [tilespmem:s0], [sflag:$0x4], $0x80, s4, s26, $0xb8;
	[tilespmem:$0x1F000] =	vst v63  }
0x6d: {  	_ =	swait.ge @!p1 [sflag:s25], $0x4000  }
0x6e: {  	[sflag:s25] =	ssyncset.done @!p1 $0x0  }
0x6f: {  	s20 =	sadd.s32 $0x100, s13;
	[sflag:s25] =	ssyncadd.s32 @!p1 $0xFFFFC000  }
0x70: {  	[tilespmem:s29], [sflag:$0x1] =	stream.indirect.gather [hbm4b:s5+s28], $0x80, s20, s28, $0xb8;
	[tilespmem:$0x1F000] =	vst v63  }
0x71: {  	_ =	swait.ge [sflag:s23], $0x4000  }
0x72: {  	[sflag:s23] =	ssyncset.done $0x0  }
0x73: {  	s17 =	sadd.s32 $0x2880, s13;
	[sflag:s23] =	ssyncadd.s32 $0xFFFFC000  }
0x74: {  	[spmem:s2] =	stream.indirect.scatter.add.f32 [tilespmem:s30], [sflag:$0x4], $0x80, s17, s28, $0xb8;
	[tilespmem:$0x1F000] =	vst v63  }
0x75: {  	_ =	swait.ge [sflag:s1], $0x4000  }
0x76: {  	s7 =	simm.s32 @!p2 $0x3;
	[sflag:s1] =	ssyncset.done $0x0  }
0x77: {  	s13 =	simm.s32 @!p2 $0xD000;
	s4 =	simm.s32 @!p2 $0x80;
	[sflag:s1] =	ssyncadd.s32 $0xFFFFC000  }
0x78: {  	[spmem:s3] =	stream.indirect.scatter.add.f32 @!p2 [tilespmem:s13], [sflag:$0x3], $0x80, s17, s4, $0xb8;
	[tilespmem:$0x1F000] =	vst v63  }
0x79: {  	_ =	swait.ge @!p2 [sflag:s7], $0x4000  }
0x7a: {  	[sflag:s7] =	ssyncset.done @!p2 $0x0  }
0x7b: {  	s21 =	simm.s32 $0x2780;
	[sflag:s7] =	ssyncadd.s32 @!p2 $0xFFFFC000  }
0x7c: {  	[tilespmem:s30], [sflag:$0x2] =	stream.indirect.gather [hbm4b:s5+s28], $0x80, s21, s28, $0xb8;
	[tilespmem:$0x1F000] =	vst v63  }
0x7d: {  	_ =	swait.ge [sflag:s31], $0x4000  }
0x7e: {  	[sflag:s31] =	ssyncset.done $0x0  }
0x7f: {  	s24 =	simm.s32 $0x4F00;
	[sflag:s31] =	ssyncadd.s32 $0xFFFFC000  }
0x80: {  	[spmem:s2] =	stream.indirect.scatter.add.f32 [tilespmem:s29], [sflag:$0x4], $0x80, s24, s28, $0xb8;
	[tilespmem:$0x1F000] =	vst v63  }
0x81: {  	_ =	swait.ge [sflag:s1], $0x4000  }
0x82: {  	[sflag:s1] =	ssyncset.done $0x0  }
0x83: {  	s17 =	simm.s32 @p1 $0x2;
	[sflag:s1] =	ssyncadd.s32 $0xFFFFC000  }
0x84: {  	_ =	swait.ge @p1 [sflag:s17], $0x4000  }
0x85: {  	s18 =	simm.s32 @p1 $0x4F80;
	[sflag:s17] =	ssyncset.done @p1 $0x0  }
0x86: {  	s19 =	simm.s32 @p1 $0x9000;
	[sflag:s17] =	ssyncadd.s32 @p1 $0xFFFFC000;
	s17 =	simm.s32 @p1 $0x80  }
0x87: {  	[spmem:s2] =	stream.indirect.scatter.add.f32 @p1 [tilespmem:s19], [sflag:$0x4], $0x80, s18, s17, $0xb8;
	[tilespmem:$0x1F000] =	vst v63  }
0x88: {  	s19 =	simm.s32 @p1 $0x4  }
0x89: {  	_ =	swait.ge @p1 [sflag:s19], $0x4000  }
0x8a: {  	[sflag:s19] =	ssyncset.done @p1 $0x0  }
0x8b: {  	[sflag:s19] =	ssyncadd.s32 @p1 $0xFFFFC000;
	s19 =	simm.s32 @p1 $0xD000  }
0x8c: {  	[spmem:s3] =	stream.indirect.scatter.add.f32 @p1 [tilespmem:s19], [sflag:$0x3], $0x80, s18, s17, $0xb8;
	[tilespmem:$0x1F000] =	vst v63  }
0x8d: {  	s17 =	simm.s32 @!p1 $0x4F00  }
0x8e: {  	[spmem:s3] =	stream.indirect.scatter.add.f32 @!p1 [tilespmem:s0], [sflag:$0x4], $0x80, s17, s26, $0xb8;
	[tilespmem:$0x1F000] =	vst v63  }
0x8f: {  	_ =	swait.ge @!p1 [sflag:s25], $0x4000  }
0x90: {  	[sflag:s25] =	ssyncset.done @!p1 $0x0  }
0x91: {  	s17 =	simm.s32 @!p1 $0x2;
	[sflag:s25] =	ssyncadd.s32 @!p1 $0xFFFFC000  }
0x92: {  	_ =	swait.ge @!p1 [sflag:s17], $0x4000  }
0x93: {  	[sflag:s17] =	ssyncset.done @!p1 $0x0  }
0x94: {  	s18 =	simm.s32 @!p1 $0x9000;
	[sflag:s17] =	ssyncadd.s32 @!p1 $0xFFFFC000;
	s17 =	simm.s32 @!p1 $0x4F80  }
0x95: {  	[spmem:s2] =	stream.indirect.scatter.add.f32 @!p1 [tilespmem:s18], [sflag:$0x4], $0x80, s17, s26, $0xb8;
	[tilespmem:$0x1F000] =	vst v63  }
0x96: {  	s17 =	simm.s32 @!p1 $0x4  }
0x97: {  	s17 =	simm.s32 @p1 $0x3  }
0x98: {  	_ =	swait.ge [sflag:s17], $0x4000  }
0x99: {  	[sflag:s17] =	ssyncset.done $0x0  }
0x9a: {  	[sflag:s17] =	ssyncadd.s32 $0xFFFFC000  }
0x9b: {  	[bflag:$0x0] =	sbarrier.arrive $0xFFFF  }
0x9c: {  	s17 =	rddreg [dreg:$0xa]  }
0x9d: {  	s18 =	sadd.s32 @p3 $0xD200, s12;
	s17 =	sshrl.u32 @p3 s17, $0x3  }
0x9e: {  	[hbm:s18], [sflag:s9] =	dma.local @p3 [spmem:s17], $0x600  }
0x9f: {  	s18 =	simm.s32 @p3 $0x3  }
0xa0: {  	_ =	swait.ge @p3 [sflag:s18], $0x600  }
0xa1: {  	[sflag:s18] =	ssyncset.done @p3 $0x0;
	s19 =	rddreg [dreg:$0xb]  }
0xa2: {  	s20 =	sadd.s32 @p3 $0xD200, s14;
	[sflag:s18] =	ssyncadd.s32 @p3 $0xFFFFFA00;
	s19 =	sshrl.u32 @p3 s19, $0x3  }
0xa3: {  	[hbm:s20], [sflag:s9] =	dma.local @p3 [spmem:s19], $0x600  }
0xa4: {  	_ =	swait.ge @p3 [sflag:s18], $0x600  }
0xa5: {  	[sflag:s18] =	ssyncset.done @p3 $0x0;
	s20 =	rddreg [dreg:$0x9]  }
0xa6: {  	s21 =	sshrl.u32 @!p3 s10, $0x3;
	[sflag:s18] =	ssyncadd.s32 @p3 $0xFFFFFA00;
	s18 =	sadd.s32 @!p3 s20, s12  }
0xa7: {  	[hbm:s18], [sflag:s9] =	dma.local @!p3 [spmem:s21], $0xE00  }
0xa8: {  	s18 =	simm.s32 @!p3 $0x3  }
0xa9: {  	_ =	swait.ge @!p3 [sflag:s18], $0xE00  }
0xaa: {  	[sflag:s18] =	ssyncset.done @!p3 $0x0  }
0xab: {  	s24 =	sshrl.u32 @!p3 s11, $0x3;
	s20 =	sadd.s32 @!p3 s20, s14;
	[sflag:s18] =	ssyncadd.s32 @!p3 $0xFFFFF200  }
0xac: {  	[hbm:s20], [sflag:s9] =	dma.local @!p3 [spmem:s24], $0xE00  }
0xad: {  	_ =	swait.ge @!p3 [sflag:s18], $0xE00  }
0xae: {  	[sflag:s18] =	ssyncset.done @!p3 $0x0  }
0xaf: {  	[sflag:s18] =	ssyncadd.s32 @!p3 $0xFFFFF200  }
0xb0: {  	[bflag:$0x0] =	sbarrier.arrive $0xFFFF  }
0xb1: {  	s20 =	simm.s32 $0x2800;
	s18 =	simm.s32 $0x0;
	s11 =	rddreg [dreg:$0xc]  }
0xb2: {  	[tilespmem:s20], [sflag:$0x3] =	stream.linear.gather [hbm4b:s11+s18], $0x2800, $0x38;
	[tilespmem:$0x1F000] =	vst v63  }
0xb3: {  	_ =	swait.ge [sflag:s22], $0x2800  }
0xb4: {  	[sflag:s22] =	ssyncset.done $0x0  }
0xb5: {  	[sflag:s22] =	ssyncadd.s32 $0xFFFFD800  }
0xb6: {  	[spmem:s15], [sflag:s9] =	dma.local [hbm:s6], $0xE00  }
0xb7: {  	_ =	swait.ge [sflag:s22], $0xE00  }
0xb8: {  	[sflag:s22] =	ssyncset.done $0x0  }
0xb9: {  	[sflag:s22] =	ssyncadd.s32 $0xFFFFF200  }
0xba: {  	[spmem:s16], [sflag:s9] =	dma.local [hbm:s6], $0xE00  }
0xbb: {  	_ =	swait.ge [sflag:s22], $0xE00  }
0xbc: {  	[sflag:s22] =	ssyncset.done $0x0  }
0xbd: {  	[sflag:s22] =	ssyncadd.s32 $0xFFFFF200  }
0xbe: {  	[bflag:$0x0] =	sbarrier.arrive $0xFFFF  }
0xbf: {  	[tilespmem:s29], [sflag:$0x1] =	stream.indirect.gather [hbm4b:s5+s28], $0x80, s18, s28, $0xb8;
	[tilespmem:$0x1F000] =	vst v63  }
0xc0: {  	s11 =	simm.s32 $0x80  }
0xc1: {  	[tilespmem:s30], [sflag:$0x2] =	stream.indirect.gather [hbm4b:s5+s28], $0x80, s11, s28, $0xb8;
	[tilespmem:$0x1F000] =	vst v63  }
0xc2: {  	_ =	swait.ge [sflag:s31], $0x4000  }
0xc3: {  	[sflag:s31] =	ssyncset.done $0x0  }
0xc4: {  	s18 =	simm.s32 $0x2800;
	[sflag:s31] =	ssyncadd.s32 $0xFFFFC000  }
0xc5: {  	[spmem:s2] =	stream.indirect.scatter.add.f32 [tilespmem:s29], [sflag:$0x4], $0x80, s18, s28, $0xb8;
	[tilespmem:$0x1F000] =	vst v63  }
0xc6: {  	_ =	swait.ge [sflag:s1], $0x4000  }
0xc7: {  	[sflag:s1] =	ssyncset.done $0x0  }
0xc8: {  	[sflag:s1] =	ssyncadd.s32 $0xFFFFC000  }
0xc9: {  	[spmem:s3] =	stream.indirect.scatter.add.f32 @!p1 [tilespmem:s0], [sflag:$0x4], $0x80, s18, s26, $0xb8;
	[tilespmem:$0x1F000] =	vst v63  }
0xca: {  	_ =	swait.ge @!p1 [sflag:s25], $0x4000  }
0xcb: {  	[sflag:s25] =	ssyncset.done @!p1 $0x0  }
0xcc: {  	s20 =	simm.s32 $0x100;
	[sflag:s25] =	ssyncadd.s32 @!p1 $0xFFFFC000  }
0xcd: {  	[tilespmem:s29], [sflag:$0x1] =	stream.indirect.gather [hbm4b:s5+s28], $0x80, s20, s28, $0xb8;
	[tilespmem:$0x1F000] =	vst v63  }
0xce: {  	_ =	swait.ge [sflag:s23], $0x4000  }
0xcf: {  	[sflag:s23] =	ssyncset.done $0x0  }
0xd0: {  	s18 =	simm.s32 $0x2880;
	[sflag:s23] =	ssyncadd.s32 $0xFFFFC000  }
0xd1: {  	[spmem:s2] =	stream.indirect.scatter.add.f32 [tilespmem:s30], [sflag:$0x4], $0x80, s18, s28, $0xb8;
	[tilespmem:$0x1F000] =	vst v63  }
0xd2: {  	_ =	swait.ge [sflag:s1], $0x4000  }
0xd3: {  	[sflag:s1] =	ssyncset.done $0x0  }
0xd4: {  	[sflag:s1] =	ssyncadd.s32 $0xFFFFC000  }
0xd5: {  	[spmem:s3] =	stream.indirect.scatter.add.f32 @!p2 [tilespmem:s13], [sflag:$0x3], $0x80, s18, s4, $0xb8;
	[tilespmem:$0x1F000] =	vst v63  }
0xd6: {  	_ =	swait.ge @!p2 [sflag:s7], $0x4000  }
0xd7: {  	s20 =	simm.s32 $0x800;
	s18 =	simm.s32 $0x100;
	[sflag:s7] =	ssyncset.done @!p2 $0x0  }
.LBB2_4:
0xd8: {  	s10 =	sadd.s32 $0x80, s18  }
0xd9: {  	[sflag:s7] =	ssyncadd.s32 @!p2 $0xFFFFC000;
	s11 =	smov.u32 s20;
	s20 =	sadd.s32 $0x400, s20  }
0xda: {  	[tilespmem:s30], [sflag:$0x2] =	stream.indirect.gather [hbm4b:s5+s28], $0x80, s10, s28, $0xb8;
	[tilespmem:$0x1F000] =	vst v63  }
0xdb: {  	p5 =	sne.s32 s20, $0x9C00;
	_ =	swait.ge [sflag:s31], $0x4000  }
0xdc: {  	[sflag:s31] =	ssyncset.done $0x0  }
0xdd: {  	s10 =	sadd.s32 $0x2800, s18;
	[sflag:s31] =	ssyncadd.s32 $0xFFFFC000  }
0xde: {  	[spmem:s2] =	stream.indirect.scatter.add.f32 [tilespmem:s29], [sflag:$0x4], $0x80, s10, s28, $0xb8;
	[tilespmem:$0x1F000] =	vst v63  }
0xdf: {  	_ =	swait.ge [sflag:s1], $0x4000  }
0xe0: {  	[sflag:s1] =	ssyncset.done $0x0  }
0xe1: {  	[sflag:s1] =	ssyncadd.s32 $0xFFFFC000  }
0xe2: {  	[spmem:s3] =	stream.indirect.scatter.add.f32 @!p1 [tilespmem:s0], [sflag:$0x4], $0x80, s10, s26, $0xb8;
	[tilespmem:$0x1F000] =	vst v63  }
0xe3: {  	_ =	swait.ge @!p1 [sflag:s25], $0x4000  }
0xe4: {  	[sflag:s25] =	ssyncset.done @!p1 $0x0  }
0xe5: {  	s10 =	sadd.s32 $0x100, s18;
	[sflag:s25] =	ssyncadd.s32 @!p1 $0xFFFFC000  }
0xe6: {  	[tilespmem:s29], [sflag:$0x1] =	stream.indirect.gather [hbm4b:s5+s28], $0x80, s10, s28, $0xb8;
	[tilespmem:$0x1F000] =	vst v63  }
0xe7: {  	_ =	swait.ge [sflag:s23], $0x4000  }
0xe8: {  	[sflag:s23] =	ssyncset.done $0x0  }
0xe9: {  	s10 =	sadd.s32 $0x2880, s18;
	[sflag:s23] =	ssyncadd.s32 $0xFFFFC000  }
0xea: {  	[spmem:s2] =	stream.indirect.scatter.add.f32 [tilespmem:s30], [sflag:$0x4], $0x80, s10, s28, $0xb8;
	[tilespmem:$0x1F000] =	vst v63  }
0xeb: {  	_ =	swait.ge [sflag:s1], $0x4000  }
.Ltmp1:
0xec: {  	[sflag:s1] =	ssyncset.done $0x0;
	(pc) =	sbr.rel @p5 .LBB2_4-.Ltmp1, $4  }
0xed: {  	[sflag:s1] =	ssyncadd.s32 $0xFFFFC000  }
0xee: {  	[spmem:s3] =	stream.indirect.scatter.add.f32 @!p2 [tilespmem:s13], [sflag:$0x3], $0x80, s10, s4, $0xb8;
	[tilespmem:$0x1F000] =	vst v63  }
0xef: {  	_ =	swait.ge @!p2 [sflag:s7], $0x4000  }
0xf0: {  	s18 =	sshra.s32 s11, $0x2;
	[sflag:s7] =	ssyncset.done @!p2 $0x0  }
0xf1: {  	s0 =	sadd.s32 $0x80, s18;
	[sflag:s7] =	ssyncadd.s32 @!p2 $0xFFFFC000  }
0xf2: {  	[tilespmem:s30], [sflag:$0x2] =	stream.indirect.gather [hbm4b:s5+s28], $0x80, s0, s28, $0xb8;
	[tilespmem:$0x1F000] =	vst v63  }
0xf3: {  	_ =	swait.ge [sflag:s31], $0x4000  }
0xf4: {  	[sflag:s31] =	ssyncset.done $0x0  }
0xf5: {  	s4 =	sadd.s32 $0x2800, s18;
	[sflag:s31] =	ssyncadd.s32 $0xFFFFC000  }
0xf6: {  	[spmem:s2] =	stream.indirect.scatter.add.f32 [tilespmem:s29], [sflag:$0x4], $0x80, s4, s28, $0xb8;
	[tilespmem:$0x1F000] =	vst v63  }
0xf7: {  	_ =	swait.ge [sflag:s1], $0x4000  }
0xf8: {  	s25 =	simm.s32 @!p1 $0x80;
	[sflag:s1] =	ssyncset.done $0x0  }
0xf9: {  	s26 =	simm.s32 @!p1 $0xD000;
	s0 =	simm.s32 @!p1 $0x4;
	[sflag:s1] =	ssyncadd.s32 $0xFFFFC000  }
0xfa: {  	[spmem:s3] =	stream.indirect.scatter.add.f32 @!p1 [tilespmem:s26], [sflag:$0x4], $0x80, s4, s25, $0xb8;
	[tilespmem:$0x1F000] =	vst v63  }
0xfb: {  	_ =	swait.ge @!p1 [sflag:s0], $0x4000  }
0xfc: {  	[sflag:s0] =	ssyncset.done @!p1 $0x0  }
0xfd: {  	s13 =	sadd.s32 $0x100, s18;
	[sflag:s0] =	ssyncadd.s32 @!p1 $0xFFFFC000  }
0xfe: {  	[tilespmem:s29], [sflag:$0x1] =	stream.indirect.gather [hbm4b:s5+s28], $0x80, s13, s28, $0xb8;
	[tilespmem:$0x1F000] =	vst v63  }
0xff: {  	_ =	swait.ge [sflag:s23], $0x4000  }
0x100: {  	[sflag:s23] =	ssyncset.done $0x0  }
0x101: {  	s10 =	sadd.s32 $0x2880, s18;
	[sflag:s23] =	ssyncadd.s32 $0xFFFFC000  }
0x102: {  	[spmem:s2] =	stream.indirect.scatter.add.f32 [tilespmem:s30], [sflag:$0x4], $0x80, s10, s28, $0xb8;
	[tilespmem:$0x1F000] =	vst v63  }
0x103: {  	_ =	swait.ge [sflag:s1], $0x4000  }
0x104: {  	s7 =	simm.s32 @!p2 $0x3;
	[sflag:s1] =	ssyncset.done $0x0  }
0x105: {  	s4 =	simm.s32 @!p2 $0x80;
	s13 =	simm.s32 @!p2 $0xD000;
	[sflag:s1] =	ssyncadd.s32 $0xFFFFC000  }
0x106: {  	[spmem:s3] =	stream.indirect.scatter.add.f32 @!p2 [tilespmem:s13], [sflag:$0x3], $0x80, s10, s4, $0xb8;
	[tilespmem:$0x1F000] =	vst v63  }
0x107: {  	_ =	swait.ge @!p2 [sflag:s7], $0x4000  }
0x108: {  	[sflag:s7] =	ssyncset.done @!p2 $0x0  }
0x109: {  	s20 =	simm.s32 $0x2780;
	[sflag:s7] =	ssyncadd.s32 @!p2 $0xFFFFC000  }
0x10a: {  	[tilespmem:s30], [sflag:$0x2] =	stream.indirect.gather [hbm4b:s5+s28], $0x80, s20, s28, $0xb8;
	[tilespmem:$0x1F000] =	vst v63  }
0x10b: {  	_ =	swait.ge [sflag:s31], $0x4000  }
0x10c: {  	[sflag:s31] =	ssyncset.done $0x0  }
0x10d: {  	s11 =	simm.s32 $0x4F00;
	[sflag:s31] =	ssyncadd.s32 $0xFFFFC000  }
0x10e: {  	[spmem:s2] =	stream.indirect.scatter.add.f32 [tilespmem:s29], [sflag:$0x4], $0x80, s11, s28, $0xb8;
	[tilespmem:$0x1F000] =	vst v63  }
0x10f: {  	_ =	swait.ge [sflag:s1], $0x4000  }
0x110: {  	[sflag:s1] =	ssyncset.done $0x0  }
0x111: {  	s10 =	simm.s32 @p1 $0x2;
	[sflag:s1] =	ssyncadd.s32 $0xFFFFC000  }
0x112: {  	_ =	swait.ge @p1 [sflag:s10], $0x4000  }
0x113: {  	s18 =	simm.s32 @p1 $0x9000;
	[sflag:s10] =	ssyncset.done @p1 $0x0  }
0x114: {  	s11 =	simm.s32 @p1 $0x4F80;
	[sflag:s10] =	ssyncadd.s32 @p1 $0xFFFFC000;
	s10 =	simm.s32 @p1 $0x80  }
0x115: {  	[spmem:s2] =	stream.indirect.scatter.add.f32 @p1 [tilespmem:s18], [sflag:$0x4], $0x80, s11, s10, $0xb8;
	[tilespmem:$0x1F000] =	vst v63  }
0x116: {  	s18 =	simm.s32 @p1 $0x4  }
0x117: {  	_ =	swait.ge @p1 [sflag:s18], $0x4000  }
0x118: {  	[sflag:s18] =	ssyncset.done @p1 $0x0  }
0x119: {  	[sflag:s18] =	ssyncadd.s32 @p1 $0xFFFFC000;
	s18 =	simm.s32 @p1 $0xD000  }
0x11a: {  	[spmem:s3] =	stream.indirect.scatter.add.f32 @p1 [tilespmem:s18], [sflag:$0x3], $0x80, s11, s10, $0xb8;
	[tilespmem:$0x1F000] =	vst v63  }
0x11b: {  	s10 =	simm.s32 @!p1 $0x4F00  }
0x11c: {  	[spmem:s3] =	stream.indirect.scatter.add.f32 @!p1 [tilespmem:s26], [sflag:$0x4], $0x80, s10, s25, $0xb8;
	[tilespmem:$0x1F000] =	vst v63  }
0x11d: {  	_ =	swait.ge @!p1 [sflag:s0], $0x4000  }
0x11e: {  	[sflag:s0] =	ssyncset.done @!p1 $0x0  }
0x11f: {  	s10 =	simm.s32 @!p1 $0x2;
	[sflag:s0] =	ssyncadd.s32 @!p1 $0xFFFFC000  }
0x120: {  	_ =	swait.ge @!p1 [sflag:s10], $0x4000  }
0x121: {  	[sflag:s10] =	ssyncset.done @!p1 $0x0  }
0x122: {  	s11 =	simm.s32 @!p1 $0x9000;
	[sflag:s10] =	ssyncadd.s32 @!p1 $0xFFFFC000;
	s10 =	simm.s32 @!p1 $0x4F80  }
0x123: {  	[spmem:s2] =	stream.indirect.scatter.add.f32 @!p1 [tilespmem:s11], [sflag:$0x4], $0x80, s10, s25, $0xb8;
	[tilespmem:$0x1F000] =	vst v63  }
0x124: {  	s10 =	simm.s32 @!p1 $0x4  }
0x125: {  	s10 =	simm.s32 @p1 $0x3  }
0x126: {  	_ =	swait.ge [sflag:s10], $0x4000  }
0x127: {  	[sflag:s10] =	ssyncset.done $0x0  }
0x128: {  	[sflag:s10] =	ssyncadd.s32 $0xFFFFC000  }
0x129: {  	s10 =	sadd.s32 @p3 $0x1AA00, s12;
	[bflag:$0x0] =	sbarrier.arrive $0xFFFF  }
0x12a: {  	[hbm:s10], [sflag:s9] =	dma.local @p3 [spmem:s17], $0x600  }
0x12b: {  	s10 =	simm.s32 @p3 $0x3  }
0x12c: {  	_ =	swait.ge @p3 [sflag:s10], $0x600  }
0x12d: {  	[sflag:s10] =	ssyncset.done @p3 $0x0  }
0x12e: {  	s11 =	sadd.s32 @p3 $0x1AA00, s14;
	[sflag:s10] =	ssyncadd.s32 @p3 $0xFFFFFA00  }
0x12f: {  	[hbm:s11], [sflag:s9] =	dma.local @p3 [spmem:s19], $0x600  }
0x130: {  	_ =	swait.ge @p3 [sflag:s10], $0x600  }
0x131: {  	[sflag:s10] =	ssyncset.done @p3 $0x0;
	s11 =	rddreg [dreg:$0xd]  }
0x132: {  	[sflag:s10] =	ssyncadd.s32 @p3 $0xFFFFFA00;
	s10 =	sadd.s32 @!p3 s11, s12  }
0x133: {  	[hbm:s10], [sflag:s9] =	dma.local @!p3 [spmem:s21], $0xE00  }
0x134: {  	s10 =	simm.s32 @!p3 $0x3  }
0x135: {  	_ =	swait.ge @!p3 [sflag:s10], $0xE00  }
0x136: {  	[sflag:s10] =	ssyncset.done @!p3 $0x0  }
0x137: {  	s11 =	sadd.s32 @!p3 s11, s14;
	[sflag:s10] =	ssyncadd.s32 @!p3 $0xFFFFF200  }
0x138: {  	[hbm:s11], [sflag:s9] =	dma.local @!p3 [spmem:s24], $0xE00  }
0x139: {  	_ =	swait.ge @!p3 [sflag:s10], $0xE00  }
0x13a: {  	[sflag:s10] =	ssyncset.done @!p3 $0x0  }
0x13b: {  	[sflag:s10] =	ssyncadd.s32 @!p3 $0xFFFFF200  }
0x13c: {  	[bflag:$0x0] =	sbarrier.arrive $0xFFFF  }
0x13d: {  	s20 =	simm.s32 $0x2800;
	s18 =	simm.s32 $0x0;
	s19 =	rddreg [dreg:$0xe]  }
0x13e: {  	[tilespmem:s20], [sflag:$0x3] =	stream.linear.gather [hbm4b:s19+s18], $0x2800, $0x38;
	[tilespmem:$0x1F000] =	vst v63  }
0x13f: {  	_ =	swait.ge [sflag:s22], $0x2800  }
0x140: {  	[sflag:s22] =	ssyncset.done $0x0  }
0x141: {  	[sflag:s22] =	ssyncadd.s32 $0xFFFFD800  }
0x142: {  	[spmem:s15], [sflag:s9] =	dma.local [hbm:s6], $0xE00  }
0x143: {  	_ =	swait.ge [sflag:s22], $0xE00  }
0x144: {  	[sflag:s22] =	ssyncset.done $0x0  }
0x145: {  	[sflag:s22] =	ssyncadd.s32 $0xFFFFF200  }
0x146: {  	[spmem:s16], [sflag:s9] =	dma.local [hbm:s6], $0xE00  }
0x147: {  	_ =	swait.ge [sflag:s22], $0xE00  }
0x148: {  	[sflag:s22] =	ssyncset.done $0x0  }
0x149: {  	[sflag:s22] =	ssyncadd.s32 $0xFFFFF200  }
0x14a: {  	[bflag:$0x0] =	sbarrier.arrive $0xFFFF  }
0x14b: {  	[tilespmem:s29], [sflag:$0x1] =	stream.indirect.gather [hbm4b:s5+s28], $0x80, s18, s28, $0xb8;
	[tilespmem:$0x1F000] =	vst v63  }
0x14c: {  	s21 =	simm.s32 $0x80  }
0x14d: {  	[tilespmem:s30], [sflag:$0x2] =	stream.indirect.gather [hbm4b:s5+s28], $0x80, s21, s28, $0xb8;
	[tilespmem:$0x1F000] =	vst v63  }
0x14e: {  	_ =	swait.ge [sflag:s31], $0x4000  }
0x14f: {  	[sflag:s31] =	ssyncset.done $0x0  }
0x150: {  	s10 =	simm.s32 $0x2800;
	[sflag:s31] =	ssyncadd.s32 $0xFFFFC000  }
0x151: {  	[spmem:s2] =	stream.indirect.scatter.add.f32 [tilespmem:s29], [sflag:$0x4], $0x80, s10, s28, $0xb8;
	[tilespmem:$0x1F000] =	vst v63  }
0x152: {  	_ =	swait.ge [sflag:s1], $0x4000  }
0x153: {  	[sflag:s1] =	ssyncset.done $0x0  }
0x154: {  	[sflag:s1] =	ssyncadd.s32 $0xFFFFC000  }
0x155: {  	[spmem:s3] =	stream.indirect.scatter.add.f32 @!p1 [tilespmem:s26], [sflag:$0x4], $0x80, s10, s25, $0xb8;
	[tilespmem:$0x1F000] =	vst v63  }
0x156: {  	_ =	swait.ge @!p1 [sflag:s0], $0x4000  }
0x157: {  	[sflag:s0] =	ssyncset.done @!p1 $0x0  }
0x158: {  	s24 =	simm.s32 $0x100;
	[sflag:s0] =	ssyncadd.s32 @!p1 $0xFFFFC000  }
0x159: {  	[tilespmem:s29], [sflag:$0x1] =	stream.indirect.gather [hbm4b:s5+s28], $0x80, s24, s28, $0xb8;
	[tilespmem:$0x1F000] =	vst v63  }
0x15a: {  	_ =	swait.ge [sflag:s23], $0x4000  }
0x15b: {  	[sflag:s23] =	ssyncset.done $0x0  }
0x15c: {  	s10 =	simm.s32 $0x2880;
	[sflag:s23] =	ssyncadd.s32 $0xFFFFC000  }
0x15d: {  	[spmem:s2] =	stream.indirect.scatter.add.f32 [tilespmem:s30], [sflag:$0x4], $0x80, s10, s28, $0xb8;
	[tilespmem:$0x1F000] =	vst v63  }
0x15e: {  	_ =	swait.ge [sflag:s1], $0x4000  }
0x15f: {  	[sflag:s1] =	ssyncset.done $0x0  }
0x160: {  	[sflag:s1] =	ssyncadd.s32 $0xFFFFC000  }
0x161: {  	[spmem:s3] =	stream.indirect.scatter.add.f32 @!p2 [tilespmem:s13], [sflag:$0x3], $0x80, s10, s4, $0xb8;
	[tilespmem:$0x1F000] =	vst v63  }
0x162: {  	_ =	swait.ge @!p2 [sflag:s7], $0x4000  }
0x163: {  	s15 =	simm.s32 $0x100;
	s16 =	simm.s32 $0x800;
	[sflag:s7] =	ssyncset.done @!p2 $0x0  }
.LBB2_6:
0x164: {  	s10 =	sadd.s32 $0x80, s15  }
0x165: {  	[sflag:s7] =	ssyncadd.s32 @!p2 $0xFFFFC000;
	s11 =	smov.u32 s16;
	s16 =	sadd.s32 $0x400, s16  }
0x166: {  	[tilespmem:s30], [sflag:$0x2] =	stream.indirect.gather [hbm4b:s5+s28], $0x80, s10, s28, $0xb8;
	[tilespmem:$0x1F000] =	vst v63  }
0x167: {  	p5 =	sne.s32 s16, $0x9C00;
	_ =	swait.ge [sflag:s31], $0x4000  }
0x168: {  	[sflag:s31] =	ssyncset.done $0x0  }
0x169: {  	s10 =	sadd.s32 $0x2800, s15;
	[sflag:s31] =	ssyncadd.s32 $0xFFFFC000  }
0x16a: {  	[spmem:s2] =	stream.indirect.scatter.add.f32 [tilespmem:s29], [sflag:$0x4], $0x80, s10, s28, $0xb8;
	[tilespmem:$0x1F000] =	vst v63  }
0x16b: {  	_ =	swait.ge [sflag:s1], $0x4000  }
0x16c: {  	[sflag:s1] =	ssyncset.done $0x0  }
0x16d: {  	[sflag:s1] =	ssyncadd.s32 $0xFFFFC000  }
0x16e: {  	[spmem:s3] =	stream.indirect.scatter.add.f32 @!p1 [tilespmem:s26], [sflag:$0x4], $0x80, s10, s25, $0xb8;
	[tilespmem:$0x1F000] =	vst v63  }
0x16f: {  	_ =	swait.ge @!p1 [sflag:s0], $0x4000  }
0x170: {  	[sflag:s0] =	ssyncset.done @!p1 $0x0  }
0x171: {  	s10 =	sadd.s32 $0x100, s15;
	[sflag:s0] =	ssyncadd.s32 @!p1 $0xFFFFC000  }
0x172: {  	[tilespmem:s29], [sflag:$0x1] =	stream.indirect.gather [hbm4b:s5+s28], $0x80, s10, s28, $0xb8;
	[tilespmem:$0x1F000] =	vst v63  }
0x173: {  	_ =	swait.ge [sflag:s23], $0x4000  }
0x174: {  	[sflag:s23] =	ssyncset.done $0x0  }
0x175: {  	s10 =	sadd.s32 $0x2880, s15;
	[sflag:s23] =	ssyncadd.s32 $0xFFFFC000  }
0x176: {  	[spmem:s2] =	stream.indirect.scatter.add.f32 [tilespmem:s30], [sflag:$0x4], $0x80, s10, s28, $0xb8;
	[tilespmem:$0x1F000] =	vst v63  }
0x177: {  	_ =	swait.ge [sflag:s1], $0x4000  }
.Ltmp2:
0x178: {  	[sflag:s1] =	ssyncset.done $0x0;
	(pc) =	sbr.rel @p5 .LBB2_6-.Ltmp2, $4  }
0x179: {  	[sflag:s1] =	ssyncadd.s32 $0xFFFFC000  }
0x17a: {  	[spmem:s3] =	stream.indirect.scatter.add.f32 @!p2 [tilespmem:s13], [sflag:$0x3], $0x80, s10, s4, $0xb8;
	[tilespmem:$0x1F000] =	vst v63  }
0x17b: {  	_ =	swait.ge @!p2 [sflag:s7], $0x4000  }
0x17c: {  	s15 =	sshra.s32 s11, $0x2;
	[sflag:s7] =	ssyncset.done @!p2 $0x0  }
0x17d: {  	s0 =	sadd.s32 $0x80, s15;
	[sflag:s7] =	ssyncadd.s32 @!p2 $0xFFFFC000  }
0x17e: {  	[tilespmem:s30], [sflag:$0x2] =	stream.indirect.gather [hbm4b:s5+s28], $0x80, s0, s28, $0xb8;
	[tilespmem:$0x1F000] =	vst v63  }
0x17f: {  	_ =	swait.ge [sflag:s31], $0x4000  }
0x180: {  	[sflag:s31] =	ssyncset.done $0x0  }
0x181: {  	s0 =	sadd.s32 $0x2800, s15;
	[sflag:s31] =	ssyncadd.s32 $0xFFFFC000  }
0x182: {  	[spmem:s2] =	stream.indirect.scatter.add.f32 [tilespmem:s29], [sflag:$0x4], $0x80, s0, s28, $0xb8;
	[tilespmem:$0x1F000] =	vst v63  }
0x183: {  	_ =	swait.ge [sflag:s1], $0x4000  }
0x184: {  	s4 =	simm.s32 @!p1 $0x4;
	[sflag:s1] =	ssyncset.done $0x0  }
0x185: {  	s7 =	simm.s32 @!p1 $0x80;
	s10 =	simm.s32 @!p1 $0xD000;
	[sflag:s1] =	ssyncadd.s32 $0xFFFFC000  }
0x186: {  	[spmem:s3] =	stream.indirect.scatter.add.f32 @!p1 [tilespmem:s10], [sflag:$0x4], $0x80, s0, s7, $0xb8;
	[tilespmem:$0x1F000] =	vst v63  }
0x187: {  	_ =	swait.ge @!p1 [sflag:s4], $0x4000  }
0x188: {  	[sflag:s4] =	ssyncset.done @!p1 $0x0  }
0x189: {  	s21 =	sadd.s32 $0x100, s15;
	[sflag:s4] =	ssyncadd.s32 @!p1 $0xFFFFC000  }
0x18a: {  	[tilespmem:s29], [sflag:$0x1] =	stream.indirect.gather [hbm4b:s5+s28], $0x80, s21, s28, $0xb8;
	[tilespmem:$0x1F000] =	vst v63  }
0x18b: {  	_ =	swait.ge [sflag:s23], $0x4000  }
0x18c: {  	[sflag:s23] =	ssyncset.done $0x0  }
0x18d: {  	s0 =	sadd.s32 $0x2880, s15;
	[sflag:s23] =	ssyncadd.s32 $0xFFFFC000  }
0x18e: {  	[spmem:s2] =	stream.indirect.scatter.add.f32 [tilespmem:s30], [sflag:$0x4], $0x80, s0, s28, $0xb8;
	[tilespmem:$0x1F000] =	vst v63  }
0x18f: {  	_ =	swait.ge [sflag:s1], $0x4000  }
0x190: {  	[sflag:s1] =	ssyncset.done $0x0  }
0x191: {  	s11 =	simm.s32 @!p2 $0x80;
	s13 =	simm.s32 @!p2 $0xD000;
	[sflag:s1] =	ssyncadd.s32 $0xFFFFC000  }
0x192: {  	[spmem:s3] =	stream.indirect.scatter.add.f32 @!p2 [tilespmem:s13], [sflag:$0x3], $0x80, s0, s11, $0xb8;
	[tilespmem:$0x1F000] =	vst v63  }
0x193: {  	s0 =	simm.s32 @!p2 $0x3  }
0x194: {  	_ =	swait.ge @!p2 [sflag:s0], $0x4000  }
0x195: {  	[sflag:s0] =	ssyncset.done @!p2 $0x0  }
0x196: {  	s24 =	simm.s32 $0x2780;
	[sflag:s0] =	ssyncadd.s32 @!p2 $0xFFFFC000  }
0x197: {  	[tilespmem:s30], [sflag:$0x2] =	stream.indirect.gather [hbm4b:s5+s28], $0x80, s24, s28, $0xb8;
	[tilespmem:$0x1F000] =	vst v63  }
0x198: {  	_ =	swait.ge [sflag:s31], $0x4000  }
0x199: {  	[sflag:s31] =	ssyncset.done $0x0  }
0x19a: {  	s25 =	simm.s32 $0x4F00;
	[sflag:s31] =	ssyncadd.s32 $0xFFFFC000  }
0x19b: {  	[spmem:s2] =	stream.indirect.scatter.add.f32 [tilespmem:s29], [sflag:$0x4], $0x80, s25, s28, $0xb8;
	[tilespmem:$0x1F000] =	vst v63  }
0x19c: {  	_ =	swait.ge [sflag:s1], $0x4000  }
0x19d: {  	[sflag:s1] =	ssyncset.done $0x0  }
0x19e: {  	s0 =	simm.s32 @p1 $0x2;
	[sflag:s1] =	ssyncadd.s32 $0xFFFFC000  }
0x19f: {  	_ =	swait.ge @p1 [sflag:s0], $0x4000  }
0x1a0: {  	s11 =	simm.s32 @p1 $0x4F80;
	[sflag:s0] =	ssyncset.done @p1 $0x0  }
0x1a1: {  	s13 =	simm.s32 @p1 $0x9000;
	[sflag:s0] =	ssyncadd.s32 @p1 $0xFFFFC000;
	s0 =	simm.s32 @p1 $0x80  }
0x1a2: {  	[spmem:s2] =	stream.indirect.scatter.add.f32 @p1 [tilespmem:s13], [sflag:$0x4], $0x80, s11, s0, $0xb8;
	[tilespmem:$0x1F000] =	vst v63  }
0x1a3: {  	s13 =	simm.s32 @p1 $0x4  }
0x1a4: {  	_ =	swait.ge @p1 [sflag:s13], $0x4000  }
0x1a5: {  	[sflag:s13] =	ssyncset.done @p1 $0x0  }
0x1a6: {  	[sflag:s13] =	ssyncadd.s32 @p1 $0xFFFFC000;
	s13 =	simm.s32 @p1 $0xD000  }
0x1a7: {  	[spmem:s3] =	stream.indirect.scatter.add.f32 @p1 [tilespmem:s13], [sflag:$0x3], $0x80, s11, s0, $0xb8;
	[tilespmem:$0x1F000] =	vst v63  }
0x1a8: {  	s0 =	simm.s32 @!p1 $0x4F00  }
0x1a9: {  	[spmem:s3] =	stream.indirect.scatter.add.f32 @!p1 [tilespmem:s10], [sflag:$0x4], $0x80, s0, s7, $0xb8;
	[tilespmem:$0x1F000] =	vst v63  }
0x1aa: {  	_ =	swait.ge @!p1 [sflag:s4], $0x4000  }
0x1ab: {  	[sflag:s4] =	ssyncset.done @!p1 $0x0  }
0x1ac: {  	s0 =	simm.s32 @!p1 $0x2;
	[sflag:s4] =	ssyncadd.s32 @!p1 $0xFFFFC000  }
0x1ad: {  	_ =	swait.ge @!p1 [sflag:s0], $0x4000  }
0x1ae: {  	s10 =	simm.s32 @!p1 $0x9000;
	[sflag:s0] =	ssyncset.done @!p1 $0x0  }
0x1af: {  	s4 =	simm.s32 @p1 $0x3;
	[sflag:s0] =	ssyncadd.s32 @!p1 $0xFFFFC000;
	s0 =	simm.s32 @!p1 $0x4F80  }
0x1b0: {  	[spmem:s2] =	stream.indirect.scatter.add.f32 @!p1 [tilespmem:s10], [sflag:$0x4], $0x80, s0, s7, $0xb8;
	[tilespmem:$0x1F000] =	vst v63  }
0x1b1: {  	_ =	swait.ge [sflag:s4], $0x4000  }
0x1b2: {  	[sflag:s4] =	ssyncset.done $0x0  }
0x1b3: {  	[sflag:s4] =	ssyncadd.s32 $0xFFFFC000  }
0x1b4: {  	[bflag:$0x0] =	sbarrier.arrive $0xFFFF  }
0x1b5: {  	s7 =	rddreg [dreg:$0xf]  }
0x1b6: {  	s10 =	rddreg [dreg:$0x7]  }
0x1b7: {  	s0 =	sadd.s32 @p0 s7, s12;
	s4 =	sshrl.u32 @p0 s10, $0x3  }
0x1b8: {  	[hbm:s0], [sflag:s9] =	dma.local @p0 [spmem:s4], $0xE00  }
0x1b9: {  	s0 =	simm.s32 @p0 $0x3  }
0x1ba: {  	_ =	swait.ge @p0 [sflag:s0], $0xE00  }
0x1bb: {  	[sflag:s0] =	ssyncset.done @p0 $0x0;
	s11 =	rddreg [dreg:$0x8]  }
0x1bc: {  	s4 =	sadd.s32 @p0 s7, s14;
	[sflag:s0] =	ssyncadd.s32 @p0 $0xFFFFF200;
	s7 =	sshrl.u32 @p0 s11, $0x3  }
0x1bd: {  	[hbm:s4], [sflag:s9] =	dma.local @p0 [spmem:s7], $0xE00  }
0x1be: {  	_ =	swait.ge @p0 [sflag:s0], $0xE00  }
0x1bf: {  	[sflag:s0] =	ssyncset.done @p0 $0x0  }
0x1c0: {  	s4 =	rddreg [dreg:$0x11];
	[sflag:s0] =	ssyncadd.s32 @p0 $0xFFFFF200;
	s0 =	sadd.s32 @!p4 $0x26600, s12  }
0x1c1: {  	[hbm:s0], [sflag:s9] =	dma.local @!p4 [spmem:s4], $0xB00  }
0x1c2: {  	s0 =	simm.s32 @!p4 $0x3  }
0x1c3: {  	_ =	swait.ge @!p4 [sflag:s0], $0xB00  }
0x1c4: {  	[sflag:s0] =	ssyncset.done @!p4 $0x0  }
0x1c5: {  	s4 =	sadd.s32 @!p4 $0x26600, s14;
	s7 =	rddreg [dreg:$0x12];
	[sflag:s0] =	ssyncadd.s32 @!p4 $0xFFFFF500  }
0x1c6: {  	[hbm:s4], [sflag:s9] =	dma.local @!p4 [spmem:s7], $0xB00  }
0x1c7: {  	_ =	swait.ge @!p4 [sflag:s0], $0xB00  }
0x1c8: {  	s8 =	sadd.s32 $0x1, s8;
	s26 =	rddreg [dreg:$0x10]  }
0x1c9: {  	p5 =	sne.s32 s8, s26  }
.Ltmp3:
0x1ca: {  	_ = 	snop;
	(pc) =	sbr.rel @p5 .LBB2_1-.Ltmp3, $3  }
0x1cb: {  	[sflag:s0] =	ssyncset.done @!p4 $0x0  }
0x1cc: {  	[sflag:s0] =	ssyncadd.s32 @!p4 $0xFFFFF500  }
0x1cd: {  	[bflag:$0x0] =	sbarrier.arrive $0xFFFF;
	_ =	sdelay $0x1  }
0x1ce: {  	_ =	sfence.sel $0x180000  }
0x1cf: {  	[bflag:$0x0] =	sbarrier.arrive $0xFFFF  }
0x1d0: {  	_ =	strace $0x90000047  }
0x1d1: {  	s0 =	stileid.u32;
	[bflag:$0x2] =	sbarrier.arrive $0xFFFF  }
0x1d2: {  	p0 =	sne.s32 s0, $0x0;
	s0 =	rddreg [dreg:$0x3]  }
0x1d3: {  	s0 =	sadd.s32 @!p0 $0x100000, s0  }
0x1d4: {  	[sflag:s0] =	ssyncadd.tile.s32 @!p0 $0x1;
	_ =	shalt  }
.Lfunc_end2:
_tile_overlayer_lowered:
.L_overlay_start_2:
0x1d5: {  	(tag) =	ssettag $0x2  }
0x1d6: {  	s0 =	rddreg [dreg:$0x0];
	s2 =	stileid.u32  }
0x1d7: {  	s1 =	rddreg [dreg:$0x1];
	p0 =	sne.s32 s2, $0x0  }
0x1d8: {  	s3 =	rddreg [dreg:$0x2];
	[bflag:$0x3] =	sbarrier.arrive $0xFFFF;
	s2 =	simm.s32 @!p0 $0x1C03  }
0x1d9: {  	[timem:s3], [sflag:s2] =	dma.local @!p0 [hbm:s0], s1  }
0x1da: {  	s0 =	simm.s32 @!p0 $0x3  }
0x1db: {  	_ =	swait.ge @!p0 [sflag:s0], s1  }
0x1dc: {  	s1 =	ssub.s32 @!p0 $0x0, s1;
	[sflag:s0] =	ssyncset.done @!p0 $0x0  }
0x1dd: {  	[sflag:s0] =	ssyncadd.s32 @!p0 s1  }
0x1de: {  	[bflag:$0x3] =	sbarrier.arrive $0xFFFF  }
0x1df: {  	_ =	shalt  }

</sc_bundles>
